<compile_context>
chip_gen: v7x
topology: tpu7x:2x2x1
jax: 0.10.2.dev20260603
libtpu: 0.0.44.dev20260713+nightly
codegen_flags: <defaults>
</compile_context>

<pallas_src>
import functools

import jax
import jax.numpy as jnp
from jax import lax
from jax.experimental import pallas as pl
from jax.experimental.pallas import tpu as pltpu
from jax.experimental.pallas import tpu_sc as plsc

F32 = jnp.float32
NC = 2
NS = 16
NW = NC * NS
LN = 16
RB = 1000


def _sc_mesh():
    return plsc.VectorSubcoreMesh(core_axis_name="c", subcore_axis_name="s")


@functools.lru_cache(maxsize=None)
def _make_deg(N, NCH, K):
    RPS = N // NS

    def body(src_hbm, dst_hbm, out_hbm, srcb, dstb, obuf, zbuf, acc_o, acc_i,
             sem, sem2):
        c = lax.axis_index("c")
        s = lax.axis_index("s")
        wid = c * NS + s

        def fill_ones(i, carry):
            obuf[i, :] = jnp.ones((LN,), F32)
            return carry

        lax.fori_loop(0, K, fill_ones, 0)

        def fill_zero(i, carry):
            zbuf[i, :] = jnp.zeros((LN,), F32)
            return carry

        lax.fori_loop(0, RPS, fill_zero, 0)
        pltpu.sync_copy(zbuf, acc_o.at[pl.ds(s * RPS, RPS)])
        pltpu.sync_copy(zbuf, acc_i.at[pl.ds(s * RPS, RPS)])
        plsc.subcore_barrier()

        pltpu.sync_copy(src_hbm.at[wid], srcb)
        pltpu.sync_copy(dst_hbm.at[wid], dstb)

        DB = 5
        assert NCH % DB == 0

        def step(i, carry):
            ds = []
            for j in range(DB):
                t = i * DB + j
                ds.append(pltpu.async_copy(obuf, acc_o.at[srcb.at[t]], sem,
                                           add=True))
                ds.append(pltpu.async_copy(obuf, acc_i.at[dstb.at[t]], sem2,
                                           add=True))
            for d in ds:
                d.wait()
            return carry

        lax.fori_loop(0, NCH // DB, step, 0)
        plsc.subcore_barrier()
        pltpu.sync_copy(acc_o.at[pl.ds(s * RPS, RPS)],
                        out_hbm.at[c, 0, pl.ds(s * RPS, RPS)])
        pltpu.sync_copy(acc_i.at[pl.ds(s * RPS, RPS)],
                        out_hbm.at[c, 1, pl.ds(s * RPS, RPS)])

    return pl.kernel(
        body,
        out_type=jax.ShapeDtypeStruct((NC, 2, N, LN), F32),
        mesh=_sc_mesh(),
        scratch_types=[
            pltpu.VMEM((NCH, K), jnp.int32),
            pltpu.VMEM((NCH, K), jnp.int32),
            pltpu.VMEM((K, LN), F32),
            pltpu.VMEM((RPS, LN), F32),
            pltpu.VMEM_SHARED((N, LN), F32),
            pltpu.VMEM_SHARED((N, LN), F32),
            pltpu.SemaphoreType.DMA,
            pltpu.SemaphoreType.DMA,
        ],
        compiler_params=pltpu.CompilerParams(use_tc_tiling_on_sc=False),
    )


@functools.lru_cache(maxsize=None)
def _make_agg(N, H, NCH, K):
    RPS = N // NS
    assert NCH % 2 == 1
    ZFULL, ZREM = RPS // K, RPS % K

    def body(g_hbm, src_hbm, dst_hbm, out_hbm, srcb, dstb, rows, rows2, rows3,
             acc, sem, sem2, sem3):
        c = lax.axis_index("c")
        s = lax.axis_index("s")
        wid = c * NS + s

        def fill_zero(i, carry):
            for j in range(H // LN):
                rows[i, pl.ds(j * LN, LN)] = jnp.zeros((LN,), F32)
            return carry

        lax.fori_loop(0, K, fill_zero, 0)
        for kk in range(ZFULL):
            pltpu.sync_copy(rows, acc.at[pl.ds(s * RPS + kk * K, K)])
        if ZREM:
            pltpu.sync_copy(rows.at[pl.ds(0, ZREM)],
                            acc.at[pl.ds(s * RPS + ZFULL * K, ZREM)])
        plsc.subcore_barrier()

        pltpu.sync_copy(src_hbm.at[wid], srcb)
        pltpu.sync_copy(dst_hbm.at[wid], dstb)

        def gstart(t, buf, gsem):
            pltpu.async_copy(g_hbm.at[srcb.at[t]], buf, gsem)

        def gwait(buf, gsem):
            pltpu.make_async_copy(g_hbm.at[pl.ds(0, K)], buf, gsem).wait()

        assert (NCH - 2) % 3 == 0
        gstart(0, rows, sem)
        gstart(1, rows2, sem2)

        def triple(i, carry):
            t = 3 * i
            gstart(t + 2, rows3, sem3)
            gwait(rows, sem)
            pltpu.sync_copy(rows, acc.at[dstb.at[t]], add=True)
            gstart(t + 3, rows, sem)
            gwait(rows2, sem2)
            pltpu.sync_copy(rows2, acc.at[dstb.at[t + 1]], add=True)
            gstart(t + 4, rows2, sem2)
            gwait(rows3, sem3)
            pltpu.sync_copy(rows3, acc.at[dstb.at[t + 2]], add=True)
            return carry

        lax.fori_loop(0, (NCH - 2) // 3, triple, 0)
        gwait(rows, sem)
        pltpu.sync_copy(rows, acc.at[dstb.at[NCH - 2]], add=True)
        gwait(rows2, sem2)
        pltpu.sync_copy(rows2, acc.at[dstb.at[NCH - 1]], add=True)
        plsc.subcore_barrier()
        pltpu.sync_copy(acc.at[pl.ds(s * RPS, RPS)],
                        out_hbm.at[c, pl.ds(s * RPS, RPS)])

    return pl.kernel(
        body,
        out_type=jax.ShapeDtypeStruct((NC, N, H), F32),
        mesh=_sc_mesh(),
        scratch_types=[
            pltpu.VMEM((NCH, K), jnp.int32),
            pltpu.VMEM((NCH, K), jnp.int32),
            pltpu.VMEM((K, H), F32),
            pltpu.VMEM((K, H), F32),
            pltpu.VMEM((K, H), F32),
            pltpu.VMEM_SHARED((N, H), F32),
            pltpu.SemaphoreType.DMA,
            pltpu.SemaphoreType.DMA,
            pltpu.SemaphoreType.DMA,
        ],
        compiler_params=pltpu.CompilerParams(use_tc_tiling_on_sc=False),
    )


def _elu(a):
    return jnp.where(a > 0, a, jnp.exp(jnp.minimum(a, 0.0)) - 1.0)


def _tc_matmul(x, W):
    N, D = x.shape
    H = W.shape[1]

    def body(x_ref, w_ref, o_ref):
        o_ref[...] = jnp.dot(x_ref[...], w_ref[...],
                             preferred_element_type=F32)

    return pl.pallas_call(
        body,
        grid=(N // RB,),
        in_specs=[
            pl.BlockSpec((RB, D), lambda i: (i, 0)),
            pl.BlockSpec((D, H), lambda i: (0, 0)),
        ],
        out_specs=pl.BlockSpec((RB, H), lambda i: (i, 0)),
        out_shape=jax.ShapeDtypeStruct((N, H), F32),
    )(x, W)


def _tc_first(dp4, m0):
    _, N, _ = dp4.shape
    H = m0.shape[1]
    grid = N // RB

    def body(dp_ref, m_ref, g_ref, cs_ref, cd_ref):
        p = dp_ref[...]
        deg_o = (p[0] + p[2])[:, :1]
        deg_i = (p[1] + p[3])[:, :1]
        cs = lax.rsqrt(jnp.maximum(deg_o, 1.0))
        cd = lax.rsqrt(jnp.maximum(deg_i, 1.0))
        cs_b = jnp.broadcast_to(cs, (RB, H))
        cd_b = jnp.broadcast_to(cd, (RB, H))
        cs_ref[...] = cs_b
        cd_ref[...] = cd_b
        g_ref[...] = m_ref[...] * cs_b

    return pl.pallas_call(
        body,
        grid=(grid,),
        in_specs=[
            pl.BlockSpec((4, RB, LN), lambda i: (0, i, 0)),
            pl.BlockSpec((RB, H), lambda i: (i, 0)),
        ],
        out_specs=[
            pl.BlockSpec((RB, H), lambda i: (i, 0)),
            pl.BlockSpec((RB, H), lambda i: (i, 0)),
            pl.BlockSpec((RB, H), lambda i: (i, 0)),
        ],
        out_shape=[
            jax.ShapeDtypeStruct((N, H), F32),
            jax.ShapeDtypeStruct((N, H), F32),
            jax.ShapeDtypeStruct((N, H), F32),
        ],
    )(dp4, m0)


def _tc_layer(p, cd_b, b, W, cs_b):
    _, N, H = p.shape
    HO = W.shape[1]
    grid = N // RB

    def body(p_ref, cd_ref, b_ref, w_ref, cs_ref, g_ref):
        a = (p_ref[0] + p_ref[1]) * cd_ref[...] + b_ref[...]
        a = _elu(a)
        g_ref[...] = jnp.dot(a, w_ref[...],
                             preferred_element_type=F32) * cs_ref[...]

    return pl.pallas_call(
        body,
        grid=(grid,),
        in_specs=[
            pl.BlockSpec((NC, RB, H), lambda i: (0, i, 0)),
            pl.BlockSpec((RB, H), lambda i: (i, 0)),
            pl.BlockSpec((1, H), lambda i: (0, 0)),
            pl.BlockSpec((H, HO), lambda i: (0, 0)),
            pl.BlockSpec((RB, HO), lambda i: (i, 0)),
        ],
        out_specs=pl.BlockSpec((RB, HO), lambda i: (i, 0)),
        out_shape=jax.ShapeDtypeStruct((N, HO), F32),
    )(p, cd_b, b.reshape(1, H), W, cs_b)


def _tc_final(p, cd_b, b, Wc, bc):
    _, N, H = p.shape
    C = Wc.shape[1]
    grid = N // RB

    def body(p_ref, cd_ref, b_ref, wc_ref, bc_ref, out_ref, acc_ref):
        i = pl.program_id(0)
        a = (p_ref[0] + p_ref[1]) * cd_ref[...] + b_ref[...]
        a = _elu(a)
        blk = jnp.sum(a, axis=0, keepdims=True)

        @pl.when(i == 0)
        def _init():
            acc_ref[...] = jnp.zeros_like(acc_ref)

        acc_ref[...] += blk

        @pl.when(i == grid - 1)
        def _fin():
            m = acc_ref[...] * (1.0 / N)
            out_ref[...] = jnp.dot(m, wc_ref[...],
                                   preferred_element_type=F32) + bc_ref[...]

    return pl.pallas_call(
        body,
        grid=(grid,),
        in_specs=[
            pl.BlockSpec((NC, RB, H), lambda i: (0, i, 0)),
            pl.BlockSpec((RB, H), lambda i: (i, 0)),
            pl.BlockSpec((1, H), lambda i: (0, 0)),
            pl.BlockSpec((H, C), lambda i: (0, 0)),
            pl.BlockSpec((1, C), lambda i: (0, 0)),
        ],
        out_specs=pl.BlockSpec((1, C), lambda i: (0, 0)),
        out_shape=jax.ShapeDtypeStruct((1, C), F32),
        scratch_shapes=[pltpu.VMEM((1, H), F32)],
    )(p, cd_b, b.reshape(1, H), Wc, bc.reshape(1, C))


def kernel(x, edge_index, W0, b0, W1, b1, W2, b2, Wc, bc):
    N, D = x.shape
    H = W0.shape[1]
    E = edge_index.shape[1]
    assert E % NW == 0 and N % NS == 0 and N % RB == 0
    PW = E // NW
    K = 80
    assert PW % K == 0
    NCH = PW // K

    src = edge_index[0].reshape(NW, NCH, K)
    dst = edge_index[1].reshape(NW, NCH, K)

    dp = _make_deg(N, NCH, K)(src, dst)
    m0 = _tc_matmul(x, W0)
    g, cs_b, cd_b = _tc_first(dp.reshape(NC * 2, N, LN), m0)

    agg = _make_agg(N, H, NCH, K)
    p = agg(g, src, dst)
    g = _tc_layer(p, cd_b, b0, W1, cs_b)
    p = agg(g, src, dst)
    g = _tc_layer(p, cd_b, b1, W2, cs_b)
    p = agg(g, src, dst)
    return _tc_final(p, cd_b, b2, Wc, bc)

# --- scband reference (transcript-rebuilt; emitter-appended) ---
"""Pipeline reference for scband-gcn-predictor-20177756356746 (READ-ONLY COPY).

The authoritative reference and input builder live on the scoring server;
editing this copy changes nothing except your own understanding.
"""

import jax, jax.numpy as jnp
import numpy as np

N = 10000
E = 320000
D = 128
H = 128
C = 64


def setup_inputs(seed: int = 0) -> dict:
    key = jax.random.key(seed)
    ks = jax.random.split(key, 12)
    x = jax.random.normal(ks[0], (N, D), dtype=jnp.float32)
    edge_index = jax.random.randint(ks[1], (2, E), 0, N, dtype=jnp.int32)
    # GraphConv layer params: input layer + 2 hidden layers, plus classifier
    W0 = jax.random.normal(ks[2], (D, H), dtype=jnp.float32) * (1.0 / np.sqrt(D))
    b0 = jnp.zeros((H,), dtype=jnp.float32)
    W1 = jax.random.normal(ks[3], (H, H), dtype=jnp.float32) * (1.0 / np.sqrt(H))
    b1 = jnp.zeros((H,), dtype=jnp.float32)
    W2 = jax.random.normal(ks[4], (H, H), dtype=jnp.float32) * (1.0 / np.sqrt(H))
    b2 = jnp.zeros((H,), dtype=jnp.float32)
    Wc = jax.random.normal(ks[5], (H, C), dtype=jnp.float32) * (1.0 / np.sqrt(H))
    bc = jnp.zeros((C,), dtype=jnp.float32)
    return {"x": x, "edge_index": edge_index, "W0": W0, "b0": b0, "W1": W1, "b1": b1, "W2": W2, "b2": b2, "Wc": Wc, "bc": bc}


def reference(x, edge_index, W0, b0, W1, b1, W2, b2, Wc, bc):
    src = edge_index[0]
    dst = edge_index[1]
    ones = jnp.ones((E,), dtype=jnp.float32)
    deg_out = jax.ops.segment_sum(ones, src, num_segments=N)
    deg_in = jax.ops.segment_sum(ones, dst, num_segments=N)
    cs = jax.lax.rsqrt(jnp.maximum(deg_out, 1.0))
    cd = jax.lax.rsqrt(jnp.maximum(deg_in, 1.0))

    def graph_conv(h, W, b):
        # DGL GraphConv with norm='both': D_dst^{-1/2} A D_src^{-1/2} h W + b
        h = h @ W
        msg = h[src] * cs[src][:, None]
        agg = jax.ops.segment_sum(msg, dst, num_segments=N)
        return agg * cd[:, None] + b

    h = jax.nn.elu(graph_conv(x, W0, b0))
    h = jax.nn.elu(graph_conv(h, W1, b1))  # dropout_rate=0.0 -> identity
    h = jax.nn.elu(graph_conv(h, W2, b2))
    # dgl.mean_nodes over a single graph -> [1, H]
    graph_summary = jnp.mean(h, axis=0, keepdims=True)
    logits = graph_summary @ Wc + bc
    return logits

if __name__ == "__main__":
    import jax
    _d = setup_inputs()
    print(jax.jit(kernel)(*tuple(_d.values())))

</pallas_src>

<mosaic_0001>
#map = affine_map<(d0, d1) -> (0, 0)>
#map1 = affine_map<(d0, d1) -> (0, 0, 0)>
module attributes {stable_mosaic.version = 14 : i64} {
  func.func @body(%arg0: i32, %arg1: i32, %arg2: memref<10000x128xf32, #tpu.memory_space<hbm>>, %arg3: memref<32x125x80xi32, #tpu.memory_space<hbm>>, %arg4: memref<32x125x80xi32, #tpu.memory_space<hbm>>, %arg5: memref<2x10000x128xf32, #tpu.memory_space<hbm>>, %arg6: memref<125x80xi32, #tpu.memory_space<vmem>>, %arg7: memref<125x80xi32, #tpu.memory_space<vmem>>, %arg8: memref<80x128xf32, #tpu.memory_space<vmem>>, %arg9: memref<80x128xf32, #tpu.memory_space<vmem>>, %arg10: memref<80x128xf32, #tpu.memory_space<vmem>>, %arg11: memref<10000x128xf32, #tpu.memory_space<vmem_shared>>, %arg12: memref<!tpu.dma_semaphore, #tpu.memory_space<semaphore_mem>>, %arg13: memref<!tpu.dma_semaphore, #tpu.memory_space<semaphore_mem>>, %arg14: memref<!tpu.dma_semaphore, #tpu.memory_space<semaphore_mem>>) attributes {dimension_semantics = [#tpu.dimension_semantics<core_parallel>, #tpu.dimension_semantics<subcore_parallel>], iteration_bounds = array<i64: 2, 16>, scalar_prefetch = 0 : i64, scratch_operands = 9 : i64, tpu.core_type = #tpu.core_type<sc_vector_subcore>, window_params = [{transform_indices = #map}, {transform_indices = #map1}, {transform_indices = #map1}, {transform_indices = #map1}]} {
    %mul3A = arith.constant 16 : i32
    %mul3A_0 = arith.muli %arg0, %mul3A : i32
    %add3A = arith.addi %mul3A_0, %arg1 : i32
    %scan3A = arith.constant 0 : i32
    %scan3A_1 = arith.constant 0 : i32
    %scan3A_2 = arith.constant 80 : i32
    %scan3A_3 = arith.addi %scan3A_1, %scan3A_2 : i32
    %scan3A_4 = arith.constant 1 : i32
    scf.for %scan3A_74 = %scan3A_1 to %scan3A_3 step %scan3A_4  : i32 {
      %broadcast_in_dim3A = arith.constant 0.000000e+00 : f32
      %broadcast_in_dim3A_75 = vector.broadcast %broadcast_in_dim3A : f32 to vector<16xf32>
      %swap3A = arith.index_cast %scan3A_74 : i32 to index
      %swap3A_76 = arith.constant 0 : index
      %swap3A_77 = tpu.vector_load %arg8[%swap3A, %swap3A_76] {strides = array<i32>} : memref<80x128xf32, #tpu.memory_space<vmem>>, vector<1x16xf32>,
      %swap3A_78 = vector.shape_cast %swap3A_77 : vector<1x16xf32> to vector<16xf32>
      %swap3A_79 = vector.shape_cast %broadcast_in_dim3A_75 : vector<16xf32> to vector<1x16xf32>
      tpu.vector_store %arg8[%swap3A, %swap3A_76], %swap3A_79 {strides = array<i32>} : memref<80x128xf32, #tpu.memory_space<vmem>>, vector<1x16xf32>,
      %broadcast_in_dim3A_80 = arith.constant 0.000000e+00 : f32
      %broadcast_in_dim3A_81 = vector.broadcast %broadcast_in_dim3A_80 : f32 to vector<16xf32>
      %swap3A_82 = arith.index_cast %scan3A_74 : i32 to index
      %swap3A_83 = arith.constant 16 : index
      %swap3A_84 = tpu.vector_load %arg8[%swap3A_82, %swap3A_83] {strides = array<i32>} : memref<80x128xf32, #tpu.memory_space<vmem>>, vector<1x16xf32>,
      %swap3A_85 = vector.shape_cast %swap3A_84 : vector<1x16xf32> to vector<16xf32>
      %swap3A_86 = vector.shape_cast %broadcast_in_dim3A_81 : vector<16xf32> to vector<1x16xf32>
      tpu.vector_store %arg8[%swap3A_82, %swap3A_83], %swap3A_86 {strides = array<i32>} : memref<80x128xf32, #tpu.memory_space<vmem>>, vector<1x16xf32>,
      %broadcast_in_dim3A_87 = arith.constant 0.000000e+00 : f32
      %broadcast_in_dim3A_88 = vector.broadcast %broadcast_in_dim3A_87 : f32 to vector<16xf32>
      %swap3A_89 = arith.index_cast %scan3A_74 : i32 to index
      %swap3A_90 = arith.constant 32 : index
      %swap3A_91 = tpu.vector_load %arg8[%swap3A_89, %swap3A_90] {strides = array<i32>} : memref<80x128xf32, #tpu.memory_space<vmem>>, vector<1x16xf32>,
      %swap3A_92 = vector.shape_cast %swap3A_91 : vector<1x16xf32> to vector<16xf32>
      %swap3A_93 = vector.shape_cast %broadcast_in_dim3A_88 : vector<16xf32> to vector<1x16xf32>
      tpu.vector_store %arg8[%swap3A_89, %swap3A_90], %swap3A_93 {strides = array<i32>} : memref<80x128xf32, #tpu.memory_space<vmem>>, vector<1x16xf32>,
      %broadcast_in_dim3A_94 = arith.constant 0.000000e+00 : f32
      %broadcast_in_dim3A_95 = vector.broadcast %broadcast_in_dim3A_94 : f32 to vector<16xf32>
      %swap3A_96 = arith.index_cast %scan3A_74 : i32 to index
      %swap3A_97 = arith.constant 48 : index
      %swap3A_98 = tpu.vector_load %arg8[%swap3A_96, %swap3A_97] {strides = array<i32>} : memref<80x128xf32, #tpu.memory_space<vmem>>, vector<1x16xf32>,
      %swap3A_99 = vector.shape_cast %swap3A_98 : vector<1x16xf32> to vector<16xf32>
      %swap3A_100 = vector.shape_cast %broadcast_in_dim3A_95 : vector<16xf32> to vector<1x16xf32>
      tpu.vector_store %arg8[%swap3A_96, %swap3A_97], %swap3A_100 {strides = array<i32>} : memref<80x128xf32, #tpu.memory_space<vmem>>, vector<1x16xf32>,
      %broadcast_in_dim3A_101 = arith.constant 0.000000e+00 : f32
      %broadcast_in_dim3A_102 = vector.broadcast %broadcast_in_dim3A_101 : f32 to vector<16xf32>
      %swap3A_103 = arith.index_cast %scan3A_74 : i32 to index
      %swap3A_104 = arith.constant 64 : index
      %swap3A_105 = tpu.vector_load %arg8[%swap3A_103, %swap3A_104] {strides = array<i32>} : memref<80x128xf32, #tpu.memory_space<vmem>>, vector<1x16xf32>,
      %swap3A_106 = vector.shape_cast %swap3A_105 : vector<1x16xf32> to vector<16xf32>
      %swap3A_107 = vector.shape_cast %broadcast_in_dim3A_102 : vector<16xf32> to vector<1x16xf32>
      tpu.vector_store %arg8[%swap3A_103, %swap3A_104], %swap3A_107 {strides = array<i32>} : memref<80x128xf32, #tpu.memory_space<vmem>>, vector<1x16xf32>,
      %broadcast_in_dim3A_108 = arith.constant 0.000000e+00 : f32
      %broadcast_in_dim3A_109 = vector.broadcast %broadcast_in_dim3A_108 : f32 to vector<16xf32>
      %swap3A_110 = arith.index_cast %scan3A_74 : i32 to index
      %swap3A_111 = arith.constant 80 : index
      %swap3A_112 = tpu.vector_load %arg8[%swap3A_110, %swap3A_111] {strides = array<i32>} : memref<80x128xf32, #tpu.memory_space<vmem>>, vector<1x16xf32>,
      %swap3A_113 = vector.shape_cast %swap3A_112 : vector<1x16xf32> to vector<16xf32>
      %swap3A_114 = vector.shape_cast %broadcast_in_dim3A_109 : vector<16xf32> to vector<1x16xf32>
      tpu.vector_store %arg8[%swap3A_110, %swap3A_111], %swap3A_114 {strides = array<i32>} : memref<80x128xf32, #tpu.memory_space<vmem>>, vector<1x16xf32>,
      %broadcast_in_dim3A_115 = arith.constant 0.000000e+00 : f32
      %broadcast_in_dim3A_116 = vector.broadcast %broadcast_in_dim3A_115 : f32 to vector<16xf32>
      %swap3A_117 = arith.index_cast %scan3A_74 : i32 to index
      %swap3A_118 = arith.constant 96 : index
      %swap3A_119 = tpu.vector_load %arg8[%swap3A_117, %swap3A_118] {strides = array<i32>} : memref<80x128xf32, #tpu.memory_space<vmem>>, vector<1x16xf32>,
      %swap3A_120 = vector.shape_cast %swap3A_119 : vector<1x16xf32> to vector<16xf32>
      %swap3A_121 = vector.shape_cast %broadcast_in_dim3A_116 : vector<16xf32> to vector<1x16xf32>
      tpu.vector_store %arg8[%swap3A_117, %swap3A_118], %swap3A_121 {strides = array<i32>} : memref<80x128xf32, #tpu.memory_space<vmem>>, vector<1x16xf32>,
      %broadcast_in_dim3A_122 = arith.constant 0.000000e+00 : f32
      %broadcast_in_dim3A_123 = vector.broadcast %broadcast_in_dim3A_122 : f32 to vector<16xf32>
      %swap3A_124 = arith.index_cast %scan3A_74 : i32 to index
      %swap3A_125 = arith.constant 112 : index
      %swap3A_126 = tpu.vector_load %arg8[%swap3A_124, %swap3A_125] {strides = array<i32>} : memref<80x128xf32, #tpu.memory_space<vmem>>, vector<1x16xf32>,
      %swap3A_127 = vector.shape_cast %swap3A_126 : vector<1x16xf32> to vector<16xf32>
      %swap3A_128 = vector.shape_cast %broadcast_in_dim3A_123 : vector<16xf32> to vector<1x16xf32>
      tpu.vector_store %arg8[%swap3A_124, %swap3A_125], %swap3A_128 {strides = array<i32>} : memref<80x128xf32, #tpu.memory_space<vmem>>, vector<1x16xf32>,
    }
    %scan3A_5 = arith.constant 80 : i32
    %mul3A_6 = arith.constant 625 : i32
    %mul3A_7 = arith.muli %arg1, %mul3A_6 : i32
    %add3A_8 = arith.constant 0 : i32
    %add3A_9 = arith.addi %mul3A_7, %add3A_8 : i32
    "tpu.region"() ({
      %run_scoped3A_74 = tpu.sem_alloc : memref<!tpu.dma_semaphore, #tpu.memory_space<semaphore_mem>>
      %dma_start3A_75 = arith.constant 0 : i32
      %dma_start3A_76 = tpu.memref_slice %arg11[%add3A_9, %dma_start3A_75] : memref<10000x128xf32, #tpu.memory_space<vmem_shared>> -> memref<80x128xf32, #tpu.memory_space<vmem_shared>>
      %dma_start3A_77 = arith.constant 0 : i32
      %dma_start3A_78 = tpu.memref_slice %arg11[%add3A_9, %dma_start3A_77] : memref<10000x128xf32, #tpu.memory_space<vmem_shared>> -> memref<80x128xf32, #tpu.memory_space<vmem_shared>>
      tpu.enqueue_dma source(%arg8 : memref<80x128xf32, #tpu.memory_space<vmem>>) target(%dma_start3A_78 : memref<80x128xf32, #tpu.memory_space<vmem_shared>>) target_semaphore(%run_scoped3A_74 : memref<!tpu.dma_semaphore, #tpu.memory_space<semaphore_mem>>)
      %dma_wait3A_79 = arith.constant 0 : i32
      %dma_wait3A_80 = tpu.memref_slice %arg11[%add3A_9, %dma_wait3A_79] : memref<10000x128xf32, #tpu.memory_space<vmem_shared>> -> memref<80x128xf32, #tpu.memory_space<vmem_shared>>
      %dma_wait3A_81 = arith.constant 0 : i32
      %dma_wait3A_82 = tpu.memref_slice %arg11[%add3A_9, %dma_wait3A_81] : memref<10000x128xf32, #tpu.memory_space<vmem_shared>> -> memref<80x128xf32, #tpu.memory_space<vmem_shared>>
      tpu.wait_dma2 semaphore(%run_scoped3A_74 : memref<!tpu.dma_semaphore, #tpu.memory_space<semaphore_mem>>) src(%arg8 : memref<80x128xf32, #tpu.memory_space<vmem>>) dst(%dma_wait3A_82 : memref<80x128xf32, #tpu.memory_space<vmem_shared>>)
      tpu.yield
    }) : () -> ()
    %mul3A_10 = arith.constant 625 : i32
    %mul3A_11 = arith.muli %arg1, %mul3A_10 : i32
    %add3A_12 = arith.constant 80 : i32
    %add3A_13 = arith.addi %mul3A_11, %add3A_12 : i32
    "tpu.region"() ({
      %run_scoped3A_74 = tpu.sem_alloc : memref<!tpu.dma_semaphore, #tpu.memory_space<semaphore_mem>>
      %dma_start3A_75 = arith.constant 0 : i32
      %dma_start3A_76 = tpu.memref_slice %arg11[%add3A_13, %dma_start3A_75] : memref<10000x128xf32, #tpu.memory_space<vmem_shared>> -> memref<80x128xf32, #tpu.memory_space<vmem_shared>>
      %dma_start3A_77 = arith.constant 0 : i32
      %dma_start3A_78 = tpu.memref_slice %arg11[%add3A_13, %dma_start3A_77] : memref<10000x128xf32, #tpu.memory_space<vmem_shared>> -> memref<80x128xf32, #tpu.memory_space<vmem_shared>>
      tpu.enqueue_dma source(%arg8 : memref<80x128xf32, #tpu.memory_space<vmem>>) target(%dma_start3A_78 : memref<80x128xf32, #tpu.memory_space<vmem_shared>>) target_semaphore(%run_scoped3A_74 : memref<!tpu.dma_semaphore, #tpu.memory_space<semaphore_mem>>)
      %dma_wait3A_79 = arith.constant 0 : i32
      %dma_wait3A_80 = tpu.memref_slice %arg11[%add3A_13, %dma_wait3A_79] : memref<10000x128xf32, #tpu.memory_space<vmem_shared>> -> memref<80x128xf32, #tpu.memory_space<vmem_shared>>
      %dma_wait3A_81 = arith.constant 0 : i32
      %dma_wait3A_82 = tpu.memref_slice %arg11[%add3A_13, %dma_wait3A_81] : memref<10000x128xf32, #tpu.memory_space<vmem_shared>> -> memref<80x128xf32, #tpu.memory_space<vmem_shared>>
      tpu.wait_dma2 semaphore(%run_scoped3A_74 : memref<!tpu.dma_semaphore, #tpu.memory_space<semaphore_mem>>) src(%arg8 : memref<80x128xf32, #tpu.memory_space<vmem>>) dst(%dma_wait3A_82 : memref<80x128xf32, #tpu.memory_space<vmem_shared>>)
      tpu.yield
    }) : () -> ()
    %mul3A_14 = arith.constant 625 : i32
    %mul3A_15 = arith.muli %arg1, %mul3A_14 : i32
    %add3A_16 = arith.constant 160 : i32
    %add3A_17 = arith.addi %mul3A_15, %add3A_16 : i32
    "tpu.region"() ({
      %run_scoped3A_74 = tpu.sem_alloc : memref<!tpu.dma_semaphore, #tpu.memory_space<semaphore_mem>>
      %dma_start3A_75 = arith.constant 0 : i32
      %dma_start3A_76 = tpu.memref_slice %arg11[%add3A_17, %dma_start3A_75] : memref<10000x128xf32, #tpu.memory_space<vmem_shared>> -> memref<80x128xf32, #tpu.memory_space<vmem_shared>>
      %dma_start3A_77 = arith.constant 0 : i32
      %dma_start3A_78 = tpu.memref_slice %arg11[%add3A_17, %dma_start3A_77] : memref<10000x128xf32, #tpu.memory_space<vmem_shared>> -> memref<80x128xf32, #tpu.memory_space<vmem_shared>>
      tpu.enqueue_dma source(%arg8 : memref<80x128xf32, #tpu.memory_space<vmem>>) target(%dma_start3A_78 : memref<80x128xf32, #tpu.memory_space<vmem_shared>>) target_semaphore(%run_scoped3A_74 : memref<!tpu.dma_semaphore, #tpu.memory_space<semaphore_mem>>)
      %dma_wait3A_79 = arith.constant 0 : i32
      %dma_wait3A_80 = tpu.memref_slice %arg11[%add3A_17, %dma_wait3A_79] : memref<10000x128xf32, #tpu.memory_space<vmem_shared>> -> memref<80x128xf32, #tpu.memory_space<vmem_shared>>
      %dma_wait3A_81 = arith.constant 0 : i32
      %dma_wait3A_82 = tpu.memref_slice %arg11[%add3A_17, %dma_wait3A_81] : memref<10000x128xf32, #tpu.memory_space<vmem_shared>> -> memref<80x128xf32, #tpu.memory_space<vmem_shared>>
      tpu.wait_dma2 semaphore(%run_scoped3A_74 : memref<!tpu.dma_semaphore, #tpu.memory_space<semaphore_mem>>) src(%arg8 : memref<80x128xf32, #tpu.memory_space<vmem>>) dst(%dma_wait3A_82 : memref<80x128xf32, #tpu.memory_space<vmem_shared>>)
      tpu.yield
    }) : () -> ()
    %mul3A_18 = arith.constant 625 : i32
    %mul3A_19 = arith.muli %arg1, %mul3A_18 : i32
    %add3A_20 = arith.constant 240 : i32
    %add3A_21 = arith.addi %mul3A_19, %add3A_20 : i32
    "tpu.region"() ({
      %run_scoped3A_74 = tpu.sem_alloc : memref<!tpu.dma_semaphore, #tpu.memory_space<semaphore_mem>>
      %dma_start3A_75 = arith.constant 0 : i32
      %dma_start3A_76 = tpu.memref_slice %arg11[%add3A_21, %dma_start3A_75] : memref<10000x128xf32, #tpu.memory_space<vmem_shared>> -> memref<80x128xf32, #tpu.memory_space<vmem_shared>>
      %dma_start3A_77 = arith.constant 0 : i32
      %dma_start3A_78 = tpu.memref_slice %arg11[%add3A_21, %dma_start3A_77] : memref<10000x128xf32, #tpu.memory_space<vmem_shared>> -> memref<80x128xf32, #tpu.memory_space<vmem_shared>>
      tpu.enqueue_dma source(%arg8 : memref<80x128xf32, #tpu.memory_space<vmem>>) target(%dma_start3A_78 : memref<80x128xf32, #tpu.memory_space<vmem_shared>>) target_semaphore(%run_scoped3A_74 : memref<!tpu.dma_semaphore, #tpu.memory_space<semaphore_mem>>)
      %dma_wait3A_79 = arith.constant 0 : i32
      %dma_wait3A_80 = tpu.memref_slice %arg11[%add3A_21, %dma_wait3A_79] : memref<10000x128xf32, #tpu.memory_space<vmem_shared>> -> memref<80x128xf32, #tpu.memory_space<vmem_shared>>
      %dma_wait3A_81 = arith.constant 0 : i32
      %dma_wait3A_82 = tpu.memref_slice %arg11[%add3A_21, %dma_wait3A_81] : memref<10000x128xf32, #tpu.memory_space<vmem_shared>> -> memref<80x128xf32, #tpu.memory_space<vmem_shared>>
      tpu.wait_dma2 semaphore(%run_scoped3A_74 : memref<!tpu.dma_semaphore, #tpu.memory_space<semaphore_mem>>) src(%arg8 : memref<80x128xf32, #tpu.memory_space<vmem>>) dst(%dma_wait3A_82 : memref<80x128xf32, #tpu.memory_space<vmem_shared>>)
      tpu.yield
    }) : () -> ()
    %mul3A_22 = arith.constant 625 : i32
    %mul3A_23 = arith.muli %arg1, %mul3A_22 : i32
    %add3A_24 = arith.constant 320 : i32
    %add3A_25 = arith.addi %mul3A_23, %add3A_24 : i32
    "tpu.region"() ({
      %run_scoped3A_74 = tpu.sem_alloc : memref<!tpu.dma_semaphore, #tpu.memory_space<semaphore_mem>>
      %dma_start3A_75 = arith.constant 0 : i32
      %dma_start3A_76 = tpu.memref_slice %arg11[%add3A_25, %dma_start3A_75] : memref<10000x128xf32, #tpu.memory_space<vmem_shared>> -> memref<80x128xf32, #tpu.memory_space<vmem_shared>>
      %dma_start3A_77 = arith.constant 0 : i32
      %dma_start3A_78 = tpu.memref_slice %arg11[%add3A_25, %dma_start3A_77] : memref<10000x128xf32, #tpu.memory_space<vmem_shared>> -> memref<80x128xf32, #tpu.memory_space<vmem_shared>>
      tpu.enqueue_dma source(%arg8 : memref<80x128xf32, #tpu.memory_space<vmem>>) target(%dma_start3A_78 : memref<80x128xf32, #tpu.memory_space<vmem_shared>>) target_semaphore(%run_scoped3A_74 : memref<!tpu.dma_semaphore, #tpu.memory_space<semaphore_mem>>)
      %dma_wait3A_79 = arith.constant 0 : i32
      %dma_wait3A_80 = tpu.memref_slice %arg11[%add3A_25, %dma_wait3A_79] : memref<10000x128xf32, #tpu.memory_space<vmem_shared>> -> memref<80x128xf32, #tpu.memory_space<vmem_shared>>
      %dma_wait3A_81 = arith.constant 0 : i32
      %dma_wait3A_82 = tpu.memref_slice %arg11[%add3A_25, %dma_wait3A_81] : memref<10000x128xf32, #tpu.memory_space<vmem_shared>> -> memref<80x128xf32, #tpu.memory_space<vmem_shared>>
      tpu.wait_dma2 semaphore(%run_scoped3A_74 : memref<!tpu.dma_semaphore, #tpu.memory_space<semaphore_mem>>) src(%arg8 : memref<80x128xf32, #tpu.memory_space<vmem>>) dst(%dma_wait3A_82 : memref<80x128xf32, #tpu.memory_space<vmem_shared>>)
      tpu.yield
    }) : () -> ()
    %mul3A_26 = arith.constant 625 : i32
    %mul3A_27 = arith.muli %arg1, %mul3A_26 : i32
    %add3A_28 = arith.constant 400 : i32
    %add3A_29 = arith.addi %mul3A_27, %add3A_28 : i32
    "tpu.region"() ({
      %run_scoped3A_74 = tpu.sem_alloc : memref<!tpu.dma_semaphore, #tpu.memory_space<semaphore_mem>>
      %dma_start3A_75 = arith.constant 0 : i32
      %dma_start3A_76 = tpu.memref_slice %arg11[%add3A_29, %dma_start3A_75] : memref<10000x128xf32, #tpu.memory_space<vmem_shared>> -> memref<80x128xf32, #tpu.memory_space<vmem_shared>>
      %dma_start3A_77 = arith.constant 0 : i32
      %dma_start3A_78 = tpu.memref_slice %arg11[%add3A_29, %dma_start3A_77] : memref<10000x128xf32, #tpu.memory_space<vmem_shared>> -> memref<80x128xf32, #tpu.memory_space<vmem_shared>>
      tpu.enqueue_dma source(%arg8 : memref<80x128xf32, #tpu.memory_space<vmem>>) target(%dma_start3A_78 : memref<80x128xf32, #tpu.memory_space<vmem_shared>>) target_semaphore(%run_scoped3A_74 : memref<!tpu.dma_semaphore, #tpu.memory_space<semaphore_mem>>)
      %dma_wait3A_79 = arith.constant 0 : i32
      %dma_wait3A_80 = tpu.memref_slice %arg11[%add3A_29, %dma_wait3A_79] : memref<10000x128xf32, #tpu.memory_space<vmem_shared>> -> memref<80x128xf32, #tpu.memory_space<vmem_shared>>
      %dma_wait3A_81 = arith.constant 0 : i32
      %dma_wait3A_82 = tpu.memref_slice %arg11[%add3A_29, %dma_wait3A_81] : memref<10000x128xf32, #tpu.memory_space<vmem_shared>> -> memref<80x128xf32, #tpu.memory_space<vmem_shared>>
      tpu.wait_dma2 semaphore(%run_scoped3A_74 : memref<!tpu.dma_semaphore, #tpu.memory_space<semaphore_mem>>) src(%arg8 : memref<80x128xf32, #tpu.memory_space<vmem>>) dst(%dma_wait3A_82 : memref<80x128xf32, #tpu.memory_space<vmem_shared>>)
      tpu.yield
    }) : () -> ()
    %mul3A_30 = arith.constant 625 : i32
    %mul3A_31 = arith.muli %arg1, %mul3A_30 : i32
    %add3A_32 = arith.constant 480 : i32
    %add3A_33 = arith.addi %mul3A_31, %add3A_32 : i32
    "tpu.region"() ({
      %run_scoped3A_74 = tpu.sem_alloc : memref<!tpu.dma_semaphore, #tpu.memory_space<semaphore_mem>>
      %dma_start3A_75 = arith.constant 0 : i32
      %dma_start3A_76 = tpu.memref_slice %arg11[%add3A_33, %dma_start3A_75] : memref<10000x128xf32, #tpu.memory_space<vmem_shared>> -> memref<80x128xf32, #tpu.memory_space<vmem_shared>>
      %dma_start3A_77 = arith.constant 0 : i32
      %dma_start3A_78 = tpu.memref_slice %arg11[%add3A_33, %dma_start3A_77] : memref<10000x128xf32, #tpu.memory_space<vmem_shared>> -> memref<80x128xf32, #tpu.memory_space<vmem_shared>>
      tpu.enqueue_dma source(%arg8 : memref<80x128xf32, #tpu.memory_space<vmem>>) target(%dma_start3A_78 : memref<80x128xf32, #tpu.memory_space<vmem_shared>>) target_semaphore(%run_scoped3A_74 : memref<!tpu.dma_semaphore, #tpu.memory_space<semaphore_mem>>)
      %dma_wait3A_79 = arith.constant 0 : i32
      %dma_wait3A_80 = tpu.memref_slice %arg11[%add3A_33, %dma_wait3A_79] : memref<10000x128xf32, #tpu.memory_space<vmem_shared>> -> memref<80x128xf32, #tpu.memory_space<vmem_shared>>
      %dma_wait3A_81 = arith.constant 0 : i32
      %dma_wait3A_82 = tpu.memref_slice %arg11[%add3A_33, %dma_wait3A_81] : memref<10000x128xf32, #tpu.memory_space<vmem_shared>> -> memref<80x128xf32, #tpu.memory_space<vmem_shared>>
      tpu.wait_dma2 semaphore(%run_scoped3A_74 : memref<!tpu.dma_semaphore, #tpu.memory_space<semaphore_mem>>) src(%arg8 : memref<80x128xf32, #tpu.memory_space<vmem>>) dst(%dma_wait3A_82 : memref<80x128xf32, #tpu.memory_space<vmem_shared>>)
      tpu.yield
    }) : () -> ()
    %mul3A_34 = arith.constant 625 : i32
    %mul3A_35 = arith.muli %arg1, %mul3A_34 : i32
    %add3A_36 = arith.constant 560 : i32
    %add3A_37 = arith.addi %mul3A_35, %add3A_36 : i32
    "tpu.region"() ({
      %run_scoped3A_74 = tpu.sem_alloc : memref<!tpu.dma_semaphore, #tpu.memory_space<semaphore_mem>>
      %dma_start3A_75 = arith.constant 0 : i32
      %dma_start3A_76 = arith.constant 0 : i32
      %dma_start3A_77 = tpu.memref_slice %arg8[%dma_start3A_75, %dma_start3A_76] : memref<80x128xf32, #tpu.memory_space<vmem>> -> memref<65x128xf32, #tpu.memory_space<vmem>>
      %dma_start3A_78 = arith.constant 0 : i32
      %dma_start3A_79 = tpu.memref_slice %arg11[%add3A_37, %dma_start3A_78] : memref<10000x128xf32, #tpu.memory_space<vmem_shared>> -> memref<65x128xf32, #tpu.memory_space<vmem_shared>>
      %dma_start3A_80 = arith.constant 0 : i32
      %dma_start3A_81 = tpu.memref_slice %arg11[%add3A_37, %dma_start3A_80] : memref<10000x128xf32, #tpu.memory_space<vmem_shared>> -> memref<65x128xf32, #tpu.memory_space<vmem_shared>>
      %dma_start3A_82 = arith.constant 0 : i32
      %dma_start3A_83 = arith.constant 0 : i32
      %dma_start3A_84 = tpu.memref_slice %arg8[%dma_start3A_82, %dma_start3A_83] : memref<80x128xf32, #tpu.memory_space<vmem>> -> memref<65x128xf32, #tpu.memory_space<vmem>>
      tpu.enqueue_dma source(%dma_start3A_84 : memref<65x128xf32, #tpu.memory_space<vmem>>) target(%dma_start3A_81 : memref<65x128xf32, #tpu.memory_space<vmem_shared>>) target_semaphore(%run_scoped3A_74 : memref<!tpu.dma_semaphore, #tpu.memory_space<semaphore_mem>>)
      %dma_wait3A_85 = arith.constant 0 : i32
      %dma_wait3A_86 = arith.constant 0 : i32
      %dma_wait3A_87 = tpu.memref_slice %arg8[%dma_wait3A_85, %dma_wait3A_86] : memref<80x128xf32, #tpu.memory_space<vmem>> -> memref<65x128xf32, #tpu.memory_space<vmem>>
      %dma_wait3A_88 = arith.constant 0 : i32
      %dma_wait3A_89 = tpu.memref_slice %arg11[%add3A_37, %dma_wait3A_88] : memref<10000x128xf32, #tpu.memory_space<vmem_shared>> -> memref<65x128xf32, #tpu.memory_space<vmem_shared>>
      %dma_wait3A_90 = arith.constant 0 : i32
      %dma_wait3A_91 = tpu.memref_slice %arg11[%add3A_37, %dma_wait3A_90] : memref<10000x128xf32, #tpu.memory_space<vmem_shared>> -> memref<65x128xf32, #tpu.memory_space<vmem_shared>>
      %dma_wait3A_92 = arith.constant 0 : i32
      %dma_wait3A_93 = arith.constant 0 : i32
      %dma_wait3A_94 = tpu.memref_slice %arg8[%dma_wait3A_92, %dma_wait3A_93] : memref<80x128xf32, #tpu.memory_space<vmem>> -> memref<65x128xf32, #tpu.memory_space<vmem>>
      tpu.wait_dma2 semaphore(%run_scoped3A_74 : memref<!tpu.dma_semaphore, #tpu.memory_space<semaphore_mem>>) src(%dma_wait3A_94 : memref<65x128xf32, #tpu.memory_space<vmem>>) dst(%dma_wait3A_91 : memref<65x128xf32, #tpu.memory_space<vmem_shared>>)
      tpu.yield
    }) : () -> ()
    %barrier3A = arith.constant 0 : index
    tpu.barrier barrier_id(%barrier3A)
    "tpu.region"() ({
      %run_scoped3A_74 = tpu.sem_alloc : memref<!tpu.dma_semaphore, #tpu.memory_space<semaphore_mem>>
      %dma_start3A_75 = arith.constant 0 : i32
      %dma_start3A_76 = arith.constant 0 : i32
      %dma_start3A_77 = tpu.memref_slice %arg3[%add3A, %dma_start3A_75, %dma_start3A_76] : memref<32x125x80xi32, #tpu.memory_space<hbm>> -> memref<1x125x80xi32, #tpu.memory_space<hbm>>
      %dma_start3A_78 = tpu.memref_squeeze %dma_start3A_77 : memref<1x125x80xi32, #tpu.memory_space<hbm>> -> memref<125x80xi32, #tpu.memory_space<hbm>>
      %dma_start3A_79 = arith.constant 0 : i32
      %dma_start3A_80 = arith.constant 0 : i32
      %dma_start3A_81 = tpu.memref_slice %arg3[%add3A, %dma_start3A_79, %dma_start3A_80] : memref<32x125x80xi32, #tpu.memory_space<hbm>> -> memref<1x125x80xi32, #tpu.memory_space<hbm>>
      %dma_start3A_82 = tpu.memref_squeeze %dma_start3A_81 : memref<1x125x80xi32, #tpu.memory_space<hbm>> -> memref<125x80xi32, #tpu.memory_space<hbm>>
      tpu.enqueue_dma source(%dma_start3A_82 : memref<125x80xi32, #tpu.memory_space<hbm>>) target(%arg6 : memref<125x80xi32, #tpu.memory_space<vmem>>) target_semaphore(%run_scoped3A_74 : memref<!tpu.dma_semaphore, #tpu.memory_space<semaphore_mem>>)
      %dma_wait3A_83 = arith.constant 0 : i32
      %dma_wait3A_84 = arith.constant 0 : i32
      %dma_wait3A_85 = tpu.memref_slice %arg3[%add3A, %dma_wait3A_83, %dma_wait3A_84] : memref<32x125x80xi32, #tpu.memory_space<hbm>> -> memref<1x125x80xi32, #tpu.memory_space<hbm>>
      %dma_wait3A_86 = tpu.memref_squeeze %dma_wait3A_85 : memref<1x125x80xi32, #tpu.memory_space<hbm>> -> memref<125x80xi32, #tpu.memory_space<hbm>>
      %dma_wait3A_87 = arith.constant 0 : i32
      %dma_wait3A_88 = arith.constant 0 : i32
      %dma_wait3A_89 = tpu.memref_slice %arg3[%add3A, %dma_wait3A_87, %dma_wait3A_88] : memref<32x125x80xi32, #tpu.memory_space<hbm>> -> memref<1x125x80xi32, #tpu.memory_space<hbm>>
      %dma_wait3A_90 = tpu.memref_squeeze %dma_wait3A_89 : memref<1x125x80xi32, #tpu.memory_space<hbm>> -> memref<125x80xi32, #tpu.memory_space<hbm>>
      tpu.wait_dma2 semaphore(%run_scoped3A_74 : memref<!tpu.dma_semaphore, #tpu.memory_space<semaphore_mem>>) src(%dma_wait3A_90 : memref<125x80xi32, #tpu.memory_space<hbm>>) dst(%arg6 : memref<125x80xi32, #tpu.memory_space<vmem>>)
      tpu.yield
    }) : () -> ()
    "tpu.region"() ({
      %run_scoped3A_74 = tpu.sem_alloc : memref<!tpu.dma_semaphore, #tpu.memory_space<semaphore_mem>>
      %dma_start3A_75 = arith.constant 0 : i32
      %dma_start3A_76 = arith.constant 0 : i32
      %dma_start3A_77 = tpu.memref_slice %arg4[%add3A, %dma_start3A_75, %dma_start3A_76] : memref<32x125x80xi32, #tpu.memory_space<hbm>> -> memref<1x125x80xi32, #tpu.memory_space<hbm>>
      %dma_start3A_78 = tpu.memref_squeeze %dma_start3A_77 : memref<1x125x80xi32, #tpu.memory_space<hbm>> -> memref<125x80xi32, #tpu.memory_space<hbm>>
      %dma_start3A_79 = arith.constant 0 : i32
      %dma_start3A_80 = arith.constant 0 : i32
      %dma_start3A_81 = tpu.memref_slice %arg4[%add3A, %dma_start3A_79, %dma_start3A_80] : memref<32x125x80xi32, #tpu.memory_space<hbm>> -> memref<1x125x80xi32, #tpu.memory_space<hbm>>
      %dma_start3A_82 = tpu.memref_squeeze %dma_start3A_81 : memref<1x125x80xi32, #tpu.memory_space<hbm>> -> memref<125x80xi32, #tpu.memory_space<hbm>>
      tpu.enqueue_dma source(%dma_start3A_82 : memref<125x80xi32, #tpu.memory_space<hbm>>) target(%arg7 : memref<125x80xi32, #tpu.memory_space<vmem>>) target_semaphore(%run_scoped3A_74 : memref<!tpu.dma_semaphore, #tpu.memory_space<semaphore_mem>>)
      %dma_wait3A_83 = arith.constant 0 : i32
      %dma_wait3A_84 = arith.constant 0 : i32
      %dma_wait3A_85 = tpu.memref_slice %arg4[%add3A, %dma_wait3A_83, %dma_wait3A_84] : memref<32x125x80xi32, #tpu.memory_space<hbm>> -> memref<1x125x80xi32, #tpu.memory_space<hbm>>
      %dma_wait3A_86 = tpu.memref_squeeze %dma_wait3A_85 : memref<1x125x80xi32, #tpu.memory_space<hbm>> -> memref<125x80xi32, #tpu.memory_space<hbm>>
      %dma_wait3A_87 = arith.constant 0 : i32
      %dma_wait3A_88 = arith.constant 0 : i32
      %dma_wait3A_89 = tpu.memref_slice %arg4[%add3A, %dma_wait3A_87, %dma_wait3A_88] : memref<32x125x80xi32, #tpu.memory_space<hbm>> -> memref<1x125x80xi32, #tpu.memory_space<hbm>>
      %dma_wait3A_90 = tpu.memref_squeeze %dma_wait3A_89 : memref<1x125x80xi32, #tpu.memory_space<hbm>> -> memref<125x80xi32, #tpu.memory_space<hbm>>
      tpu.wait_dma2 semaphore(%run_scoped3A_74 : memref<!tpu.dma_semaphore, #tpu.memory_space<semaphore_mem>>) src(%dma_wait3A_90 : memref<125x80xi32, #tpu.memory_space<hbm>>) dst(%arg7 : memref<125x80xi32, #tpu.memory_space<vmem>>)
      tpu.yield
    }) : () -> ()
    %dma_start3A = arith.constant 0 : i32
    %dma_start3A_38 = arith.constant 0 : i32
    %dma_start3A_39 = tpu.memref_slice %arg6[%dma_start3A, %dma_start3A_38] : memref<125x80xi32, #tpu.memory_space<vmem>> -> memref<1x80xi32, #tpu.memory_space<vmem>>
    %dma_start3A_40 = tpu.memref_squeeze %dma_start3A_39 : memref<1x80xi32, #tpu.memory_space<vmem>> -> memref<80xi32, #tpu.memory_space<vmem>>
    %dma_start3A_41 = arith.constant 0 : i32
    %dma_start3A_42 = arith.constant 0 : i32
    %dma_start3A_43 = tpu.memref_slice %arg2[%dma_start3A_41, %dma_start3A_42] : memref<10000x128xf32, #tpu.memory_space<hbm>> -> memref<10000x128xf32, #tpu.memory_space<hbm>>
    tpu.enqueue_indirect_dma source(%dma_start3A_43 : memref<10000x128xf32, #tpu.memory_space<hbm>>) target(%arg8 : memref<80x128xf32, #tpu.memory_space<vmem>>) offsets(%dma_start3A_40 : memref<80xi32, #tpu.memory_space<vmem>>) semaphore(%arg12 : memref<!tpu.dma_semaphore, #tpu.memory_space<semaphore_mem>>)
    %dma_start3A_44 = arith.constant 1 : i32
    %dma_start3A_45 = arith.constant 0 : i32
    %dma_start3A_46 = tpu.memref_slice %arg6[%dma_start3A_44, %dma_start3A_45] : memref<125x80xi32, #tpu.memory_space<vmem>> -> memref<1x80xi32, #tpu.memory_space<vmem>>
    %dma_start3A_47 = tpu.memref_squeeze %dma_start3A_46 : memref<1x80xi32, #tpu.memory_space<vmem>> -> memref<80xi32, #tpu.memory_space<vmem>>
    %dma_start3A_48 = arith.constant 0 : i32
    %dma_start3A_49 = arith.constant 0 : i32
    %dma_start3A_50 = tpu.memref_slice %arg2[%dma_start3A_48, %dma_start3A_49] : memref<10000x128xf32, #tpu.memory_space<hbm>> -> memref<10000x128xf32, #tpu.memory_space<hbm>>
    tpu.enqueue_indirect_dma source(%dma_start3A_50 : memref<10000x128xf32, #tpu.memory_space<hbm>>) target(%arg9 : memref<80x128xf32, #tpu.memory_space<vmem>>) offsets(%dma_start3A_47 : memref<80xi32, #tpu.memory_space<vmem>>) semaphore(%arg13 : memref<!tpu.dma_semaphore, #tpu.memory_space<semaphore_mem>>)
    %scan3A_51 = arith.constant 0 : i32
    %scan3A_52 = arith.constant 0 : i32
    %scan3A_53 = arith.constant 41 : i32
    %scan3A_54 = arith.addi %scan3A_52, %scan3A_53 : i32
    %scan3A_55 = arith.constant 1 : i32
    scf.for %scan3A_74 = %scan3A_52 to %scan3A_54 step %scan3A_55  : i32 {
      %mul3A_75 = arith.constant 3 : i32
      %mul3A_76 = arith.muli %mul3A_75, %scan3A_74 : i32
      %add3A_77 = arith.constant 2 : i32
      %add3A_78 = arith.addi %mul3A_76, %add3A_77 : i32
      %dma_start3A_79 = arith.constant 0 : i32
      %dma_start3A_80 = tpu.memref_slice %arg6[%add3A_78, %dma_start3A_79] : memref<125x80xi32, #tpu.memory_space<vmem>> -> memref<1x80xi32, #tpu.memory_space<vmem>>
      %dma_start3A_81 = tpu.memref_squeeze %dma_start3A_80 : memref<1x80xi32, #tpu.memory_space<vmem>> -> memref<80xi32, #tpu.memory_space<vmem>>
      %dma_start3A_82 = arith.constant 0 : i32
      %dma_start3A_83 = arith.constant 0 : i32
      %dma_start3A_84 = tpu.memref_slice %arg2[%dma_start3A_82, %dma_start3A_83] : memref<10000x128xf32, #tpu.memory_space<hbm>> -> memref<10000x128xf32, #tpu.memory_space<hbm>>
      tpu.enqueue_indirect_dma source(%dma_start3A_84 : memref<10000x128xf32, #tpu.memory_space<hbm>>) target(%arg10 : memref<80x128xf32, #tpu.memory_space<vmem>>) offsets(%dma_start3A_81 : memref<80xi32, #tpu.memory_space<vmem>>) semaphore(%arg14 : memref<!tpu.dma_semaphore, #tpu.memory_space<semaphore_mem>>)
      %dma_wait3A_85 = arith.constant 0 : i32
      %dma_wait3A_86 = arith.constant 0 : i32
      %dma_wait3A_87 = tpu.memref_slice %arg2[%dma_wait3A_85, %dma_wait3A_86] : memref<10000x128xf32, #tpu.memory_space<hbm>> -> memref<80x128xf32, #tpu.memory_space<hbm>>
      %dma_wait3A_88 = arith.constant 0 : i32
      %dma_wait3A_89 = arith.constant 0 : i32
      %dma_wait3A_90 = tpu.memref_slice %arg2[%dma_wait3A_88, %dma_wait3A_89] : memref<10000x128xf32, #tpu.memory_space<hbm>> -> memref<80x128xf32, #tpu.memory_space<hbm>>
      tpu.wait_dma2 semaphore(%arg12 : memref<!tpu.dma_semaphore, #tpu.memory_space<semaphore_mem>>) src(%dma_wait3A_90 : memref<80x128xf32, #tpu.memory_space<hbm>>) dst(%arg8 : memref<80x128xf32, #tpu.memory_space<vmem>>)
      "tpu.region"() ({
        %run_scoped3A_123 = tpu.sem_alloc : memref<!tpu.dma_semaphore, #tpu.memory_space<semaphore_mem>>
        %dma_start3A_124 = arith.constant 0 : i32
        %dma_start3A_125 = tpu.memref_slice %arg7[%mul3A_76, %dma_start3A_124] : memref<125x80xi32, #tpu.memory_space<vmem>> -> memref<1x80xi32, #tpu.memory_space<vmem>>
        %dma_start3A_126 = tpu.memref_squeeze %dma_start3A_125 : memref<1x80xi32, #tpu.memory_space<vmem>> -> memref<80xi32, #tpu.memory_space<vmem>>
        %dma_start3A_127 = arith.constant 0 : i32
        %dma_start3A_128 = arith.constant 0 : i32
        %dma_start3A_129 = tpu.memref_slice %arg11[%dma_start3A_127, %dma_start3A_128] : memref<10000x128xf32, #tpu.memory_space<vmem_shared>> -> memref<10000x128xf32, #tpu.memory_space<vmem_shared>>
        tpu.enqueue_indirect_dma source(%arg8 : memref<80x128xf32, #tpu.memory_space<vmem>>) target(%dma_start3A_129 : memref<10000x128xf32, #tpu.memory_space<vmem_shared>>) offsets(%dma_start3A_126 : memref<80xi32, #tpu.memory_space<vmem>>) semaphore(%run_scoped3A_123 : memref<!tpu.dma_semaphore, #tpu.memory_space<semaphore_mem>>) {add = true}
        %dma_wait3A_130 = arith.constant 0 : i32
        %dma_wait3A_131 = tpu.memref_slice %arg7[%mul3A_76, %dma_wait3A_130] : memref<125x80xi32, #tpu.memory_space<vmem>> -> memref<1x80xi32, #tpu.memory_space<vmem>>
        %dma_wait3A_132 = tpu.memref_squeeze %dma_wait3A_131 : memref<1x80xi32, #tpu.memory_space<vmem>> -> memref<80xi32, #tpu.memory_space<vmem>>
        %dma_wait3A_133 = arith.constant 0 : i32
        %dma_wait3A_134 = arith.constant 0 : i32
        %dma_wait3A_135 = tpu.memref_slice %arg11[%dma_wait3A_133, %dma_wait3A_134] : memref<10000x128xf32, #tpu.memory_space<vmem_shared>> -> memref<10000x128xf32, #tpu.memory_space<vmem_shared>>
        tpu.wait_indirect_dma semaphore(%run_scoped3A_123 : memref<!tpu.dma_semaphore, #tpu.memory_space<semaphore_mem>>) src(%arg8 : memref<80x128xf32, #tpu.memory_space<vmem>>) dst(%dma_wait3A_135 : memref<10000x128xf32, #tpu.memory_space<vmem_shared>>)
        tpu.yield
      }) : () -> ()
      %add3A_91 = arith.constant 3 : i32
      %add3A_92 = arith.addi %mul3A_76, %add3A_91 : i32
      %dma_start3A_93 = arith.constant 0 : i32
      %dma_start3A_94 = tpu.memref_slice %arg6[%add3A_92, %dma_start3A_93] : memref<125x80xi32, #tpu.memory_space<vmem>> -> memref<1x80xi32, #tpu.memory_space<vmem>>
      %dma_start3A_95 = tpu.memref_squeeze %dma_start3A_94 : memref<1x80xi32, #tpu.memory_space<vmem>> -> memref<80xi32, #tpu.memory_space<vmem>>
      %dma_start3A_96 = arith.constant 0 : i32
      %dma_start3A_97 = arith.constant 0 : i32
      %dma_start3A_98 = tpu.memref_slice %arg2[%dma_start3A_96, %dma_start3A_97] : memref<10000x128xf32, #tpu.memory_space<hbm>> -> memref<10000x128xf32, #tpu.memory_space<hbm>>
      tpu.enqueue_indirect_dma source(%dma_start3A_98 : memref<10000x128xf32, #tpu.memory_space<hbm>>) target(%arg8 : memref<80x128xf32, #tpu.memory_space<vmem>>) offsets(%dma_start3A_95 : memref<80xi32, #tpu.memory_space<vmem>>) semaphore(%arg12 : memref<!tpu.dma_semaphore, #tpu.memory_space<semaphore_mem>>)
      %dma_wait3A_99 = arith.constant 0 : i32
      %dma_wait3A_100 = arith.constant 0 : i32
      %dma_wait3A_101 = tpu.memref_slice %arg2[%dma_wait3A_99, %dma_wait3A_100] : memref<10000x128xf32, #tpu.memory_space<hbm>> -> memref<80x128xf32, #tpu.memory_space<hbm>>
      %dma_wait3A_102 = arith.constant 0 : i32
      %dma_wait3A_103 = arith.constant 0 : i32
      %dma_wait3A_104 = tpu.memref_slice %arg2[%dma_wait3A_102, %dma_wait3A_103] : memref<10000x128xf32, #tpu.memory_space<hbm>> -> memref<80x128xf32, #tpu.memory_space<hbm>>
      tpu.wait_dma2 semaphore(%arg13 : memref<!tpu.dma_semaphore, #tpu.memory_space<semaphore_mem>>) src(%dma_wait3A_104 : memref<80x128xf32, #tpu.memory_space<hbm>>) dst(%arg9 : memref<80x128xf32, #tpu.memory_space<vmem>>)
      %add3A_105 = arith.constant 1 : i32
      %add3A_106 = arith.addi %mul3A_76, %add3A_105 : i32
      "tpu.region"() ({
        %run_scoped3A_123 = tpu.sem_alloc : memref<!tpu.dma_semaphore, #tpu.memory_space<semaphore_mem>>
        %dma_start3A_124 = arith.constant 0 : i32
        %dma_start3A_125 = tpu.memref_slice %arg7[%add3A_106, %dma_start3A_124] : memref<125x80xi32, #tpu.memory_space<vmem>> -> memref<1x80xi32, #tpu.memory_space<vmem>>
        %dma_start3A_126 = tpu.memref_squeeze %dma_start3A_125 : memref<1x80xi32, #tpu.memory_space<vmem>> -> memref<80xi32, #tpu.memory_space<vmem>>
        %dma_start3A_127 = arith.constant 0 : i32
        %dma_start3A_128 = arith.constant 0 : i32
        %dma_start3A_129 = tpu.memref_slice %arg11[%dma_start3A_127, %dma_start3A_128] : memref<10000x128xf32, #tpu.memory_space<vmem_shared>> -> memref<10000x128xf32, #tpu.memory_space<vmem_shared>>
        tpu.enqueue_indirect_dma source(%arg9 : memref<80x128xf32, #tpu.memory_space<vmem>>) target(%dma_start3A_129 : memref<10000x128xf32, #tpu.memory_space<vmem_shared>>) offsets(%dma_start3A_126 : memref<80xi32, #tpu.memory_space<vmem>>) semaphore(%run_scoped3A_123 : memref<!tpu.dma_semaphore, #tpu.memory_space<semaphore_mem>>) {add = true}
        %dma_wait3A_130 = arith.constant 0 : i32
        %dma_wait3A_131 = tpu.memref_slice %arg7[%add3A_106, %dma_wait3A_130] : memref<125x80xi32, #tpu.memory_space<vmem>> -> memref<1x80xi32, #tpu.memory_space<vmem>>
        %dma_wait3A_132 = tpu.memref_squeeze %dma_wait3A_131 : memref<1x80xi32, #tpu.memory_space<vmem>> -> memref<80xi32, #tpu.memory_space<vmem>>
        %dma_wait3A_133 = arith.constant 0 : i32
        %dma_wait3A_134 = arith.constant 0 : i32
        %dma_wait3A_135 = tpu.memref_slice %arg11[%dma_wait3A_133, %dma_wait3A_134] : memref<10000x128xf32, #tpu.memory_space<vmem_shared>> -> memref<10000x128xf32, #tpu.memory_space<vmem_shared>>
        tpu.wait_indirect_dma semaphore(%run_scoped3A_123 : memref<!tpu.dma_semaphore, #tpu.memory_space<semaphore_mem>>) src(%arg9 : memref<80x128xf32, #tpu.memory_space<vmem>>) dst(%dma_wait3A_135 : memref<10000x128xf32, #tpu.memory_space<vmem_shared>>)
        tpu.yield
      }) : () -> ()
      %add3A_107 = arith.constant 4 : i32
      %add3A_108 = arith.addi %mul3A_76, %add3A_107 : i32
      %dma_start3A_109 = arith.constant 0 : i32
      %dma_start3A_110 = tpu.memref_slice %arg6[%add3A_108, %dma_start3A_109] : memref<125x80xi32, #tpu.memory_space<vmem>> -> memref<1x80xi32, #tpu.memory_space<vmem>>
      %dma_start3A_111 = tpu.memref_squeeze %dma_start3A_110 : memref<1x80xi32, #tpu.memory_space<vmem>> -> memref<80xi32, #tpu.memory_space<vmem>>
      %dma_start3A_112 = arith.constant 0 : i32
      %dma_start3A_113 = arith.constant 0 : i32
      %dma_start3A_114 = tpu.memref_slice %arg2[%dma_start3A_112, %dma_start3A_113] : memref<10000x128xf32, #tpu.memory_space<hbm>> -> memref<10000x128xf32, #tpu.memory_space<hbm>>
      tpu.enqueue_indirect_dma source(%dma_start3A_114 : memref<10000x128xf32, #tpu.memory_space<hbm>>) target(%arg9 : memref<80x128xf32, #tpu.memory_space<vmem>>) offsets(%dma_start3A_111 : memref<80xi32, #tpu.memory_space<vmem>>) semaphore(%arg13 : memref<!tpu.dma_semaphore, #tpu.memory_space<semaphore_mem>>)
      %dma_wait3A_115 = arith.constant 0 : i32
      %dma_wait3A_116 = arith.constant 0 : i32
      %dma_wait3A_117 = tpu.memref_slice %arg2[%dma_wait3A_115, %dma_wait3A_116] : memref<10000x128xf32, #tpu.memory_space<hbm>> -> memref<80x128xf32, #tpu.memory_space<hbm>>
      %dma_wait3A_118 = arith.constant 0 : i32
      %dma_wait3A_119 = arith.constant 0 : i32
      %dma_wait3A_120 = tpu.memref_slice %arg2[%dma_wait3A_118, %dma_wait3A_119] : memref<10000x128xf32, #tpu.memory_space<hbm>> -> memref<80x128xf32, #tpu.memory_space<hbm>>
      tpu.wait_dma2 semaphore(%arg14 : memref<!tpu.dma_semaphore, #tpu.memory_space<semaphore_mem>>) src(%dma_wait3A_120 : memref<80x128xf32, #tpu.memory_space<hbm>>) dst(%arg10 : memref<80x128xf32, #tpu.memory_space<vmem>>)
      %add3A_121 = arith.constant 2 : i32
      %add3A_122 = arith.addi %mul3A_76, %add3A_121 : i32
      "tpu.region"() ({
        %run_scoped3A_123 = tpu.sem_alloc : memref<!tpu.dma_semaphore, #tpu.memory_space<semaphore_mem>>
        %dma_start3A_124 = arith.constant 0 : i32
        %dma_start3A_125 = tpu.memref_slice %arg7[%add3A_122, %dma_start3A_124] : memref<125x80xi32, #tpu.memory_space<vmem>> -> memref<1x80xi32, #tpu.memory_space<vmem>>
        %dma_start3A_126 = tpu.memref_squeeze %dma_start3A_125 : memref<1x80xi32, #tpu.memory_space<vmem>> -> memref<80xi32, #tpu.memory_space<vmem>>
        %dma_start3A_127 = arith.constant 0 : i32
        %dma_start3A_128 = arith.constant 0 : i32
        %dma_start3A_129 = tpu.memref_slice %arg11[%dma_start3A_127, %dma_start3A_128] : memref<10000x128xf32, #tpu.memory_space<vmem_shared>> -> memref<10000x128xf32, #tpu.memory_space<vmem_shared>>
        tpu.enqueue_indirect_dma source(%arg10 : memref<80x128xf32, #tpu.memory_space<vmem>>) target(%dma_start3A_129 : memref<10000x128xf32, #tpu.memory_space<vmem_shared>>) offsets(%dma_start3A_126 : memref<80xi32, #tpu.memory_space<vmem>>) semaphore(%run_scoped3A_123 : memref<!tpu.dma_semaphore, #tpu.memory_space<semaphore_mem>>) {add = true}
        %dma_wait3A_130 = arith.constant 0 : i32
        %dma_wait3A_131 = tpu.memref_slice %arg7[%add3A_122, %dma_wait3A_130] : memref<125x80xi32, #tpu.memory_space<vmem>> -> memref<1x80xi32, #tpu.memory_space<vmem>>
        %dma_wait3A_132 = tpu.memref_squeeze %dma_wait3A_131 : memref<1x80xi32, #tpu.memory_space<vmem>> -> memref<80xi32, #tpu.memory_space<vmem>>
        %dma_wait3A_133 = arith.constant 0 : i32
        %dma_wait3A_134 = arith.constant 0 : i32
        %dma_wait3A_135 = tpu.memref_slice %arg11[%dma_wait3A_133, %dma_wait3A_134] : memref<10000x128xf32, #tpu.memory_space<vmem_shared>> -> memref<10000x128xf32, #tpu.memory_space<vmem_shared>>
        tpu.wait_indirect_dma semaphore(%run_scoped3A_123 : memref<!tpu.dma_semaphore, #tpu.memory_space<semaphore_mem>>) src(%arg10 : memref<80x128xf32, #tpu.memory_space<vmem>>) dst(%dma_wait3A_135 : memref<10000x128xf32, #tpu.memory_space<vmem_shared>>)
        tpu.yield
      }) : () -> ()
    }
    %scan3A_56 = arith.constant 41 : i32
    %dma_wait3A = arith.constant 0 : i32
    %dma_wait3A_57 = arith.constant 0 : i32
    %dma_wait3A_58 = tpu.memref_slice %arg2[%dma_wait3A, %dma_wait3A_57] : memref<10000x128xf32, #tpu.memory_space<hbm>> -> memref<80x128xf32, #tpu.memory_space<hbm>>
    %dma_wait3A_59 = arith.constant 0 : i32
    %dma_wait3A_60 = arith.constant 0 : i32
    %dma_wait3A_61 = tpu.memref_slice %arg2[%dma_wait3A_59, %dma_wait3A_60] : memref<10000x128xf32, #tpu.memory_space<hbm>> -> memref<80x128xf32, #tpu.memory_space<hbm>>
    tpu.wait_dma2 semaphore(%arg12 : memref<!tpu.dma_semaphore, #tpu.memory_space<semaphore_mem>>) src(%dma_wait3A_61 : memref<80x128xf32, #tpu.memory_space<hbm>>) dst(%arg8 : memref<80x128xf32, #tpu.memory_space<vmem>>)
    %run_scoped3A = arith.constant 123 : i32
    "tpu.region"() ({
      %run_scoped3A_74 = tpu.sem_alloc : memref<!tpu.dma_semaphore, #tpu.memory_space<semaphore_mem>>
      %dma_start3A_75 = arith.constant 0 : i32
      %dma_start3A_76 = tpu.memref_slice %arg7[%run_scoped3A, %dma_start3A_75] : memref<125x80xi32, #tpu.memory_space<vmem>> -> memref<1x80xi32, #tpu.memory_space<vmem>>
      %dma_start3A_77 = tpu.memref_squeeze %dma_start3A_76 : memref<1x80xi32, #tpu.memory_space<vmem>> -> memref<80xi32, #tpu.memory_space<vmem>>
      %dma_start3A_78 = arith.constant 0 : i32
      %dma_start3A_79 = arith.constant 0 : i32
      %dma_start3A_80 = tpu.memref_slice %arg11[%dma_start3A_78, %dma_start3A_79] : memref<10000x128xf32, #tpu.memory_space<vmem_shared>> -> memref<10000x128xf32, #tpu.memory_space<vmem_shared>>
      tpu.enqueue_indirect_dma source(%arg8 : memref<80x128xf32, #tpu.memory_space<vmem>>) target(%dma_start3A_80 : memref<10000x128xf32, #tpu.memory_space<vmem_shared>>) offsets(%dma_start3A_77 : memref<80xi32, #tpu.memory_space<vmem>>) semaphore(%run_scoped3A_74 : memref<!tpu.dma_semaphore, #tpu.memory_space<semaphore_mem>>) {add = true}
      %dma_wait3A_81 = arith.constant 0 : i32
      %dma_wait3A_82 = tpu.memref_slice %arg7[%run_scoped3A, %dma_wait3A_81] : memref<125x80xi32, #tpu.memory_space<vmem>> -> memref<1x80xi32, #tpu.memory_space<vmem>>
      %dma_wait3A_83 = tpu.memref_squeeze %dma_wait3A_82 : memref<1x80xi32, #tpu.memory_space<vmem>> -> memref<80xi32, #tpu.memory_space<vmem>>
      %dma_wait3A_84 = arith.constant 0 : i32
      %dma_wait3A_85 = arith.constant 0 : i32
      %dma_wait3A_86 = tpu.memref_slice %arg11[%dma_wait3A_84, %dma_wait3A_85] : memref<10000x128xf32, #tpu.memory_space<vmem_shared>> -> memref<10000x128xf32, #tpu.memory_space<vmem_shared>>
      tpu.wait_indirect_dma semaphore(%run_scoped3A_74 : memref<!tpu.dma_semaphore, #tpu.memory_space<semaphore_mem>>) src(%arg8 : memref<80x128xf32, #tpu.memory_space<vmem>>) dst(%dma_wait3A_86 : memref<10000x128xf32, #tpu.memory_space<vmem_shared>>)
      tpu.yield
    }) : () -> ()
    %dma_wait3A_62 = arith.constant 0 : i32
    %dma_wait3A_63 = arith.constant 0 : i32
    %dma_wait3A_64 = tpu.memref_slice %arg2[%dma_wait3A_62, %dma_wait3A_63] : memref<10000x128xf32, #tpu.memory_space<hbm>> -> memref<80x128xf32, #tpu.memory_space<hbm>>
    %dma_wait3A_65 = arith.constant 0 : i32
    %dma_wait3A_66 = arith.constant 0 : i32
    %dma_wait3A_67 = tpu.memref_slice %arg2[%dma_wait3A_65, %dma_wait3A_66] : memref<10000x128xf32, #tpu.memory_space<hbm>> -> memref<80x128xf32, #tpu.memory_space<hbm>>
    tpu.wait_dma2 semaphore(%arg13 : memref<!tpu.dma_semaphore, #tpu.memory_space<semaphore_mem>>) src(%dma_wait3A_67 : memref<80x128xf32, #tpu.memory_space<hbm>>) dst(%arg9 : memref<80x128xf32, #tpu.memory_space<vmem>>)
    %run_scoped3A_68 = arith.constant 124 : i32
    "tpu.region"() ({
      %run_scoped3A_74 = tpu.sem_alloc : memref<!tpu.dma_semaphore, #tpu.memory_space<semaphore_mem>>
      %dma_start3A_75 = arith.constant 0 : i32
      %dma_start3A_76 = tpu.memref_slice %arg7[%run_scoped3A_68, %dma_start3A_75] : memref<125x80xi32, #tpu.memory_space<vmem>> -> memref<1x80xi32, #tpu.memory_space<vmem>>
      %dma_start3A_77 = tpu.memref_squeeze %dma_start3A_76 : memref<1x80xi32, #tpu.memory_space<vmem>> -> memref<80xi32, #tpu.memory_space<vmem>>
      %dma_start3A_78 = arith.constant 0 : i32
      %dma_start3A_79 = arith.constant 0 : i32
      %dma_start3A_80 = tpu.memref_slice %arg11[%dma_start3A_78, %dma_start3A_79] : memref<10000x128xf32, #tpu.memory_space<vmem_shared>> -> memref<10000x128xf32, #tpu.memory_space<vmem_shared>>
      tpu.enqueue_indirect_dma source(%arg9 : memref<80x128xf32, #tpu.memory_space<vmem>>) target(%dma_start3A_80 : memref<10000x128xf32, #tpu.memory_space<vmem_shared>>) offsets(%dma_start3A_77 : memref<80xi32, #tpu.memory_space<vmem>>) semaphore(%run_scoped3A_74 : memref<!tpu.dma_semaphore, #tpu.memory_space<semaphore_mem>>) {add = true}
      %dma_wait3A_81 = arith.constant 0 : i32
      %dma_wait3A_82 = tpu.memref_slice %arg7[%run_scoped3A_68, %dma_wait3A_81] : memref<125x80xi32, #tpu.memory_space<vmem>> -> memref<1x80xi32, #tpu.memory_space<vmem>>
      %dma_wait3A_83 = tpu.memref_squeeze %dma_wait3A_82 : memref<1x80xi32, #tpu.memory_space<vmem>> -> memref<80xi32, #tpu.memory_space<vmem>>
      %dma_wait3A_84 = arith.constant 0 : i32
      %dma_wait3A_85 = arith.constant 0 : i32
      %dma_wait3A_86 = tpu.memref_slice %arg11[%dma_wait3A_84, %dma_wait3A_85] : memref<10000x128xf32, #tpu.memory_space<vmem_shared>> -> memref<10000x128xf32, #tpu.memory_space<vmem_shared>>
      tpu.wait_indirect_dma semaphore(%run_scoped3A_74 : memref<!tpu.dma_semaphore, #tpu.memory_space<semaphore_mem>>) src(%arg9 : memref<80x128xf32, #tpu.memory_space<vmem>>) dst(%dma_wait3A_86 : memref<10000x128xf32, #tpu.memory_space<vmem_shared>>)
      tpu.yield
    }) : () -> ()
    %barrier3A_69 = arith.constant 0 : index
    tpu.barrier barrier_id(%barrier3A_69)
    %mul3A_70 = arith.constant 625 : i32
    %mul3A_71 = arith.muli %arg1, %mul3A_70 : i32
    %mul3A_72 = arith.constant 625 : i32
    %mul3A_73 = arith.muli %arg1, %mul3A_72 : i32
    "tpu.region"() ({
      %run_scoped3A_74 = tpu.sem_alloc : memref<!tpu.dma_semaphore, #tpu.memory_space<semaphore_mem>>
      %dma_start3A_75 = arith.constant 0 : i32
      %dma_start3A_76 = tpu.memref_slice %arg5[%arg0, %mul3A_73, %dma_start3A_75] : memref<2x10000x128xf32, #tpu.memory_space<hbm>> -> memref<1x625x128xf32, #tpu.memory_space<hbm>>
      %dma_start3A_77 = tpu.memref_squeeze %dma_start3A_76 : memref<1x625x128xf32, #tpu.memory_space<hbm>> -> memref<625x128xf32, #tpu.memory_space<hbm>>
      %dma_start3A_78 = arith.constant 0 : i32
      %dma_start3A_79 = tpu.memref_slice %arg11[%mul3A_71, %dma_start3A_78] : memref<10000x128xf32, #tpu.memory_space<vmem_shared>> -> memref<625x128xf32, #tpu.memory_space<vmem_shared>>
      tpu.enqueue_dma source(%dma_start3A_79 : memref<625x128xf32, #tpu.memory_space<vmem_shared>>) target(%dma_start3A_77 : memref<625x128xf32, #tpu.memory_space<hbm>>) target_semaphore(%run_scoped3A_74 : memref<!tpu.dma_semaphore, #tpu.memory_space<semaphore_mem>>)
      %dma_wait3A_80 = arith.constant 0 : i32
      %dma_wait3A_81 = tpu.memref_slice %arg5[%arg0, %mul3A_73, %dma_wait3A_80] : memref<2x10000x128xf32, #tpu.memory_space<hbm>> -> memref<1x625x128xf32, #tpu.memory_space<hbm>>
      %dma_wait3A_82 = tpu.memref_squeeze %dma_wait3A_81 : memref<1x625x128xf32, #tpu.memory_space<hbm>> -> memref<625x128xf32, #tpu.memory_space<hbm>>
      %dma_wait3A_83 = arith.constant 0 : i32
      %dma_wait3A_84 = tpu.memref_slice %arg11[%mul3A_71, %dma_wait3A_83] : memref<10000x128xf32, #tpu.memory_space<vmem_shared>> -> memref<625x128xf32, #tpu.memory_space<vmem_shared>>
      tpu.wait_dma2 semaphore(%run_scoped3A_74 : memref<!tpu.dma_semaphore, #tpu.memory_space<semaphore_mem>>) src(%dma_wait3A_84 : memref<625x128xf32, #tpu.memory_space<vmem_shared>>) dst(%dma_wait3A_82 : memref<625x128xf32, #tpu.memory_space<hbm>>)
      tpu.yield
    }) : () -> ()
    return
  }
}

#map = affine_map<(d0, d1) -> (0, 0)>
#map1 = affine_map<(d0, d1) -> (0, 0, 0)>
module attributes {stable_mosaic.version = 14 : i64} {
  func.func @body(%arg0: i32, %arg1: i32, %arg2: memref<10000x128xf32, #tpu.memory_space<hbm>>, %arg3: memref<32x125x80xi32, #tpu.memory_space<hbm>>, %arg4: memref<32x125x80xi32, #tpu.memory_space<hbm>>, %arg5: memref<2x10000x128xf32, #tpu.memory_space<hbm>>, %arg6: memref<125x80xi32, #tpu.memory_space<vmem>>, %arg7: memref<125x80xi32, #tpu.memory_space<vmem>>, %arg8: memref<80x128xf32, #tpu.memory_space<vmem>>, %arg9: memref<80x128xf32, #tpu.memory_space<vmem>>, %arg10: memref<80x128xf32, #tpu.memory_space<vmem>>, %arg11: memref<10000x128xf32, #tpu.memory_space<vmem_shared>>, %arg12: memref<!tpu.dma_semaphore, #tpu.memory_space<semaphore_mem>>, %arg13: memref<!tpu.dma_semaphore, #tpu.memory_space<semaphore_mem>>, %arg14: memref<!tpu.dma_semaphore, #tpu.memory_space<semaphore_mem>>) attributes {dimension_semantics = [#tpu.dimension_semantics<core_parallel>, #tpu.dimension_semantics<subcore_parallel>], iteration_bounds = array<i64: 2, 16>, scalar_prefetch = 0 : i64, scratch_operands = 9 : i64, tpu.core_type = #tpu.core_type<sc_vector_subcore>, window_params = [{transform_indices = #map}, {transform_indices = #map1}, {transform_indices = #map1}, {transform_indices = #map1}]} {
    %mul3A = arith.constant 16 : i32
    %mul3A_0 = arith.muli %arg0, %mul3A : i32
    %add3A = arith.addi %mul3A_0, %arg1 : i32
    %scan3A = arith.constant 0 : i32
    %scan3A_1 = arith.constant 0 : i32
    %scan3A_2 = arith.constant 80 : i32
    %scan3A_3 = arith.addi %scan3A_1, %scan3A_2 : i32
    %scan3A_4 = arith.constant 1 : i32
    scf.for %scan3A_74 = %scan3A_1 to %scan3A_3 step %scan3A_4  : i32 {
      %broadcast_in_dim3A = arith.constant 0.000000e+00 : f32
      %broadcast_in_dim3A_75 = vector.broadcast %broadcast_in_dim3A : f32 to vector<16xf32>
      %swap3A = arith.index_cast %scan3A_74 : i32 to index
      %swap3A_76 = arith.constant 0 : index
      %swap3A_77 = tpu.vector_load %arg8[%swap3A, %swap3A_76] {strides = array<i32>} : memref<80x128xf32, #tpu.memory_space<vmem>>, vector<1x16xf32>,
      %swap3A_78 = vector.shape_cast %swap3A_77 : vector<1x16xf32> to vector<16xf32>
      %swap3A_79 = vector.shape_cast %broadcast_in_dim3A_75 : vector<16xf32> to vector<1x16xf32>
      tpu.vector_store %arg8[%swap3A, %swap3A_76], %swap3A_79 {strides = array<i32>} : memref<80x128xf32, #tpu.memory_space<vmem>>, vector<1x16xf32>,
      %broadcast_in_dim3A_80 = arith.constant 0.000000e+00 : f32
      %broadcast_in_dim3A_81 = vector.broadcast %broadcast_in_dim3A_80 : f32 to vector<16xf32>
      %swap3A_82 = arith.index_cast %scan3A_74 : i32 to index
      %swap3A_83 = arith.constant 16 : index
      %swap3A_84 = tpu.vector_load %arg8[%swap3A_82, %swap3A_83] {strides = array<i32>} : memref<80x128xf32, #tpu.memory_space<vmem>>, vector<1x16xf32>,
      %swap3A_85 = vector.shape_cast %swap3A_84 : vector<1x16xf32> to vector<16xf32>
      %swap3A_86 = vector.shape_cast %broadcast_in_dim3A_81 : vector<16xf32> to vector<1x16xf32>
      tpu.vector_store %arg8[%swap3A_82, %swap3A_83], %swap3A_86 {strides = array<i32>} : memref<80x128xf32, #tpu.memory_space<vmem>>, vector<1x16xf32>,
      %broadcast_in_dim3A_87 = arith.constant 0.000000e+00 : f32
      %broadcast_in_dim3A_88 = vector.broadcast %broadcast_in_dim3A_87 : f32 to vector<16xf32>
      %swap3A_89 = arith.index_cast %scan3A_74 : i32 to index
      %swap3A_90 = arith.constant 32 : index
      %swap3A_91 = tpu.vector_load %arg8[%swap3A_89, %swap3A_90] {strides = array<i32>} : memref<80x128xf32, #tpu.memory_space<vmem>>, vector<1x16xf32>,
      %swap3A_92 = vector.shape_cast %swap3A_91 : vector<1x16xf32> to vector<16xf32>
      %swap3A_93 = vector.shape_cast %broadcast_in_dim3A_88 : vector<16xf32> to vector<1x16xf32>
      tpu.vector_store %arg8[%swap3A_89, %swap3A_90], %swap3A_93 {strides = array<i32>} : memref<80x128xf32, #tpu.memory_space<vmem>>, vector<1x16xf32>,
      %broadcast_in_dim3A_94 = arith.constant 0.000000e+00 : f32
      %broadcast_in_dim3A_95 = vector.broadcast %broadcast_in_dim3A_94 : f32 to vector<16xf32>
      %swap3A_96 = arith.index_cast %scan3A_74 : i32 to index
      %swap3A_97 = arith.constant 48 : index
      %swap3A_98 = tpu.vector_load %arg8[%swap3A_96, %swap3A_97] {strides = array<i32>} : memref<80x128xf32, #tpu.memory_space<vmem>>, vector<1x16xf32>,
      %swap3A_99 = vector.shape_cast %swap3A_98 : vector<1x16xf32> to vector<16xf32>
      %swap3A_100 = vector.shape_cast %broadcast_in_dim3A_95 : vector<16xf32> to vector<1x16xf32>
      tpu.vector_store %arg8[%swap3A_96, %swap3A_97], %swap3A_100 {strides = array<i32>} : memref<80x128xf32, #tpu.memory_space<vmem>>, vector<1x16xf32>,
      %broadcast_in_dim3A_101 = arith.constant 0.000000e+00 : f32
      %broadcast_in_dim3A_102 = vector.broadcast %broadcast_in_dim3A_101 : f32 to vector<16xf32>
      %swap3A_103 = arith.index_cast %scan3A_74 : i32 to index
      %swap3A_104 = arith.constant 64 : index
      %swap3A_105 = tpu.vector_load %arg8[%swap3A_103, %swap3A_104] {strides = array<i32>} : memref<80x128xf32, #tpu.memory_space<vmem>>, vector<1x16xf32>,
      %swap3A_106 = vector.shape_cast %swap3A_105 : vector<1x16xf32> to vector<16xf32>
      %swap3A_107 = vector.shape_cast %broadcast_in_dim3A_102 : vector<16xf32> to vector<1x16xf32>
      tpu.vector_store %arg8[%swap3A_103, %swap3A_104], %swap3A_107 {strides = array<i32>} : memref<80x128xf32, #tpu.memory_space<vmem>>, vector<1x16xf32>,
      %broadcast_in_dim3A_108 = arith.constant 0.000000e+00 : f32
      %broadcast_in_dim3A_109 = vector.broadcast %broadcast_in_dim3A_108 : f32 to vector<16xf32>
      %swap3A_110 = arith.index_cast %scan3A_74 : i32 to index
      %swap3A_111 = arith.constant 80 : index
      %swap3A_112 = tpu.vector_load %arg8[%swap3A_110, %swap3A_111] {strides = array<i32>} : memref<80x128xf32, #tpu.memory_space<vmem>>, vector<1x16xf32>,
      %swap3A_113 = vector.shape_cast %swap3A_112 : vector<1x16xf32> to vector<16xf32>
      %swap3A_114 = vector.shape_cast %broadcast_in_dim3A_109 : vector<16xf32> to vector<1x16xf32>
      tpu.vector_store %arg8[%swap3A_110, %swap3A_111], %swap3A_114 {strides = array<i32>} : memref<80x128xf32, #tpu.memory_space<vmem>>, vector<1x16xf32>,
      %broadcast_in_dim3A_115 = arith.constant 0.000000e+00 : f32
      %broadcast_in_dim3A_116 = vector.broadcast %broadcast_in_dim3A_115 : f32 to vector<16xf32>
      %swap3A_117 = arith.index_cast %scan3A_74 : i32 to index
      %swap3A_118 = arith.constant 96 : index
      %swap3A_119 = tpu.vector_load %arg8[%swap3A_117, %swap3A_118] {strides = array<i32>} : memref<80x128xf32, #tpu.memory_space<vmem>>, vector<1x16xf32>,
      %swap3A_120 = vector.shape_cast %swap3A_119 : vector<1x16xf32> to vector<16xf32>
      %swap3A_121 = vector.shape_cast %broadcast_in_dim3A_116 : vector<16xf32> to vector<1x16xf32>
      tpu.vector_store %arg8[%swap3A_117, %swap3A_118], %swap3A_121 {strides = array<i32>} : memref<80x128xf32, #tpu.memory_space<vmem>>, vector<1x16xf32>,
      %broadcast_in_dim3A_122 = arith.constant 0.000000e+00 : f32
      %broadcast_in_dim3A_123 = vector.broadcast %broadcast_in_dim3A_122 : f32 to vector<16xf32>
      %swap3A_124 = arith.index_cast %scan3A_74 : i32 to index
      %swap3A_125 = arith.constant 112 : index
      %swap3A_126 = tpu.vector_load %arg8[%swap3A_124, %swap3A_125] {strides = array<i32>} : memref<80x128xf32, #tpu.memory_space<vmem>>, vector<1x16xf32>,
      %swap3A_127 = vector.shape_cast %swap3A_126 : vector<1x16xf32> to vector<16xf32>
      %swap3A_128 = vector.shape_cast %broadcast_in_dim3A_123 : vector<16xf32> to vector<1x16xf32>
      tpu.vector_store %arg8[%swap3A_124, %swap3A_125], %swap3A_128 {strides = array<i32>} : memref<80x128xf32, #tpu.memory_space<vmem>>, vector<1x16xf32>,
    }
    %scan3A_5 = arith.constant 80 : i32
    %mul3A_6 = arith.constant 625 : i32
    %mul3A_7 = arith.muli %arg1, %mul3A_6 : i32
    %add3A_8 = arith.constant 0 : i32
    %add3A_9 = arith.addi %mul3A_7, %add3A_8 : i32
    "tpu.region"() ({
      %run_scoped3A_74 = tpu.sem_alloc : memref<!tpu.dma_semaphore, #tpu.memory_space<semaphore_mem>>
      %dma_start3A_75 = arith.constant 0 : i32
      %dma_start3A_76 = tpu.memref_slice %arg11[%add3A_9, %dma_start3A_75] : memref<10000x128xf32, #tpu.memory_space<vmem_shared>> -> memref<80x128xf32, #tpu.memory_space<vmem_shared>>
      %dma_start3A_77 = arith.constant 0 : i32
      %dma_start3A_78 = tpu.memref_slice %arg11[%add3A_9, %dma_start3A_77] : memref<10000x128xf32, #tpu.memory_space<vmem_shared>> -> memref<80x128xf32, #tpu.memory_space<vmem_shared>>
      tpu.enqueue_dma source(%arg8 : memref<80x128xf32, #tpu.memory_space<vmem>>) target(%dma_start3A_78 : memref<80x128xf32, #tpu.memory_space<vmem_shared>>) target_semaphore(%run_scoped3A_74 : memref<!tpu.dma_semaphore, #tpu.memory_space<semaphore_mem>>)
      %dma_wait3A_79 = arith.constant 0 : i32
      %dma_wait3A_80 = tpu.memref_slice %arg11[%add3A_9, %dma_wait3A_79] : memref<10000x128xf32, #tpu.memory_space<vmem_shared>> -> memref<80x128xf32, #tpu.memory_space<vmem_shared>>
      %dma_wait3A_81 = arith.constant 0 : i32
      %dma_wait3A_82 = tpu.memref_slice %arg11[%add3A_9, %dma_wait3A_81] : memref<10000x128xf32, #tpu.memory_space<vmem_shared>> -> memref<80x128xf32, #tpu.memory_space<vmem_shared>>
      tpu.wait_dma2 semaphore(%run_scoped3A_74 : memref<!tpu.dma_semaphore, #tpu.memory_space<semaphore_mem>>) src(%arg8 : memref<80x128xf32, #tpu.memory_space<vmem>>) dst(%dma_wait3A_82 : memref<80x128xf32, #tpu.memory_space<vmem_shared>>)
      tpu.yield
    }) : () -> ()
    %mul3A_10 = arith.constant 625 : i32
    %mul3A_11 = arith.muli %arg1, %mul3A_10 : i32
    %add3A_12 = arith.constant 80 : i32
    %add3A_13 = arith.addi %mul3A_11, %add3A_12 : i32
    "tpu.region"() ({
      %run_scoped3A_74 = tpu.sem_alloc : memref<!tpu.dma_semaphore, #tpu.memory_space<semaphore_mem>>
      %dma_start3A_75 = arith.constant 0 : i32
      %dma_start3A_76 = tpu.memref_slice %arg11[%add3A_13, %dma_start3A_75] : memref<10000x128xf32, #tpu.memory_space<vmem_shared>> -> memref<80x128xf32, #tpu.memory_space<vmem_shared>>
      %dma_start3A_77 = arith.constant 0 : i32
      %dma_start3A_78 = tpu.memref_slice %arg11[%add3A_13, %dma_start3A_77] : memref<10000x128xf32, #tpu.memory_space<vmem_shared>> -> memref<80x128xf32, #tpu.memory_space<vmem_shared>>
      tpu.enqueue_dma source(%arg8 : memref<80x128xf32, #tpu.memory_space<vmem>>) target(%dma_start3A_78 : memref<80x128xf32, #tpu.memory_space<vmem_shared>>) target_semaphore(%run_scoped3A_74 : memref<!tpu.dma_semaphore, #tpu.memory_space<semaphore_mem>>)
      %dma_wait3A_79 = arith.constant 0 : i32
      %dma_wait3A_80 = tpu.memref_slice %arg11[%add3A_13, %dma_wait3A_79] : memref<10000x128xf32, #tpu.memory_space<vmem_shared>> -> memref<80x128xf32, #tpu.memory_space<vmem_shared>>
      %dma_wait3A_81 = arith.constant 0 : i32
      %dma_wait3A_82 = tpu.memref_slice %arg11[%add3A_13, %dma_wait3A_81] : memref<10000x128xf32, #tpu.memory_space<vmem_shared>> -> memref<80x128xf32, #tpu.memory_space<vmem_shared>>
      tpu.wait_dma2 semaphore(%run_scoped3A_74 : memref<!tpu.dma_semaphore, #tpu.memory_space<semaphore_mem>>) src(%arg8 : memref<80x128xf32, #tpu.memory_space<vmem>>) dst(%dma_wait3A_82 : memref<80x128xf32, #tpu.memory_space<vmem_shared>>)
      tpu.yield
    }) : () -> ()
    %mul3A_14 = arith.constant 625 : i32
    %mul3A_15 = arith.muli %arg1, %mul3A_14 : i32
    %add3A_16 = arith.constant 160 : i32
    %add3A_17 = arith.addi %mul3A_15, %add3A_16 : i32
    "tpu.region"() ({
      %run_scoped3A_74 = tpu.sem_alloc : memref<!tpu.dma_semaphore, #tpu.memory_space<semaphore_mem>>
      %dma_start3A_75 = arith.constant 0 : i32
      %dma_start3A_76 = tpu.memref_slice %arg11[%add3A_17, %dma_start3A_75] : memref<10000x128xf32, #tpu.memory_space<vmem_shared>> -> memref<80x128xf32, #tpu.memory_space<vmem_shared>>
      %dma_start3A_77 = arith.constant 0 : i32
      %dma_start3A_78 = tpu.memref_slice %arg11[%add3A_17, %dma_start3A_77] : memref<10000x128xf32, #tpu.memory_space<vmem_shared>> -> memref<80x128xf32, #tpu.memory_space<vmem_shared>>
      tpu.enqueue_dma source(%arg8 : memref<80x128xf32, #tpu.memory_space<vmem>>) target(%dma_start3A_78 : memref<80x128xf32, #tpu.memory_space<vmem_shared>>) target_semaphore(%run_scoped3A_74 : memref<!tpu.dma_semaphore, #tpu.memory_space<semaphore_mem>>)
      %dma_wait3A_79 = arith.constant 0 : i32
      %dma_wait3A_80 = tpu.memref_slice %arg11[%add3A_17, %dma_wait3A_79] : memref<10000x128xf32, #tpu.memory_space<vmem_shared>> -> memref<80x128xf32, #tpu.memory_space<vmem_shared>>
      %dma_wait3A_81 = arith.constant 0 : i32
      %dma_wait3A_82 = tpu.memref_slice %arg11[%add3A_17, %dma_wait3A_81] : memref<10000x128xf32, #tpu.memory_space<vmem_shared>> -> memref<80x128xf32, #tpu.memory_space<vmem_shared>>
      tpu.wait_dma2 semaphore(%run_scoped3A_74 : memref<!tpu.dma_semaphore, #tpu.memory_space<semaphore_mem>>) src(%arg8 : memref<80x128xf32, #tpu.memory_space<vmem>>) dst(%dma_wait3A_82 : memref<80x128xf32, #tpu.memory_space<vmem_shared>>)
      tpu.yield
    }) : () -> ()
    %mul3A_18 = arith.constant 625 : i32
    %mul3A_19 = arith.muli %arg1, %mul3A_18 : i32
    %add3A_20 = arith.constant 240 : i32
    %add3A_21 = arith.addi %mul3A_19, %add3A_20 : i32
    "tpu.region"() ({
      %run_scoped3A_74 = tpu.sem_alloc : memref<!tpu.dma_semaphore, #tpu.memory_space<semaphore_mem>>
      %dma_start3A_75 = arith.constant 0 : i32
      %dma_start3A_76 = tpu.memref_slice %arg11[%add3A_21, %dma_start3A_75] : memref<10000x128xf32, #tpu.memory_space<vmem_shared>> -> memref<80x128xf32, #tpu.memory_space<vmem_shared>>
      %dma_start3A_77 = arith.constant 0 : i32
      %dma_start3A_78 = tpu.memref_slice %arg11[%add3A_21, %dma_start3A_77] : memref<10000x128xf32, #tpu.memory_space<vmem_shared>> -> memref<80x128xf32, #tpu.memory_space<vmem_shared>>
      tpu.enqueue_dma source(%arg8 : memref<80x128xf32, #tpu.memory_space<vmem>>) target(%dma_start3A_78 : memref<80x128xf32, #tpu.memory_space<vmem_shared>>) target_semaphore(%run_scoped3A_74 : memref<!tpu.dma_semaphore, #tpu.memory_space<semaphore_mem>>)
      %dma_wait3A_79 = arith.constant 0 : i32
      %dma_wait3A_80 = tpu.memref_slice %arg11[%add3A_21, %dma_wait3A_79] : memref<10000x128xf32, #tpu.memory_space<vmem_shared>> -> memref<80x128xf32, #tpu.memory_space<vmem_shared>>
      %dma_wait3A_81 = arith.constant 0 : i32
      %dma_wait3A_82 = tpu.memref_slice %arg11[%add3A_21, %dma_wait3A_81] : memref<10000x128xf32, #tpu.memory_space<vmem_shared>> -> memref<80x128xf32, #tpu.memory_space<vmem_shared>>
      tpu.wait_dma2 semaphore(%run_scoped3A_74 : memref<!tpu.dma_semaphore, #tpu.memory_space<semaphore_mem>>) src(%arg8 : memref<80x128xf32, #tpu.memory_space<vmem>>) dst(%dma_wait3A_82 : memref<80x128xf32, #tpu.memory_space<vmem_shared>>)
      tpu.yield
    }) : () -> ()
    %mul3A_22 = arith.constant 625 : i32
    %mul3A_23 = arith.muli %arg1, %mul3A_22 : i32
    %add3A_24 = arith.constant 320 : i32
    %add3A_25 = arith.addi %mul3A_23, %add3A_24 : i32
    "tpu.region"() ({
      %run_scoped3A_74 = tpu.sem_alloc : memref<!tpu.dma_semaphore, #tpu.memory_space<semaphore_mem>>
      %dma_start3A_75 = arith.constant 0 : i32
      %dma_start3A_76 = tpu.memref_slice %arg11[%add3A_25, %dma_start3A_75] : memref<10000x128xf32, #tpu.memory_space<vmem_shared>> -> memref<80x128xf32, #tpu.memory_space<vmem_shared>>
      %dma_start3A_77 = arith.constant 0 : i32
      %dma_start3A_78 = tpu.memref_slice %arg11[%add3A_25, %dma_start3A_77] : memref<10000x128xf32, #tpu.memory_space<vmem_shared>> -> memref<80x128xf32, #tpu.memory_space<vmem_shared>>
      tpu.enqueue_dma source(%arg8 : memref<80x128xf32, #tpu.memory_space<vmem>>) target(%dma_start3A_78 : memref<80x128xf32, #tpu.memory_space<vmem_shared>>) target_semaphore(%run_scoped3A_74 : memref<!tpu.dma_semaphore, #tpu.memory_space<semaphore_mem>>)
      %dma_wait3A_79 = arith.constant 0 : i32
      %dma_wait3A_80 = tpu.memref_slice %arg11[%add3A_25, %dma_wait3A_79] : memref<10000x128xf32, #tpu.memory_space<vmem_shared>> -> memref<80x128xf32, #tpu.memory_space<vmem_shared>>
      %dma_wait3A_81 = arith.constant 0 : i32
      %dma_wait3A_82 = tpu.memref_slice %arg11[%add3A_25, %dma_wait3A_81] : memref<10000x128xf32, #tpu.memory_space<vmem_shared>> -> memref<80x128xf32, #tpu.memory_space<vmem_shared>>
      tpu.wait_dma2 semaphore(%run_scoped3A_74 : memref<!tpu.dma_semaphore, #tpu.memory_space<semaphore_mem>>) src(%arg8 : memref<80x128xf32, #tpu.memory_space<vmem>>) dst(%dma_wait3A_82 : memref<80x128xf32, #tpu.memory_space<vmem_shared>>)
      tpu.yield
    }) : () -> ()
    %mul3A_26 = arith.constant 625 : i32
    %mul3A_27 = arith.muli %arg1, %mul3A_26 : i32
    %add3A_28 = arith.constant 400 : i32
    %add3A_29 = arith.addi %mul3A_27, %add3A_28 : i32
    "tpu.region"() ({
      %run_scoped3A_74 = tpu.sem_alloc : memref<!tpu.dma_semaphore, #tpu.memory_space<semaphore_mem>>
      %dma_start3A_75 = arith.constant 0 : i32
      %dma_start3A_76 = tpu.memref_slice %arg11[%add3A_29, %dma_start3A_75] : memref<10000x128xf32, #tpu.memory_space<vmem_shared>> -> memref<80x128xf32, #tpu.memory_space<vmem_shared>>
      %dma_start3A_77 = arith.constant 0 : i32
      %dma_start3A_78 = tpu.memref_slice %arg11[%add3A_29, %dma_start3A_77] : memref<10000x128xf32, #tpu.memory_space<vmem_shared>> -> memref<80x128xf32, #tpu.memory_space<vmem_shared>>
      tpu.enqueue_dma source(%arg8 : memref<80x128xf32, #tpu.memory_space<vmem>>) target(%dma_start3A_78 : memref<80x128xf32, #tpu.memory_space<vmem_shared>>) target_semaphore(%run_scoped3A_74 : memref<!tpu.dma_semaphore, #tpu.memory_space<semaphore_mem>>)
      %dma_wait3A_79 = arith.constant 0 : i32
      %dma_wait3A_80 = tpu.memref_slice %arg11[%add3A_29, %dma_wait3A_79] : memref<10000x128xf32, #tpu.memory_space<vmem_shared>> -> memref<80x128xf32, #tpu.memory_space<vmem_shared>>
      %dma_wait3A_81 = arith.constant 0 : i32
      %dma_wait3A_82 = tpu.memref_slice %arg11[%add3A_29, %dma_wait3A_81] : memref<10000x128xf32, #tpu.memory_space<vmem_shared>> -> memref<80x128xf32, #tpu.memory_space<vmem_shared>>
      tpu.wait_dma2 semaphore(%run_scoped3A_74 : memref<!tpu.dma_semaphore, #tpu.memory_space<semaphore_mem>>) src(%arg8 : memref<80x128xf32, #tpu.memory_space<vmem>>) dst(%dma_wait3A_82 : memref<80x128xf32, #tpu.memory_space<vmem_shared>>)
      tpu.yield
    }) : () -> ()
    %mul3A_30 = arith.constant 625 : i32
    %mul3A_31 = arith.muli %arg1, %mul3A_30 : i32
    %add3A_32 = arith.constant 480 : i32
    %add3A_33 = arith.addi %mul3A_31, %add3A_32 : i32
    "tpu.region"() ({
      %run_scoped3A_74 = tpu.sem_alloc : memref<!tpu.dma_semaphore, #tpu.memory_space<semaphore_mem>>
      %dma_start3A_75 = arith.constant 0 : i32
      %dma_start3A_76 = tpu.memref_slice %arg11[%add3A_33, %dma_start3A_75] : memref<10000x128xf32, #tpu.memory_space<vmem_shared>> -> memref<80x128xf32, #tpu.memory_space<vmem_shared>>
      %dma_start3A_77 = arith.constant 0 : i32
      %dma_start3A_78 = tpu.memref_slice %arg11[%add3A_33, %dma_start3A_77] : memref<10000x128xf32, #tpu.memory_space<vmem_shared>> -> memref<80x128xf32, #tpu.memory_space<vmem_shared>>
      tpu.enqueue_dma source(%arg8 : memref<80x128xf32, #tpu.memory_space<vmem>>) target(%dma_start3A_78 : memref<80x128xf32, #tpu.memory_space<vmem_shared>>) target_semaphore(%run_scoped3A_74 : memref<!tpu.dma_semaphore, #tpu.memory_space<semaphore_mem>>)
      %dma_wait3A_79 = arith.constant 0 : i32
      %dma_wait3A_80 = tpu.memref_slice %arg11[%add3A_33, %dma_wait3A_79] : memref<10000x128xf32, #tpu.memory_space<vmem_shared>> -> memref<80x128xf32, #tpu.memory_space<vmem_shared>>
      %dma_wait3A_81 = arith.constant 0 : i32
      %dma_wait3A_82 = tpu.memref_slice %arg11[%add3A_33, %dma_wait3A_81] : memref<10000x128xf32, #tpu.memory_space<vmem_shared>> -> memref<80x128xf32, #tpu.memory_space<vmem_shared>>
      tpu.wait_dma2 semaphore(%run_scoped3A_74 : memref<!tpu.dma_semaphore, #tpu.memory_space<semaphore_mem>>) src(%arg8 : memref<80x128xf32, #tpu.memory_space<vmem>>) dst(%dma_wait3A_82 : memref<80x128xf32, #tpu.memory_space<vmem_shared>>)
      tpu.yield
    }) : () -> ()
    %mul3A_34 = arith.constant 625 : i32
    %mul3A_35 = arith.muli %arg1, %mul3A_34 : i32
    %add3A_36 = arith.constant 560 : i32
    %add3A_37 = arith.addi %mul3A_35, %add3A_36 : i32
    "tpu.region"() ({
      %run_scoped3A_74 = tpu.sem_alloc : memref<!tpu.dma_semaphore, #tpu.memory_space<semaphore_mem>>
      %dma_start3A_75 = arith.constant 0 : i32
      %dma_start3A_76 = arith.constant 0 : i32
      %dma_start3A_77 = tpu.memref_slice %arg8[%dma_start3A_75, %dma_start3A_76] : memref<80x128xf32, #tpu.memory_space<vmem>> -> memref<65x128xf32, #tpu.memory_space<vmem>>
      %dma_start3A_78 = arith.constant 0 : i32
      %dma_start3A_79 = tpu.memref_slice %arg11[%add3A_37, %dma_start3A_78] : memref<10000x128xf32, #tpu.memory_space<vmem_shared>> -> memref<65x128xf32, #tpu.memory_space<vmem_shared>>
      %dma_start3A_80 = arith.constant 0 : i32
      %dma_start3A_81 = tpu.memref_slice %arg11[%add3A_37, %dma_start3A_80] : memref<10000x128xf32, #tpu.memory_space<vmem_shared>> -> memref<65x128xf32, #tpu.memory_space<vmem_shared>>
      %dma_start3A_82 = arith.constant 0 : i32
      %dma_start3A_83 = arith.constant 0 : i32
      %dma_start3A_84 = tpu.memref_slice %arg8[%dma_start3A_82, %dma_start3A_83] : memref<80x128xf32, #tpu.memory_space<vmem>> -> memref<65x128xf32, #tpu.memory_space<vmem>>
      tpu.enqueue_dma source(%dma_start3A_84 : memref<65x128xf32, #tpu.memory_space<vmem>>) target(%dma_start3A_81 : memref<65x128xf32, #tpu.memory_space<vmem_shared>>) target_semaphore(%run_scoped3A_74 : memref<!tpu.dma_semaphore, #tpu.memory_space<semaphore_mem>>)
      %dma_wait3A_85 = arith.constant 0 : i32
      %dma_wait3A_86 = arith.constant 0 : i32
      %dma_wait3A_87 = tpu.memref_slice %arg8[%dma_wait3A_85, %dma_wait3A_86] : memref<80x128xf32, #tpu.memory_space<vmem>> -> memref<65x128xf32, #tpu.memory_space<vmem>>
      %dma_wait3A_88 = arith.constant 0 : i32
      %dma_wait3A_89 = tpu.memref_slice %arg11[%add3A_37, %dma_wait3A_88] : memref<10000x128xf32, #tpu.memory_space<vmem_shared>> -> memref<65x128xf32, #tpu.memory_space<vmem_shared>>
      %dma_wait3A_90 = arith.constant 0 : i32
      %dma_wait3A_91 = tpu.memref_slice %arg11[%add3A_37, %dma_wait3A_90] : memref<10000x128xf32, #tpu.memory_space<vmem_shared>> -> memref<65x128xf32, #tpu.memory_space<vmem_shared>>
      %dma_wait3A_92 = arith.constant 0 : i32
      %dma_wait3A_93 = arith.constant 0 : i32
      %dma_wait3A_94 = tpu.memref_slice %arg8[%dma_wait3A_92, %dma_wait3A_93] : memref<80x128xf32, #tpu.memory_space<vmem>> -> memref<65x128xf32, #tpu.memory_space<vmem>>
      tpu.wait_dma2 semaphore(%run_scoped3A_74 : memref<!tpu.dma_semaphore, #tpu.memory_space<semaphore_mem>>) src(%dma_wait3A_94 : memref<65x128xf32, #tpu.memory_space<vmem>>) dst(%dma_wait3A_91 : memref<65x128xf32, #tpu.memory_space<vmem_shared>>)
      tpu.yield
    }) : () -> ()
    %barrier3A = arith.constant 0 : index
    tpu.barrier barrier_id(%barrier3A)
    "tpu.region"() ({
      %run_scoped3A_74 = tpu.sem_alloc : memref<!tpu.dma_semaphore, #tpu.memory_space<semaphore_mem>>
      %dma_start3A_75 = arith.constant 0 : i32
      %dma_start3A_76 = arith.constant 0 : i32
      %dma_start3A_77 = tpu.memref_slice %arg3[%add3A, %dma_start3A_75, %dma_start3A_76] : memref<32x125x80xi32, #tpu.memory_space<hbm>> -> memref<1x125x80xi32, #tpu.memory_space<hbm>>
      %dma_start3A_78 = tpu.memref_squeeze %dma_start3A_77 : memref<1x125x80xi32, #tpu.memory_space<hbm>> -> memref<125x80xi32, #tpu.memory_space<hbm>>
      %dma_start3A_79 = arith.constant 0 : i32
      %dma_start3A_80 = arith.constant 0 : i32
      %dma_start3A_81 = tpu.memref_slice %arg3[%add3A, %dma_start3A_79, %dma_start3A_80] : memref<32x125x80xi32, #tpu.memory_space<hbm>> -> memref<1x125x80xi32, #tpu.memory_space<hbm>>
      %dma_start3A_82 = tpu.memref_squeeze %dma_start3A_81 : memref<1x125x80xi32, #tpu.memory_space<hbm>> -> memref<125x80xi32, #tpu.memory_space<hbm>>
      tpu.enqueue_dma source(%dma_start3A_82 : memref<125x80xi32, #tpu.memory_space<hbm>>) target(%arg6 : memref<125x80xi32, #tpu.memory_space<vmem>>) target_semaphore(%run_scoped3A_74 : memref<!tpu.dma_semaphore, #tpu.memory_space<semaphore_mem>>)
      %dma_wait3A_83 = arith.constant 0 : i32
      %dma_wait3A_84 = arith.constant 0 : i32
      %dma_wait3A_85 = tpu.memref_slice %arg3[%add3A, %dma_wait3A_83, %dma_wait3A_84] : memref<32x125x80xi32, #tpu.memory_space<hbm>> -> memref<1x125x80xi32, #tpu.memory_space<hbm>>
      %dma_wait3A_86 = tpu.memref_squeeze %dma_wait3A_85 : memref<1x125x80xi32, #tpu.memory_space<hbm>> -> memref<125x80xi32, #tpu.memory_space<hbm>>
      %dma_wait3A_87 = arith.constant 0 : i32
      %dma_wait3A_88 = arith.constant 0 : i32
      %dma_wait3A_89 = tpu.memref_slice %arg3[%add3A, %dma_wait3A_87, %dma_wait3A_88] : memref<32x125x80xi32, #tpu.memory_space<hbm>> -> memref<1x125x80xi32, #tpu.memory_space<hbm>>
      %dma_wait3A_90 = tpu.memref_squeeze %dma_wait3A_89 : memref<1x125x80xi32, #tpu.memory_space<hbm>> -> memref<125x80xi32, #tpu.memory_space<hbm>>
      tpu.wait_dma2 semaphore(%run_scoped3A_74 : memref<!tpu.dma_semaphore, #tpu.memory_space<semaphore_mem>>) src(%dma_wait3A_90 : memref<125x80xi32, #tpu.memory_space<hbm>>) dst(%arg6 : memref<125x80xi32, #tpu.memory_space<vmem>>)
      tpu.yield
    }) : () -> ()
    "tpu.region"() ({
      %run_scoped3A_74 = tpu.sem_alloc : memref<!tpu.dma_semaphore, #tpu.memory_space<semaphore_mem>>
      %dma_start3A_75 = arith.constant 0 : i32
      %dma_start3A_76 = arith.constant 0 : i32
      %dma_start3A_77 = tpu.memref_slice %arg4[%add3A, %dma_start3A_75, %dma_start3A_76] : memref<32x125x80xi32, #tpu.memory_space<hbm>> -> memref<1x125x80xi32, #tpu.memory_space<hbm>>
      %dma_start3A_78 = tpu.memref_squeeze %dma_start3A_77 : memref<1x125x80xi32, #tpu.memory_space<hbm>> -> memref<125x80xi32, #tpu.memory_space<hbm>>
      %dma_start3A_79 = arith.constant 0 : i32
      %dma_start3A_80 = arith.constant 0 : i32
      %dma_start3A_81 = tpu.memref_slice %arg4[%add3A, %dma_start3A_79, %dma_start3A_80] : memref<32x125x80xi32, #tpu.memory_space<hbm>> -> memref<1x125x80xi32, #tpu.memory_space<hbm>>
      %dma_start3A_82 = tpu.memref_squeeze %dma_start3A_81 : memref<1x125x80xi32, #tpu.memory_space<hbm>> -> memref<125x80xi32, #tpu.memory_space<hbm>>
      tpu.enqueue_dma source(%dma_start3A_82 : memref<125x80xi32, #tpu.memory_space<hbm>>) target(%arg7 : memref<125x80xi32, #tpu.memory_space<vmem>>) target_semaphore(%run_scoped3A_74 : memref<!tpu.dma_semaphore, #tpu.memory_space<semaphore_mem>>)
      %dma_wait3A_83 = arith.constant 0 : i32
      %dma_wait3A_84 = arith.constant 0 : i32
      %dma_wait3A_85 = tpu.memref_slice %arg4[%add3A, %dma_wait3A_83, %dma_wait3A_84] : memref<32x125x80xi32, #tpu.memory_space<hbm>> -> memref<1x125x80xi32, #tpu.memory_space<hbm>>
      %dma_wait3A_86 = tpu.memref_squeeze %dma_wait3A_85 : memref<1x125x80xi32, #tpu.memory_space<hbm>> -> memref<125x80xi32, #tpu.memory_space<hbm>>
      %dma_wait3A_87 = arith.constant 0 : i32
      %dma_wait3A_88 = arith.constant 0 : i32
      %dma_wait3A_89 = tpu.memref_slice %arg4[%add3A, %dma_wait3A_87, %dma_wait3A_88] : memref<32x125x80xi32, #tpu.memory_space<hbm>> -> memref<1x125x80xi32, #tpu.memory_space<hbm>>
      %dma_wait3A_90 = tpu.memref_squeeze %dma_wait3A_89 : memref<1x125x80xi32, #tpu.memory_space<hbm>> -> memref<125x80xi32, #tpu.memory_space<hbm>>
      tpu.wait_dma2 semaphore(%run_scoped3A_74 : memref<!tpu.dma_semaphore, #tpu.memory_space<semaphore_mem>>) src(%dma_wait3A_90 : memref<125x80xi32, #tpu.memory_space<hbm>>) dst(%arg7 : memref<125x80xi32, #tpu.memory_space<vmem>>)
      tpu.yield
    }) : () -> ()
    %dma_start3A = arith.constant 0 : i32
    %dma_start3A_38 = arith.constant 0 : i32
    %dma_start3A_39 = tpu.memref_slice %arg6[%dma_start3A, %dma_start3A_38] : memref<125x80xi32, #tpu.memory_space<vmem>> -> memref<1x80xi32, #tpu.memory_space<vmem>>
    %dma_start3A_40 = tpu.memref_squeeze %dma_start3A_39 : memref<1x80xi32, #tpu.memory_space<vmem>> -> memref<80xi32, #tpu.memory_space<vmem>>
    %dma_start3A_41 = arith.constant 0 : i32
    %dma_start3A_42 = arith.constant 0 : i32
    %dma_start3A_43 = tpu.memref_slice %arg2[%dma_start3A_41, %dma_start3A_42] : memref<10000x128xf32, #tpu.memory_space<hbm>> -> memref<10000x128xf32, #tpu.memory_space<hbm>>
    tpu.enqueue_indirect_dma source(%dma_start3A_43 : memref<10000x128xf32, #tpu.memory_space<hbm>>) target(%arg8 : memref<80x128xf32, #tpu.memory_space<vmem>>) offsets(%dma_start3A_40 : memref<80xi32, #tpu.memory_space<vmem>>) semaphore(%arg12 : memref<!tpu.dma_semaphore, #tpu.memory_space<semaphore_mem>>)
    %dma_start3A_44 = arith.constant 1 : i32
    %dma_start3A_45 = arith.constant 0 : i32
    %dma_start3A_46 = tpu.memref_slice %arg6[%dma_start3A_44, %dma_start3A_45] : memref<125x80xi32, #tpu.memory_space<vmem>> -> memref<1x80xi32, #tpu.memory_space<vmem>>
    %dma_start3A_47 = tpu.memref_squeeze %dma_start3A_46 : memref<1x80xi32, #tpu.memory_space<vmem>> -> memref<80xi32, #tpu.memory_space<vmem>>
    %dma_start3A_48 = arith.constant 0 : i32
    %dma_start3A_49 = arith.constant 0 : i32
    %dma_start3A_50 = tpu.memref_slice %arg2[%dma_start3A_48, %dma_start3A_49] : memref<10000x128xf32, #tpu.memory_space<hbm>> -> memref<10000x128xf32, #tpu.memory_space<hbm>>
    tpu.enqueue_indirect_dma source(%dma_start3A_50 : memref<10000x128xf32, #tpu.memory_space<hbm>>) target(%arg9 : memref<80x128xf32, #tpu.memory_space<vmem>>) offsets(%dma_start3A_47 : memref<80xi32, #tpu.memory_space<vmem>>) semaphore(%arg13 : memref<!tpu.dma_semaphore, #tpu.memory_space<semaphore_mem>>)
    %scan3A_51 = arith.constant 0 : i32
    %scan3A_52 = arith.constant 0 : i32
    %scan3A_53 = arith.constant 41 : i32
    %scan3A_54 = arith.addi %scan3A_52, %scan3A_53 : i32
    %scan3A_55 = arith.constant 1 : i32
    scf.for %scan3A_74 = %scan3A_52 to %scan3A_54 step %scan3A_55  : i32 {
      %mul3A_75 = arith.constant 3 : i32
      %mul3A_76 = arith.muli %mul3A_75, %scan3A_74 : i32
      %add3A_77 = arith.constant 2 : i32
      %add3A_78 = arith.addi %mul3A_76, %add3A_77 : i32
      %dma_start3A_79 = arith.constant 0 : i32
      %dma_start3A_80 = tpu.memref_slice %arg6[%add3A_78, %dma_start3A_79] : memref<125x80xi32, #tpu.memory_space<vmem>> -> memref<1x80xi32, #tpu.memory_space<vmem>>
      %dma_start3A_81 = tpu.memref_squeeze %dma_start3A_80 : memref<1x80xi32, #tpu.memory_space<vmem>> -> memref<80xi32, #tpu.memory_space<vmem>>
      %dma_start3A_82 = arith.constant 0 : i32
      %dma_start3A_83 = arith.constant 0 : i32
      %dma_start3A_84 = tpu.memref_slice %arg2[%dma_start3A_82, %dma_start3A_83] : memref<10000x128xf32, #tpu.memory_space<hbm>> -> memref<10000x128xf32, #tpu.memory_space<hbm>>
      tpu.enqueue_indirect_dma source(%dma_start3A_84 : memref<10000x128xf32, #tpu.memory_space<hbm>>) target(%arg10 : memref<80x128xf32, #tpu.memory_space<vmem>>) offsets(%dma_start3A_81 : memref<80xi32, #tpu.memory_space<vmem>>) semaphore(%arg14 : memref<!tpu.dma_semaphore, #tpu.memory_space<semaphore_mem>>)
      %dma_wait3A_85 = arith.constant 0 : i32
      %dma_wait3A_86 = arith.constant 0 : i32
      %dma_wait3A_87 = tpu.memref_slice %arg2[%dma_wait3A_85, %dma_wait3A_86] : memref<10000x128xf32, #tpu.memory_space<hbm>> -> memref<80x128xf32, #tpu.memory_space<hbm>>
      %dma_wait3A_88 = arith.constant 0 : i32
      %dma_wait3A_89 = arith.constant 0 : i32
      %dma_wait3A_90 = tpu.memref_slice %arg2[%dma_wait3A_88, %dma_wait3A_89] : memref<10000x128xf32, #tpu.memory_space<hbm>> -> memref<80x128xf32, #tpu.memory_space<hbm>>
      tpu.wait_dma2 semaphore(%arg12 : memref<!tpu.dma_semaphore, #tpu.memory_space<semaphore_mem>>) src(%dma_wait3A_90 : memref<80x128xf32, #tpu.memory_space<hbm>>) dst(%arg8 : memref<80x128xf32, #tpu.memory_space<vmem>>)
      "tpu.region"() ({
        %run_scoped3A_123 = tpu.sem_alloc : memref<!tpu.dma_semaphore, #tpu.memory_space<semaphore_mem>>
        %dma_start3A_124 = arith.constant 0 : i32
        %dma_start3A_125 = tpu.memref_slice %arg7[%mul3A_76, %dma_start3A_124] : memref<125x80xi32, #tpu.memory_space<vmem>> -> memref<1x80xi32, #tpu.memory_space<vmem>>
        %dma_start3A_126 = tpu.memref_squeeze %dma_start3A_125 : memref<1x80xi32, #tpu.memory_space<vmem>> -> memref<80xi32, #tpu.memory_space<vmem>>
        %dma_start3A_127 = arith.constant 0 : i32
        %dma_start3A_128 = arith.constant 0 : i32
        %dma_start3A_129 = tpu.memref_slice %arg11[%dma_start3A_127, %dma_start3A_128] : memref<10000x128xf32, #tpu.memory_space<vmem_shared>> -> memref<10000x128xf32, #tpu.memory_space<vmem_shared>>
        tpu.enqueue_indirect_dma source(%arg8 : memref<80x128xf32, #tpu.memory_space<vmem>>) target(%dma_start3A_129 : memref<10000x128xf32, #tpu.memory_space<vmem_shared>>) offsets(%dma_start3A_126 : memref<80xi32, #tpu.memory_space<vmem>>) semaphore(%run_scoped3A_123 : memref<!tpu.dma_semaphore, #tpu.memory_space<semaphore_mem>>) {add = true}
        %dma_wait3A_130 = arith.constant 0 : i32
        %dma_wait3A_131 = tpu.memref_slice %arg7[%mul3A_76, %dma_wait3A_130] : memref<125x80xi32, #tpu.memory_space<vmem>> -> memref<1x80xi32, #tpu.memory_space<vmem>>
        %dma_wait3A_132 = tpu.memref_squeeze %dma_wait3A_131 : memref<1x80xi32, #tpu.memory_space<vmem>> -> memref<80xi32, #tpu.memory_space<vmem>>
        %dma_wait3A_133 = arith.constant 0 : i32
        %dma_wait3A_134 = arith.constant 0 : i32
        %dma_wait3A_135 = tpu.memref_slice %arg11[%dma_wait3A_133, %dma_wait3A_134] : memref<10000x128xf32, #tpu.memory_space<vmem_shared>> -> memref<10000x128xf32, #tpu.memory_space<vmem_shared>>
        tpu.wait_indirect_dma semaphore(%run_scoped3A_123 : memref<!tpu.dma_semaphore, #tpu.memory_space<semaphore_mem>>) src(%arg8 : memref<80x128xf32, #tpu.memory_space<vmem>>) dst(%dma_wait3A_135 : memref<10000x128xf32, #tpu.memory_space<vmem_shared>>)
        tpu.yield
      }) : () -> ()
      %add3A_91 = arith.constant 3 : i32
      %add3A_92 = arith.addi %mul3A_76, %add3A_91 : i32
      %dma_start3A_93 = arith.constant 0 : i32
      %dma_start3A_94 = tpu.memref_slice %arg6[%add3A_92, %dma_start3A_93] : memref<125x80xi32, #tpu.memory_space<vmem>> -> memref<1x80xi32, #tpu.memory_space<vmem>>
      %dma_start3A_95 = tpu.memref_squeeze %dma_start3A_94 : memref<1x80xi32, #tpu.memory_space<vmem>> -> memref<80xi32, #tpu.memory_space<vmem>>
      %dma_start3A_96 = arith.constant 0 : i32
      %dma_start3A_97 = arith.constant 0 : i32
      %dma_start3A_98 = tpu.memref_slice %arg2[%dma_start3A_96, %dma_start3A_97] : memref<10000x128xf32, #tpu.memory_space<hbm>> -> memref<10000x128xf32, #tpu.memory_space<hbm>>
      tpu.enqueue_indirect_dma source(%dma_start3A_98 : memref<10000x128xf32, #tpu.memory_space<hbm>>) target(%arg8 : memref<80x128xf32, #tpu.memory_space<vmem>>) offsets(%dma_start3A_95 : memref<80xi32, #tpu.memory_space<vmem>>) semaphore(%arg12 : memref<!tpu.dma_semaphore, #tpu.memory_space<semaphore_mem>>)
      %dma_wait3A_99 = arith.constant 0 : i32
      %dma_wait3A_100 = arith.constant 0 : i32
      %dma_wait3A_101 = tpu.memref_slice %arg2[%dma_wait3A_99, %dma_wait3A_100] : memref<10000x128xf32, #tpu.memory_space<hbm>> -> memref<80x128xf32, #tpu.memory_space<hbm>>
      %dma_wait3A_102 = arith.constant 0 : i32
      %dma_wait3A_103 = arith.constant 0 : i32
      %dma_wait3A_104 = tpu.memref_slice %arg2[%dma_wait3A_102, %dma_wait3A_103] : memref<10000x128xf32, #tpu.memory_space<hbm>> -> memref<80x128xf32, #tpu.memory_space<hbm>>
      tpu.wait_dma2 semaphore(%arg13 : memref<!tpu.dma_semaphore, #tpu.memory_space<semaphore_mem>>) src(%dma_wait3A_104 : memref<80x128xf32, #tpu.memory_space<hbm>>) dst(%arg9 : memref<80x128xf32, #tpu.memory_space<vmem>>)
      %add3A_105 = arith.constant 1 : i32
      %add3A_106 = arith.addi %mul3A_76, %add3A_105 : i32
      "tpu.region"() ({
        %run_scoped3A_123 = tpu.sem_alloc : memref<!tpu.dma_semaphore, #tpu.memory_space<semaphore_mem>>
        %dma_start3A_124 = arith.constant 0 : i32
        %dma_start3A_125 = tpu.memref_slice %arg7[%add3A_106, %dma_start3A_124] : memref<125x80xi32, #tpu.memory_space<vmem>> -> memref<1x80xi32, #tpu.memory_space<vmem>>
        %dma_start3A_126 = tpu.memref_squeeze %dma_start3A_125 : memref<1x80xi32, #tpu.memory_space<vmem>> -> memref<80xi32, #tpu.memory_space<vmem>>
        %dma_start3A_127 = arith.constant 0 : i32
        %dma_start3A_128 = arith.constant 0 : i32
        %dma_start3A_129 = tpu.memref_slice %arg11[%dma_start3A_127, %dma_start3A_128] : memref<10000x128xf32, #tpu.memory_space<vmem_shared>> -> memref<10000x128xf32, #tpu.memory_space<vmem_shared>>
        tpu.enqueue_indirect_dma source(%arg9 : memref<80x128xf32, #tpu.memory_space<vmem>>) target(%dma_start3A_129 : memref<10000x128xf32, #tpu.memory_space<vmem_shared>>) offsets(%dma_start3A_126 : memref<80xi32, #tpu.memory_space<vmem>>) semaphore(%run_scoped3A_123 : memref<!tpu.dma_semaphore, #tpu.memory_space<semaphore_mem>>) {add = true}
        %dma_wait3A_130 = arith.constant 0 : i32
        %dma_wait3A_131 = tpu.memref_slice %arg7[%add3A_106, %dma_wait3A_130] : memref<125x80xi32, #tpu.memory_space<vmem>> -> memref<1x80xi32, #tpu.memory_space<vmem>>
        %dma_wait3A_132 = tpu.memref_squeeze %dma_wait3A_131 : memref<1x80xi32, #tpu.memory_space<vmem>> -> memref<80xi32, #tpu.memory_space<vmem>>
        %dma_wait3A_133 = arith.constant 0 : i32
        %dma_wait3A_134 = arith.constant 0 : i32
        %dma_wait3A_135 = tpu.memref_slice %arg11[%dma_wait3A_133, %dma_wait3A_134] : memref<10000x128xf32, #tpu.memory_space<vmem_shared>> -> memref<10000x128xf32, #tpu.memory_space<vmem_shared>>
        tpu.wait_indirect_dma semaphore(%run_scoped3A_123 : memref<!tpu.dma_semaphore, #tpu.memory_space<semaphore_mem>>) src(%arg9 : memref<80x128xf32, #tpu.memory_space<vmem>>) dst(%dma_wait3A_135 : memref<10000x128xf32, #tpu.memory_space<vmem_shared>>)
        tpu.yield
      }) : () -> ()
      %add3A_107 = arith.constant 4 : i32
      %add3A_108 = arith.addi %mul3A_76, %add3A_107 : i32
      %dma_start3A_109 = arith.constant 0 : i32
      %dma_start3A_110 = tpu.memref_slice %arg6[%add3A_108, %dma_start3A_109] : memref<125x80xi32, #tpu.memory_space<vmem>> -> memref<1x80xi32, #tpu.memory_space<vmem>>
      %dma_start3A_111 = tpu.memref_squeeze %dma_start3A_110 : memref<1x80xi32, #tpu.memory_space<vmem>> -> memref<80xi32, #tpu.memory_space<vmem>>
      %dma_start3A_112 = arith.constant 0 : i32
      %dma_start3A_113 = arith.constant 0 : i32
      %dma_start3A_114 = tpu.memref_slice %arg2[%dma_start3A_112, %dma_start3A_113] : memref<10000x128xf32, #tpu.memory_space<hbm>> -> memref<10000x128xf32, #tpu.memory_space<hbm>>
      tpu.enqueue_indirect_dma source(%dma_start3A_114 : memref<10000x128xf32, #tpu.memory_space<hbm>>) target(%arg9 : memref<80x128xf32, #tpu.memory_space<vmem>>) offsets(%dma_start3A_111 : memref<80xi32, #tpu.memory_space<vmem>>) semaphore(%arg13 : memref<!tpu.dma_semaphore, #tpu.memory_space<semaphore_mem>>)
      %dma_wait3A_115 = arith.constant 0 : i32
      %dma_wait3A_116 = arith.constant 0 : i32
      %dma_wait3A_117 = tpu.memref_slice %arg2[%dma_wait3A_115, %dma_wait3A_116] : memref<10000x128xf32, #tpu.memory_space<hbm>> -> memref<80x128xf32, #tpu.memory_space<hbm>>
      %dma_wait3A_118 = arith.constant 0 : i32
      %dma_wait3A_119 = arith.constant 0 : i32
      %dma_wait3A_120 = tpu.memref_slice %arg2[%dma_wait3A_118, %dma_wait3A_119] : memref<10000x128xf32, #tpu.memory_space<hbm>> -> memref<80x128xf32, #tpu.memory_space<hbm>>
      tpu.wait_dma2 semaphore(%arg14 : memref<!tpu.dma_semaphore, #tpu.memory_space<semaphore_mem>>) src(%dma_wait3A_120 : memref<80x128xf32, #tpu.memory_space<hbm>>) dst(%arg10 : memref<80x128xf32, #tpu.memory_space<vmem>>)
      %add3A_121 = arith.constant 2 : i32
      %add3A_122 = arith.addi %mul3A_76, %add3A_121 : i32
      "tpu.region"() ({
        %run_scoped3A_123 = tpu.sem_alloc : memref<!tpu.dma_semaphore, #tpu.memory_space<semaphore_mem>>
        %dma_start3A_124 = arith.constant 0 : i32
        %dma_start3A_125 = tpu.memref_slice %arg7[%add3A_122, %dma_start3A_124] : memref<125x80xi32, #tpu.memory_space<vmem>> -> memref<1x80xi32, #tpu.memory_space<vmem>>
        %dma_start3A_126 = tpu.memref_squeeze %dma_start3A_125 : memref<1x80xi32, #tpu.memory_space<vmem>> -> memref<80xi32, #tpu.memory_space<vmem>>
        %dma_start3A_127 = arith.constant 0 : i32
        %dma_start3A_128 = arith.constant 0 : i32
        %dma_start3A_129 = tpu.memref_slice %arg11[%dma_start3A_127, %dma_start3A_128] : memref<10000x128xf32, #tpu.memory_space<vmem_shared>> -> memref<10000x128xf32, #tpu.memory_space<vmem_shared>>
        tpu.enqueue_indirect_dma source(%arg10 : memref<80x128xf32, #tpu.memory_space<vmem>>) target(%dma_start3A_129 : memref<10000x128xf32, #tpu.memory_space<vmem_shared>>) offsets(%dma_start3A_126 : memref<80xi32, #tpu.memory_space<vmem>>) semaphore(%run_scoped3A_123 : memref<!tpu.dma_semaphore, #tpu.memory_space<semaphore_mem>>) {add = true}
        %dma_wait3A_130 = arith.constant 0 : i32
        %dma_wait3A_131 = tpu.memref_slice %arg7[%add3A_122, %dma_wait3A_130] : memref<125x80xi32, #tpu.memory_space<vmem>> -> memref<1x80xi32, #tpu.memory_space<vmem>>
        %dma_wait3A_132 = tpu.memref_squeeze %dma_wait3A_131 : memref<1x80xi32, #tpu.memory_space<vmem>> -> memref<80xi32, #tpu.memory_space<vmem>>
        %dma_wait3A_133 = arith.constant 0 : i32
        %dma_wait3A_134 = arith.constant 0 : i32
        %dma_wait3A_135 = tpu.memref_slice %arg11[%dma_wait3A_133, %dma_wait3A_134] : memref<10000x128xf32, #tpu.memory_space<vmem_shared>> -> memref<10000x128xf32, #tpu.memory_space<vmem_shared>>
        tpu.wait_indirect_dma semaphore(%run_scoped3A_123 : memref<!tpu.dma_semaphore, #tpu.memory_space<semaphore_mem>>) src(%arg10 : memref<80x128xf32, #tpu.memory_space<vmem>>) dst(%dma_wait3A_135 : memref<10000x128xf32, #tpu.memory_space<vmem_shared>>)
        tpu.yield
      }) : () -> ()
    }
    %scan3A_56 = arith.constant 41 : i32
    %dma_wait3A = arith.constant 0 : i32
    %dma_wait3A_57 = arith.constant 0 : i32
    %dma_wait3A_58 = tpu.memref_slice %arg2[%dma_wait3A, %dma_wait3A_57] : memref<10000x128xf32, #tpu.memory_space<hbm>> -> memref<80x128xf32, #tpu.memory_space<hbm>>
    %dma_wait3A_59 = arith.constant 0 : i32
    %dma_wait3A_60 = arith.constant 0 : i32
    %dma_wait3A_61 = tpu.memref_slice %arg2[%dma_wait3A_59, %dma_wait3A_60] : memref<10000x128xf32, #tpu.memory_space<hbm>> -> memref<80x128xf32, #tpu.memory_space<hbm>>
    tpu.wait_dma2 semaphore(%arg12 : memref<!tpu.dma_semaphore, #tpu.memory_space<semaphore_mem>>) src(%dma_wait3A_61 : memref<80x128xf32, #tpu.memory_space<hbm>>) dst(%arg8 : memref<80x128xf32, #tpu.memory_space<vmem>>)
    %run_scoped3A = arith.constant 123 : i32
    "tpu.region"() ({
      %run_scoped3A_74 = tpu.sem_alloc : memref<!tpu.dma_semaphore, #tpu.memory_space<semaphore_mem>>
      %dma_start3A_75 = arith.constant 0 : i32
      %dma_start3A_76 = tpu.memref_slice %arg7[%run_scoped3A, %dma_start3A_75] : memref<125x80xi32, #tpu.memory_space<vmem>> -> memref<1x80xi32, #tpu.memory_space<vmem>>
      %dma_start3A_77 = tpu.memref_squeeze %dma_start3A_76 : memref<1x80xi32, #tpu.memory_space<vmem>> -> memref<80xi32, #tpu.memory_space<vmem>>
      %dma_start3A_78 = arith.constant 0 : i32
      %dma_start3A_79 = arith.constant 0 : i32
      %dma_start3A_80 = tpu.memref_slice %arg11[%dma_start3A_78, %dma_start3A_79] : memref<10000x128xf32, #tpu.memory_space<vmem_shared>> -> memref<10000x128xf32, #tpu.memory_space<vmem_shared>>
      tpu.enqueue_indirect_dma source(%arg8 : memref<80x128xf32, #tpu.memory_space<vmem>>) target(%dma_start3A_80 : memref<10000x128xf32, #tpu.memory_space<vmem_shared>>) offsets(%dma_start3A_77 : memref<80xi32, #tpu.memory_space<vmem>>) semaphore(%run_scoped3A_74 : memref<!tpu.dma_semaphore, #tpu.memory_space<semaphore_mem>>) {add = true}
      %dma_wait3A_81 = arith.constant 0 : i32
      %dma_wait3A_82 = tpu.memref_slice %arg7[%run_scoped3A, %dma_wait3A_81] : memref<125x80xi32, #tpu.memory_space<vmem>> -> memref<1x80xi32, #tpu.memory_space<vmem>>
      %dma_wait3A_83 = tpu.memref_squeeze %dma_wait3A_82 : memref<1x80xi32, #tpu.memory_space<vmem>> -> memref<80xi32, #tpu.memory_space<vmem>>
      %dma_wait3A_84 = arith.constant 0 : i32
      %dma_wait3A_85 = arith.constant 0 : i32
      %dma_wait3A_86 = tpu.memref_slice %arg11[%dma_wait3A_84, %dma_wait3A_85] : memref<10000x128xf32, #tpu.memory_space<vmem_shared>> -> memref<10000x128xf32, #tpu.memory_space<vmem_shared>>
      tpu.wait_indirect_dma semaphore(%run_scoped3A_74 : memref<!tpu.dma_semaphore, #tpu.memory_space<semaphore_mem>>) src(%arg8 : memref<80x128xf32, #tpu.memory_space<vmem>>) dst(%dma_wait3A_86 : memref<10000x128xf32, #tpu.memory_space<vmem_shared>>)
      tpu.yield
    }) : () -> ()
    %dma_wait3A_62 = arith.constant 0 : i32
    %dma_wait3A_63 = arith.constant 0 : i32
    %dma_wait3A_64 = tpu.memref_slice %arg2[%dma_wait3A_62, %dma_wait3A_63] : memref<10000x128xf32, #tpu.memory_space<hbm>> -> memref<80x128xf32, #tpu.memory_space<hbm>>
    %dma_wait3A_65 = arith.constant 0 : i32
    %dma_wait3A_66 = arith.constant 0 : i32
    %dma_wait3A_67 = tpu.memref_slice %arg2[%dma_wait3A_65, %dma_wait3A_66] : memref<10000x128xf32, #tpu.memory_space<hbm>> -> memref<80x128xf32, #tpu.memory_space<hbm>>
    tpu.wait_dma2 semaphore(%arg13 : memref<!tpu.dma_semaphore, #tpu.memory_space<semaphore_mem>>) src(%dma_wait3A_67 : memref<80x128xf32, #tpu.memory_space<hbm>>) dst(%arg9 : memref<80x128xf32, #tpu.memory_space<vmem>>)
    %run_scoped3A_68 = arith.constant 124 : i32
    "tpu.region"() ({
      %run_scoped3A_74 = tpu.sem_alloc : memref<!tpu.dma_semaphore, #tpu.memory_space<semaphore_mem>>
      %dma_start3A_75 = arith.constant 0 : i32
      %dma_start3A_76 = tpu.memref_slice %arg7[%run_scoped3A_68, %dma_start3A_75] : memref<125x80xi32, #tpu.memory_space<vmem>> -> memref<1x80xi32, #tpu.memory_space<vmem>>
      %dma_start3A_77 = tpu.memref_squeeze %dma_start3A_76 : memref<1x80xi32, #tpu.memory_space<vmem>> -> memref<80xi32, #tpu.memory_space<vmem>>
      %dma_start3A_78 = arith.constant 0 : i32
      %dma_start3A_79 = arith.constant 0 : i32
      %dma_start3A_80 = tpu.memref_slice %arg11[%dma_start3A_78, %dma_start3A_79] : memref<10000x128xf32, #tpu.memory_space<vmem_shared>> -> memref<10000x128xf32, #tpu.memory_space<vmem_shared>>
      tpu.enqueue_indirect_dma source(%arg9 : memref<80x128xf32, #tpu.memory_space<vmem>>) target(%dma_start3A_80 : memref<10000x128xf32, #tpu.memory_space<vmem_shared>>) offsets(%dma_start3A_77 : memref<80xi32, #tpu.memory_space<vmem>>) semaphore(%run_scoped3A_74 : memref<!tpu.dma_semaphore, #tpu.memory_space<semaphore_mem>>) {add = true}
      %dma_wait3A_81 = arith.constant 0 : i32
      %dma_wait3A_82 = tpu.memref_slice %arg7[%run_scoped3A_68, %dma_wait3A_81] : memref<125x80xi32, #tpu.memory_space<vmem>> -> memref<1x80xi32, #tpu.memory_space<vmem>>
      %dma_wait3A_83 = tpu.memref_squeeze %dma_wait3A_82 : memref<1x80xi32, #tpu.memory_space<vmem>> -> memref<80xi32, #tpu.memory_space<vmem>>
      %dma_wait3A_84 = arith.constant 0 : i32
      %dma_wait3A_85 = arith.constant 0 : i32
      %dma_wait3A_86 = tpu.memref_slice %arg11[%dma_wait3A_84, %dma_wait3A_85] : memref<10000x128xf32, #tpu.memory_space<vmem_shared>> -> memref<10000x128xf32, #tpu.memory_space<vmem_shared>>
      tpu.wait_indirect_dma semaphore(%run_scoped3A_74 : memref<!tpu.dma_semaphore, #tpu.memory_space<semaphore_mem>>) src(%arg9 : memref<80x128xf32, #tpu.memory_space<vmem>>) dst(%dma_wait3A_86 : memref<10000x128xf32, #tpu.memory_space<vmem_shared>>)
      tpu.yield
    }) : () -> ()
    %barrier3A_69 = arith.constant 0 : index
    tpu.barrier barrier_id(%barrier3A_69)
    %mul3A_70 = arith.constant 625 : i32
    %mul3A_71 = arith.muli %arg1, %mul3A_70 : i32
    %mul3A_72 = arith.constant 625 : i32
    %mul3A_73 = arith.muli %arg1, %mul3A_72 : i32
    "tpu.region"() ({
      %run_scoped3A_74 = tpu.sem_alloc : memref<!tpu.dma_semaphore, #tpu.memory_space<semaphore_mem>>
      %dma_start3A_75 = arith.constant 0 : i32
      %dma_start3A_76 = tpu.memref_slice %arg5[%arg0, %mul3A_73, %dma_start3A_75] : memref<2x10000x128xf32, #tpu.memory_space<hbm>> -> memref<1x625x128xf32, #tpu.memory_space<hbm>>
      %dma_start3A_77 = tpu.memref_squeeze %dma_start3A_76 : memref<1x625x128xf32, #tpu.memory_space<hbm>> -> memref<625x128xf32, #tpu.memory_space<hbm>>
      %dma_start3A_78 = arith.constant 0 : i32
      %dma_start3A_79 = tpu.memref_slice %arg11[%mul3A_71, %dma_start3A_78] : memref<10000x128xf32, #tpu.memory_space<vmem_shared>> -> memref<625x128xf32, #tpu.memory_space<vmem_shared>>
      tpu.enqueue_dma source(%dma_start3A_79 : memref<625x128xf32, #tpu.memory_space<vmem_shared>>) target(%dma_start3A_77 : memref<625x128xf32, #tpu.memory_space<hbm>>) target_semaphore(%run_scoped3A_74 : memref<!tpu.dma_semaphore, #tpu.memory_space<semaphore_mem>>)
      %dma_wait3A_80 = arith.constant 0 : i32
      %dma_wait3A_81 = tpu.memref_slice %arg5[%arg0, %mul3A_73, %dma_wait3A_80] : memref<2x10000x128xf32, #tpu.memory_space<hbm>> -> memref<1x625x128xf32, #tpu.memory_space<hbm>>
      %dma_wait3A_82 = tpu.memref_squeeze %dma_wait3A_81 : memref<1x625x128xf32, #tpu.memory_space<hbm>> -> memref<625x128xf32, #tpu.memory_space<hbm>>
      %dma_wait3A_83 = arith.constant 0 : i32
      %dma_wait3A_84 = tpu.memref_slice %arg11[%mul3A_71, %dma_wait3A_83] : memref<10000x128xf32, #tpu.memory_space<vmem_shared>> -> memref<625x128xf32, #tpu.memory_space<vmem_shared>>
      tpu.wait_dma2 semaphore(%run_scoped3A_74 : memref<!tpu.dma_semaphore, #tpu.memory_space<semaphore_mem>>) src(%dma_wait3A_84 : memref<625x128xf32, #tpu.memory_space<vmem_shared>>) dst(%dma_wait3A_82 : memref<625x128xf32, #tpu.memory_space<hbm>>)
      tpu.yield
    }) : () -> ()
    return
  }
}

#map = affine_map<(d0, d1) -> (0, 0, 0)>
#map1 = affine_map<(d0, d1) -> (0, 0, 0, 0)>
module attributes {stable_mosaic.version = 14 : i64} {
  func.func @body(%arg0: i32, %arg1: i32, %arg2: memref<32x125x80xi32, #tpu.memory_space<hbm>>, %arg3: memref<32x125x80xi32, #tpu.memory_space<hbm>>, %arg4: memref<2x2x10000x16xf32, #tpu.memory_space<hbm>>, %arg5: memref<125x80xi32, #tpu.memory_space<vmem>>, %arg6: memref<125x80xi32, #tpu.memory_space<vmem>>, %arg7: memref<80x16xf32, #tpu.memory_space<vmem>>, %arg8: memref<625x16xf32, #tpu.memory_space<vmem>>, %arg9: memref<10000x16xf32, #tpu.memory_space<vmem_shared>>, %arg10: memref<10000x16xf32, #tpu.memory_space<vmem_shared>>, %arg11: memref<!tpu.dma_semaphore, #tpu.memory_space<semaphore_mem>>, %arg12: memref<!tpu.dma_semaphore, #tpu.memory_space<semaphore_mem>>) attributes {dimension_semantics = [#tpu.dimension_semantics<core_parallel>, #tpu.dimension_semantics<subcore_parallel>], iteration_bounds = array<i64: 2, 16>, scalar_prefetch = 0 : i64, scratch_operands = 8 : i64, tpu.core_type = #tpu.core_type<sc_vector_subcore>, window_params = [{transform_indices = #map}, {transform_indices = #map}, {transform_indices = #map1}]} {
    %mul3A = arith.constant 16 : i32
    %mul3A_0 = arith.muli %arg0, %mul3A : i32
    %add3A = arith.addi %mul3A_0, %arg1 : i32
    %scan3A = arith.constant 0 : i32
    %scan3A_1 = arith.constant 0 : i32
    %scan3A_2 = arith.constant 80 : i32
    %scan3A_3 = arith.addi %scan3A_1, %scan3A_2 : i32
    %scan3A_4 = arith.constant 1 : i32
    scf.for %scan3A_32 = %scan3A_1 to %scan3A_3 step %scan3A_4  : i32 {
      %broadcast_in_dim3A = arith.constant 1.000000e+00 : f32
      %broadcast_in_dim3A_33 = vector.broadcast %broadcast_in_dim3A : f32 to vector<16xf32>
      %swap3A = arith.index_cast %scan3A_32 : i32 to index
      %swap3A_34 = arith.constant 0 : index
      %swap3A_35 = tpu.vector_load %arg7[%swap3A, %swap3A_34] {strides = array<i32>} : memref<80x16xf32, #tpu.memory_space<vmem>>, vector<1x16xf32>,
      %swap3A_36 = vector.shape_cast %swap3A_35 : vector<1x16xf32> to vector<16xf32>
      %swap3A_37 = vector.shape_cast %broadcast_in_dim3A_33 : vector<16xf32> to vector<1x16xf32>
      tpu.vector_store %arg7[%swap3A, %swap3A_34], %swap3A_37 {strides = array<i32>} : memref<80x16xf32, #tpu.memory_space<vmem>>, vector<1x16xf32>,
    }
    %scan3A_5 = arith.constant 80 : i32
    %scan3A_6 = arith.constant 0 : i32
    %scan3A_7 = arith.constant 0 : i32
    %scan3A_8 = arith.constant 625 : i32
    %scan3A_9 = arith.addi %scan3A_7, %scan3A_8 : i32
    %scan3A_10 = arith.constant 1 : i32
    scf.for %scan3A_32 = %scan3A_7 to %scan3A_9 step %scan3A_10  : i32 {
      %broadcast_in_dim3A = arith.constant 0.000000e+00 : f32
      %broadcast_in_dim3A_33 = vector.broadcast %broadcast_in_dim3A : f32 to vector<16xf32>
      %swap3A = arith.index_cast %scan3A_32 : i32 to index
      %swap3A_34 = arith.constant 0 : index
      %swap3A_35 = tpu.vector_load %arg8[%swap3A, %swap3A_34] {strides = array<i32>} : memref<625x16xf32, #tpu.memory_space<vmem>>, vector<1x16xf32>,
      %swap3A_36 = vector.shape_cast %swap3A_35 : vector<1x16xf32> to vector<16xf32>
      %swap3A_37 = vector.shape_cast %broadcast_in_dim3A_33 : vector<16xf32> to vector<1x16xf32>
      tpu.vector_store %arg8[%swap3A, %swap3A_34], %swap3A_37 {strides = array<i32>} : memref<625x16xf32, #tpu.memory_space<vmem>>, vector<1x16xf32>,
    }
    %scan3A_11 = arith.constant 625 : i32
    %mul3A_12 = arith.constant 625 : i32
    %mul3A_13 = arith.muli %arg1, %mul3A_12 : i32
    "tpu.region"() ({
      %run_scoped3A_32 = tpu.sem_alloc : memref<!tpu.dma_semaphore, #tpu.memory_space<semaphore_mem>>
      %dma_start3A = arith.constant 0 : i32
      %dma_start3A_33 = tpu.memref_slice %arg9[%mul3A_13, %dma_start3A] : memref<10000x16xf32, #tpu.memory_space<vmem_shared>> -> memref<625x16xf32, #tpu.memory_space<vmem_shared>>
      %dma_start3A_34 = arith.constant 0 : i32
      %dma_start3A_35 = tpu.memref_slice %arg9[%mul3A_13, %dma_start3A_34] : memref<10000x16xf32, #tpu.memory_space<vmem_shared>> -> memref<625x16xf32, #tpu.memory_space<vmem_shared>>
      tpu.enqueue_dma source(%arg8 : memref<625x16xf32, #tpu.memory_space<vmem>>) target(%dma_start3A_35 : memref<625x16xf32, #tpu.memory_space<vmem_shared>>) target_semaphore(%run_scoped3A_32 : memref<!tpu.dma_semaphore, #tpu.memory_space<semaphore_mem>>)
      %dma_wait3A = arith.constant 0 : i32
      %dma_wait3A_36 = tpu.memref_slice %arg9[%mul3A_13, %dma_wait3A] : memref<10000x16xf32, #tpu.memory_space<vmem_shared>> -> memref<625x16xf32, #tpu.memory_space<vmem_shared>>
      %dma_wait3A_37 = arith.constant 0 : i32
      %dma_wait3A_38 = tpu.memref_slice %arg9[%mul3A_13, %dma_wait3A_37] : memref<10000x16xf32, #tpu.memory_space<vmem_shared>> -> memref<625x16xf32, #tpu.memory_space<vmem_shared>>
      tpu.wait_dma2 semaphore(%run_scoped3A_32 : memref<!tpu.dma_semaphore, #tpu.memory_space<semaphore_mem>>) src(%arg8 : memref<625x16xf32, #tpu.memory_space<vmem>>) dst(%dma_wait3A_38 : memref<625x16xf32, #tpu.memory_space<vmem_shared>>)
      tpu.yield
    }) : () -> ()
    %mul3A_14 = arith.constant 625 : i32
    %mul3A_15 = arith.muli %arg1, %mul3A_14 : i32
    "tpu.region"() ({
      %run_scoped3A_32 = tpu.sem_alloc : memref<!tpu.dma_semaphore, #tpu.memory_space<semaphore_mem>>
      %dma_start3A = arith.constant 0 : i32
      %dma_start3A_33 = tpu.memref_slice %arg10[%mul3A_15, %dma_start3A] : memref<10000x16xf32, #tpu.memory_space<vmem_shared>> -> memref<625x16xf32, #tpu.memory_space<vmem_shared>>
      %dma_start3A_34 = arith.constant 0 : i32
      %dma_start3A_35 = tpu.memref_slice %arg10[%mul3A_15, %dma_start3A_34] : memref<10000x16xf32, #tpu.memory_space<vmem_shared>> -> memref<625x16xf32, #tpu.memory_space<vmem_shared>>
      tpu.enqueue_dma source(%arg8 : memref<625x16xf32, #tpu.memory_space<vmem>>) target(%dma_start3A_35 : memref<625x16xf32, #tpu.memory_space<vmem_shared>>) target_semaphore(%run_scoped3A_32 : memref<!tpu.dma_semaphore, #tpu.memory_space<semaphore_mem>>)
      %dma_wait3A = arith.constant 0 : i32
      %dma_wait3A_36 = tpu.memref_slice %arg10[%mul3A_15, %dma_wait3A] : memref<10000x16xf32, #tpu.memory_space<vmem_shared>> -> memref<625x16xf32, #tpu.memory_space<vmem_shared>>
      %dma_wait3A_37 = arith.constant 0 : i32
      %dma_wait3A_38 = tpu.memref_slice %arg10[%mul3A_15, %dma_wait3A_37] : memref<10000x16xf32, #tpu.memory_space<vmem_shared>> -> memref<625x16xf32, #tpu.memory_space<vmem_shared>>
      tpu.wait_dma2 semaphore(%run_scoped3A_32 : memref<!tpu.dma_semaphore, #tpu.memory_space<semaphore_mem>>) src(%arg8 : memref<625x16xf32, #tpu.memory_space<vmem>>) dst(%dma_wait3A_38 : memref<625x16xf32, #tpu.memory_space<vmem_shared>>)
      tpu.yield
    }) : () -> ()
    %barrier3A = arith.constant 0 : index
    tpu.barrier barrier_id(%barrier3A)
    "tpu.region"() ({
      %run_scoped3A_32 = tpu.sem_alloc : memref<!tpu.dma_semaphore, #tpu.memory_space<semaphore_mem>>
      %dma_start3A = arith.constant 0 : i32
      %dma_start3A_33 = arith.constant 0 : i32
      %dma_start3A_34 = tpu.memref_slice %arg2[%add3A, %dma_start3A, %dma_start3A_33] : memref<32x125x80xi32, #tpu.memory_space<hbm>> -> memref<1x125x80xi32, #tpu.memory_space<hbm>>
      %dma_start3A_35 = tpu.memref_squeeze %dma_start3A_34 : memref<1x125x80xi32, #tpu.memory_space<hbm>> -> memref<125x80xi32, #tpu.memory_space<hbm>>
      %dma_start3A_36 = arith.constant 0 : i32
      %dma_start3A_37 = arith.constant 0 : i32
      %dma_start3A_38 = tpu.memref_slice %arg2[%add3A, %dma_start3A_36, %dma_start3A_37] : memref<32x125x80xi32, #tpu.memory_space<hbm>> -> memref<1x125x80xi32, #tpu.memory_space<hbm>>
      %dma_start3A_39 = tpu.memref_squeeze %dma_start3A_38 : memref<1x125x80xi32, #tpu.memory_space<hbm>> -> memref<125x80xi32, #tpu.memory_space<hbm>>
      tpu.enqueue_dma source(%dma_start3A_39 : memref<125x80xi32, #tpu.memory_space<hbm>>) target(%arg5 : memref<125x80xi32, #tpu.memory_space<vmem>>) target_semaphore(%run_scoped3A_32 : memref<!tpu.dma_semaphore, #tpu.memory_space<semaphore_mem>>)
      %dma_wait3A = arith.constant 0 : i32
      %dma_wait3A_40 = arith.constant 0 : i32
      %dma_wait3A_41 = tpu.memref_slice %arg2[%add3A, %dma_wait3A, %dma_wait3A_40] : memref<32x125x80xi32, #tpu.memory_space<hbm>> -> memref<1x125x80xi32, #tpu.memory_space<hbm>>
      %dma_wait3A_42 = tpu.memref_squeeze %dma_wait3A_41 : memref<1x125x80xi32, #tpu.memory_space<hbm>> -> memref<125x80xi32, #tpu.memory_space<hbm>>
      %dma_wait3A_43 = arith.constant 0 : i32
      %dma_wait3A_44 = arith.constant 0 : i32
      %dma_wait3A_45 = tpu.memref_slice %arg2[%add3A, %dma_wait3A_43, %dma_wait3A_44] : memref<32x125x80xi32, #tpu.memory_space<hbm>> -> memref<1x125x80xi32, #tpu.memory_space<hbm>>
      %dma_wait3A_46 = tpu.memref_squeeze %dma_wait3A_45 : memref<1x125x80xi32, #tpu.memory_space<hbm>> -> memref<125x80xi32, #tpu.memory_space<hbm>>
      tpu.wait_dma2 semaphore(%run_scoped3A_32 : memref<!tpu.dma_semaphore, #tpu.memory_space<semaphore_mem>>) src(%dma_wait3A_46 : memref<125x80xi32, #tpu.memory_space<hbm>>) dst(%arg5 : memref<125x80xi32, #tpu.memory_space<vmem>>)
      tpu.yield
    }) : () -> ()
    "tpu.region"() ({
      %run_scoped3A_32 = tpu.sem_alloc : memref<!tpu.dma_semaphore, #tpu.memory_space<semaphore_mem>>
      %dma_start3A = arith.constant 0 : i32
      %dma_start3A_33 = arith.constant 0 : i32
      %dma_start3A_34 = tpu.memref_slice %arg3[%add3A, %dma_start3A, %dma_start3A_33] : memref<32x125x80xi32, #tpu.memory_space<hbm>> -> memref<1x125x80xi32, #tpu.memory_space<hbm>>
      %dma_start3A_35 = tpu.memref_squeeze %dma_start3A_34 : memref<1x125x80xi32, #tpu.memory_space<hbm>> -> memref<125x80xi32, #tpu.memory_space<hbm>>
      %dma_start3A_36 = arith.constant 0 : i32
      %dma_start3A_37 = arith.constant 0 : i32
      %dma_start3A_38 = tpu.memref_slice %arg3[%add3A, %dma_start3A_36, %dma_start3A_37] : memref<32x125x80xi32, #tpu.memory_space<hbm>> -> memref<1x125x80xi32, #tpu.memory_space<hbm>>
      %dma_start3A_39 = tpu.memref_squeeze %dma_start3A_38 : memref<1x125x80xi32, #tpu.memory_space<hbm>> -> memref<125x80xi32, #tpu.memory_space<hbm>>
      tpu.enqueue_dma source(%dma_start3A_39 : memref<125x80xi32, #tpu.memory_space<hbm>>) target(%arg6 : memref<125x80xi32, #tpu.memory_space<vmem>>) target_semaphore(%run_scoped3A_32 : memref<!tpu.dma_semaphore, #tpu.memory_space<semaphore_mem>>)
      %dma_wait3A = arith.constant 0 : i32
      %dma_wait3A_40 = arith.constant 0 : i32
      %dma_wait3A_41 = tpu.memref_slice %arg3[%add3A, %dma_wait3A, %dma_wait3A_40] : memref<32x125x80xi32, #tpu.memory_space<hbm>> -> memref<1x125x80xi32, #tpu.memory_space<hbm>>
      %dma_wait3A_42 = tpu.memref_squeeze %dma_wait3A_41 : memref<1x125x80xi32, #tpu.memory_space<hbm>> -> memref<125x80xi32, #tpu.memory_space<hbm>>
      %dma_wait3A_43 = arith.constant 0 : i32
      %dma_wait3A_44 = arith.constant 0 : i32
      %dma_wait3A_45 = tpu.memref_slice %arg3[%add3A, %dma_wait3A_43, %dma_wait3A_44] : memref<32x125x80xi32, #tpu.memory_space<hbm>> -> memref<1x125x80xi32, #tpu.memory_space<hbm>>
      %dma_wait3A_46 = tpu.memref_squeeze %dma_wait3A_45 : memref<1x125x80xi32, #tpu.memory_space<hbm>> -> memref<125x80xi32, #tpu.memory_space<hbm>>
      tpu.wait_dma2 semaphore(%run_scoped3A_32 : memref<!tpu.dma_semaphore, #tpu.memory_space<semaphore_mem>>) src(%dma_wait3A_46 : memref<125x80xi32, #tpu.memory_space<hbm>>) dst(%arg6 : memref<125x80xi32, #tpu.memory_space<vmem>>)
      tpu.yield
    }) : () -> ()
    %scan3A_16 = arith.constant 0 : i32
    %scan3A_17 = arith.constant 0 : i32
    %scan3A_18 = arith.constant 25 : i32
    %scan3A_19 = arith.addi %scan3A_17, %scan3A_18 : i32
    %scan3A_20 = arith.constant 1 : i32
    scf.for %scan3A_32 = %scan3A_17 to %scan3A_19 step %scan3A_20  : i32 {
      %mul3A_33 = arith.constant 5 : i32
      %mul3A_34 = arith.muli %scan3A_32, %mul3A_33 : i32
      %add3A_35 = arith.constant 0 : i32
      %add3A_36 = arith.addi %mul3A_34, %add3A_35 : i32
      %dma_start3A = arith.constant 0 : i32
      %dma_start3A_37 = tpu.memref_slice %arg5[%add3A_36, %dma_start3A] : memref<125x80xi32, #tpu.memory_space<vmem>> -> memref<1x80xi32, #tpu.memory_space<vmem>>
      %dma_start3A_38 = tpu.memref_squeeze %dma_start3A_37 : memref<1x80xi32, #tpu.memory_space<vmem>> -> memref<80xi32, #tpu.memory_space<vmem>>
      %dma_start3A_39 = arith.constant 0 : i32
      %dma_start3A_40 = arith.constant 0 : i32
      %dma_start3A_41 = tpu.memref_slice %arg9[%dma_start3A_39, %dma_start3A_40] : memref<10000x16xf32, #tpu.memory_space<vmem_shared>> -> memref<10000x16xf32, #tpu.memory_space<vmem_shared>>
      tpu.enqueue_indirect_dma source(%arg7 : memref<80x16xf32, #tpu.memory_space<vmem>>) target(%dma_start3A_41 : memref<10000x16xf32, #tpu.memory_space<vmem_shared>>) offsets(%dma_start3A_38 : memref<80xi32, #tpu.memory_space<vmem>>) semaphore(%arg11 : memref<!tpu.dma_semaphore, #tpu.memory_space<semaphore_mem>>) {add = true}
      %dma_start3A_42 = arith.constant 0 : i32
      %dma_start3A_43 = tpu.memref_slice %arg6[%add3A_36, %dma_start3A_42] : memref<125x80xi32, #tpu.memory_space<vmem>> -> memref<1x80xi32, #tpu.memory_space<vmem>>
      %dma_start3A_44 = tpu.memref_squeeze %dma_start3A_43 : memref<1x80xi32, #tpu.memory_space<vmem>> -> memref<80xi32, #tpu.memory_space<vmem>>
      %dma_start3A_45 = arith.constant 0 : i32
      %dma_start3A_46 = arith.constant 0 : i32
      %dma_start3A_47 = tpu.memref_slice %arg10[%dma_start3A_45, %dma_start3A_46] : memref<10000x16xf32, #tpu.memory_space<vmem_shared>> -> memref<10000x16xf32, #tpu.memory_space<vmem_shared>>
      tpu.enqueue_indirect_dma source(%arg7 : memref<80x16xf32, #tpu.memory_space<vmem>>) target(%dma_start3A_47 : memref<10000x16xf32, #tpu.memory_space<vmem_shared>>) offsets(%dma_start3A_44 : memref<80xi32, #tpu.memory_space<vmem>>) semaphore(%arg12 : memref<!tpu.dma_semaphore, #tpu.memory_space<semaphore_mem>>) {add = true}
      %mul3A_48 = arith.constant 5 : i32
      %mul3A_49 = arith.muli %scan3A_32, %mul3A_48 : i32
      %add3A_50 = arith.constant 1 : i32
      %add3A_51 = arith.addi %mul3A_49, %add3A_50 : i32
      %dma_start3A_52 = arith.constant 0 : i32
      %dma_start3A_53 = tpu.memref_slice %arg5[%add3A_51, %dma_start3A_52] : memref<125x80xi32, #tpu.memory_space<vmem>> -> memref<1x80xi32, #tpu.memory_space<vmem>>
      %dma_start3A_54 = tpu.memref_squeeze %dma_start3A_53 : memref<1x80xi32, #tpu.memory_space<vmem>> -> memref<80xi32, #tpu.memory_space<vmem>>
      %dma_start3A_55 = arith.constant 0 : i32
      %dma_start3A_56 = arith.constant 0 : i32
      %dma_start3A_57 = tpu.memref_slice %arg9[%dma_start3A_55, %dma_start3A_56] : memref<10000x16xf32, #tpu.memory_space<vmem_shared>> -> memref<10000x16xf32, #tpu.memory_space<vmem_shared>>
      tpu.enqueue_indirect_dma source(%arg7 : memref<80x16xf32, #tpu.memory_space<vmem>>) target(%dma_start3A_57 : memref<10000x16xf32, #tpu.memory_space<vmem_shared>>) offsets(%dma_start3A_54 : memref<80xi32, #tpu.memory_space<vmem>>) semaphore(%arg11 : memref<!tpu.dma_semaphore, #tpu.memory_space<semaphore_mem>>) {add = true}
      %dma_start3A_58 = arith.constant 0 : i32
      %dma_start3A_59 = tpu.memref_slice %arg6[%add3A_51, %dma_start3A_58] : memref<125x80xi32, #tpu.memory_space<vmem>> -> memref<1x80xi32, #tpu.memory_space<vmem>>
      %dma_start3A_60 = tpu.memref_squeeze %dma_start3A_59 : memref<1x80xi32, #tpu.memory_space<vmem>> -> memref<80xi32, #tpu.memory_space<vmem>>
      %dma_start3A_61 = arith.constant 0 : i32
      %dma_start3A_62 = arith.constant 0 : i32
      %dma_start3A_63 = tpu.memref_slice %arg10[%dma_start3A_61, %dma_start3A_62] : memref<10000x16xf32, #tpu.memory_space<vmem_shared>> -> memref<10000x16xf32, #tpu.memory_space<vmem_shared>>
      tpu.enqueue_indirect_dma source(%arg7 : memref<80x16xf32, #tpu.memory_space<vmem>>) target(%dma_start3A_63 : memref<10000x16xf32, #tpu.memory_space<vmem_shared>>) offsets(%dma_start3A_60 : memref<80xi32, #tpu.memory_space<vmem>>) semaphore(%arg12 : memref<!tpu.dma_semaphore, #tpu.memory_space<semaphore_mem>>) {add = true}
      %mul3A_64 = arith.constant 5 : i32
      %mul3A_65 = arith.muli %scan3A_32, %mul3A_64 : i32
      %add3A_66 = arith.constant 2 : i32
      %add3A_67 = arith.addi %mul3A_65, %add3A_66 : i32
      %dma_start3A_68 = arith.constant 0 : i32
      %dma_start3A_69 = tpu.memref_slice %arg5[%add3A_67, %dma_start3A_68] : memref<125x80xi32, #tpu.memory_space<vmem>> -> memref<1x80xi32, #tpu.memory_space<vmem>>
      %dma_start3A_70 = tpu.memref_squeeze %dma_start3A_69 : memref<1x80xi32, #tpu.memory_space<vmem>> -> memref<80xi32, #tpu.memory_space<vmem>>
      %dma_start3A_71 = arith.constant 0 : i32
      %dma_start3A_72 = arith.constant 0 : i32
      %dma_start3A_73 = tpu.memref_slice %arg9[%dma_start3A_71, %dma_start3A_72] : memref<10000x16xf32, #tpu.memory_space<vmem_shared>> -> memref<10000x16xf32, #tpu.memory_space<vmem_shared>>
      tpu.enqueue_indirect_dma source(%arg7 : memref<80x16xf32, #tpu.memory_space<vmem>>) target(%dma_start3A_73 : memref<10000x16xf32, #tpu.memory_space<vmem_shared>>) offsets(%dma_start3A_70 : memref<80xi32, #tpu.memory_space<vmem>>) semaphore(%arg11 : memref<!tpu.dma_semaphore, #tpu.memory_space<semaphore_mem>>) {add = true}
      %dma_start3A_74 = arith.constant 0 : i32
      %dma_start3A_75 = tpu.memref_slice %arg6[%add3A_67, %dma_start3A_74] : memref<125x80xi32, #tpu.memory_space<vmem>> -> memref<1x80xi32, #tpu.memory_space<vmem>>
      %dma_start3A_76 = tpu.memref_squeeze %dma_start3A_75 : memref<1x80xi32, #tpu.memory_space<vmem>> -> memref<80xi32, #tpu.memory_space<vmem>>
      %dma_start3A_77 = arith.constant 0 : i32
      %dma_start3A_78 = arith.constant 0 : i32
      %dma_start3A_79 = tpu.memref_slice %arg10[%dma_start3A_77, %dma_start3A_78] : memref<10000x16xf32, #tpu.memory_space<vmem_shared>> -> memref<10000x16xf32, #tpu.memory_space<vmem_shared>>
      tpu.enqueue_indirect_dma source(%arg7 : memref<80x16xf32, #tpu.memory_space<vmem>>) target(%dma_start3A_79 : memref<10000x16xf32, #tpu.memory_space<vmem_shared>>) offsets(%dma_start3A_76 : memref<80xi32, #tpu.memory_space<vmem>>) semaphore(%arg12 : memref<!tpu.dma_semaphore, #tpu.memory_space<semaphore_mem>>) {add = true}
      %mul3A_80 = arith.constant 5 : i32
      %mul3A_81 = arith.muli %scan3A_32, %mul3A_80 : i32
      %add3A_82 = arith.constant 3 : i32
      %add3A_83 = arith.addi %mul3A_81, %add3A_82 : i32
      %dma_start3A_84 = arith.constant 0 : i32
      %dma_start3A_85 = tpu.memref_slice %arg5[%add3A_83, %dma_start3A_84] : memref<125x80xi32, #tpu.memory_space<vmem>> -> memref<1x80xi32, #tpu.memory_space<vmem>>
      %dma_start3A_86 = tpu.memref_squeeze %dma_start3A_85 : memref<1x80xi32, #tpu.memory_space<vmem>> -> memref<80xi32, #tpu.memory_space<vmem>>
      %dma_start3A_87 = arith.constant 0 : i32
      %dma_start3A_88 = arith.constant 0 : i32
      %dma_start3A_89 = tpu.memref_slice %arg9[%dma_start3A_87, %dma_start3A_88] : memref<10000x16xf32, #tpu.memory_space<vmem_shared>> -> memref<10000x16xf32, #tpu.memory_space<vmem_shared>>
      tpu.enqueue_indirect_dma source(%arg7 : memref<80x16xf32, #tpu.memory_space<vmem>>) target(%dma_start3A_89 : memref<10000x16xf32, #tpu.memory_space<vmem_shared>>) offsets(%dma_start3A_86 : memref<80xi32, #tpu.memory_space<vmem>>) semaphore(%arg11 : memref<!tpu.dma_semaphore, #tpu.memory_space<semaphore_mem>>) {add = true}
      %dma_start3A_90 = arith.constant 0 : i32
      %dma_start3A_91 = tpu.memref_slice %arg6[%add3A_83, %dma_start3A_90] : memref<125x80xi32, #tpu.memory_space<vmem>> -> memref<1x80xi32, #tpu.memory_space<vmem>>
      %dma_start3A_92 = tpu.memref_squeeze %dma_start3A_91 : memref<1x80xi32, #tpu.memory_space<vmem>> -> memref<80xi32, #tpu.memory_space<vmem>>
      %dma_start3A_93 = arith.constant 0 : i32
      %dma_start3A_94 = arith.constant 0 : i32
      %dma_start3A_95 = tpu.memref_slice %arg10[%dma_start3A_93, %dma_start3A_94] : memref<10000x16xf32, #tpu.memory_space<vmem_shared>> -> memref<10000x16xf32, #tpu.memory_space<vmem_shared>>
      tpu.enqueue_indirect_dma source(%arg7 : memref<80x16xf32, #tpu.memory_space<vmem>>) target(%dma_start3A_95 : memref<10000x16xf32, #tpu.memory_space<vmem_shared>>) offsets(%dma_start3A_92 : memref<80xi32, #tpu.memory_space<vmem>>) semaphore(%arg12 : memref<!tpu.dma_semaphore, #tpu.memory_space<semaphore_mem>>) {add = true}
      %mul3A_96 = arith.constant 5 : i32
      %mul3A_97 = arith.muli %scan3A_32, %mul3A_96 : i32
      %add3A_98 = arith.constant 4 : i32
      %add3A_99 = arith.addi %mul3A_97, %add3A_98 : i32
      %dma_start3A_100 = arith.constant 0 : i32
      %dma_start3A_101 = tpu.memref_slice %arg5[%add3A_99, %dma_start3A_100] : memref<125x80xi32, #tpu.memory_space<vmem>> -> memref<1x80xi32, #tpu.memory_space<vmem>>
      %dma_start3A_102 = tpu.memref_squeeze %dma_start3A_101 : memref<1x80xi32, #tpu.memory_space<vmem>> -> memref<80xi32, #tpu.memory_space<vmem>>
      %dma_start3A_103 = arith.constant 0 : i32
      %dma_start3A_104 = arith.constant 0 : i32
      %dma_start3A_105 = tpu.memref_slice %arg9[%dma_start3A_103, %dma_start3A_104] : memref<10000x16xf32, #tpu.memory_space<vmem_shared>> -> memref<10000x16xf32, #tpu.memory_space<vmem_shared>>
      tpu.enqueue_indirect_dma source(%arg7 : memref<80x16xf32, #tpu.memory_space<vmem>>) target(%dma_start3A_105 : memref<10000x16xf32, #tpu.memory_space<vmem_shared>>) offsets(%dma_start3A_102 : memref<80xi32, #tpu.memory_space<vmem>>) semaphore(%arg11 : memref<!tpu.dma_semaphore, #tpu.memory_space<semaphore_mem>>) {add = true}
      %dma_start3A_106 = arith.constant 0 : i32
      %dma_start3A_107 = tpu.memref_slice %arg6[%add3A_99, %dma_start3A_106] : memref<125x80xi32, #tpu.memory_space<vmem>> -> memref<1x80xi32, #tpu.memory_space<vmem>>
      %dma_start3A_108 = tpu.memref_squeeze %dma_start3A_107 : memref<1x80xi32, #tpu.memory_space<vmem>> -> memref<80xi32, #tpu.memory_space<vmem>>
      %dma_start3A_109 = arith.constant 0 : i32
      %dma_start3A_110 = arith.constant 0 : i32
      %dma_start3A_111 = tpu.memref_slice %arg10[%dma_start3A_109, %dma_start3A_110] : memref<10000x16xf32, #tpu.memory_space<vmem_shared>> -> memref<10000x16xf32, #tpu.memory_space<vmem_shared>>
      tpu.enqueue_indirect_dma source(%arg7 : memref<80x16xf32, #tpu.memory_space<vmem>>) target(%dma_start3A_111 : memref<10000x16xf32, #tpu.memory_space<vmem_shared>>) offsets(%dma_start3A_108 : memref<80xi32, #tpu.memory_space<vmem>>) semaphore(%arg12 : memref<!tpu.dma_semaphore, #tpu.memory_space<semaphore_mem>>) {add = true}
      %dma_wait3A = arith.constant 0 : i32
      %dma_wait3A_112 = tpu.memref_slice %arg5[%add3A_36, %dma_wait3A] : memref<125x80xi32, #tpu.memory_space<vmem>> -> memref<1x80xi32, #tpu.memory_space<vmem>>
      %dma_wait3A_113 = tpu.memref_squeeze %dma_wait3A_112 : memref<1x80xi32, #tpu.memory_space<vmem>> -> memref<80xi32, #tpu.memory_space<vmem>>
      %dma_wait3A_114 = arith.constant 0 : i32
      %dma_wait3A_115 = arith.constant 0 : i32
      %dma_wait3A_116 = tpu.memref_slice %arg9[%dma_wait3A_114, %dma_wait3A_115] : memref<10000x16xf32, #tpu.memory_space<vmem_shared>> -> memref<10000x16xf32, #tpu.memory_space<vmem_shared>>
      tpu.wait_indirect_dma semaphore(%arg11 : memref<!tpu.dma_semaphore, #tpu.memory_space<semaphore_mem>>) src(%arg7 : memref<80x16xf32, #tpu.memory_space<vmem>>) dst(%dma_wait3A_116 : memref<10000x16xf32, #tpu.memory_space<vmem_shared>>)
      %dma_wait3A_117 = arith.constant 0 : i32
      %dma_wait3A_118 = tpu.memref_slice %arg6[%add3A_36, %dma_wait3A_117] : memref<125x80xi32, #tpu.memory_space<vmem>> -> memref<1x80xi32, #tpu.memory_space<vmem>>
      %dma_wait3A_119 = tpu.memref_squeeze %dma_wait3A_118 : memref<1x80xi32, #tpu.memory_space<vmem>> -> memref<80xi32, #tpu.memory_space<vmem>>
      %dma_wait3A_120 = arith.constant 0 : i32
      %dma_wait3A_121 = arith.constant 0 : i32
      %dma_wait3A_122 = tpu.memref_slice %arg10[%dma_wait3A_120, %dma_wait3A_121] : memref<10000x16xf32, #tpu.memory_space<vmem_shared>> -> memref<10000x16xf32, #tpu.memory_space<vmem_shared>>
      tpu.wait_indirect_dma semaphore(%arg12 : memref<!tpu.dma_semaphore, #tpu.memory_space<semaphore_mem>>) src(%arg7 : memref<80x16xf32, #tpu.memory_space<vmem>>) dst(%dma_wait3A_122 : memref<10000x16xf32, #tpu.memory_space<vmem_shared>>)
      %dma_wait3A_123 = arith.constant 0 : i32
      %dma_wait3A_124 = tpu.memref_slice %arg5[%add3A_51, %dma_wait3A_123] : memref<125x80xi32, #tpu.memory_space<vmem>> -> memref<1x80xi32, #tpu.memory_space<vmem>>
      %dma_wait3A_125 = tpu.memref_squeeze %dma_wait3A_124 : memref<1x80xi32, #tpu.memory_space<vmem>> -> memref<80xi32, #tpu.memory_space<vmem>>
      %dma_wait3A_126 = arith.constant 0 : i32
      %dma_wait3A_127 = arith.constant 0 : i32
      %dma_wait3A_128 = tpu.memref_slice %arg9[%dma_wait3A_126, %dma_wait3A_127] : memref<10000x16xf32, #tpu.memory_space<vmem_shared>> -> memref<10000x16xf32, #tpu.memory_space<vmem_shared>>
      tpu.wait_indirect_dma semaphore(%arg11 : memref<!tpu.dma_semaphore, #tpu.memory_space<semaphore_mem>>) src(%arg7 : memref<80x16xf32, #tpu.memory_space<vmem>>) dst(%dma_wait3A_128 : memref<10000x16xf32, #tpu.memory_space<vmem_shared>>)
      %dma_wait3A_129 = arith.constant 0 : i32
      %dma_wait3A_130 = tpu.memref_slice %arg6[%add3A_51, %dma_wait3A_129] : memref<125x80xi32, #tpu.memory_space<vmem>> -> memref<1x80xi32, #tpu.memory_space<vmem>>
      %dma_wait3A_131 = tpu.memref_squeeze %dma_wait3A_130 : memref<1x80xi32, #tpu.memory_space<vmem>> -> memref<80xi32, #tpu.memory_space<vmem>>
      %dma_wait3A_132 = arith.constant 0 : i32
      %dma_wait3A_133 = arith.constant 0 : i32
      %dma_wait3A_134 = tpu.memref_slice %arg10[%dma_wait3A_132, %dma_wait3A_133] : memref<10000x16xf32, #tpu.memory_space<vmem_shared>> -> memref<10000x16xf32, #tpu.memory_space<vmem_shared>>
      tpu.wait_indirect_dma semaphore(%arg12 : memref<!tpu.dma_semaphore, #tpu.memory_space<semaphore_mem>>) src(%arg7 : memref<80x16xf32, #tpu.memory_space<vmem>>) dst(%dma_wait3A_134 : memref<10000x16xf32, #tpu.memory_space<vmem_shared>>)
      %dma_wait3A_135 = arith.constant 0 : i32
      %dma_wait3A_136 = tpu.memref_slice %arg5[%add3A_67, %dma_wait3A_135] : memref<125x80xi32, #tpu.memory_space<vmem>> -> memref<1x80xi32, #tpu.memory_space<vmem>>
      %dma_wait3A_137 = tpu.memref_squeeze %dma_wait3A_136 : memref<1x80xi32, #tpu.memory_space<vmem>> -> memref<80xi32, #tpu.memory_space<vmem>>
      %dma_wait3A_138 = arith.constant 0 : i32
      %dma_wait3A_139 = arith.constant 0 : i32
      %dma_wait3A_140 = tpu.memref_slice %arg9[%dma_wait3A_138, %dma_wait3A_139] : memref<10000x16xf32, #tpu.memory_space<vmem_shared>> -> memref<10000x16xf32, #tpu.memory_space<vmem_shared>>
      tpu.wait_indirect_dma semaphore(%arg11 : memref<!tpu.dma_semaphore, #tpu.memory_space<semaphore_mem>>) src(%arg7 : memref<80x16xf32, #tpu.memory_space<vmem>>) dst(%dma_wait3A_140 : memref<10000x16xf32, #tpu.memory_space<vmem_shared>>)
      %dma_wait3A_141 = arith.constant 0 : i32
      %dma_wait3A_142 = tpu.memref_slice %arg6[%add3A_67, %dma_wait3A_141] : memref<125x80xi32, #tpu.memory_space<vmem>> -> memref<1x80xi32, #tpu.memory_space<vmem>>
      %dma_wait3A_143 = tpu.memref_squeeze %dma_wait3A_142 : memref<1x80xi32, #tpu.memory_space<vmem>> -> memref<80xi32, #tpu.memory_space<vmem>>
      %dma_wait3A_144 = arith.constant 0 : i32
      %dma_wait3A_145 = arith.constant 0 : i32
      %dma_wait3A_146 = tpu.memref_slice %arg10[%dma_wait3A_144, %dma_wait3A_145] : memref<10000x16xf32, #tpu.memory_space<vmem_shared>> -> memref<10000x16xf32, #tpu.memory_space<vmem_shared>>
      tpu.wait_indirect_dma semaphore(%arg12 : memref<!tpu.dma_semaphore, #tpu.memory_space<semaphore_mem>>) src(%arg7 : memref<80x16xf32, #tpu.memory_space<vmem>>) dst(%dma_wait3A_146 : memref<10000x16xf32, #tpu.memory_space<vmem_shared>>)
      %dma_wait3A_147 = arith.constant 0 : i32
      %dma_wait3A_148 = tpu.memref_slice %arg5[%add3A_83, %dma_wait3A_147] : memref<125x80xi32, #tpu.memory_space<vmem>> -> memref<1x80xi32, #tpu.memory_space<vmem>>
      %dma_wait3A_149 = tpu.memref_squeeze %dma_wait3A_148 : memref<1x80xi32, #tpu.memory_space<vmem>> -> memref<80xi32, #tpu.memory_space<vmem>>
      %dma_wait3A_150 = arith.constant 0 : i32
      %dma_wait3A_151 = arith.constant 0 : i32
      %dma_wait3A_152 = tpu.memref_slice %arg9[%dma_wait3A_150, %dma_wait3A_151] : memref<10000x16xf32, #tpu.memory_space<vmem_shared>> -> memref<10000x16xf32, #tpu.memory_space<vmem_shared>>
      tpu.wait_indirect_dma semaphore(%arg11 : memref<!tpu.dma_semaphore, #tpu.memory_space<semaphore_mem>>) src(%arg7 : memref<80x16xf32, #tpu.memory_space<vmem>>) dst(%dma_wait3A_152 : memref<10000x16xf32, #tpu.memory_space<vmem_shared>>)
      %dma_wait3A_153 = arith.constant 0 : i32
      %dma_wait3A_154 = tpu.memref_slice %arg6[%add3A_83, %dma_wait3A_153] : memref<125x80xi32, #tpu.memory_space<vmem>> -> memref<1x80xi32, #tpu.memory_space<vmem>>
      %dma_wait3A_155 = tpu.memref_squeeze %dma_wait3A_154 : memref<1x80xi32, #tpu.memory_space<vmem>> -> memref<80xi32, #tpu.memory_space<vmem>>
      %dma_wait3A_156 = arith.constant 0 : i32
      %dma_wait3A_157 = arith.constant 0 : i32
      %dma_wait3A_158 = tpu.memref_slice %arg10[%dma_wait3A_156, %dma_wait3A_157] : memref<10000x16xf32, #tpu.memory_space<vmem_shared>> -> memref<10000x16xf32, #tpu.memory_space<vmem_shared>>
      tpu.wait_indirect_dma semaphore(%arg12 : memref<!tpu.dma_semaphore, #tpu.memory_space<semaphore_mem>>) src(%arg7 : memref<80x16xf32, #tpu.memory_space<vmem>>) dst(%dma_wait3A_158 : memref<10000x16xf32, #tpu.memory_space<vmem_shared>>)
      %dma_wait3A_159 = arith.constant 0 : i32
      %dma_wait3A_160 = tpu.memref_slice %arg5[%add3A_99, %dma_wait3A_159] : memref<125x80xi32, #tpu.memory_space<vmem>> -> memref<1x80xi32, #tpu.memory_space<vmem>>
      %dma_wait3A_161 = tpu.memref_squeeze %dma_wait3A_160 : memref<1x80xi32, #tpu.memory_space<vmem>> -> memref<80xi32, #tpu.memory_space<vmem>>
      %dma_wait3A_162 = arith.constant 0 : i32
      %dma_wait3A_163 = arith.constant 0 : i32
      %dma_wait3A_164 = tpu.memref_slice %arg9[%dma_wait3A_162, %dma_wait3A_163] : memref<10000x16xf32, #tpu.memory_space<vmem_shared>> -> memref<10000x16xf32, #tpu.memory_space<vmem_shared>>
      tpu.wait_indirect_dma semaphore(%arg11 : memref<!tpu.dma_semaphore, #tpu.memory_space<semaphore_mem>>) src(%arg7 : memref<80x16xf32, #tpu.memory_space<vmem>>) dst(%dma_wait3A_164 : memref<10000x16xf32, #tpu.memory_space<vmem_shared>>)
      %dma_wait3A_165 = arith.constant 0 : i32
      %dma_wait3A_166 = tpu.memref_slice %arg6[%add3A_99, %dma_wait3A_165] : memref<125x80xi32, #tpu.memory_space<vmem>> -> memref<1x80xi32, #tpu.memory_space<vmem>>
      %dma_wait3A_167 = tpu.memref_squeeze %dma_wait3A_166 : memref<1x80xi32, #tpu.memory_space<vmem>> -> memref<80xi32, #tpu.memory_space<vmem>>
      %dma_wait3A_168 = arith.constant 0 : i32
      %dma_wait3A_169 = arith.constant 0 : i32
      %dma_wait3A_170 = tpu.memref_slice %arg10[%dma_wait3A_168, %dma_wait3A_169] : memref<10000x16xf32, #tpu.memory_space<vmem_shared>> -> memref<10000x16xf32, #tpu.memory_space<vmem_shared>>
      tpu.wait_indirect_dma semaphore(%arg12 : memref<!tpu.dma_semaphore, #tpu.memory_space<semaphore_mem>>) src(%arg7 : memref<80x16xf32, #tpu.memory_space<vmem>>) dst(%dma_wait3A_170 : memref<10000x16xf32, #tpu.memory_space<vmem_shared>>)
    }
    %scan3A_21 = arith.constant 25 : i32
    %barrier3A_22 = arith.constant 0 : index
    tpu.barrier barrier_id(%barrier3A_22)
    %mul3A_23 = arith.constant 625 : i32
    %mul3A_24 = arith.muli %arg1, %mul3A_23 : i32
    %mul3A_25 = arith.constant 625 : i32
    %mul3A_26 = arith.muli %arg1, %mul3A_25 : i32
    %run_scoped3A = arith.constant 0 : i32
    "tpu.region"() ({
      %run_scoped3A_32 = tpu.sem_alloc : memref<!tpu.dma_semaphore, #tpu.memory_space<semaphore_mem>>
      %dma_start3A = arith.constant 0 : i32
      %dma_start3A_33 = tpu.memref_slice %arg4[%arg0, %run_scoped3A, %mul3A_26, %dma_start3A] : memref<2x2x10000x16xf32, #tpu.memory_space<hbm>> -> memref<1x1x625x16xf32, #tpu.memory_space<hbm>>
      %dma_start3A_34 = tpu.memref_squeeze %dma_start3A_33 : memref<1x1x625x16xf32, #tpu.memory_space<hbm>> -> memref<625x16xf32, #tpu.memory_space<hbm>>
      %dma_start3A_35 = arith.constant 0 : i32
      %dma_start3A_36 = tpu.memref_slice %arg9[%mul3A_24, %dma_start3A_35] : memref<10000x16xf32, #tpu.memory_space<vmem_shared>> -> memref<625x16xf32, #tpu.memory_space<vmem_shared>>
      tpu.enqueue_dma source(%dma_start3A_36 : memref<625x16xf32, #tpu.memory_space<vmem_shared>>) target(%dma_start3A_34 : memref<625x16xf32, #tpu.memory_space<hbm>>) target_semaphore(%run_scoped3A_32 : memref<!tpu.dma_semaphore, #tpu.memory_space<semaphore_mem>>)
      %dma_wait3A = arith.constant 0 : i32
      %dma_wait3A_37 = tpu.memref_slice %arg4[%arg0, %run_scoped3A, %mul3A_26, %dma_wait3A] : memref<2x2x10000x16xf32, #tpu.memory_space<hbm>> -> memref<1x1x625x16xf32, #tpu.memory_space<hbm>>
      %dma_wait3A_38 = tpu.memref_squeeze %dma_wait3A_37 : memref<1x1x625x16xf32, #tpu.memory_space<hbm>> -> memref<625x16xf32, #tpu.memory_space<hbm>>
      %dma_wait3A_39 = arith.constant 0 : i32
      %dma_wait3A_40 = tpu.memref_slice %arg9[%mul3A_24, %dma_wait3A_39] : memref<10000x16xf32, #tpu.memory_space<vmem_shared>> -> memref<625x16xf32, #tpu.memory_space<vmem_shared>>
      tpu.wait_dma2 semaphore(%run_scoped3A_32 : memref<!tpu.dma_semaphore, #tpu.memory_space<semaphore_mem>>) src(%dma_wait3A_40 : memref<625x16xf32, #tpu.memory_space<vmem_shared>>) dst(%dma_wait3A_38 : memref<625x16xf32, #tpu.memory_space<hbm>>)
      tpu.yield
    }) : () -> ()
    %mul3A_27 = arith.constant 625 : i32
    %mul3A_28 = arith.muli %arg1, %mul3A_27 : i32
    %mul3A_29 = arith.constant 625 : i32
    %mul3A_30 = arith.muli %arg1, %mul3A_29 : i32
    %run_scoped3A_31 = arith.constant 1 : i32
    "tpu.region"() ({
      %run_scoped3A_32 = tpu.sem_alloc : memref<!tpu.dma_semaphore, #tpu.memory_space<semaphore_mem>>
      %dma_start3A = arith.constant 0 : i32
      %dma_start3A_33 = tpu.memref_slice %arg4[%arg0, %run_scoped3A_31, %mul3A_30, %dma_start3A] : memref<2x2x10000x16xf32, #tpu.memory_space<hbm>> -> memref<1x1x625x16xf32, #tpu.memory_space<hbm>>
      %dma_start3A_34 = tpu.memref_squeeze %dma_start3A_33 : memref<1x1x625x16xf32, #tpu.memory_space<hbm>> -> memref<625x16xf32, #tpu.memory_space<hbm>>
      %dma_start3A_35 = arith.constant 0 : i32
      %dma_start3A_36 = tpu.memref_slice %arg10[%mul3A_28, %dma_start3A_35] : memref<10000x16xf32, #tpu.memory_space<vmem_shared>> -> memref<625x16xf32, #tpu.memory_space<vmem_shared>>
      tpu.enqueue_dma source(%dma_start3A_36 : memref<625x16xf32, #tpu.memory_space<vmem_shared>>) target(%dma_start3A_34 : memref<625x16xf32, #tpu.memory_space<hbm>>) target_semaphore(%run_scoped3A_32 : memref<!tpu.dma_semaphore, #tpu.memory_space<semaphore_mem>>)
      %dma_wait3A = arith.constant 0 : i32
      %dma_wait3A_37 = tpu.memref_slice %arg4[%arg0, %run_scoped3A_31, %mul3A_30, %dma_wait3A] : memref<2x2x10000x16xf32, #tpu.memory_space<hbm>> -> memref<1x1x625x16xf32, #tpu.memory_space<hbm>>
      %dma_wait3A_38 = tpu.memref_squeeze %dma_wait3A_37 : memref<1x1x625x16xf32, #tpu.memory_space<hbm>> -> memref<625x16xf32, #tpu.memory_space<hbm>>
      %dma_wait3A_39 = arith.constant 0 : i32
      %dma_wait3A_40 = tpu.memref_slice %arg10[%mul3A_28, %dma_wait3A_39] : memref<10000x16xf32, #tpu.memory_space<vmem_shared>> -> memref<625x16xf32, #tpu.memory_space<vmem_shared>>
      tpu.wait_dma2 semaphore(%run_scoped3A_32 : memref<!tpu.dma_semaphore, #tpu.memory_space<semaphore_mem>>) src(%dma_wait3A_40 : memref<625x16xf32, #tpu.memory_space<vmem_shared>>) dst(%dma_wait3A_38 : memref<625x16xf32, #tpu.memory_space<hbm>>)
      tpu.yield
    }) : () -> ()
    return
  }
}

#map = affine_map<(d0, d1) -> (0, 0)>
#map1 = affine_map<(d0, d1) -> (0, 0, 0)>
module attributes {stable_mosaic.version = 14 : i64} {
  func.func @body(%arg0: i32, %arg1: i32, %arg2: memref<10000x128xf32, #tpu.memory_space<hbm>>, %arg3: memref<32x125x80xi32, #tpu.memory_space<hbm>>, %arg4: memref<32x125x80xi32, #tpu.memory_space<hbm>>, %arg5: memref<2x10000x128xf32, #tpu.memory_space<hbm>>, %arg6: memref<125x80xi32, #tpu.memory_space<vmem>>, %arg7: memref<125x80xi32, #tpu.memory_space<vmem>>, %arg8: memref<80x128xf32, #tpu.memory_space<vmem>>, %arg9: memref<80x128xf32, #tpu.memory_space<vmem>>, %arg10: memref<80x128xf32, #tpu.memory_space<vmem>>, %arg11: memref<10000x128xf32, #tpu.memory_space<vmem_shared>>, %arg12: memref<!tpu.dma_semaphore, #tpu.memory_space<semaphore_mem>>, %arg13: memref<!tpu.dma_semaphore, #tpu.memory_space<semaphore_mem>>, %arg14: memref<!tpu.dma_semaphore, #tpu.memory_space<semaphore_mem>>) attributes {dimension_semantics = [#tpu.dimension_semantics<core_parallel>, #tpu.dimension_semantics<subcore_parallel>], iteration_bounds = array<i64: 2, 16>, scalar_prefetch = 0 : i64, scratch_operands = 9 : i64, tpu.core_type = #tpu.core_type<sc_vector_subcore>, window_params = [{transform_indices = #map}, {transform_indices = #map1}, {transform_indices = #map1}, {transform_indices = #map1}]} {
    %mul3A = arith.constant 16 : i32
    %mul3A_0 = arith.muli %arg0, %mul3A : i32
    %add3A = arith.addi %mul3A_0, %arg1 : i32
    %scan3A = arith.constant 0 : i32
    %scan3A_1 = arith.constant 0 : i32
    %scan3A_2 = arith.constant 80 : i32
    %scan3A_3 = arith.addi %scan3A_1, %scan3A_2 : i32
    %scan3A_4 = arith.constant 1 : i32
    scf.for %scan3A_74 = %scan3A_1 to %scan3A_3 step %scan3A_4  : i32 {
      %broadcast_in_dim3A = arith.constant 0.000000e+00 : f32
      %broadcast_in_dim3A_75 = vector.broadcast %broadcast_in_dim3A : f32 to vector<16xf32>
      %swap3A = arith.index_cast %scan3A_74 : i32 to index
      %swap3A_76 = arith.constant 0 : index
      %swap3A_77 = tpu.vector_load %arg8[%swap3A, %swap3A_76] {strides = array<i32>} : memref<80x128xf32, #tpu.memory_space<vmem>>, vector<1x16xf32>,
      %swap3A_78 = vector.shape_cast %swap3A_77 : vector<1x16xf32> to vector<16xf32>
      %swap3A_79 = vector.shape_cast %broadcast_in_dim3A_75 : vector<16xf32> to vector<1x16xf32>
      tpu.vector_store %arg8[%swap3A, %swap3A_76], %swap3A_79 {strides = array<i32>} : memref<80x128xf32, #tpu.memory_space<vmem>>, vector<1x16xf32>,
      %broadcast_in_dim3A_80 = arith.constant 0.000000e+00 : f32
      %broadcast_in_dim3A_81 = vector.broadcast %broadcast_in_dim3A_80 : f32 to vector<16xf32>
      %swap3A_82 = arith.index_cast %scan3A_74 : i32 to index
      %swap3A_83 = arith.constant 16 : index
      %swap3A_84 = tpu.vector_load %arg8[%swap3A_82, %swap3A_83] {strides = array<i32>} : memref<80x128xf32, #tpu.memory_space<vmem>>, vector<1x16xf32>,
      %swap3A_85 = vector.shape_cast %swap3A_84 : vector<1x16xf32> to vector<16xf32>
      %swap3A_86 = vector.shape_cast %broadcast_in_dim3A_81 : vector<16xf32> to vector<1x16xf32>
      tpu.vector_store %arg8[%swap3A_82, %swap3A_83], %swap3A_86 {strides = array<i32>} : memref<80x128xf32, #tpu.memory_space<vmem>>, vector<1x16xf32>,
      %broadcast_in_dim3A_87 = arith.constant 0.000000e+00 : f32
      %broadcast_in_dim3A_88 = vector.broadcast %broadcast_in_dim3A_87 : f32 to vector<16xf32>
      %swap3A_89 = arith.index_cast %scan3A_74 : i32 to index
      %swap3A_90 = arith.constant 32 : index
      %swap3A_91 = tpu.vector_load %arg8[%swap3A_89, %swap3A_90] {strides = array<i32>} : memref<80x128xf32, #tpu.memory_space<vmem>>, vector<1x16xf32>,
      %swap3A_92 = vector.shape_cast %swap3A_91 : vector<1x16xf32> to vector<16xf32>
      %swap3A_93 = vector.shape_cast %broadcast_in_dim3A_88 : vector<16xf32> to vector<1x16xf32>
      tpu.vector_store %arg8[%swap3A_89, %swap3A_90], %swap3A_93 {strides = array<i32>} : memref<80x128xf32, #tpu.memory_space<vmem>>, vector<1x16xf32>,
      %broadcast_in_dim3A_94 = arith.constant 0.000000e+00 : f32
      %broadcast_in_dim3A_95 = vector.broadcast %broadcast_in_dim3A_94 : f32 to vector<16xf32>
      %swap3A_96 = arith.index_cast %scan3A_74 : i32 to index
      %swap3A_97 = arith.constant 48 : index
      %swap3A_98 = tpu.vector_load %arg8[%swap3A_96, %swap3A_97] {strides = array<i32>} : memref<80x128xf32, #tpu.memory_space<vmem>>, vector<1x16xf32>,
      %swap3A_99 = vector.shape_cast %swap3A_98 : vector<1x16xf32> to vector<16xf32>
      %swap3A_100 = vector.shape_cast %broadcast_in_dim3A_95 : vector<16xf32> to vector<1x16xf32>
      tpu.vector_store %arg8[%swap3A_96, %swap3A_97], %swap3A_100 {strides = array<i32>} : memref<80x128xf32, #tpu.memory_space<vmem>>, vector<1x16xf32>,
      %broadcast_in_dim3A_101 = arith.constant 0.000000e+00 : f32
      %broadcast_in_dim3A_102 = vector.broadcast %broadcast_in_dim3A_101 : f32 to vector<16xf32>
      %swap3A_103 = arith.index_cast %scan3A_74 : i32 to index
      %swap3A_104 = arith.constant 64 : index
      %swap3A_105 = tpu.vector_load %arg8[%swap3A_103, %swap3A_104] {strides = array<i32>} : memref<80x128xf32, #tpu.memory_space<vmem>>, vector<1x16xf32>,
      %swap3A_106 = vector.shape_cast %swap3A_105 : vector<1x16xf32> to vector<16xf32>
      %swap3A_107 = vector.shape_cast %broadcast_in_dim3A_102 : vector<16xf32> to vector<1x16xf32>
      tpu.vector_store %arg8[%swap3A_103, %swap3A_104], %swap3A_107 {strides = array<i32>} : memref<80x128xf32, #tpu.memory_space<vmem>>, vector<1x16xf32>,
      %broadcast_in_dim3A_108 = arith.constant 0.000000e+00 : f32
      %broadcast_in_dim3A_109 = vector.broadcast %broadcast_in_dim3A_108 : f32 to vector<16xf32>
      %swap3A_110 = arith.index_cast %scan3A_74 : i32 to index
      %swap3A_111 = arith.constant 80 : index
      %swap3A_112 = tpu.vector_load %arg8[%swap3A_110, %swap3A_111] {strides = array<i32>} : memref<80x128xf32, #tpu.memory_space<vmem>>, vector<1x16xf32>,
      %swap3A_113 = vector.shape_cast %swap3A_112 : vector<1x16xf32> to vector<16xf32>
      %swap3A_114 = vector.shape_cast %broadcast_in_dim3A_109 : vector<16xf32> to vector<1x16xf32>
      tpu.vector_store %arg8[%swap3A_110, %swap3A_111], %swap3A_114 {strides = array<i32>} : memref<80x128xf32, #tpu.memory_space<vmem>>, vector<1x16xf32>,
      %broadcast_in_dim3A_115 = arith.constant 0.000000e+00 : f32
      %broadcast_in_dim3A_116 = vector.broadcast %broadcast_in_dim3A_115 : f32 to vector<16xf32>
      %swap3A_117 = arith.index_cast %scan3A_74 : i32 to index
      %swap3A_118 = arith.constant 96 : index
      %swap3A_119 = tpu.vector_load %arg8[%swap3A_117, %swap3A_118] {strides = array<i32>} : memref<80x128xf32, #tpu.memory_space<vmem>>, vector<1x16xf32>,
      %swap3A_120 = vector.shape_cast %swap3A_119 : vector<1x16xf32> to vector<16xf32>
      %swap3A_121 = vector.shape_cast %broadcast_in_dim3A_116 : vector<16xf32> to vector<1x16xf32>
      tpu.vector_store %arg8[%swap3A_117, %swap3A_118], %swap3A_121 {strides = array<i32>} : memref<80x128xf32, #tpu.memory_space<vmem>>, vector<1x16xf32>,
      %broadcast_in_dim3A_122 = arith.constant 0.000000e+00 : f32
      %broadcast_in_dim3A_123 = vector.broadcast %broadcast_in_dim3A_122 : f32 to vector<16xf32>
      %swap3A_124 = arith.index_cast %scan3A_74 : i32 to index
      %swap3A_125 = arith.constant 112 : index
      %swap3A_126 = tpu.vector_load %arg8[%swap3A_124, %swap3A_125] {strides = array<i32>} : memref<80x128xf32, #tpu.memory_space<vmem>>, vector<1x16xf32>,
      %swap3A_127 = vector.shape_cast %swap3A_126 : vector<1x16xf32> to vector<16xf32>
      %swap3A_128 = vector.shape_cast %broadcast_in_dim3A_123 : vector<16xf32> to vector<1x16xf32>
      tpu.vector_store %arg8[%swap3A_124, %swap3A_125], %swap3A_128 {strides = array<i32>} : memref<80x128xf32, #tpu.memory_space<vmem>>, vector<1x16xf32>,
    }
    %scan3A_5 = arith.constant 80 : i32
    %mul3A_6 = arith.constant 625 : i32
    %mul3A_7 = arith.muli %arg1, %mul3A_6 : i32
    %add3A_8 = arith.constant 0 : i32
    %add3A_9 = arith.addi %mul3A_7, %add3A_8 : i32
    "tpu.region"() ({
      %run_scoped3A_74 = tpu.sem_alloc : memref<!tpu.dma_semaphore, #tpu.memory_space<semaphore_mem>>
      %dma_start3A_75 = arith.constant 0 : i32
      %dma_start3A_76 = tpu.memref_slice %arg11[%add3A_9, %dma_start3A_75] : memref<10000x128xf32, #tpu.memory_space<vmem_shared>> -> memref<80x128xf32, #tpu.memory_space<vmem_shared>>
      %dma_start3A_77 = arith.constant 0 : i32
      %dma_start3A_78 = tpu.memref_slice %arg11[%add3A_9, %dma_start3A_77] : memref<10000x128xf32, #tpu.memory_space<vmem_shared>> -> memref<80x128xf32, #tpu.memory_space<vmem_shared>>
      tpu.enqueue_dma source(%arg8 : memref<80x128xf32, #tpu.memory_space<vmem>>) target(%dma_start3A_78 : memref<80x128xf32, #tpu.memory_space<vmem_shared>>) target_semaphore(%run_scoped3A_74 : memref<!tpu.dma_semaphore, #tpu.memory_space<semaphore_mem>>)
      %dma_wait3A_79 = arith.constant 0 : i32
      %dma_wait3A_80 = tpu.memref_slice %arg11[%add3A_9, %dma_wait3A_79] : memref<10000x128xf32, #tpu.memory_space<vmem_shared>> -> memref<80x128xf32, #tpu.memory_space<vmem_shared>>
      %dma_wait3A_81 = arith.constant 0 : i32
      %dma_wait3A_82 = tpu.memref_slice %arg11[%add3A_9, %dma_wait3A_81] : memref<10000x128xf32, #tpu.memory_space<vmem_shared>> -> memref<80x128xf32, #tpu.memory_space<vmem_shared>>
      tpu.wait_dma2 semaphore(%run_scoped3A_74 : memref<!tpu.dma_semaphore, #tpu.memory_space<semaphore_mem>>) src(%arg8 : memref<80x128xf32, #tpu.memory_space<vmem>>) dst(%dma_wait3A_82 : memref<80x128xf32, #tpu.memory_space<vmem_shared>>)
      tpu.yield
    }) : () -> ()
    %mul3A_10 = arith.constant 625 : i32
    %mul3A_11 = arith.muli %arg1, %mul3A_10 : i32
    %add3A_12 = arith.constant 80 : i32
    %add3A_13 = arith.addi %mul3A_11, %add3A_12 : i32
    "tpu.region"() ({
      %run_scoped3A_74 = tpu.sem_alloc : memref<!tpu.dma_semaphore, #tpu.memory_space<semaphore_mem>>
      %dma_start3A_75 = arith.constant 0 : i32
      %dma_start3A_76 = tpu.memref_slice %arg11[%add3A_13, %dma_start3A_75] : memref<10000x128xf32, #tpu.memory_space<vmem_shared>> -> memref<80x128xf32, #tpu.memory_space<vmem_shared>>
      %dma_start3A_77 = arith.constant 0 : i32
      %dma_start3A_78 = tpu.memref_slice %arg11[%add3A_13, %dma_start3A_77] : memref<10000x128xf32, #tpu.memory_space<vmem_shared>> -> memref<80x128xf32, #tpu.memory_space<vmem_shared>>
      tpu.enqueue_dma source(%arg8 : memref<80x128xf32, #tpu.memory_space<vmem>>) target(%dma_start3A_78 : memref<80x128xf32, #tpu.memory_space<vmem_shared>>) target_semaphore(%run_scoped3A_74 : memref<!tpu.dma_semaphore, #tpu.memory_space<semaphore_mem>>)
      %dma_wait3A_79 = arith.constant 0 : i32
      %dma_wait3A_80 = tpu.memref_slice %arg11[%add3A_13, %dma_wait3A_79] : memref<10000x128xf32, #tpu.memory_space<vmem_shared>> -> memref<80x128xf32, #tpu.memory_space<vmem_shared>>
      %dma_wait3A_81 = arith.constant 0 : i32
      %dma_wait3A_82 = tpu.memref_slice %arg11[%add3A_13, %dma_wait3A_81] : memref<10000x128xf32, #tpu.memory_space<vmem_shared>> -> memref<80x128xf32, #tpu.memory_space<vmem_shared>>
      tpu.wait_dma2 semaphore(%run_scoped3A_74 : memref<!tpu.dma_semaphore, #tpu.memory_space<semaphore_mem>>) src(%arg8 : memref<80x128xf32, #tpu.memory_space<vmem>>) dst(%dma_wait3A_82 : memref<80x128xf32, #tpu.memory_space<vmem_shared>>)
      tpu.yield
    }) : () -> ()
    %mul3A_14 = arith.constant 625 : i32
    %mul3A_15 = arith.muli %arg1, %mul3A_14 : i32
    %add3A_16 = arith.constant 160 : i32
    %add3A_17 = arith.addi %mul3A_15, %add3A_16 : i32
    "tpu.region"() ({
      %run_scoped3A_74 = tpu.sem_alloc : memref<!tpu.dma_semaphore, #tpu.memory_space<semaphore_mem>>
      %dma_start3A_75 = arith.constant 0 : i32
      %dma_start3A_76 = tpu.memref_slice %arg11[%add3A_17, %dma_start3A_75] : memref<10000x128xf32, #tpu.memory_space<vmem_shared>> -> memref<80x128xf32, #tpu.memory_space<vmem_shared>>
      %dma_start3A_77 = arith.constant 0 : i32
      %dma_start3A_78 = tpu.memref_slice %arg11[%add3A_17, %dma_start3A_77] : memref<10000x128xf32, #tpu.memory_space<vmem_shared>> -> memref<80x128xf32, #tpu.memory_space<vmem_shared>>
      tpu.enqueue_dma source(%arg8 : memref<80x128xf32, #tpu.memory_space<vmem>>) target(%dma_start3A_78 : memref<80x128xf32, #tpu.memory_space<vmem_shared>>) target_semaphore(%run_scoped3A_74 : memref<!tpu.dma_semaphore, #tpu.memory_space<semaphore_mem>>)
      %dma_wait3A_79 = arith.constant 0 : i32
      %dma_wait3A_80 = tpu.memref_slice %arg11[%add3A_17, %dma_wait3A_79] : memref<10000x128xf32, #tpu.memory_space<vmem_shared>> -> memref<80x128xf32, #tpu.memory_space<vmem_shared>>
      %dma_wait3A_81 = arith.constant 0 : i32
      %dma_wait3A_82 = tpu.memref_slice %arg11[%add3A_17, %dma_wait3A_81] : memref<10000x128xf32, #tpu.memory_space<vmem_shared>> -> memref<80x128xf32, #tpu.memory_space<vmem_shared>>
      tpu.wait_dma2 semaphore(%run_scoped3A_74 : memref<!tpu.dma_semaphore, #tpu.memory_space<semaphore_mem>>) src(%arg8 : memref<80x128xf32, #tpu.memory_space<vmem>>) dst(%dma_wait3A_82 : memref<80x128xf32, #tpu.memory_space<vmem_shared>>)
      tpu.yield
    }) : () -> ()
    %mul3A_18 = arith.constant 625 : i32
    %mul3A_19 = arith.muli %arg1, %mul3A_18 : i32
    %add3A_20 = arith.constant 240 : i32
    %add3A_21 = arith.addi %mul3A_19, %add3A_20 : i32
    "tpu.region"() ({
      %run_scoped3A_74 = tpu.sem_alloc : memref<!tpu.dma_semaphore, #tpu.memory_space<semaphore_mem>>
      %dma_start3A_75 = arith.constant 0 : i32
      %dma_start3A_76 = tpu.memref_slice %arg11[%add3A_21, %dma_start3A_75] : memref<10000x128xf32, #tpu.memory_space<vmem_shared>> -> memref<80x128xf32, #tpu.memory_space<vmem_shared>>
      %dma_start3A_77 = arith.constant 0 : i32
      %dma_start3A_78 = tpu.memref_slice %arg11[%add3A_21, %dma_start3A_77] : memref<10000x128xf32, #tpu.memory_space<vmem_shared>> -> memref<80x128xf32, #tpu.memory_space<vmem_shared>>
      tpu.enqueue_dma source(%arg8 : memref<80x128xf32, #tpu.memory_space<vmem>>) target(%dma_start3A_78 : memref<80x128xf32, #tpu.memory_space<vmem_shared>>) target_semaphore(%run_scoped3A_74 : memref<!tpu.dma_semaphore, #tpu.memory_space<semaphore_mem>>)
      %dma_wait3A_79 = arith.constant 0 : i32
      %dma_wait3A_80 = tpu.memref_slice %arg11[%add3A_21, %dma_wait3A_79] : memref<10000x128xf32, #tpu.memory_space<vmem_shared>> -> memref<80x128xf32, #tpu.memory_space<vmem_shared>>
      %dma_wait3A_81 = arith.constant 0 : i32
      %dma_wait3A_82 = tpu.memref_slice %arg11[%add3A_21, %dma_wait3A_81] : memref<10000x128xf32, #tpu.memory_space<vmem_shared>> -> memref<80x128xf32, #tpu.memory_space<vmem_shared>>
      tpu.wait_dma2 semaphore(%run_scoped3A_74 : memref<!tpu.dma_semaphore, #tpu.memory_space<semaphore_mem>>) src(%arg8 : memref<80x128xf32, #tpu.memory_space<vmem>>) dst(%dma_wait3A_82 : memref<80x128xf32, #tpu.memory_space<vmem_shared>>)
      tpu.yield
    }) : () -> ()
    %mul3A_22 = arith.constant 625 : i32
    %mul3A_23 = arith.muli %arg1, %mul3A_22 : i32
    %add3A_24 = arith.constant 320 : i32
    %add3A_25 = arith.addi %mul3A_23, %add3A_24 : i32
    "tpu.region"() ({
      %run_scoped3A_74 = tpu.sem_alloc : memref<!tpu.dma_semaphore, #tpu.memory_space<semaphore_mem>>
      %dma_start3A_75 = arith.constant 0 : i32
      %dma_start3A_76 = tpu.memref_slice %arg11[%add3A_25, %dma_start3A_75] : memref<10000x128xf32, #tpu.memory_space<vmem_shared>> -> memref<80x128xf32, #tpu.memory_space<vmem_shared>>
      %dma_start3A_77 = arith.constant 0 : i32
      %dma_start3A_78 = tpu.memref_slice %arg11[%add3A_25, %dma_start3A_77] : memref<10000x128xf32, #tpu.memory_space<vmem_shared>> -> memref<80x128xf32, #tpu.memory_space<vmem_shared>>
      tpu.enqueue_dma source(%arg8 : memref<80x128xf32, #tpu.memory_space<vmem>>) target(%dma_start3A_78 : memref<80x128xf32, #tpu.memory_space<vmem_shared>>) target_semaphore(%run_scoped3A_74 : memref<!tpu.dma_semaphore, #tpu.memory_space<semaphore_mem>>)
      %dma_wait3A_79 = arith.constant 0 : i32
      %dma_wait3A_80 = tpu.memref_slice %arg11[%add3A_25, %dma_wait3A_79] : memref<10000x128xf32, #tpu.memory_space<vmem_shared>> -> memref<80x128xf32, #tpu.memory_space<vmem_shared>>
      %dma_wait3A_81 = arith.constant 0 : i32
      %dma_wait3A_82 = tpu.memref_slice %arg11[%add3A_25, %dma_wait3A_81] : memref<10000x128xf32, #tpu.memory_space<vmem_shared>> -> memref<80x128xf32, #tpu.memory_space<vmem_shared>>
      tpu.wait_dma2 semaphore(%run_scoped3A_74 : memref<!tpu.dma_semaphore, #tpu.memory_space<semaphore_mem>>) src(%arg8 : memref<80x128xf32, #tpu.memory_space<vmem>>) dst(%dma_wait3A_82 : memref<80x128xf32, #tpu.memory_space<vmem_shared>>)
      tpu.yield
    }) : () -> ()
    %mul3A_26 = arith.constant 625 : i32
    %mul3A_27 = arith.muli %arg1, %mul3A_26 : i32
    %add3A_28 = arith.constant 400 : i32
    %add3A_29 = arith.addi %mul3A_27, %add3A_28 : i32
    "tpu.region"() ({
      %run_scoped3A_74 = tpu.sem_alloc : memref<!tpu.dma_semaphore, #tpu.memory_space<semaphore_mem>>
      %dma_start3A_75 = arith.constant 0 : i32
      %dma_start3A_76 = tpu.memref_slice %arg11[%add3A_29, %dma_start3A_75] : memref<10000x128xf32, #tpu.memory_space<vmem_shared>> -> memref<80x128xf32, #tpu.memory_space<vmem_shared>>
      %dma_start3A_77 = arith.constant 0 : i32
      %dma_start3A_78 = tpu.memref_slice %arg11[%add3A_29, %dma_start3A_77] : memref<10000x128xf32, #tpu.memory_space<vmem_shared>> -> memref<80x128xf32, #tpu.memory_space<vmem_shared>>
      tpu.enqueue_dma source(%arg8 : memref<80x128xf32, #tpu.memory_space<vmem>>) target(%dma_start3A_78 : memref<80x128xf32, #tpu.memory_space<vmem_shared>>) target_semaphore(%run_scoped3A_74 : memref<!tpu.dma_semaphore, #tpu.memory_space<semaphore_mem>>)
      %dma_wait3A_79 = arith.constant 0 : i32
      %dma_wait3A_80 = tpu.memref_slice %arg11[%add3A_29, %dma_wait3A_79] : memref<10000x128xf32, #tpu.memory_space<vmem_shared>> -> memref<80x128xf32, #tpu.memory_space<vmem_shared>>
      %dma_wait3A_81 = arith.constant 0 : i32
      %dma_wait3A_82 = tpu.memref_slice %arg11[%add3A_29, %dma_wait3A_81] : memref<10000x128xf32, #tpu.memory_space<vmem_shared>> -> memref<80x128xf32, #tpu.memory_space<vmem_shared>>
      tpu.wait_dma2 semaphore(%run_scoped3A_74 : memref<!tpu.dma_semaphore, #tpu.memory_space<semaphore_mem>>) src(%arg8 : memref<80x128xf32, #tpu.memory_space<vmem>>) dst(%dma_wait3A_82 : memref<80x128xf32, #tpu.memory_space<vmem_shared>>)
      tpu.yield
    }) : () -> ()
    %mul3A_30 = arith.constant 625 : i32
    %mul3A_31 = arith.muli %arg1, %mul3A_30 : i32
    %add3A_32 = arith.constant 480 : i32
    %add3A_33 = arith.addi %mul3A_31, %add3A_32 : i32
    "tpu.region"() ({
      %run_scoped3A_74 = tpu.sem_alloc : memref<!tpu.dma_semaphore, #tpu.memory_space<semaphore_mem>>
      %dma_start3A_75 = arith.constant 0 : i32
      %dma_start3A_76 = tpu.memref_slice %arg11[%add3A_33, %dma_start3A_75] : memref<10000x128xf32, #tpu.memory_space<vmem_shared>> -> memref<80x128xf32, #tpu.memory_space<vmem_shared>>
      %dma_start3A_77 = arith.constant 0 : i32
      %dma_start3A_78 = tpu.memref_slice %arg11[%add3A_33, %dma_start3A_77] : memref<10000x128xf32, #tpu.memory_space<vmem_shared>> -> memref<80x128xf32, #tpu.memory_space<vmem_shared>>
      tpu.enqueue_dma source(%arg8 : memref<80x128xf32, #tpu.memory_space<vmem>>) target(%dma_start3A_78 : memref<80x128xf32, #tpu.memory_space<vmem_shared>>) target_semaphore(%run_scoped3A_74 : memref<!tpu.dma_semaphore, #tpu.memory_space<semaphore_mem>>)
      %dma_wait3A_79 = arith.constant 0 : i32
      %dma_wait3A_80 = tpu.memref_slice %arg11[%add3A_33, %dma_wait3A_79] : memref<10000x128xf32, #tpu.memory_space<vmem_shared>> -> memref<80x128xf32, #tpu.memory_space<vmem_shared>>
      %dma_wait3A_81 = arith.constant 0 : i32
      %dma_wait3A_82 = tpu.memref_slice %arg11[%add3A_33, %dma_wait3A_81] : memref<10000x128xf32, #tpu.memory_space<vmem_shared>> -> memref<80x128xf32, #tpu.memory_space<vmem_shared>>
      tpu.wait_dma2 semaphore(%run_scoped3A_74 : memref<!tpu.dma_semaphore, #tpu.memory_space<semaphore_mem>>) src(%arg8 : memref<80x128xf32, #tpu.memory_space<vmem>>) dst(%dma_wait3A_82 : memref<80x128xf32, #tpu.memory_space<vmem_shared>>)
      tpu.yield
    }) : () -> ()
    %mul3A_34 = arith.constant 625 : i32
    %mul3A_35 = arith.muli %arg1, %mul3A_34 : i32
    %add3A_36 = arith.constant 560 : i32
    %add3A_37 = arith.addi %mul3A_35, %add3A_36 : i32
    "tpu.region"() ({
      %run_scoped3A_74 = tpu.sem_alloc : memref<!tpu.dma_semaphore, #tpu.memory_space<semaphore_mem>>
      %dma_start3A_75 = arith.constant 0 : i32
      %dma_start3A_76 = arith.constant 0 : i32
      %dma_start3A_77 = tpu.memref_slice %arg8[%dma_start3A_75, %dma_start3A_76] : memref<80x128xf32, #tpu.memory_space<vmem>> -> memref<65x128xf32, #tpu.memory_space<vmem>>
      %dma_start3A_78 = arith.constant 0 : i32
      %dma_start3A_79 = tpu.memref_slice %arg11[%add3A_37, %dma_start3A_78] : memref<10000x128xf32, #tpu.memory_space<vmem_shared>> -> memref<65x128xf32, #tpu.memory_space<vmem_shared>>
      %dma_start3A_80 = arith.constant 0 : i32
      %dma_start3A_81 = tpu.memref_slice %arg11[%add3A_37, %dma_start3A_80] : memref<10000x128xf32, #tpu.memory_space<vmem_shared>> -> memref<65x128xf32, #tpu.memory_space<vmem_shared>>
      %dma_start3A_82 = arith.constant 0 : i32
      %dma_start3A_83 = arith.constant 0 : i32
      %dma_start3A_84 = tpu.memref_slice %arg8[%dma_start3A_82, %dma_start3A_83] : memref<80x128xf32, #tpu.memory_space<vmem>> -> memref<65x128xf32, #tpu.memory_space<vmem>>
      tpu.enqueue_dma source(%dma_start3A_84 : memref<65x128xf32, #tpu.memory_space<vmem>>) target(%dma_start3A_81 : memref<65x128xf32, #tpu.memory_space<vmem_shared>>) target_semaphore(%run_scoped3A_74 : memref<!tpu.dma_semaphore, #tpu.memory_space<semaphore_mem>>)
      %dma_wait3A_85 = arith.constant 0 : i32
      %dma_wait3A_86 = arith.constant 0 : i32
      %dma_wait3A_87 = tpu.memref_slice %arg8[%dma_wait3A_85, %dma_wait3A_86] : memref<80x128xf32, #tpu.memory_space<vmem>> -> memref<65x128xf32, #tpu.memory_space<vmem>>
      %dma_wait3A_88 = arith.constant 0 : i32
      %dma_wait3A_89 = tpu.memref_slice %arg11[%add3A_37, %dma_wait3A_88] : memref<10000x128xf32, #tpu.memory_space<vmem_shared>> -> memref<65x128xf32, #tpu.memory_space<vmem_shared>>
      %dma_wait3A_90 = arith.constant 0 : i32
      %dma_wait3A_91 = tpu.memref_slice %arg11[%add3A_37, %dma_wait3A_90] : memref<10000x128xf32, #tpu.memory_space<vmem_shared>> -> memref<65x128xf32, #tpu.memory_space<vmem_shared>>
      %dma_wait3A_92 = arith.constant 0 : i32
      %dma_wait3A_93 = arith.constant 0 : i32
      %dma_wait3A_94 = tpu.memref_slice %arg8[%dma_wait3A_92, %dma_wait3A_93] : memref<80x128xf32, #tpu.memory_space<vmem>> -> memref<65x128xf32, #tpu.memory_space<vmem>>
      tpu.wait_dma2 semaphore(%run_scoped3A_74 : memref<!tpu.dma_semaphore, #tpu.memory_space<semaphore_mem>>) src(%dma_wait3A_94 : memref<65x128xf32, #tpu.memory_space<vmem>>) dst(%dma_wait3A_91 : memref<65x128xf32, #tpu.memory_space<vmem_shared>>)
      tpu.yield
    }) : () -> ()
    %barrier3A = arith.constant 0 : index
    tpu.barrier barrier_id(%barrier3A)
    "tpu.region"() ({
      %run_scoped3A_74 = tpu.sem_alloc : memref<!tpu.dma_semaphore, #tpu.memory_space<semaphore_mem>>
      %dma_start3A_75 = arith.constant 0 : i32
      %dma_start3A_76 = arith.constant 0 : i32
      %dma_start3A_77 = tpu.memref_slice %arg3[%add3A, %dma_start3A_75, %dma_start3A_76] : memref<32x125x80xi32, #tpu.memory_space<hbm>> -> memref<1x125x80xi32, #tpu.memory_space<hbm>>
      %dma_start3A_78 = tpu.memref_squeeze %dma_start3A_77 : memref<1x125x80xi32, #tpu.memory_space<hbm>> -> memref<125x80xi32, #tpu.memory_space<hbm>>
      %dma_start3A_79 = arith.constant 0 : i32
      %dma_start3A_80 = arith.constant 0 : i32
      %dma_start3A_81 = tpu.memref_slice %arg3[%add3A, %dma_start3A_79, %dma_start3A_80] : memref<32x125x80xi32, #tpu.memory_space<hbm>> -> memref<1x125x80xi32, #tpu.memory_space<hbm>>
      %dma_start3A_82 = tpu.memref_squeeze %dma_start3A_81 : memref<1x125x80xi32, #tpu.memory_space<hbm>> -> memref<125x80xi32, #tpu.memory_space<hbm>>
      tpu.enqueue_dma source(%dma_start3A_82 : memref<125x80xi32, #tpu.memory_space<hbm>>) target(%arg6 : memref<125x80xi32, #tpu.memory_space<vmem>>) target_semaphore(%run_scoped3A_74 : memref<!tpu.dma_semaphore, #tpu.memory_space<semaphore_mem>>)
      %dma_wait3A_83 = arith.constant 0 : i32
      %dma_wait3A_84 = arith.constant 0 : i32
      %dma_wait3A_85 = tpu.memref_slice %arg3[%add3A, %dma_wait3A_83, %dma_wait3A_84] : memref<32x125x80xi32, #tpu.memory_space<hbm>> -> memref<1x125x80xi32, #tpu.memory_space<hbm>>
      %dma_wait3A_86 = tpu.memref_squeeze %dma_wait3A_85 : memref<1x125x80xi32, #tpu.memory_space<hbm>> -> memref<125x80xi32, #tpu.memory_space<hbm>>
      %dma_wait3A_87 = arith.constant 0 : i32
      %dma_wait3A_88 = arith.constant 0 : i32
      %dma_wait3A_89 = tpu.memref_slice %arg3[%add3A, %dma_wait3A_87, %dma_wait3A_88] : memref<32x125x80xi32, #tpu.memory_space<hbm>> -> memref<1x125x80xi32, #tpu.memory_space<hbm>>
      %dma_wait3A_90 = tpu.memref_squeeze %dma_wait3A_89 : memref<1x125x80xi32, #tpu.memory_space<hbm>> -> memref<125x80xi32, #tpu.memory_space<hbm>>
      tpu.wait_dma2 semaphore(%run_scoped3A_74 : memref<!tpu.dma_semaphore, #tpu.memory_space<semaphore_mem>>) src(%dma_wait3A_90 : memref<125x80xi32, #tpu.memory_space<hbm>>) dst(%arg6 : memref<125x80xi32, #tpu.memory_space<vmem>>)
      tpu.yield
    }) : () -> ()
    "tpu.region"() ({
      %run_scoped3A_74 = tpu.sem_alloc : memref<!tpu.dma_semaphore, #tpu.memory_space<semaphore_mem>>
      %dma_start3A_75 = arith.constant 0 : i32
      %dma_start3A_76 = arith.constant 0 : i32
      %dma_start3A_77 = tpu.memref_slice %arg4[%add3A, %dma_start3A_75, %dma_start3A_76] : memref<32x125x80xi32, #tpu.memory_space<hbm>> -> memref<1x125x80xi32, #tpu.memory_space<hbm>>
      %dma_start3A_78 = tpu.memref_squeeze %dma_start3A_77 : memref<1x125x80xi32, #tpu.memory_space<hbm>> -> memref<125x80xi32, #tpu.memory_space<hbm>>
      %dma_start3A_79 = arith.constant 0 : i32
      %dma_start3A_80 = arith.constant 0 : i32
      %dma_start3A_81 = tpu.memref_slice %arg4[%add3A, %dma_start3A_79, %dma_start3A_80] : memref<32x125x80xi32, #tpu.memory_space<hbm>> -> memref<1x125x80xi32, #tpu.memory_space<hbm>>
      %dma_start3A_82 = tpu.memref_squeeze %dma_start3A_81 : memref<1x125x80xi32, #tpu.memory_space<hbm>> -> memref<125x80xi32, #tpu.memory_space<hbm>>
      tpu.enqueue_dma source(%dma_start3A_82 : memref<125x80xi32, #tpu.memory_space<hbm>>) target(%arg7 : memref<125x80xi32, #tpu.memory_space<vmem>>) target_semaphore(%run_scoped3A_74 : memref<!tpu.dma_semaphore, #tpu.memory_space<semaphore_mem>>)
      %dma_wait3A_83 = arith.constant 0 : i32
      %dma_wait3A_84 = arith.constant 0 : i32
      %dma_wait3A_85 = tpu.memref_slice %arg4[%add3A, %dma_wait3A_83, %dma_wait3A_84] : memref<32x125x80xi32, #tpu.memory_space<hbm>> -> memref<1x125x80xi32, #tpu.memory_space<hbm>>
      %dma_wait3A_86 = tpu.memref_squeeze %dma_wait3A_85 : memref<1x125x80xi32, #tpu.memory_space<hbm>> -> memref<125x80xi32, #tpu.memory_space<hbm>>
      %dma_wait3A_87 = arith.constant 0 : i32
      %dma_wait3A_88 = arith.constant 0 : i32
      %dma_wait3A_89 = tpu.memref_slice %arg4[%add3A, %dma_wait3A_87, %dma_wait3A_88] : memref<32x125x80xi32, #tpu.memory_space<hbm>> -> memref<1x125x80xi32, #tpu.memory_space<hbm>>
      %dma_wait3A_90 = tpu.memref_squeeze %dma_wait3A_89 : memref<1x125x80xi32, #tpu.memory_space<hbm>> -> memref<125x80xi32, #tpu.memory_space<hbm>>
      tpu.wait_dma2 semaphore(%run_scoped3A_74 : memref<!tpu.dma_semaphore, #tpu.memory_space<semaphore_mem>>) src(%dma_wait3A_90 : memref<125x80xi32, #tpu.memory_space<hbm>>) dst(%arg7 : memref<125x80xi32, #tpu.memory_space<vmem>>)
      tpu.yield
    }) : () -> ()
    %dma_start3A = arith.constant 0 : i32
    %dma_start3A_38 = arith.constant 0 : i32
    %dma_start3A_39 = tpu.memref_slice %arg6[%dma_start3A, %dma_start3A_38] : memref<125x80xi32, #tpu.memory_space<vmem>> -> memref<1x80xi32, #tpu.memory_space<vmem>>
    %dma_start3A_40 = tpu.memref_squeeze %dma_start3A_39 : memref<1x80xi32, #tpu.memory_space<vmem>> -> memref<80xi32, #tpu.memory_space<vmem>>
    %dma_start3A_41 = arith.constant 0 : i32
    %dma_start3A_42 = arith.constant 0 : i32
    %dma_start3A_43 = tpu.memref_slice %arg2[%dma_start3A_41, %dma_start3A_42] : memref<10000x128xf32, #tpu.memory_space<hbm>> -> memref<10000x128xf32, #tpu.memory_space<hbm>>
    tpu.enqueue_indirect_dma source(%dma_start3A_43 : memref<10000x128xf32, #tpu.memory_space<hbm>>) target(%arg8 : memref<80x128xf32, #tpu.memory_space<vmem>>) offsets(%dma_start3A_40 : memref<80xi32, #tpu.memory_space<vmem>>) semaphore(%arg12 : memref<!tpu.dma_semaphore, #tpu.memory_space<semaphore_mem>>)
    %dma_start3A_44 = arith.constant 1 : i32
    %dma_start3A_45 = arith.constant 0 : i32
    %dma_start3A_46 = tpu.memref_slice %arg6[%dma_start3A_44, %dma_start3A_45] : memref<125x80xi32, #tpu.memory_space<vmem>> -> memref<1x80xi32, #tpu.memory_space<vmem>>
    %dma_start3A_47 = tpu.memref_squeeze %dma_start3A_46 : memref<1x80xi32, #tpu.memory_space<vmem>> -> memref<80xi32, #tpu.memory_space<vmem>>
    %dma_start3A_48 = arith.constant 0 : i32
    %dma_start3A_49 = arith.constant 0 : i32
    %dma_start3A_50 = tpu.memref_slice %arg2[%dma_start3A_48, %dma_start3A_49] : memref<10000x128xf32, #tpu.memory_space<hbm>> -> memref<10000x128xf32, #tpu.memory_space<hbm>>
    tpu.enqueue_indirect_dma source(%dma_start3A_50 : memref<10000x128xf32, #tpu.memory_space<hbm>>) target(%arg9 : memref<80x128xf32, #tpu.memory_space<vmem>>) offsets(%dma_start3A_47 : memref<80xi32, #tpu.memory_space<vmem>>) semaphore(%arg13 : memref<!tpu.dma_semaphore, #tpu.memory_space<semaphore_mem>>)
    %scan3A_51 = arith.constant 0 : i32
    %scan3A_52 = arith.constant 0 : i32
    %scan3A_53 = arith.constant 41 : i32
    %scan3A_54 = arith.addi %scan3A_52, %scan3A_53 : i32
    %scan3A_55 = arith.constant 1 : i32
    scf.for %scan3A_74 = %scan3A_52 to %scan3A_54 step %scan3A_55  : i32 {
      %mul3A_75 = arith.constant 3 : i32
      %mul3A_76 = arith.muli %mul3A_75, %scan3A_74 : i32
      %add3A_77 = arith.constant 2 : i32
      %add3A_78 = arith.addi %mul3A_76, %add3A_77 : i32
      %dma_start3A_79 = arith.constant 0 : i32
      %dma_start3A_80 = tpu.memref_slice %arg6[%add3A_78, %dma_start3A_79] : memref<125x80xi32, #tpu.memory_space<vmem>> -> memref<1x80xi32, #tpu.memory_space<vmem>>
      %dma_start3A_81 = tpu.memref_squeeze %dma_start3A_80 : memref<1x80xi32, #tpu.memory_space<vmem>> -> memref<80xi32, #tpu.memory_space<vmem>>
      %dma_start3A_82 = arith.constant 0 : i32
      %dma_start3A_83 = arith.constant 0 : i32
      %dma_start3A_84 = tpu.memref_slice %arg2[%dma_start3A_82, %dma_start3A_83] : memref<10000x128xf32, #tpu.memory_space<hbm>> -> memref<10000x128xf32, #tpu.memory_space<hbm>>
      tpu.enqueue_indirect_dma source(%dma_start3A_84 : memref<10000x128xf32, #tpu.memory_space<hbm>>) target(%arg10 : memref<80x128xf32, #tpu.memory_space<vmem>>) offsets(%dma_start3A_81 : memref<80xi32, #tpu.memory_space<vmem>>) semaphore(%arg14 : memref<!tpu.dma_semaphore, #tpu.memory_space<semaphore_mem>>)
      %dma_wait3A_85 = arith.constant 0 : i32
      %dma_wait3A_86 = arith.constant 0 : i32
      %dma_wait3A_87 = tpu.memref_slice %arg2[%dma_wait3A_85, %dma_wait3A_86] : memref<10000x128xf32, #tpu.memory_space<hbm>> -> memref<80x128xf32, #tpu.memory_space<hbm>>
      %dma_wait3A_88 = arith.constant 0 : i32
      %dma_wait3A_89 = arith.constant 0 : i32
      %dma_wait3A_90 = tpu.memref_slice %arg2[%dma_wait3A_88, %dma_wait3A_89] : memref<10000x128xf32, #tpu.memory_space<hbm>> -> memref<80x128xf32, #tpu.memory_space<hbm>>
      tpu.wait_dma2 semaphore(%arg12 : memref<!tpu.dma_semaphore, #tpu.memory_space<semaphore_mem>>) src(%dma_wait3A_90 : memref<80x128xf32, #tpu.memory_space<hbm>>) dst(%arg8 : memref<80x128xf32, #tpu.memory_space<vmem>>)
      "tpu.region"() ({
        %run_scoped3A_123 = tpu.sem_alloc : memref<!tpu.dma_semaphore, #tpu.memory_space<semaphore_mem>>
        %dma_start3A_124 = arith.constant 0 : i32
        %dma_start3A_125 = tpu.memref_slice %arg7[%mul3A_76, %dma_start3A_124] : memref<125x80xi32, #tpu.memory_space<vmem>> -> memref<1x80xi32, #tpu.memory_space<vmem>>
        %dma_start3A_126 = tpu.memref_squeeze %dma_start3A_125 : memref<1x80xi32, #tpu.memory_space<vmem>> -> memref<80xi32, #tpu.memory_space<vmem>>
        %dma_start3A_127 = arith.constant 0 : i32
        %dma_start3A_128 = arith.constant 0 : i32
        %dma_start3A_129 = tpu.memref_slice %arg11[%dma_start3A_127, %dma_start3A_128] : memref<10000x128xf32, #tpu.memory_space<vmem_shared>> -> memref<10000x128xf32, #tpu.memory_space<vmem_shared>>
        tpu.enqueue_indirect_dma source(%arg8 : memref<80x128xf32, #tpu.memory_space<vmem>>) target(%dma_start3A_129 : memref<10000x128xf32, #tpu.memory_space<vmem_shared>>) offsets(%dma_start3A_126 : memref<80xi32, #tpu.memory_space<vmem>>) semaphore(%run_scoped3A_123 : memref<!tpu.dma_semaphore, #tpu.memory_space<semaphore_mem>>) {add = true}
        %dma_wait3A_130 = arith.constant 0 : i32
        %dma_wait3A_131 = tpu.memref_slice %arg7[%mul3A_76, %dma_wait3A_130] : memref<125x80xi32, #tpu.memory_space<vmem>> -> memref<1x80xi32, #tpu.memory_space<vmem>>
        %dma_wait3A_132 = tpu.memref_squeeze %dma_wait3A_131 : memref<1x80xi32, #tpu.memory_space<vmem>> -> memref<80xi32, #tpu.memory_space<vmem>>
        %dma_wait3A_133 = arith.constant 0 : i32
        %dma_wait3A_134 = arith.constant 0 : i32
        %dma_wait3A_135 = tpu.memref_slice %arg11[%dma_wait3A_133, %dma_wait3A_134] : memref<10000x128xf32, #tpu.memory_space<vmem_shared>> -> memref<10000x128xf32, #tpu.memory_space<vmem_shared>>
        tpu.wait_indirect_dma semaphore(%run_scoped3A_123 : memref<!tpu.dma_semaphore, #tpu.memory_space<semaphore_mem>>) src(%arg8 : memref<80x128xf32, #tpu.memory_space<vmem>>) dst(%dma_wait3A_135 : memref<10000x128xf32, #tpu.memory_space<vmem_shared>>)
        tpu.yield
      }) : () -> ()
      %add3A_91 = arith.constant 3 : i32
      %add3A_92 = arith.addi %mul3A_76, %add3A_91 : i32
      %dma_start3A_93 = arith.constant 0 : i32
      %dma_start3A_94 = tpu.memref_slice %arg6[%add3A_92, %dma_start3A_93] : memref<125x80xi32, #tpu.memory_space<vmem>> -> memref<1x80xi32, #tpu.memory_space<vmem>>
      %dma_start3A_95 = tpu.memref_squeeze %dma_start3A_94 : memref<1x80xi32, #tpu.memory_space<vmem>> -> memref<80xi32, #tpu.memory_space<vmem>>
      %dma_start3A_96 = arith.constant 0 : i32
      %dma_start3A_97 = arith.constant 0 : i32
      %dma_start3A_98 = tpu.memref_slice %arg2[%dma_start3A_96, %dma_start3A_97] : memref<10000x128xf32, #tpu.memory_space<hbm>> -> memref<10000x128xf32, #tpu.memory_space<hbm>>
      tpu.enqueue_indirect_dma source(%dma_start3A_98 : memref<10000x128xf32, #tpu.memory_space<hbm>>) target(%arg8 : memref<80x128xf32, #tpu.memory_space<vmem>>) offsets(%dma_start3A_95 : memref<80xi32, #tpu.memory_space<vmem>>) semaphore(%arg12 : memref<!tpu.dma_semaphore, #tpu.memory_space<semaphore_mem>>)
      %dma_wait3A_99 = arith.constant 0 : i32
      %dma_wait3A_100 = arith.constant 0 : i32
      %dma_wait3A_101 = tpu.memref_slice %arg2[%dma_wait3A_99, %dma_wait3A_100] : memref<10000x128xf32, #tpu.memory_space<hbm>> -> memref<80x128xf32, #tpu.memory_space<hbm>>
      %dma_wait3A_102 = arith.constant 0 : i32
      %dma_wait3A_103 = arith.constant 0 : i32
      %dma_wait3A_104 = tpu.memref_slice %arg2[%dma_wait3A_102, %dma_wait3A_103] : memref<10000x128xf32, #tpu.memory_space<hbm>> -> memref<80x128xf32, #tpu.memory_space<hbm>>
      tpu.wait_dma2 semaphore(%arg13 : memref<!tpu.dma_semaphore, #tpu.memory_space<semaphore_mem>>) src(%dma_wait3A_104 : memref<80x128xf32, #tpu.memory_space<hbm>>) dst(%arg9 : memref<80x128xf32, #tpu.memory_space<vmem>>)
      %add3A_105 = arith.constant 1 : i32
      %add3A_106 = arith.addi %mul3A_76, %add3A_105 : i32
      "tpu.region"() ({
        %run_scoped3A_123 = tpu.sem_alloc : memref<!tpu.dma_semaphore, #tpu.memory_space<semaphore_mem>>
        %dma_start3A_124 = arith.constant 0 : i32
        %dma_start3A_125 = tpu.memref_slice %arg7[%add3A_106, %dma_start3A_124] : memref<125x80xi32, #tpu.memory_space<vmem>> -> memref<1x80xi32, #tpu.memory_space<vmem>>
        %dma_start3A_126 = tpu.memref_squeeze %dma_start3A_125 : memref<1x80xi32, #tpu.memory_space<vmem>> -> memref<80xi32, #tpu.memory_space<vmem>>
        %dma_start3A_127 = arith.constant 0 : i32
        %dma_start3A_128 = arith.constant 0 : i32
        %dma_start3A_129 = tpu.memref_slice %arg11[%dma_start3A_127, %dma_start3A_128] : memref<10000x128xf32, #tpu.memory_space<vmem_shared>> -> memref<10000x128xf32, #tpu.memory_space<vmem_shared>>
        tpu.enqueue_indirect_dma source(%arg9 : memref<80x128xf32, #tpu.memory_space<vmem>>) target(%dma_start3A_129 : memref<10000x128xf32, #tpu.memory_space<vmem_shared>>) offsets(%dma_start3A_126 : memref<80xi32, #tpu.memory_space<vmem>>) semaphore(%run_scoped3A_123 : memref<!tpu.dma_semaphore, #tpu.memory_space<semaphore_mem>>) {add = true}
        %dma_wait3A_130 = arith.constant 0 : i32
        %dma_wait3A_131 = tpu.memref_slice %arg7[%add3A_106, %dma_wait3A_130] : memref<125x80xi32, #tpu.memory_space<vmem>> -> memref<1x80xi32, #tpu.memory_space<vmem>>
        %dma_wait3A_132 = tpu.memref_squeeze %dma_wait3A_131 : memref<1x80xi32, #tpu.memory_space<vmem>> -> memref<80xi32, #tpu.memory_space<vmem>>
        %dma_wait3A_133 = arith.constant 0 : i32
        %dma_wait3A_134 = arith.constant 0 : i32
        %dma_wait3A_135 = tpu.memref_slice %arg11[%dma_wait3A_133, %dma_wait3A_134] : memref<10000x128xf32, #tpu.memory_space<vmem_shared>> -> memref<10000x128xf32, #tpu.memory_space<vmem_shared>>
        tpu.wait_indirect_dma semaphore(%run_scoped3A_123 : memref<!tpu.dma_semaphore, #tpu.memory_space<semaphore_mem>>) src(%arg9 : memref<80x128xf32, #tpu.memory_space<vmem>>) dst(%dma_wait3A_135 : memref<10000x128xf32, #tpu.memory_space<vmem_shared>>)
        tpu.yield
      }) : () -> ()
      %add3A_107 = arith.constant 4 : i32
      %add3A_108 = arith.addi %mul3A_76, %add3A_107 : i32
      %dma_start3A_109 = arith.constant 0 : i32
      %dma_start3A_110 = tpu.memref_slice %arg6[%add3A_108, %dma_start3A_109] : memref<125x80xi32, #tpu.memory_space<vmem>> -> memref<1x80xi32, #tpu.memory_space<vmem>>
      %dma_start3A_111 = tpu.memref_squeeze %dma_start3A_110 : memref<1x80xi32, #tpu.memory_space<vmem>> -> memref<80xi32, #tpu.memory_space<vmem>>
      %dma_start3A_112 = arith.constant 0 : i32
      %dma_start3A_113 = arith.constant 0 : i32
      %dma_start3A_114 = tpu.memref_slice %arg2[%dma_start3A_112, %dma_start3A_113] : memref<10000x128xf32, #tpu.memory_space<hbm>> -> memref<10000x128xf32, #tpu.memory_space<hbm>>
      tpu.enqueue_indirect_dma source(%dma_start3A_114 : memref<10000x128xf32, #tpu.memory_space<hbm>>) target(%arg9 : memref<80x128xf32, #tpu.memory_space<vmem>>) offsets(%dma_start3A_111 : memref<80xi32, #tpu.memory_space<vmem>>) semaphore(%arg13 : memref<!tpu.dma_semaphore, #tpu.memory_space<semaphore_mem>>)
      %dma_wait3A_115 = arith.constant 0 : i32
      %dma_wait3A_116 = arith.constant 0 : i32
      %dma_wait3A_117 = tpu.memref_slice %arg2[%dma_wait3A_115, %dma_wait3A_116] : memref<10000x128xf32, #tpu.memory_space<hbm>> -> memref<80x128xf32, #tpu.memory_space<hbm>>
      %dma_wait3A_118 = arith.constant 0 : i32
      %dma_wait3A_119 = arith.constant 0 : i32
      %dma_wait3A_120 = tpu.memref_slice %arg2[%dma_wait3A_118, %dma_wait3A_119] : memref<10000x128xf32, #tpu.memory_space<hbm>> -> memref<80x128xf32, #tpu.memory_space<hbm>>
      tpu.wait_dma2 semaphore(%arg14 : memref<!tpu.dma_semaphore, #tpu.memory_space<semaphore_mem>>) src(%dma_wait3A_120 : memref<80x128xf32, #tpu.memory_space<hbm>>) dst(%arg10 : memref<80x128xf32, #tpu.memory_space<vmem>>)
      %add3A_121 = arith.constant 2 : i32
      %add3A_122 = arith.addi %mul3A_76, %add3A_121 : i32
      "tpu.region"() ({
        %run_scoped3A_123 = tpu.sem_alloc : memref<!tpu.dma_semaphore, #tpu.memory_space<semaphore_mem>>
        %dma_start3A_124 = arith.constant 0 : i32
        %dma_start3A_125 = tpu.memref_slice %arg7[%add3A_122, %dma_start3A_124] : memref<125x80xi32, #tpu.memory_space<vmem>> -> memref<1x80xi32, #tpu.memory_space<vmem>>
        %dma_start3A_126 = tpu.memref_squeeze %dma_start3A_125 : memref<1x80xi32, #tpu.memory_space<vmem>> -> memref<80xi32, #tpu.memory_space<vmem>>
        %dma_start3A_127 = arith.constant 0 : i32
        %dma_start3A_128 = arith.constant 0 : i32
        %dma_start3A_129 = tpu.memref_slice %arg11[%dma_start3A_127, %dma_start3A_128] : memref<10000x128xf32, #tpu.memory_space<vmem_shared>> -> memref<10000x128xf32, #tpu.memory_space<vmem_shared>>
        tpu.enqueue_indirect_dma source(%arg10 : memref<80x128xf32, #tpu.memory_space<vmem>>) target(%dma_start3A_129 : memref<10000x128xf32, #tpu.memory_space<vmem_shared>>) offsets(%dma_start3A_126 : memref<80xi32, #tpu.memory_space<vmem>>) semaphore(%run_scoped3A_123 : memref<!tpu.dma_semaphore, #tpu.memory_space<semaphore_mem>>) {add = true}
        %dma_wait3A_130 = arith.constant 0 : i32
        %dma_wait3A_131 = tpu.memref_slice %arg7[%add3A_122, %dma_wait3A_130] : memref<125x80xi32, #tpu.memory_space<vmem>> -> memref<1x80xi32, #tpu.memory_space<vmem>>
        %dma_wait3A_132 = tpu.memref_squeeze %dma_wait3A_131 : memref<1x80xi32, #tpu.memory_space<vmem>> -> memref<80xi32, #tpu.memory_space<vmem>>
        %dma_wait3A_133 = arith.constant 0 : i32
        %dma_wait3A_134 = arith.constant 0 : i32
        %dma_wait3A_135 = tpu.memref_slice %arg11[%dma_wait3A_133, %dma_wait3A_134] : memref<10000x128xf32, #tpu.memory_space<vmem_shared>> -> memref<10000x128xf32, #tpu.memory_space<vmem_shared>>
        tpu.wait_indirect_dma semaphore(%run_scoped3A_123 : memref<!tpu.dma_semaphore, #tpu.memory_space<semaphore_mem>>) src(%arg10 : memref<80x128xf32, #tpu.memory_space<vmem>>) dst(%dma_wait3A_135 : memref<10000x128xf32, #tpu.memory_space<vmem_shared>>)
        tpu.yield
      }) : () -> ()
    }
    %scan3A_56 = arith.constant 41 : i32
    %dma_wait3A = arith.constant 0 : i32
    %dma_wait3A_57 = arith.constant 0 : i32
    %dma_wait3A_58 = tpu.memref_slice %arg2[%dma_wait3A, %dma_wait3A_57] : memref<10000x128xf32, #tpu.memory_space<hbm>> -> memref<80x128xf32, #tpu.memory_space<hbm>>
    %dma_wait3A_59 = arith.constant 0 : i32
    %dma_wait3A_60 = arith.constant 0 : i32
    %dma_wait3A_61 = tpu.memref_slice %arg2[%dma_wait3A_59, %dma_wait3A_60] : memref<10000x128xf32, #tpu.memory_space<hbm>> -> memref<80x128xf32, #tpu.memory_space<hbm>>
    tpu.wait_dma2 semaphore(%arg12 : memref<!tpu.dma_semaphore, #tpu.memory_space<semaphore_mem>>) src(%dma_wait3A_61 : memref<80x128xf32, #tpu.memory_space<hbm>>) dst(%arg8 : memref<80x128xf32, #tpu.memory_space<vmem>>)
    %run_scoped3A = arith.constant 123 : i32
    "tpu.region"() ({
      %run_scoped3A_74 = tpu.sem_alloc : memref<!tpu.dma_semaphore, #tpu.memory_space<semaphore_mem>>
      %dma_start3A_75 = arith.constant 0 : i32
      %dma_start3A_76 = tpu.memref_slice %arg7[%run_scoped3A, %dma_start3A_75] : memref<125x80xi32, #tpu.memory_space<vmem>> -> memref<1x80xi32, #tpu.memory_space<vmem>>
      %dma_start3A_77 = tpu.memref_squeeze %dma_start3A_76 : memref<1x80xi32, #tpu.memory_space<vmem>> -> memref<80xi32, #tpu.memory_space<vmem>>
      %dma_start3A_78 = arith.constant 0 : i32
      %dma_start3A_79 = arith.constant 0 : i32
      %dma_start3A_80 = tpu.memref_slice %arg11[%dma_start3A_78, %dma_start3A_79] : memref<10000x128xf32, #tpu.memory_space<vmem_shared>> -> memref<10000x128xf32, #tpu.memory_space<vmem_shared>>
      tpu.enqueue_indirect_dma source(%arg8 : memref<80x128xf32, #tpu.memory_space<vmem>>) target(%dma_start3A_80 : memref<10000x128xf32, #tpu.memory_space<vmem_shared>>) offsets(%dma_start3A_77 : memref<80xi32, #tpu.memory_space<vmem>>) semaphore(%run_scoped3A_74 : memref<!tpu.dma_semaphore, #tpu.memory_space<semaphore_mem>>) {add = true}
      %dma_wait3A_81 = arith.constant 0 : i32
      %dma_wait3A_82 = tpu.memref_slice %arg7[%run_scoped3A, %dma_wait3A_81] : memref<125x80xi32, #tpu.memory_space<vmem>> -> memref<1x80xi32, #tpu.memory_space<vmem>>
      %dma_wait3A_83 = tpu.memref_squeeze %dma_wait3A_82 : memref<1x80xi32, #tpu.memory_space<vmem>> -> memref<80xi32, #tpu.memory_space<vmem>>
      %dma_wait3A_84 = arith.constant 0 : i32
      %dma_wait3A_85 = arith.constant 0 : i32
      %dma_wait3A_86 = tpu.memref_slice %arg11[%dma_wait3A_84, %dma_wait3A_85] : memref<10000x128xf32, #tpu.memory_space<vmem_shared>> -> memref<10000x128xf32, #tpu.memory_space<vmem_shared>>
      tpu.wait_indirect_dma semaphore(%run_scoped3A_74 : memref<!tpu.dma_semaphore, #tpu.memory_space<semaphore_mem>>) src(%arg8 : memref<80x128xf32, #tpu.memory_space<vmem>>) dst(%dma_wait3A_86 : memref<10000x128xf32, #tpu.memory_space<vmem_shared>>)
      tpu.yield
    }) : () -> ()
    %dma_wait3A_62 = arith.constant 0 : i32
    %dma_wait3A_63 = arith.constant 0 : i32
    %dma_wait3A_64 = tpu.memref_slice %arg2[%dma_wait3A_62, %dma_wait3A_63] : memref<10000x128xf32, #tpu.memory_space<hbm>> -> memref<80x128xf32, #tpu.memory_space<hbm>>
    %dma_wait3A_65 = arith.constant 0 : i32
    %dma_wait3A_66 = arith.constant 0 : i32
    %dma_wait3A_67 = tpu.memref_slice %arg2[%dma_wait3A_65, %dma_wait3A_66] : memref<10000x128xf32, #tpu.memory_space<hbm>> -> memref<80x128xf32, #tpu.memory_space<hbm>>
    tpu.wait_dma2 semaphore(%arg13 : memref<!tpu.dma_semaphore, #tpu.memory_space<semaphore_mem>>) src(%dma_wait3A_67 : memref<80x128xf32, #tpu.memory_space<hbm>>) dst(%arg9 : memref<80x128xf32, #tpu.memory_space<vmem>>)
    %run_scoped3A_68 = arith.constant 124 : i32
    "tpu.region"() ({
      %run_scoped3A_74 = tpu.sem_alloc : memref<!tpu.dma_semaphore, #tpu.memory_space<semaphore_mem>>
      %dma_start3A_75 = arith.constant 0 : i32
      %dma_start3A_76 = tpu.memref_slice %arg7[%run_scoped3A_68, %dma_start3A_75] : memref<125x80xi32, #tpu.memory_space<vmem>> -> memref<1x80xi32, #tpu.memory_space<vmem>>
      %dma_start3A_77 = tpu.memref_squeeze %dma_start3A_76 : memref<1x80xi32, #tpu.memory_space<vmem>> -> memref<80xi32, #tpu.memory_space<vmem>>
      %dma_start3A_78 = arith.constant 0 : i32
      %dma_start3A_79 = arith.constant 0 : i32
      %dma_start3A_80 = tpu.memref_slice %arg11[%dma_start3A_78, %dma_start3A_79] : memref<10000x128xf32, #tpu.memory_space<vmem_shared>> -> memref<10000x128xf32, #tpu.memory_space<vmem_shared>>
      tpu.enqueue_indirect_dma source(%arg9 : memref<80x128xf32, #tpu.memory_space<vmem>>) target(%dma_start3A_80 : memref<10000x128xf32, #tpu.memory_space<vmem_shared>>) offsets(%dma_start3A_77 : memref<80xi32, #tpu.memory_space<vmem>>) semaphore(%run_scoped3A_74 : memref<!tpu.dma_semaphore, #tpu.memory_space<semaphore_mem>>) {add = true}
      %dma_wait3A_81 = arith.constant 0 : i32
      %dma_wait3A_82 = tpu.memref_slice %arg7[%run_scoped3A_68, %dma_wait3A_81] : memref<125x80xi32, #tpu.memory_space<vmem>> -> memref<1x80xi32, #tpu.memory_space<vmem>>
      %dma_wait3A_83 = tpu.memref_squeeze %dma_wait3A_82 : memref<1x80xi32, #tpu.memory_space<vmem>> -> memref<80xi32, #tpu.memory_space<vmem>>
      %dma_wait3A_84 = arith.constant 0 : i32
      %dma_wait3A_85 = arith.constant 0 : i32
      %dma_wait3A_86 = tpu.memref_slice %arg11[%dma_wait3A_84, %dma_wait3A_85] : memref<10000x128xf32, #tpu.memory_space<vmem_shared>> -> memref<10000x128xf32, #tpu.memory_space<vmem_shared>>
      tpu.wait_indirect_dma semaphore(%run_scoped3A_74 : memref<!tpu.dma_semaphore, #tpu.memory_space<semaphore_mem>>) src(%arg9 : memref<80x128xf32, #tpu.memory_space<vmem>>) dst(%dma_wait3A_86 : memref<10000x128xf32, #tpu.memory_space<vmem_shared>>)
      tpu.yield
    }) : () -> ()
    %barrier3A_69 = arith.constant 0 : index
    tpu.barrier barrier_id(%barrier3A_69)
    %mul3A_70 = arith.constant 625 : i32
    %mul3A_71 = arith.muli %arg1, %mul3A_70 : i32
    %mul3A_72 = arith.constant 625 : i32
    %mul3A_73 = arith.muli %arg1, %mul3A_72 : i32
    "tpu.region"() ({
      %run_scoped3A_74 = tpu.sem_alloc : memref<!tpu.dma_semaphore, #tpu.memory_space<semaphore_mem>>
      %dma_start3A_75 = arith.constant 0 : i32
      %dma_start3A_76 = tpu.memref_slice %arg5[%arg0, %mul3A_73, %dma_start3A_75] : memref<2x10000x128xf32, #tpu.memory_space<hbm>> -> memref<1x625x128xf32, #tpu.memory_space<hbm>>
      %dma_start3A_77 = tpu.memref_squeeze %dma_start3A_76 : memref<1x625x128xf32, #tpu.memory_space<hbm>> -> memref<625x128xf32, #tpu.memory_space<hbm>>
      %dma_start3A_78 = arith.constant 0 : i32
      %dma_start3A_79 = tpu.memref_slice %arg11[%mul3A_71, %dma_start3A_78] : memref<10000x128xf32, #tpu.memory_space<vmem_shared>> -> memref<625x128xf32, #tpu.memory_space<vmem_shared>>
      tpu.enqueue_dma source(%dma_start3A_79 : memref<625x128xf32, #tpu.memory_space<vmem_shared>>) target(%dma_start3A_77 : memref<625x128xf32, #tpu.memory_space<hbm>>) target_semaphore(%run_scoped3A_74 : memref<!tpu.dma_semaphore, #tpu.memory_space<semaphore_mem>>)
      %dma_wait3A_80 = arith.constant 0 : i32
      %dma_wait3A_81 = tpu.memref_slice %arg5[%arg0, %mul3A_73, %dma_wait3A_80] : memref<2x10000x128xf32, #tpu.memory_space<hbm>> -> memref<1x625x128xf32, #tpu.memory_space<hbm>>
      %dma_wait3A_82 = tpu.memref_squeeze %dma_wait3A_81 : memref<1x625x128xf32, #tpu.memory_space<hbm>> -> memref<625x128xf32, #tpu.memory_space<hbm>>
      %dma_wait3A_83 = arith.constant 0 : i32
      %dma_wait3A_84 = tpu.memref_slice %arg11[%mul3A_71, %dma_wait3A_83] : memref<10000x128xf32, #tpu.memory_space<vmem_shared>> -> memref<625x128xf32, #tpu.memory_space<vmem_shared>>
      tpu.wait_dma2 semaphore(%run_scoped3A_74 : memref<!tpu.dma_semaphore, #tpu.memory_space<semaphore_mem>>) src(%dma_wait3A_84 : memref<625x128xf32, #tpu.memory_space<vmem_shared>>) dst(%dma_wait3A_82 : memref<625x128xf32, #tpu.memory_space<hbm>>)
      tpu.yield
    }) : () -> ()
    return
  }
}

module attributes {stable_mosaic.version = 14 : i64} {
  func.func @body(%arg0: i32, %arg1: memref<4x1000x16xf32, #tpu.memory_space<vmem>>, %arg2: memref<1000x128xf32, #tpu.memory_space<vmem>>, %arg3: memref<1000x128xf32, #tpu.memory_space<vmem>>, %arg4: memref<1000x128xf32, #tpu.memory_space<vmem>>, %arg5: memref<1000x128xf32, #tpu.memory_space<vmem>>) attributes {dimension_semantics = [#tpu.dimension_semantics<arbitrary>], iteration_bounds = array<i64: 10>, scalar_prefetch = 0 : i64, scratch_operands = 0 : i64, tpu.core_type = #tpu.core_type<tc>, window_params = [{transform_indices = @transform_0, window_bounds = array<i64: 4, 1000, 16>}, {transform_indices = @transform_1, window_bounds = array<i64: 1000, 128>}, {transform_indices = @transform_2, window_bounds = array<i64: 1000, 128>}, {transform_indices = @transform_3, window_bounds = array<i64: 1000, 128>}, {transform_indices = @transform_4, window_bounds = array<i64: 1000, 128>}]} {
    %get3A = arith.constant 0 : index
    %get3A_0 = arith.constant 0 : index
    %get3A_1 = arith.constant 0 : index
    %get3A_2 = vector.load %arg1[%get3A, %get3A_0, %get3A_1] : memref<4x1000x16xf32, #tpu.memory_space<vmem>>, vector<4x1000x16xf32>
    %slice3A = vector.extract_strided_slice %get3A_2 {offsets = [0, 0, 0], sizes = [1, 1000, 16], strides = [1, 1, 1]} : vector<4x1000x16xf32> to vector<1x1000x16xf32>
    %squeeze3A = vector.shape_cast %slice3A : vector<1x1000x16xf32> to vector<1000x16xf32>
    %slice3A_3 = vector.extract_strided_slice %get3A_2 {offsets = [2, 0, 0], sizes = [1, 1000, 16], strides = [1, 1, 1]} : vector<4x1000x16xf32> to vector<1x1000x16xf32>
    %squeeze3A_4 = vector.shape_cast %slice3A_3 : vector<1x1000x16xf32> to vector<1000x16xf32>
    %add3A = arith.addf %squeeze3A, %squeeze3A_4 : vector<1000x16xf32>
    %slice3A_5 = vector.extract_strided_slice %add3A {offsets = [0, 0], sizes = [1000, 1], strides = [1, 1]} : vector<1000x16xf32> to vector<1000x1xf32>
    %slice3A_6 = vector.extract_strided_slice %get3A_2 {offsets = [1, 0, 0], sizes = [1, 1000, 16], strides = [1, 1, 1]} : vector<4x1000x16xf32> to vector<1x1000x16xf32>
    %squeeze3A_7 = vector.shape_cast %slice3A_6 : vector<1x1000x16xf32> to vector<1000x16xf32>
    %slice3A_8 = vector.extract_strided_slice %get3A_2 {offsets = [3, 0, 0], sizes = [1, 1000, 16], strides = [1, 1, 1]} : vector<4x1000x16xf32> to vector<1x1000x16xf32>
    %squeeze3A_9 = vector.shape_cast %slice3A_8 : vector<1x1000x16xf32> to vector<1000x16xf32>
    %add3A_10 = arith.addf %squeeze3A_7, %squeeze3A_9 : vector<1000x16xf32>
    %slice3A_11 = vector.extract_strided_slice %add3A_10 {offsets = [0, 0], sizes = [1000, 1], strides = [1, 1]} : vector<1000x16xf32> to vector<1000x1xf32>
    %max3A = arith.constant 1.000000e+00 : f32
    %max3A_12 = vector.broadcast %max3A : f32 to vector<1000x1xf32>
    %max3A_13 = arith.maximumf %slice3A_5, %max3A_12 : vector<1000x1xf32>
    %rsqrt3A = math.rsqrt %max3A_13 : vector<1000x1xf32>
    %max3A_14 = arith.constant 1.000000e+00 : f32
    %max3A_15 = vector.broadcast %max3A_14 : f32 to vector<1000x1xf32>
    %max3A_16 = arith.maximumf %slice3A_11, %max3A_15 : vector<1000x1xf32>
    %rsqrt3A_17 = math.rsqrt %max3A_16 : vector<1000x1xf32>
    %broadcast_in_dim3A = vector.shape_cast %rsqrt3A : vector<1000x1xf32> to vector<1000x1xf32>
    %broadcast_in_dim3A_18 = vector.broadcast %broadcast_in_dim3A : vector<1000x1xf32> to vector<1000x128xf32>
    %broadcast_in_dim3A_19 = vector.shape_cast %rsqrt3A_17 : vector<1000x1xf32> to vector<1000x1xf32>
    %broadcast_in_dim3A_20 = vector.broadcast %broadcast_in_dim3A_19 : vector<1000x1xf32> to vector<1000x128xf32>
    %swap3A = arith.constant 0 : index
    %swap3A_21 = arith.constant 0 : index
    %swap3A_22 = vector.load %arg4[%swap3A, %swap3A_21] : memref<1000x128xf32, #tpu.memory_space<vmem>>, vector<1000x128xf32>
    tpu.vector_store %arg4[%swap3A, %swap3A_21], %broadcast_in_dim3A_18 {strides = array<i32>} : memref<1000x128xf32, #tpu.memory_space<vmem>>, vector<1000x128xf32>,
    %swap3A_23 = arith.constant 0 : index
    %swap3A_24 = arith.constant 0 : index
    %swap3A_25 = vector.load %arg5[%swap3A_23, %swap3A_24] : memref<1000x128xf32, #tpu.memory_space<vmem>>, vector<1000x128xf32>
    tpu.vector_store %arg5[%swap3A_23, %swap3A_24], %broadcast_in_dim3A_20 {strides = array<i32>} : memref<1000x128xf32, #tpu.memory_space<vmem>>, vector<1000x128xf32>,
    %get3A_26 = arith.constant 0 : index
    %get3A_27 = arith.constant 0 : index
    %get3A_28 = vector.load %arg2[%get3A_26, %get3A_27] : memref<1000x128xf32, #tpu.memory_space<vmem>>, vector<1000x128xf32>
    %mul3A = arith.mulf %get3A_28, %broadcast_in_dim3A_18 : vector<1000x128xf32>
    %swap3A_29 = arith.constant 0 : index
    %swap3A_30 = arith.constant 0 : index
    %swap3A_31 = vector.load %arg3[%swap3A_29, %swap3A_30] : memref<1000x128xf32, #tpu.memory_space<vmem>>, vector<1000x128xf32>
    tpu.vector_store %arg3[%swap3A_29, %swap3A_30], %mul3A {strides = array<i32>} : memref<1000x128xf32, #tpu.memory_space<vmem>>, vector<1000x128xf32>,
    return
  }
  func.func @transform_0(%arg0: i32) -> (i32, i32, i32) {
    %c0_i32 = arith.constant 0 : i32
    %c0_i32_0 = arith.constant 0 : i32
    %c0_i32_1 = arith.constant 0 : i32
    return %c0_i32, %arg0, %c0_i32_0 : i32, i32, i32
  }
  func.func @transform_1(%arg0: i32) -> (i32, i32) {
    %c0_i32 = arith.constant 0 : i32
    %c0_i32_0 = arith.constant 0 : i32
    return %arg0, %c0_i32 : i32, i32
  }
  func.func @transform_2(%arg0: i32) -> (i32, i32) {
    %c0_i32 = arith.constant 0 : i32
    %c0_i32_0 = arith.constant 0 : i32
    return %arg0, %c0_i32 : i32, i32
  }
  func.func @transform_3(%arg0: i32) -> (i32, i32) {
    %c0_i32 = arith.constant 0 : i32
    %c0_i32_0 = arith.constant 0 : i32
    return %arg0, %c0_i32 : i32, i32
  }
  func.func @transform_4(%arg0: i32) -> (i32, i32) {
    %c0_i32 = arith.constant 0 : i32
    %c0_i32_0 = arith.constant 0 : i32
    return %arg0, %c0_i32 : i32, i32
  }
}

module attributes {stable_mosaic.version = 14 : i64} {
  func.func @body(%arg0: i32, %arg1: memref<1000x128xf32, #tpu.memory_space<vmem>>, %arg2: memref<128x128xf32, #tpu.memory_space<vmem>>, %arg3: memref<1000x128xf32, #tpu.memory_space<vmem>>) attributes {dimension_semantics = [#tpu.dimension_semantics<arbitrary>], iteration_bounds = array<i64: 10>, scalar_prefetch = 0 : i64, scratch_operands = 0 : i64, tpu.core_type = #tpu.core_type<tc>, window_params = [{transform_indices = @transform_0, window_bounds = array<i64: 1000, 128>}, {pipeline_mode = #tpu.pipeline_mode<synchronous>, transform_indices = @transform_1, window_bounds = array<i64: 128, 128>}, {transform_indices = @transform_2, window_bounds = array<i64: 1000, 128>}]} {
    %get3A = arith.constant 0 : index
    %get3A_0 = arith.constant 0 : index
    %get3A_1 = vector.load %arg1[%get3A, %get3A_0] : memref<1000x128xf32, #tpu.memory_space<vmem>>, vector<1000x128xf32>
    %get3A_2 = arith.constant 0 : index
    %get3A_3 = arith.constant 0 : index
    %get3A_4 = vector.load %arg2[%get3A_2, %get3A_3] : memref<128x128xf32, #tpu.memory_space<vmem>>, vector<128x128xf32>
    %dot_general3A = arith.constant dense<0.000000e+00> : vector<1000x128xf32>
    %dot_general3A_5 = tpu.matmul %get3A_1, %get3A_4, %dot_general3A {dimension_numbers = #tpu.dot_dimension_numbers<[1], [0], [0], [1], [0, 0, 1, 1], [], []>, transpose_lhs_hint = false} : vector<1000x128xf32>, vector<128x128xf32>, vector<1000x128xf32> -> vector<1000x128xf32>
    %swap3A = arith.constant 0 : index
    %swap3A_6 = arith.constant 0 : index
    %swap3A_7 = vector.load %arg3[%swap3A, %swap3A_6] : memref<1000x128xf32, #tpu.memory_space<vmem>>, vector<1000x128xf32>
    tpu.vector_store %arg3[%swap3A, %swap3A_6], %dot_general3A_5 {strides = array<i32>} : memref<1000x128xf32, #tpu.memory_space<vmem>>, vector<1000x128xf32>,
    return
  }
  func.func @transform_0(%arg0: i32) -> (i32, i32) {
    %c0_i32 = arith.constant 0 : i32
    %c0_i32_0 = arith.constant 0 : i32
    return %arg0, %c0_i32 : i32, i32
  }
  func.func @transform_1(%arg0: i32) -> (i32, i32) {
    %c0_i32 = arith.constant 0 : i32
    %c0_i32_0 = arith.constant 0 : i32
    %c0_i32_1 = arith.constant 0 : i32
    return %c0_i32, %c0_i32_0 : i32, i32
  }
  func.func @transform_2(%arg0: i32) -> (i32, i32) {
    %c0_i32 = arith.constant 0 : i32
    %c0_i32_0 = arith.constant 0 : i32
    return %arg0, %c0_i32 : i32, i32
  }
}

module attributes {stable_mosaic.version = 14 : i64} {
  func.func @body(%arg0: i32, %arg1: memref<2x1000x128xf32, #tpu.memory_space<vmem>>, %arg2: memref<1000x128xf32, #tpu.memory_space<vmem>>, %arg3: memref<1x128xf32, #tpu.memory_space<vmem>>, %arg4: memref<128x128xf32, #tpu.memory_space<vmem>>, %arg5: memref<1000x128xf32, #tpu.memory_space<vmem>>, %arg6: memref<1000x128xf32, #tpu.memory_space<vmem>>) attributes {dimension_semantics = [#tpu.dimension_semantics<arbitrary>], iteration_bounds = array<i64: 10>, scalar_prefetch = 0 : i64, scratch_operands = 0 : i64, tpu.core_type = #tpu.core_type<tc>, window_params = [{transform_indices = @transform_0, window_bounds = array<i64: 2, 1000, 128>}, {transform_indices = @transform_1, window_bounds = array<i64: 1000, 128>}, {pipeline_mode = #tpu.pipeline_mode<synchronous>, transform_indices = @transform_2, window_bounds = array<i64: 1, 128>}, {pipeline_mode = #tpu.pipeline_mode<synchronous>, transform_indices = @transform_3, window_bounds = array<i64: 128, 128>}, {transform_indices = @transform_4, window_bounds = array<i64: 1000, 128>}, {transform_indices = @transform_5, window_bounds = array<i64: 1000, 128>}]} {
    %get3A = arith.constant 0 : index
    %get3A_0 = arith.constant 0 : index
    %get3A_1 = arith.constant 0 : index
    %get3A_2 = vector.load %arg1[%get3A, %get3A_0, %get3A_1] : memref<2x1000x128xf32, #tpu.memory_space<vmem>>, vector<1x1000x128xf32>
    %get3A_3 = vector.shape_cast %get3A_2 : vector<1x1000x128xf32> to vector<1000x128xf32>
    %get3A_4 = arith.constant 1 : index
    %get3A_5 = arith.constant 0 : index
    %get3A_6 = arith.constant 0 : index
    %get3A_7 = vector.load %arg1[%get3A_4, %get3A_5, %get3A_6] : memref<2x1000x128xf32, #tpu.memory_space<vmem>>, vector<1x1000x128xf32>
    %get3A_8 = vector.shape_cast %get3A_7 : vector<1x1000x128xf32> to vector<1000x128xf32>
    %add3A = arith.addf %get3A_3, %get3A_8 : vector<1000x128xf32>
    %get3A_9 = arith.constant 0 : index
    %get3A_10 = arith.constant 0 : index
    %get3A_11 = vector.load %arg2[%get3A_9, %get3A_10] : memref<1000x128xf32, #tpu.memory_space<vmem>>, vector<1000x128xf32>
    %mul3A = arith.mulf %add3A, %get3A_11 : vector<1000x128xf32>
    %get3A_12 = arith.constant 0 : index
    %get3A_13 = arith.constant 0 : index
    %get3A_14 = vector.load %arg3[%get3A_12, %get3A_13] : memref<1x128xf32, #tpu.memory_space<vmem>>, vector<1x128xf32>
    %add3A_15 = vector.broadcast %get3A_14 : vector<1x128xf32> to vector<1000x128xf32>
    %add3A_16 = arith.addf %mul3A, %add3A_15 : vector<1000x128xf32>
    %gt3A = arith.constant 0.000000e+00 : f32
    %gt3A_17 = vector.broadcast %gt3A : f32 to vector<1000x128xf32>
    %gt3A_18 = arith.cmpf ogt, %add3A_16, %gt3A_17 : vector<1000x128xf32>
    %min3A = arith.constant 0.000000e+00 : f32
    %min3A_19 = vector.broadcast %min3A : f32 to vector<1000x128xf32>
    %min3A_20 = arith.minimumf %add3A_16, %min3A_19 : vector<1000x128xf32>
    %exp3A = math.exp %min3A_20 : vector<1000x128xf32>
    %sub3A = arith.constant 1.000000e+00 : f32
    %sub3A_21 = vector.broadcast %sub3A : f32 to vector<1000x128xf32>
    %sub3A_22 = arith.subf %exp3A, %sub3A_21 : vector<1000x128xf32>
    %select_n3A = arith.select %gt3A_18, %add3A_16, %sub3A_22 : vector<1000x128xi1>, vector<1000x128xf32>
    %get3A_23 = arith.constant 0 : index
    %get3A_24 = arith.constant 0 : index
    %get3A_25 = vector.load %arg4[%get3A_23, %get3A_24] : memref<128x128xf32, #tpu.memory_space<vmem>>, vector<128x128xf32>
    %dot_general3A = arith.constant dense<0.000000e+00> : vector<1000x128xf32>
    %dot_general3A_26 = tpu.matmul %select_n3A, %get3A_25, %dot_general3A {dimension_numbers = #tpu.dot_dimension_numbers<[1], [0], [0], [1], [0, 0, 1, 1], [], []>, transpose_lhs_hint = false} : vector<1000x128xf32>, vector<128x128xf32>, vector<1000x128xf32> -> vector<1000x128xf32>
    %get3A_27 = arith.constant 0 : index
    %get3A_28 = arith.constant 0 : index
    %get3A_29 = vector.load %arg5[%get3A_27, %get3A_28] : memref<1000x128xf32, #tpu.memory_space<vmem>>, vector<1000x128xf32>
    %mul3A_30 = arith.mulf %dot_general3A_26, %get3A_29 : vector<1000x128xf32>
    %swap3A = arith.constant 0 : index
    %swap3A_31 = arith.constant 0 : index
    %swap3A_32 = vector.load %arg6[%swap3A, %swap3A_31] : memref<1000x128xf32, #tpu.memory_space<vmem>>, vector<1000x128xf32>
    tpu.vector_store %arg6[%swap3A, %swap3A_31], %mul3A_30 {strides = array<i32>} : memref<1000x128xf32, #tpu.memory_space<vmem>>, vector<1000x128xf32>,
    return
  }
  func.func @transform_0(%arg0: i32) -> (i32, i32, i32) {
    %c0_i32 = arith.constant 0 : i32
    %c0_i32_0 = arith.constant 0 : i32
    %c0_i32_1 = arith.constant 0 : i32
    return %c0_i32, %arg0, %c0_i32_0 : i32, i32, i32
  }
  func.func @transform_1(%arg0: i32) -> (i32, i32) {
    %c0_i32 = arith.constant 0 : i32
    %c0_i32_0 = arith.constant 0 : i32
    return %arg0, %c0_i32 : i32, i32
  }
  func.func @transform_2(%arg0: i32) -> (i32, i32) {
    %c0_i32 = arith.constant 0 : i32
    %c0_i32_0 = arith.constant 0 : i32
    %c0_i32_1 = arith.constant 0 : i32
    return %c0_i32, %c0_i32_0 : i32, i32
  }
  func.func @transform_3(%arg0: i32) -> (i32, i32) {
    %c0_i32 = arith.constant 0 : i32
    %c0_i32_0 = arith.constant 0 : i32
    %c0_i32_1 = arith.constant 0 : i32
    return %c0_i32, %c0_i32_0 : i32, i32
  }
  func.func @transform_4(%arg0: i32) -> (i32, i32) {
    %c0_i32 = arith.constant 0 : i32
    %c0_i32_0 = arith.constant 0 : i32
    return %arg0, %c0_i32 : i32, i32
  }
  func.func @transform_5(%arg0: i32) -> (i32, i32) {
    %c0_i32 = arith.constant 0 : i32
    %c0_i32_0 = arith.constant 0 : i32
    return %arg0, %c0_i32 : i32, i32
  }
}

module attributes {stable_mosaic.version = 14 : i64} {
  func.func @body(%arg0: i32, %arg1: memref<2x1000x128xf32, #tpu.memory_space<vmem>>, %arg2: memref<1000x128xf32, #tpu.memory_space<vmem>>, %arg3: memref<1x128xf32, #tpu.memory_space<vmem>>, %arg4: memref<128x64xf32, #tpu.memory_space<vmem>>, %arg5: memref<1x64xf32, #tpu.memory_space<vmem>>, %arg6: memref<1x64xf32, #tpu.memory_space<vmem>>, %arg7: memref<1x128xf32, #tpu.memory_space<vmem>>) attributes {dimension_semantics = [#tpu.dimension_semantics<arbitrary>], iteration_bounds = array<i64: 10>, scalar_prefetch = 0 : i64, scratch_operands = 1 : i64, tpu.core_type = #tpu.core_type<tc>, window_params = [{transform_indices = @transform_0, window_bounds = array<i64: 2, 1000, 128>}, {transform_indices = @transform_1, window_bounds = array<i64: 1000, 128>}, {pipeline_mode = #tpu.pipeline_mode<synchronous>, transform_indices = @transform_2, window_bounds = array<i64: 1, 128>}, {pipeline_mode = #tpu.pipeline_mode<synchronous>, transform_indices = @transform_3, window_bounds = array<i64: 128, 64>}, {pipeline_mode = #tpu.pipeline_mode<synchronous>, transform_indices = @transform_4, window_bounds = array<i64: 1, 64>}, {pipeline_mode = #tpu.pipeline_mode<synchronous>, transform_indices = @transform_5, window_bounds = array<i64: 1, 64>}]} {
    %get3A = arith.constant 0 : index
    %get3A_0 = arith.constant 0 : index
    %get3A_1 = arith.constant 0 : index
    %get3A_2 = vector.load %arg1[%get3A, %get3A_0, %get3A_1] : memref<2x1000x128xf32, #tpu.memory_space<vmem>>, vector<1x1000x128xf32>
    %get3A_3 = vector.shape_cast %get3A_2 : vector<1x1000x128xf32> to vector<1000x128xf32>
    %get3A_4 = arith.constant 1 : index
    %get3A_5 = arith.constant 0 : index
    %get3A_6 = arith.constant 0 : index
    %get3A_7 = vector.load %arg1[%get3A_4, %get3A_5, %get3A_6] : memref<2x1000x128xf32, #tpu.memory_space<vmem>>, vector<1x1000x128xf32>
    %get3A_8 = vector.shape_cast %get3A_7 : vector<1x1000x128xf32> to vector<1000x128xf32>
    %add3A = arith.addf %get3A_3, %get3A_8 : vector<1000x128xf32>
    %get3A_9 = arith.constant 0 : index
    %get3A_10 = arith.constant 0 : index
    %get3A_11 = vector.load %arg2[%get3A_9, %get3A_10] : memref<1000x128xf32, #tpu.memory_space<vmem>>, vector<1000x128xf32>
    %mul3A = arith.mulf %add3A, %get3A_11 : vector<1000x128xf32>
    %get3A_12 = arith.constant 0 : index
    %get3A_13 = arith.constant 0 : index
    %get3A_14 = vector.load %arg3[%get3A_12, %get3A_13] : memref<1x128xf32, #tpu.memory_space<vmem>>, vector<1x128xf32>
    %add3A_15 = vector.broadcast %get3A_14 : vector<1x128xf32> to vector<1000x128xf32>
    %add3A_16 = arith.addf %mul3A, %add3A_15 : vector<1000x128xf32>
    %gt3A = arith.constant 0.000000e+00 : f32
    %gt3A_17 = vector.broadcast %gt3A : f32 to vector<1000x128xf32>
    %gt3A_18 = arith.cmpf ogt, %add3A_16, %gt3A_17 : vector<1000x128xf32>
    %min3A = arith.constant 0.000000e+00 : f32
    %min3A_19 = vector.broadcast %min3A : f32 to vector<1000x128xf32>
    %min3A_20 = arith.minimumf %add3A_16, %min3A_19 : vector<1000x128xf32>
    %exp3A = math.exp %min3A_20 : vector<1000x128xf32>
    %sub3A = arith.constant 1.000000e+00 : f32
    %sub3A_21 = vector.broadcast %sub3A : f32 to vector<1000x128xf32>
    %sub3A_22 = arith.subf %exp3A, %sub3A_21 : vector<1000x128xf32>
    %select_n3A = arith.select %gt3A_18, %add3A_16, %sub3A_22 : vector<1000x128xi1>, vector<1000x128xf32>
    %reduce_sum3A = arith.constant dense<0.000000e+00> : vector<128xf32>
    %reduce_sum3A_23 = vector.multi_reduction <add>, %select_n3A, %reduce_sum3A [0] : vector<1000x128xf32> to vector<128xf32>
    %broadcast_in_dim3A = vector.shape_cast %reduce_sum3A_23 : vector<128xf32> to vector<1x128xf32>
    %eq3A = arith.constant 0 : i32
    %eq3A_24 = arith.cmpi eq, %arg0, %eq3A : i32
    %convert_element_type3A = arith.extui %eq3A_24 : i1 to i32
    %cond3A = arith.constant 0 : i32
    %cond3A_25 = arith.cmpi ne, %convert_element_type3A, %cond3A : i32
    scf.if %cond3A_25 {
      %broadcast_in_dim3A_37 = arith.constant 0.000000e+00 : f32
      %broadcast_in_dim3A_38 = vector.broadcast %broadcast_in_dim3A_37 : f32 to vector<1x128xf32>
      %swap3A_39 = arith.constant 0 : index
      %swap3A_40 = arith.constant 0 : index
      %swap3A_41 = vector.load %arg7[%swap3A_39, %swap3A_40] : memref<1x128xf32, #tpu.memory_space<vmem>>, vector<1x128xf32>
      tpu.vector_store %arg7[%swap3A_39, %swap3A_40], %broadcast_in_dim3A_38 {strides = array<i32>} : memref<1x128xf32, #tpu.memory_space<vmem>>, vector<1x128xf32>,
    } else {
    }
    %get3A_26 = arith.constant 0 : index
    %get3A_27 = arith.constant 0 : index
    %get3A_28 = vector.load %arg7[%get3A_26, %get3A_27] : memref<1x128xf32, #tpu.memory_space<vmem>>, vector<1x128xf32>
    %add3A_29 = arith.addf %get3A_28, %broadcast_in_dim3A : vector<1x128xf32>
    %swap3A = arith.constant 0 : index
    %swap3A_30 = arith.constant 0 : index
    %swap3A_31 = vector.load %arg7[%swap3A, %swap3A_30] : memref<1x128xf32, #tpu.memory_space<vmem>>, vector<1x128xf32>
    tpu.vector_store %arg7[%swap3A, %swap3A_30], %add3A_29 {strides = array<i32>} : memref<1x128xf32, #tpu.memory_space<vmem>>, vector<1x128xf32>,
    %eq3A_32 = arith.constant 9 : i32
    %eq3A_33 = arith.cmpi eq, %arg0, %eq3A_32 : i32
    %convert_element_type3A_34 = arith.extui %eq3A_33 : i1 to i32
    %cond3A_35 = arith.constant 0 : i32
    %cond3A_36 = arith.cmpi ne, %convert_element_type3A_34, %cond3A_35 : i32
    scf.if %cond3A_36 {
      %get3A_37 = arith.constant 0 : index
      %get3A_38 = arith.constant 0 : index
      %get3A_39 = vector.load %arg7[%get3A_37, %get3A_38] : memref<1x128xf32, #tpu.memory_space<vmem>>, vector<1x128xf32>
      %mul3A_40 = arith.constant 9.99999974E-5 : f32
      %mul3A_41 = vector.broadcast %mul3A_40 : f32 to vector<1x128xf32>
      %mul3A_42 = arith.mulf %get3A_39, %mul3A_41 : vector<1x128xf32>
      %get3A_43 = arith.constant 0 : index
      %get3A_44 = arith.constant 0 : index
      %get3A_45 = vector.load %arg4[%get3A_43, %get3A_44] : memref<128x64xf32, #tpu.memory_space<vmem>>, vector<128x64xf32>
      %dot_general3A = arith.constant dense<0.000000e+00> : vector<1x64xf32>
      %dot_general3A_46 = tpu.matmul %mul3A_42, %get3A_45, %dot_general3A {dimension_numbers = #tpu.dot_dimension_numbers<[1], [0], [0], [1], [0, 0, 1, 1], [], []>, transpose_lhs_hint = false} : vector<1x128xf32>, vector<128x64xf32>, vector<1x64xf32> -> vector<1x64xf32>
      %get3A_47 = arith.constant 0 : index
      %get3A_48 = arith.constant 0 : index
      %get3A_49 = vector.load %arg5[%get3A_47, %get3A_48] : memref<1x64xf32, #tpu.memory_space<vmem>>, vector<1x64xf32>
      %add3A_50 = arith.addf %dot_general3A_46, %get3A_49 : vector<1x64xf32>
      %swap3A_51 = arith.constant 0 : index
      %swap3A_52 = arith.constant 0 : index
      %swap3A_53 = vector.load %arg6[%swap3A_51, %swap3A_52] : memref<1x64xf32, #tpu.memory_space<vmem>>, vector<1x64xf32>
      tpu.vector_store %arg6[%swap3A_51, %swap3A_52], %add3A_50 {strides = array<i32>} : memref<1x64xf32, #tpu.memory_space<vmem>>, vector<1x64xf32>,
    } else {
    }
    return
  }
  func.func @transform_0(%arg0: i32) -> (i32, i32, i32) {
    %c0_i32 = arith.constant 0 : i32
    %c0_i32_0 = arith.constant 0 : i32
    %c0_i32_1 = arith.constant 0 : i32
    return %c0_i32, %arg0, %c0_i32_0 : i32, i32, i32
  }
  func.func @transform_1(%arg0: i32) -> (i32, i32) {
    %c0_i32 = arith.constant 0 : i32
    %c0_i32_0 = arith.constant 0 : i32
    return %arg0, %c0_i32 : i32, i32
  }
  func.func @transform_2(%arg0: i32) -> (i32, i32) {
    %c0_i32 = arith.constant 0 : i32
    %c0_i32_0 = arith.constant 0 : i32
    %c0_i32_1 = arith.constant 0 : i32
    return %c0_i32, %c0_i32_0 : i32, i32
  }
  func.func @transform_3(%arg0: i32) -> (i32, i32) {
    %c0_i32 = arith.constant 0 : i32
    %c0_i32_0 = arith.constant 0 : i32
    %c0_i32_1 = arith.constant 0 : i32
    return %c0_i32, %c0_i32_0 : i32, i32
  }
  func.func @transform_4(%arg0: i32) -> (i32, i32) {
    %c0_i32 = arith.constant 0 : i32
    %c0_i32_0 = arith.constant 0 : i32
    %c0_i32_1 = arith.constant 0 : i32
    return %c0_i32, %c0_i32_0 : i32, i32
  }
  func.func @transform_5(%arg0: i32) -> (i32, i32) {
    %c0_i32 = arith.constant 0 : i32
    %c0_i32_0 = arith.constant 0 : i32
    %c0_i32_1 = arith.constant 0 : i32
    return %c0_i32, %c0_i32_0 : i32, i32
  }
}

</mosaic_0001>

<sc_bundles>
// kernel: kernel.11.cloned.1.call-start
scs
__scs_entry_jumppad:
0x0: {  	(pc) =	sbr.rel $0x88, $3  }
0x1: {  	(tag) =	ssettag $0x0;
	lr =	simm.s32 $0x1  }
0x2: {  	[smem:$0x3F97] =	sst lr;
	_ =	strace $0xD0000000  }
0x3: {  	_ = 	snop  }
0x4: {  	_ = 	snop  }
0x5: {  	_ = 	snop  }
0x6: {  	_ = 	snop  }
0x7: {  	_ = 	snop  }
__scs_overlays_trampoline_lowered:
0x8: {  	[smem:$0x3FA6] =	sst s0  }
0x9: {  	[smem:$0x3FA7] =	sst s1  }
0xa: {  	[smem:$0x3FA8] =	sst s2  }
0xb: {  	[smem:$0x3FA9] =	sst s3  }
0xc: {  	[smem:$0x3FAA] =	sst s4  }
0xd: {  	[smem:$0x3FAB] =	sst s5  }
0xe: {  	[smem:$0x3FAC] =	sst s6  }
0xf: {  	[smem:$0x3FAD] =	sst s7  }
0x10: {  	[smem:$0x3FAE] =	sst s8  }
0x11: {  	[smem:$0x3FAF] =	sst s9;
	s0 =	simm.s32 @!p0 $0x0  }
0x12: {  	s1 =	sld [smem:$0x3F95];
	s0 =	simm.s32 @p0 $0x1  }
0x13: {  	[smem:$0x3FB0] =	sst s0;
	s0 =	simm.s32 @!p1 $0x0  }
0x14: {  	s2 =	sld [smem:$0x3F94];
	s0 =	simm.s32 @p1 $0x1  }
0x15: {  	[smem:$0x3FB1] =	sst s0;
	s0 =	simm.s32 @!p2 $0x0  }
0x16: {  	s3 =	sld [smem:$0x3FDB];
	s0 =	simm.s32 @p2 $0x1  }
0x17: {  	s4 =	simm.s32 $0x1BF5;
	[smem:$0x3FB3] =	sst s0  }
0x18: {  	s0 =	sld [smem:$0x3F96];
	_ =	swait.ge [sflag:s4], $0x0  }
0x19: {  	s7 =	sld [smem:$0x3F97]  }
0x1a: {  	s8 =	sadd.s32 $0xFFFFE003, lr  }
0x1b: {  	s9 =	sadd.s32 $0xFFFFFEF7, lr;
	s5 =	simm.s32 $0xFFFFFFFF;
	p2 =	slt.u32 s8, $0xFFFFF086  }
0x1c: {  	p1 =	slt.u32 s9, $0xF7A;
	s5 =	simm.s32 @!p2 $0x0  }
0x1d: {  	s5 =	simm.s32 @p1 $0x1;
	p0 =	seq.s32 s7, s2  }
0x1e: {  	s7 =	smul.u32 @!p0 $0xF7A, s2;
	p2 =	seq.s32 @!p0 s5, $0x0  }
0x1f: {  	s9 =	smul.u32 $0xF7A, s1;
	s8 =	simm.s32 @!p0 $0x1BF5;
	p2 =	por !p2, p0  }
0x20: {  	[sflag:s8] =	ssyncset.s32 @!p0 $0xFFFFF086;
	s6 =	sadd.s32 @!p0 s3, s7;
	s7 =	simm.s32 @!p0 $0x108  }
0x21: {  	s3 =	sadd.s32 s3, s9;
	s6 =	sadd.s32 @!p0 $0x88, s6;
	s7 =	simm.s32 @p2 $0x1082  }
0x22: {  	[simem:s7], [sflag:s8] =	dma.local @!p0 [hbm:s6], $0xF7A  }
0x23: {  	s9 =	sor.u32 $0xD0000000, s2;
	s6 =	simm.s32 $0x108;
	_ =	swait.ge @!p0 [sflag:s8], $0x0  }
0x24: {  	s3 =	sadd.s32 $0x88, s3;
	s6 =	simm.s32 @!p1 $0x1082;
	[sflag:s4] =	ssyncset.s32 $0xFFFFF086  }
0x25: {  	[simem:s6], [sflag:s4] =	dma.local [hbm:s3], $0xF7A  }
0x26: {  	[smem:$0x3F97] =	sst s1;
	(tag) =	ssettag s2;
	_ =	strace s9  }
0x27: {  	s1 =	sld [smem:$0x3FA7]  }
0x28: {  	s2 =	sld [smem:$0x3FA8]  }
0x29: {  	s4 =	sld [smem:$0x3FAA]  }
0x2a: {  	p0 =	seq.s32 s5, $0x0;
	s5 =	sld [smem:$0x3FAB]  }
0x2b: {  	s6 =	sld [smem:$0x3FAC]  }
0x2c: {  	s7 =	sld [smem:$0x3FAD]  }
0x2d: {  	s3 =	simm.s32 $0x108;
	s8 =	sld [smem:$0x3FAE]  }
0x2e: {  	s3 =	simm.s32 @!p0 $0x1082;
	s9 =	sld [smem:$0x3FAF]  }
0x2f: {  	lr =	sadd.s32 s0, s3;
	s0 =	sld [smem:$0x3FA6]  }
0x30: {  	s3 =	sld [smem:$0x3FA9]  }
0x31: {  	[smem:$0x3FB2] =	sst s10  }
0x32: {  	s10 =	sld [smem:$0x3FB0];
	_ =	sdelay $0x3  }
0x33: {  	p0 =	seq.s32 s10, $0x1;
	s10 =	sld [smem:$0x3FB2];
	_ =	sdelay $0x3  }
0x34: {  	[smem:$0x3FB2] =	sst s10  }
0x35: {  	s10 =	sld [smem:$0x3FB1];
	_ =	sdelay $0x3  }
0x36: {  	p1 =	seq.s32 s10, $0x1;
	s10 =	sld [smem:$0x3FB2];
	_ =	sdelay $0x3  }
0x37: {  	[smem:$0x3FB2] =	sst s10  }
0x38: {  	s10 =	sld [smem:$0x3FB3]  }
0x39: {  	_ = 	snop;
	(pc) =	sbr.ind lr, $3  }
0x3a: {  	_ = 	snop  }
0x3b: {  	_ = 	snop  }
0x3c: {  	p2 =	seq.s32 s10, $0x1;
	s10 =	sld [smem:$0x3FB2]  }
0x3d: {  	_ =	shalt  }
0x3e: {  	_ =	shalt  }
0x3f: {  	_ =	shalt  }
0x40: {  	_ =	shalt  }
0x41: {  	_ =	shalt  }
0x42: {  	_ =	shalt  }
0x43: {  	_ =	shalt  }
0x44: {  	_ =	shalt  }
0x45: {  	_ =	shalt  }
0x46: {  	_ =	shalt  }
0x47: {  	_ =	shalt  }
0x48: {  	_ =	shalt  }
0x49: {  	_ =	shalt  }
0x4a: {  	_ =	shalt  }
0x4b: {  	_ =	shalt  }
0x4c: {  	_ =	shalt  }
0x4d: {  	_ =	shalt  }
0x4e: {  	_ =	shalt  }
0x4f: {  	_ =	shalt  }
0x50: {  	_ =	shalt  }
0x51: {  	_ =	shalt  }
0x52: {  	_ =	shalt  }
0x53: {  	_ =	shalt  }
0x54: {  	_ =	shalt  }
0x55: {  	_ =	shalt  }
0x56: {  	_ =	shalt  }
0x57: {  	_ =	shalt  }
0x58: {  	_ =	shalt  }
0x59: {  	_ =	shalt  }
0x5a: {  	_ =	shalt  }
0x5b: {  	_ =	shalt  }
0x5c: {  	_ =	shalt  }
0x5d: {  	_ =	shalt  }
0x5e: {  	_ =	shalt  }
0x5f: {  	_ =	shalt  }
0x60: {  	_ =	shalt  }
0x61: {  	_ =	shalt  }
0x62: {  	_ =	shalt  }
0x63: {  	_ =	shalt  }
0x64: {  	_ =	shalt  }
0x65: {  	_ =	shalt  }
0x66: {  	_ =	shalt  }
0x67: {  	_ =	shalt  }
0x68: {  	_ =	shalt  }
0x69: {  	_ =	shalt  }
0x6a: {  	_ =	shalt  }
0x6b: {  	_ =	shalt  }
0x6c: {  	_ =	shalt  }
0x6d: {  	_ =	shalt  }
0x6e: {  	_ =	shalt  }
0x6f: {  	_ =	shalt  }
0x70: {  	_ =	shalt  }
0x71: {  	_ =	shalt  }
0x72: {  	_ =	shalt  }
0x73: {  	_ =	shalt  }
0x74: {  	_ =	shalt  }
0x75: {  	_ =	shalt  }
0x76: {  	_ =	shalt  }
0x77: {  	_ =	shalt  }
0x78: {  	_ =	shalt  }
0x79: {  	_ =	shalt  }
0x7a: {  	_ =	shalt  }
0x7b: {  	_ =	shalt  }
0x7c: {  	_ =	shalt  }
0x7d: {  	_ =	shalt  }
0x7e: {  	_ =	shalt  }
0x7f: {  	_ =	shalt  }
0x80: {  	_ =	shalt  }
0x81: {  	_ =	shalt  }
0x82: {  	_ =	shalt  }
0x83: {  	_ =	shalt  }
0x84: {  	_ =	shalt  }
0x85: {  	_ =	shalt  }
0x86: {  	_ =	shalt  }
0x87: {  	_ =	shalt  }
.Lfunc_end0:
.L_simem_size_0:
called_computation_lowered:
.L_overlay_start_0:
0x88: {  	s2 =	sld [smem:$0x3FD9]  }
0x89: {  	s3 =	sld [smem:$0x3FFE];
	_ =	sdelay $0x1  }
0x8a: {  	s1 =	srdreg.scid  }
0x8b: {  	s0 =	sand.u32 $0x1, s1  }
0x8c: {  	s16 =	sshll.u32 s0, $0xA;
	s2 =	sadd.s32 s3, s2  }
0x8d: {  	s2 =	sadd.s32 s2, s16  }
0x8e: {  	[smem:$0x3FBE] =	sst s2  }
0x8f: {  	_ = 	snop  }
0x90: {  	(tm) =	ssettm $0x1  }
0x91: {  	s17 =	sld [smem:$0x3FFB];
	_ =	sdelay $0x3  }
0x92: {  	_ =	strace s17  }
0x93: {  	s2 =	sld [smem:$0x3FFC];
	_ =	sdelay $0x3  }
0x94: {  	_ =	strace s2  }
0x95: {  	s2 =	sld [smem:$0x3FFD];
	_ =	sdelay $0x3  }
0x96: {  	_ =	strace s2  }
0x97: {  	_ =	strace $0x8FFFFFFF  }
0x98: {  	s18 =	sld [smem:$0x3FDB];
	_ =	sdelay $0x1  }
0x99: {  	s19 =	simm.s32 $_scs_section_size  }
0x9a: {  	s4 =	simm.s32 $_size__tile_overlayer_lowered;
	s5 =	simm.s32 $_tile_overlayer_lowered  }
0x9b: {  	s22 =	simm.s32 $0x1BFF;
	s21 =	sshll.u32 s5, $0x1;
	s2 =	sadd.s32 s19, s18  }
0x9c: {  	s6 =	simm.s32 $0x0;
	s20 =	sshll.u32 s4, $0x1;
	s4 =	sadd.s32 s21, s2  }
0x9d: {  	[timem:s6], [sflag:s22] =	dma.local [hbm:s4], s20  }
0x9e: {  	_ =	swait.ge [sflag:s22], s20  }
0x9f: {  	s3 =	ssub.s32 $0x0, s20;
	[sflag:s22] =	ssyncset.done $0x0  }
0xa0: {  	[sflag:s22] =	ssyncadd.s32 s3;
	_ =	sdelay $0x1  }
0xa1: {  	s23 =	simm.s32 $0x1B8B  }
0xa2: {  	_ =	swait.ge [sflag:s23], $0x1  }
0xa3: {  	[sflag:s23] =	ssyncset.done $0x0  }
0xa4: {  	s25 =	simm.s32 $0x1B8E;
	s24 =	sld [smem:$0x3FFE];
	[sflag:s23] =	ssyncadd.s32 $0xFFFFFFFF  }
0xa5: {  	s26 =	simm.s32 $execute0_lowered;
	[smem:$0x3FD2] =	sst s25  }
0xa6: {  	s4 =	sshll.u32 s26, $0x1;
	_ =	strace $0x80000046;
	[dreg:$0x1] =	wrdreg $0xFFFFFFFF  }
0xa7: {  	s28 =	simm.s32 $_size_execute0_lowered;
	s2 =	sadd.s32 s2, s4;
	[dreg:$0x0] =	wrdreg $0x0  }
0xa8: {  	s4 =	sshll.u32 s28, $0x1;
	[dreg:$0x2] =	wrdreg s2  }
0xa9: {  	[dreg:$0x3] =	wrdreg s4  }
0xaa: {  	[dreg:$0x4] =	wrdreg $0xC0  }
0xab: {  	_ =	task [dreg:s6], $0x5FFFF  }
0xac: {  	[dreg:$0x1] =	wrdreg $0xFFFFFFFF  }
0xad: {  	[dreg:$0x0] =	wrdreg $0x60  }
0xae: {  	[dreg:$0x2] =	wrdreg s24  }
0xaf: {  	[dreg:$0x3] =	wrdreg $0x7A300  }
0xb0: {  	[dreg:$0x4] =	wrdreg $0xA1400  }
0xb1: {  	[dreg:$0x5] =	wrdreg $0x9  }
0xb2: {  	_ =	task.clear_ibuf [dreg:s6], $0x6FFFF;
	_ =	strace $0x90000046  }
0xb3: {  	s29 =	simm.s32 $0x9;
	_ =	strace $0x80000048  }
0xb4: {  	_ =	swait.ge [sflag:s29], $0x1  }
0xb5: {  	[sflag:s29] =	ssyncadd.s32 $0xFFFFFFFF  }
0xb6: {  	_ =	strace $0x90000048  }
0xb7: {  	_ =	sfence  }
0xb8: {  	s30 =	sld [smem:$0x0];
	_ =	sdelay $0x2  }
0xb9: {  	s31 =	sshll.u32 s1, $0xD;
	s1 =	sshrl.u32 s1, $0x2  }
0xba: {  	s3 =	sand.u32 $0x4000, s31;
	s1 =	sadd.s32 s1, s30  }
0xbb: {  	s0 =	sor.u32 s3, s0;
	s1 =	sshll.u32 s1, $0x11  }
0xbc: {  	s0 =	sor.u32 s1, s0  }
0xbd: {  	s0 =	sadd.s32 $0x8F2B, s0  }
0xbe: {  	[sflag:s0] =	ssyncadd.remote.s32 $0x1  }
0xbf: {  	_ =	sfence.sel $0xFFFF  }
0xc0: {  	[dreg:$0x0] =	wrdreg $0xFFFFFFFF;
	(pc) =	sbr.abs _section_cstart, $3  }
0xc1: {  	[dreg:$0x1] =	wrdreg $0xFFFFFFFF  }
0xc2: {  	_ =	task.clear_ibuf [dreg:s6], $0x2FFFF;
	_ =	strace $0x9FFFFFFF  }
0xc3: {  	(tm) =	ssettm $0x7FFFFFFF  }
tec
execute0_lowered:
.L_overlay_start_1:
0x0: {  	(tag) =	ssettag $0x1  }
0x1: {  	s5 =	rddreg [dreg:$0x0]  }
0x2: {  	s1 =	srdreg.scid;
	s2 =	rddreg [dreg:$0x1]  }
0x3: {  	s0 =	stileid.u32;
	s3 =	rddreg [dreg:$0x2];
	s4 =	simm.s32 $0x0  }
0x4: {  	s12 =	simm.s32 $0x5320;
	s13 =	simm.s32 $0x3;
	s14 =	simm.s32 $0x2710  }
0x5: {  	s15 =	simm.s32 $0x50;
	s16 =	simm.s32 $0x4E20;
	s17 =	simm.s32 $0x1  }
0x6: {  	s18 =	simm.s32 $0x2;
	s6 =	sand.u32 $0x1, s1;
	s1 =	rddreg [dreg:$0x3]  }
0x7: {  	s7 =	smul.u32 $0x2710, s0;
	[smem:$0x7FF] =	sst s4;
	s8 =	sshll.u32 s6, $0x4  }
0x8: {  	s9 =	smul.u32 $0x4E200, s6;
	s6 =	ssub.s32 $0x2, s6;
	s8 =	sor.u32 s0, s8  }
0x9: {  	_ =	strace $0x80000047;
	s31 =	sshrl.u32 s6, $0x1;
	s8 =	smul.u32 $0x4E2, s8  }
0xa: {  	s9 =	sadd.s32 s7, s9;
	s11 =	ssub.s32 s6, s31;
	s6 =	sadd.s32 s7, s3  }
0xb: {  	s9 =	sshrl.u32 s9, $0x3;
	s11 =	smax.u32 s11, $0x1;
	s8 =	sadd.s32 s8, s5  }
0xc: {  	s10 =	sadd.s32 s9, s5;
	s5 =	sadd.s32 s7, s2;
	s7 =	sadd.s32 $0xC800, s8  }
0xd: {  	v0 =	vimm.f32 $1.000000000e+00;
	v1 =	vimm.f32 $0.0e+00;
	s8 =	sadd.s32 $0x2A00, s8;
	s9 =	sadd.s32 $0x16600, s10;
	s10 =	sadd.s32 $0x1B420, s10  }
.LBB2_1:
0xe: {  	s19 =	simm.s32 $0x0  }
.LBB2_2:
0xf: {  	p0 =	sne.s32 s19, $0x13C0  }
.Ltmp0:
0x10: {  	_ = 	snop;
	(pc) =	sbr.rel @p0 .LBB2_2-.Ltmp0, $3  }
0x11: {  	_ =	sdelay $0x1  }
0x12: {  	s20 =	sshra.s32 s19, $0x2  }
0x13: {  	s19 =	sadd.s32 $0x40, s19;
	[tilespmem:s20+$0x4E20] =	vst v0  }
0x14: {  	s19 =	simm.s32 $0x40;
	s20 =	simm.s32 $0x0  }
.LBB2_4:
0x15: {  	p0 =	sne.s32 s19, $0x9C00;
	[tilespmem:s20+$0x5320] =	vst v1;
	s20 =	smov.u32 s19;
	s19 =	sadd.s32 $0x40, s19  }
.Ltmp1:
0x16: {  	(pc) =	sbr.rel @p0 .LBB2_4-.Ltmp1, $2  }
0x17: {  	_ =	sdelay $0x2  }
0x18: {  	s20 =	sshra.s32 s20, $0x2  }
0x19: {  	[tilespmem:s20+$0x5320] =	vst v1  }
0x1a: {  	[spmem:s5] =	stream.linear.scatter [tilespmem:s12], [sflag:$0x3], $0x2710, $0x38;
	[tilespmem:$0xC850] =	vst v63  }
0x1b: {  	_ =	swait.ge [sflag:s13], $0x2710  }
0x1c: {  	[sflag:s13] =	ssyncset.done $0x0  }
0x1d: {  	[sflag:s13] =	ssyncadd.s32 $0xFFFFD8F0  }
0x1e: {  	[spmem:s6] =	stream.linear.scatter [tilespmem:s12], [sflag:$0x3], $0x2710, $0x38;
	[tilespmem:$0xC850] =	vst v63  }
0x1f: {  	_ =	swait.ge [sflag:s13], $0x2710  }
0x20: {  	[sflag:s13] =	ssyncset.done $0x0  }
0x21: {  	[sflag:s13] =	ssyncadd.s32 $0xFFFFD8F0  }
0x22: {  	s19 =	simm.s32 $0x0;
	[bflag:$0x0] =	sbarrier.arrive $0xFFFF  }
0x23: {  	[tilespmem:s19], [sflag:$0x3] =	stream.linear.gather [hbm4b:s7+s19], $0x2710, $0x38;
	[tilespmem:$0xC850] =	vst v63  }
0x24: {  	_ =	swait.ge [sflag:s13], $0x2710  }
0x25: {  	[sflag:s13] =	ssyncset.done $0x0  }
0x26: {  	[sflag:s13] =	ssyncadd.s32 $0xFFFFD8F0  }
0x27: {  	[tilespmem:s14], [sflag:$0x3] =	stream.linear.gather [hbm4b:s8+s19], $0x2710, $0x38;
	[tilespmem:$0xC850] =	vst v63  }
0x28: {  	_ =	swait.ge [sflag:s13], $0x2710  }
0x29: {  	[sflag:s13] =	ssyncset.done $0x0  }
0x2a: {  	s21 =	simm.s32 $0x0;
	[sflag:s13] =	ssyncadd.s32 $0xFFFFD8F0  }
0x2b: {  	[spmem:s2] =	stream.indirect.scatter.add.f32 [tilespmem:s16], [sflag:$0x1], $0x10, s21, s15, $0xb8;
	[tilespmem:$0xC850] =	vst v63  }
0x2c: {  	s22 =	simm.s32 $0x2710  }
0x2d: {  	[spmem:s3] =	stream.indirect.scatter.add.f32 [tilespmem:s16], [sflag:$0x2], $0x10, s22, s15, $0xb8;
	[tilespmem:$0xC850] =	vst v63  }
0x2e: {  	s23 =	simm.s32 $0x50  }
0x2f: {  	[spmem:s2] =	stream.indirect.scatter.add.f32 [tilespmem:s16], [sflag:$0x1], $0x10, s23, s15, $0xb8;
	[tilespmem:$0xC850] =	vst v63  }
0x30: {  	s24 =	simm.s32 $0x2760  }
0x31: {  	[spmem:s3] =	stream.indirect.scatter.add.f32 [tilespmem:s16], [sflag:$0x2], $0x10, s24, s15, $0xb8;
	[tilespmem:$0xC850] =	vst v63  }
0x32: {  	s25 =	simm.s32 $0xA0  }
0x33: {  	[spmem:s2] =	stream.indirect.scatter.add.f32 [tilespmem:s16], [sflag:$0x1], $0x10, s25, s15, $0xb8;
	[tilespmem:$0xC850] =	vst v63  }
0x34: {  	s26 =	simm.s32 $0x27B0  }
0x35: {  	[spmem:s3] =	stream.indirect.scatter.add.f32 [tilespmem:s16], [sflag:$0x2], $0x10, s26, s15, $0xb8;
	[tilespmem:$0xC850] =	vst v63  }
0x36: {  	s28 =	simm.s32 $0xF0  }
0x37: {  	[spmem:s2] =	stream.indirect.scatter.add.f32 [tilespmem:s16], [sflag:$0x1], $0x10, s28, s15, $0xb8;
	[tilespmem:$0xC850] =	vst v63  }
0x38: {  	s29 =	simm.s32 $0x2800  }
0x39: {  	[spmem:s3] =	stream.indirect.scatter.add.f32 [tilespmem:s16], [sflag:$0x2], $0x10, s29, s15, $0xb8;
	[tilespmem:$0xC850] =	vst v63  }
0x3a: {  	s30 =	simm.s32 $0x140  }
0x3b: {  	[spmem:s2] =	stream.indirect.scatter.add.f32 [tilespmem:s16], [sflag:$0x1], $0x10, s30, s15, $0xb8;
	[tilespmem:$0xC850] =	vst v63  }
0x3c: {  	s31 =	simm.s32 $0x2850  }
0x3d: {  	[spmem:s3] =	stream.indirect.scatter.add.f32 [tilespmem:s16], [sflag:$0x2], $0x10, s31, s15, $0xb8;
	[tilespmem:$0xC850] =	vst v63  }
0x3e: {  	_ =	swait.ge [sflag:s17], $0x500  }
0x3f: {  	[sflag:s17] =	ssyncset.done $0x0  }
0x40: {  	[sflag:s17] =	ssyncadd.s32 $0xFFFFFB00  }
0x41: {  	_ =	swait.ge [sflag:s18], $0x500  }
0x42: {  	[sflag:s18] =	ssyncset.done $0x0  }
0x43: {  	[sflag:s18] =	ssyncadd.s32 $0xFFFFFB00  }
0x44: {  	_ =	swait.ge [sflag:s17], $0x500  }
0x45: {  	[sflag:s17] =	ssyncset.done $0x0  }
0x46: {  	[sflag:s17] =	ssyncadd.s32 $0xFFFFFB00  }
0x47: {  	_ =	swait.ge [sflag:s18], $0x500  }
0x48: {  	[sflag:s18] =	ssyncset.done $0x0  }
0x49: {  	[sflag:s18] =	ssyncadd.s32 $0xFFFFFB00  }
0x4a: {  	_ =	swait.ge [sflag:s17], $0x500  }
0x4b: {  	[sflag:s17] =	ssyncset.done $0x0  }
0x4c: {  	[sflag:s17] =	ssyncadd.s32 $0xFFFFFB00  }
0x4d: {  	_ =	swait.ge [sflag:s18], $0x500  }
0x4e: {  	[sflag:s18] =	ssyncset.done $0x0  }
0x4f: {  	[sflag:s18] =	ssyncadd.s32 $0xFFFFFB00  }
0x50: {  	_ =	swait.ge [sflag:s17], $0x500  }
0x51: {  	[sflag:s17] =	ssyncset.done $0x0  }
0x52: {  	[sflag:s17] =	ssyncadd.s32 $0xFFFFFB00  }
0x53: {  	_ =	swait.ge [sflag:s18], $0x500  }
0x54: {  	[sflag:s18] =	ssyncset.done $0x0  }
0x55: {  	[sflag:s18] =	ssyncadd.s32 $0xFFFFFB00  }
0x56: {  	_ =	swait.ge [sflag:s17], $0x500  }
0x57: {  	[sflag:s17] =	ssyncset.done $0x0  }
0x58: {  	[sflag:s17] =	ssyncadd.s32 $0xFFFFFB00  }
0x59: {  	_ =	swait.ge [sflag:s18], $0x500  }
0x5a: {  	s19 =	simm.s32 $0x640;
	s21 =	simm.s32 $0xC80;
	[sflag:s18] =	ssyncset.done $0x0  }
.LBB2_6:
0x5b: {  	s22 =	sshra.s32 s19, $0x2  }
0x5c: {  	[sflag:s18] =	ssyncadd.s32 $0xFFFFFB00;
	s19 =	smov.u32 s21;
	s20 =	sadd.s32 $0x640, s21  }
0x5d: {  	[spmem:s2] =	stream.indirect.scatter.add.f32 [tilespmem:s16], [sflag:$0x1], $0x10, s22, s15, $0xb8;
	[tilespmem:$0xC850] =	vst v63  }
0x5e: {  	p0 =	sne.s32 s21, $0x9600;
	s21 =	sadd.s32 $0x2710, s22  }
0x5f: {  	[spmem:s3] =	stream.indirect.scatter.add.f32 [tilespmem:s16], [sflag:$0x2], $0x10, s21, s15, $0xb8;
	[tilespmem:$0xC850] =	vst v63  }
0x60: {  	s21 =	sadd.s32 $0x50, s22  }
0x61: {  	[spmem:s2] =	stream.indirect.scatter.add.f32 [tilespmem:s16], [sflag:$0x1], $0x10, s21, s15, $0xb8;
	[tilespmem:$0xC850] =	vst v63  }
0x62: {  	s21 =	sadd.s32 $0x2760, s22  }
0x63: {  	[spmem:s3] =	stream.indirect.scatter.add.f32 [tilespmem:s16], [sflag:$0x2], $0x10, s21, s15, $0xb8;
	[tilespmem:$0xC850] =	vst v63  }
0x64: {  	s21 =	sadd.s32 $0xA0, s22  }
0x65: {  	[spmem:s2] =	stream.indirect.scatter.add.f32 [tilespmem:s16], [sflag:$0x1], $0x10, s21, s15, $0xb8;
	[tilespmem:$0xC850] =	vst v63  }
0x66: {  	s21 =	sadd.s32 $0x27B0, s22  }
0x67: {  	[spmem:s3] =	stream.indirect.scatter.add.f32 [tilespmem:s16], [sflag:$0x2], $0x10, s21, s15, $0xb8;
	[tilespmem:$0xC850] =	vst v63  }
0x68: {  	s21 =	sadd.s32 $0xF0, s22  }
0x69: {  	[spmem:s2] =	stream.indirect.scatter.add.f32 [tilespmem:s16], [sflag:$0x1], $0x10, s21, s15, $0xb8;
	[tilespmem:$0xC850] =	vst v63  }
0x6a: {  	s21 =	sadd.s32 $0x2800, s22  }
0x6b: {  	[spmem:s3] =	stream.indirect.scatter.add.f32 [tilespmem:s16], [sflag:$0x2], $0x10, s21, s15, $0xb8;
	[tilespmem:$0xC850] =	vst v63  }
0x6c: {  	s21 =	sadd.s32 $0x140, s22  }
0x6d: {  	[spmem:s2] =	stream.indirect.scatter.add.f32 [tilespmem:s16], [sflag:$0x1], $0x10, s21, s15, $0xb8;
	[tilespmem:$0xC850] =	vst v63  }
0x6e: {  	s21 =	sadd.s32 $0x2850, s22  }
0x6f: {  	[spmem:s3] =	stream.indirect.scatter.add.f32 [tilespmem:s16], [sflag:$0x2], $0x10, s21, s15, $0xb8;
	[tilespmem:$0xC850] =	vst v63  }
0x70: {  	_ =	swait.ge [sflag:s17], $0x500  }
0x71: {  	[sflag:s17] =	ssyncset.done $0x0  }
0x72: {  	[sflag:s17] =	ssyncadd.s32 $0xFFFFFB00  }
0x73: {  	_ =	swait.ge [sflag:s18], $0x500  }
0x74: {  	[sflag:s18] =	ssyncset.done $0x0  }
0x75: {  	[sflag:s18] =	ssyncadd.s32 $0xFFFFFB00  }
0x76: {  	_ =	swait.ge [sflag:s17], $0x500  }
0x77: {  	[sflag:s17] =	ssyncset.done $0x0  }
0x78: {  	[sflag:s17] =	ssyncadd.s32 $0xFFFFFB00  }
0x79: {  	_ =	swait.ge [sflag:s18], $0x500  }
0x7a: {  	[sflag:s18] =	ssyncset.done $0x0  }
0x7b: {  	[sflag:s18] =	ssyncadd.s32 $0xFFFFFB00  }
0x7c: {  	_ =	swait.ge [sflag:s17], $0x500  }
0x7d: {  	[sflag:s17] =	ssyncset.done $0x0  }
0x7e: {  	[sflag:s17] =	ssyncadd.s32 $0xFFFFFB00  }
0x7f: {  	_ =	swait.ge [sflag:s18], $0x500  }
0x80: {  	[sflag:s18] =	ssyncset.done $0x0  }
0x81: {  	[sflag:s18] =	ssyncadd.s32 $0xFFFFFB00  }
0x82: {  	_ =	swait.ge [sflag:s17], $0x500  }
0x83: {  	[sflag:s17] =	ssyncset.done $0x0  }
0x84: {  	[sflag:s17] =	ssyncadd.s32 $0xFFFFFB00  }
0x85: {  	_ =	swait.ge [sflag:s18], $0x500  }
0x86: {  	[sflag:s18] =	ssyncset.done $0x0  }
0x87: {  	[sflag:s18] =	ssyncadd.s32 $0xFFFFFB00  }
.Ltmp2:
0x88: {  	_ =	swait.ge [sflag:s17], $0x500;
	(pc) =	sbr.rel @p0 .LBB2_6-.Ltmp2, $4  }
0x89: {  	[sflag:s17] =	ssyncset.done $0x0  }
0x8a: {  	[sflag:s17] =	ssyncadd.s32 $0xFFFFFB00  }
0x8b: {  	_ =	swait.ge [sflag:s18], $0x500  }
0x8c: {  	s21 =	smov.u32 s20;
	[sflag:s18] =	ssyncset.done $0x0  }
0x8d: {  	s19 =	sshra.s32 s19, $0x2;
	[sflag:s18] =	ssyncadd.s32 $0xFFFFFB00  }
0x8e: {  	[spmem:s2] =	stream.indirect.scatter.add.f32 [tilespmem:s16], [sflag:$0x1], $0x10, s19, s15, $0xb8;
	[tilespmem:$0xC850] =	vst v63  }
0x8f: {  	s20 =	sadd.s32 $0x2710, s19  }
0x90: {  	[spmem:s3] =	stream.indirect.scatter.add.f32 [tilespmem:s16], [sflag:$0x2], $0x10, s20, s15, $0xb8;
	[tilespmem:$0xC850] =	vst v63  }
0x91: {  	s21 =	sadd.s32 $0x50, s19  }
0x92: {  	[spmem:s2] =	stream.indirect.scatter.add.f32 [tilespmem:s16], [sflag:$0x1], $0x10, s21, s15, $0xb8;
	[tilespmem:$0xC850] =	vst v63  }
0x93: {  	s22 =	sadd.s32 $0x2760, s19  }
0x94: {  	[spmem:s3] =	stream.indirect.scatter.add.f32 [tilespmem:s16], [sflag:$0x2], $0x10, s22, s15, $0xb8;
	[tilespmem:$0xC850] =	vst v63  }
0x95: {  	s23 =	sadd.s32 $0xA0, s19  }
0x96: {  	[spmem:s2] =	stream.indirect.scatter.add.f32 [tilespmem:s16], [sflag:$0x1], $0x10, s23, s15, $0xb8;
	[tilespmem:$0xC850] =	vst v63  }
0x97: {  	s24 =	sadd.s32 $0x27B0, s19  }
0x98: {  	[spmem:s3] =	stream.indirect.scatter.add.f32 [tilespmem:s16], [sflag:$0x2], $0x10, s24, s15, $0xb8;
	[tilespmem:$0xC850] =	vst v63  }
0x99: {  	s25 =	sadd.s32 $0xF0, s19  }
0x9a: {  	[spmem:s2] =	stream.indirect.scatter.add.f32 [tilespmem:s16], [sflag:$0x1], $0x10, s25, s15, $0xb8;
	[tilespmem:$0xC850] =	vst v63  }
0x9b: {  	s26 =	sadd.s32 $0x2800, s19  }
0x9c: {  	[spmem:s3] =	stream.indirect.scatter.add.f32 [tilespmem:s16], [sflag:$0x2], $0x10, s26, s15, $0xb8;
	[tilespmem:$0xC850] =	vst v63  }
0x9d: {  	s28 =	sadd.s32 $0x140, s19  }
0x9e: {  	[spmem:s2] =	stream.indirect.scatter.add.f32 [tilespmem:s16], [sflag:$0x1], $0x10, s28, s15, $0xb8;
	[tilespmem:$0xC850] =	vst v63  }
0x9f: {  	s19 =	sadd.s32 $0x2850, s19  }
0xa0: {  	[spmem:s3] =	stream.indirect.scatter.add.f32 [tilespmem:s16], [sflag:$0x2], $0x10, s19, s15, $0xb8;
	[tilespmem:$0xC850] =	vst v63  }
0xa1: {  	_ =	swait.ge [sflag:s17], $0x500  }
0xa2: {  	[sflag:s17] =	ssyncset.done $0x0  }
0xa3: {  	[sflag:s17] =	ssyncadd.s32 $0xFFFFFB00  }
0xa4: {  	_ =	swait.ge [sflag:s18], $0x500  }
0xa5: {  	[sflag:s18] =	ssyncset.done $0x0  }
0xa6: {  	[sflag:s18] =	ssyncadd.s32 $0xFFFFFB00  }
0xa7: {  	_ =	swait.ge [sflag:s17], $0x500  }
0xa8: {  	[sflag:s17] =	ssyncset.done $0x0  }
0xa9: {  	[sflag:s17] =	ssyncadd.s32 $0xFFFFFB00  }
0xaa: {  	_ =	swait.ge [sflag:s18], $0x500  }
0xab: {  	[sflag:s18] =	ssyncset.done $0x0  }
0xac: {  	[sflag:s18] =	ssyncadd.s32 $0xFFFFFB00  }
0xad: {  	_ =	swait.ge [sflag:s17], $0x500  }
0xae: {  	[sflag:s17] =	ssyncset.done $0x0  }
0xaf: {  	[sflag:s17] =	ssyncadd.s32 $0xFFFFFB00  }
0xb0: {  	_ =	swait.ge [sflag:s18], $0x500  }
0xb1: {  	[sflag:s18] =	ssyncset.done $0x0  }
0xb2: {  	[sflag:s18] =	ssyncadd.s32 $0xFFFFFB00  }
0xb3: {  	_ =	swait.ge [sflag:s17], $0x500  }
0xb4: {  	[sflag:s17] =	ssyncset.done $0x0  }
0xb5: {  	[sflag:s17] =	ssyncadd.s32 $0xFFFFFB00  }
0xb6: {  	_ =	swait.ge [sflag:s18], $0x500  }
0xb7: {  	[sflag:s18] =	ssyncset.done $0x0  }
0xb8: {  	[sflag:s18] =	ssyncadd.s32 $0xFFFFFB00  }
0xb9: {  	_ =	swait.ge [sflag:s17], $0x500  }
0xba: {  	[sflag:s17] =	ssyncset.done $0x0  }
0xbb: {  	[sflag:s17] =	ssyncadd.s32 $0xFFFFFB00  }
0xbc: {  	_ =	swait.ge [sflag:s18], $0x500  }
0xbd: {  	[sflag:s18] =	ssyncset.done $0x0  }
0xbe: {  	s29 =	sshll.u32 s0, $0x6;
	[sflag:s18] =	ssyncadd.s32 $0xFFFFFB00  }
0xbf: {  	s30 =	sshrl.u32 s5, $0x3;
	s19 =	sor.u32 $0x1C03, s29;
	[bflag:$0x0] =	sbarrier.arrive $0xFFFF  }
0xc0: {  	[hbm:s9], [sflag:s19] =	dma.local [spmem:s30], $0x4E2  }
0xc1: {  	s4 =	sadd.s32 $0x1, s4;
	_ =	swait.ge [sflag:s13], $0x4E2  }
0xc2: {  	p0 =	sne.s32 s4, s11;
	[sflag:s13] =	ssyncset.done $0x0  }
.Ltmp3:
0xc3: {  	s31 =	sshrl.u32 s6, $0x3;
	[sflag:s13] =	ssyncadd.s32 $0xFFFFFB1E;
	(pc) =	sbr.rel @p0 .LBB2_1-.Ltmp3, $4  }
0xc4: {  	[hbm:s10], [sflag:s19] =	dma.local [spmem:s31], $0x4E2  }
0xc5: {  	_ =	swait.ge [sflag:s13], $0x4E2  }
0xc6: {  	[sflag:s13] =	ssyncset.done $0x0  }
0xc7: {  	[sflag:s13] =	ssyncadd.s32 $0xFFFFFB1E  }
0xc8: {  	_ =	sfence.sel $0x180000  }
0xc9: {  	[bflag:$0x0] =	sbarrier.arrive $0xFFFF  }
0xca: {  	p0 =	sne.s32 s0, $0x0;
	_ =	strace $0x90000047  }
0xcb: {  	s0 =	sadd.s32 @!p0 $0x100000, s1;
	[bflag:$0x2] =	sbarrier.arrive $0xFFFF  }
0xcc: {  	[sflag:s0] =	ssyncadd.tile.s32 @!p0 $0x1;
	_ =	shalt  }
.Lfunc_end2:
_tile_overlayer_lowered:
.L_overlay_start_2:
0xcd: {  	(tag) =	ssettag $0x2  }
0xce: {  	s0 =	rddreg [dreg:$0x0];
	s2 =	stileid.u32  }
0xcf: {  	s1 =	rddreg [dreg:$0x1];
	p0 =	sne.s32 s2, $0x0  }
0xd0: {  	s3 =	rddreg [dreg:$0x2];
	[bflag:$0x3] =	sbarrier.arrive $0xFFFF;
	s2 =	simm.s32 @!p0 $0x1C03  }
0xd1: {  	[timem:s3], [sflag:s2] =	dma.local @!p0 [hbm:s0], s1  }
0xd2: {  	s0 =	simm.s32 @!p0 $0x3  }
0xd3: {  	_ =	swait.ge @!p0 [sflag:s0], s1  }
0xd4: {  	s1 =	ssub.s32 @!p0 $0x0, s1;
	[sflag:s0] =	ssyncset.done @!p0 $0x0  }
0xd5: {  	[sflag:s0] =	ssyncadd.s32 @!p0 s1  }
0xd6: {  	[bflag:$0x3] =	sbarrier.arrive $0xFFFF  }
0xd7: {  	_ =	shalt  }

// kernel: kernel.14.cloned.1.call-start
scs
__scs_entry_jumppad:
0x0: {  	(pc) =	sbr.rel $0x88, $3  }
0x1: {  	(tag) =	ssettag $0x0;
	lr =	simm.s32 $0x1  }
0x2: {  	[smem:$0x3F97] =	sst lr;
	_ =	strace $0xD0000000  }
0x3: {  	_ = 	snop  }
0x4: {  	_ = 	snop  }
0x5: {  	_ = 	snop  }
0x6: {  	_ = 	snop  }
0x7: {  	_ = 	snop  }
__scs_overlays_trampoline_lowered:
0x8: {  	[smem:$0x3FA6] =	sst s0  }
0x9: {  	[smem:$0x3FA7] =	sst s1  }
0xa: {  	[smem:$0x3FA8] =	sst s2  }
0xb: {  	[smem:$0x3FA9] =	sst s3  }
0xc: {  	[smem:$0x3FAA] =	sst s4  }
0xd: {  	[smem:$0x3FAB] =	sst s5  }
0xe: {  	[smem:$0x3FAC] =	sst s6  }
0xf: {  	[smem:$0x3FAD] =	sst s7  }
0x10: {  	[smem:$0x3FAE] =	sst s8  }
0x11: {  	[smem:$0x3FAF] =	sst s9;
	s0 =	simm.s32 @!p0 $0x0  }
0x12: {  	s1 =	sld [smem:$0x3F95];
	s0 =	simm.s32 @p0 $0x1  }
0x13: {  	[smem:$0x3FB0] =	sst s0;
	s0 =	simm.s32 @!p1 $0x0  }
0x14: {  	s2 =	sld [smem:$0x3F94];
	s0 =	simm.s32 @p1 $0x1  }
0x15: {  	[smem:$0x3FB1] =	sst s0;
	s0 =	simm.s32 @!p2 $0x0  }
0x16: {  	s3 =	sld [smem:$0x3FDB];
	s0 =	simm.s32 @p2 $0x1  }
0x17: {  	s4 =	simm.s32 $0x1BF5;
	[smem:$0x3FB3] =	sst s0  }
0x18: {  	s0 =	sld [smem:$0x3F96];
	_ =	swait.ge [sflag:s4], $0x0  }
0x19: {  	s7 =	sld [smem:$0x3F97]  }
0x1a: {  	s8 =	sadd.s32 $0xFFFFE003, lr  }
0x1b: {  	s9 =	sadd.s32 $0xFFFFFEF7, lr;
	s5 =	simm.s32 $0xFFFFFFFF;
	p2 =	slt.u32 s8, $0xFFFFF086  }
0x1c: {  	p1 =	slt.u32 s9, $0xF7A;
	s5 =	simm.s32 @!p2 $0x0  }
0x1d: {  	s5 =	simm.s32 @p1 $0x1;
	p0 =	seq.s32 s7, s2  }
0x1e: {  	s7 =	smul.u32 @!p0 $0xF7A, s2;
	p2 =	seq.s32 @!p0 s5, $0x0  }
0x1f: {  	s9 =	smul.u32 $0xF7A, s1;
	s8 =	simm.s32 @!p0 $0x1BF5;
	p2 =	por !p2, p0  }
0x20: {  	[sflag:s8] =	ssyncset.s32 @!p0 $0xFFFFF086;
	s6 =	sadd.s32 @!p0 s3, s7;
	s7 =	simm.s32 @!p0 $0x108  }
0x21: {  	s3 =	sadd.s32 s3, s9;
	s6 =	sadd.s32 @!p0 $0x88, s6;
	s7 =	simm.s32 @p2 $0x1082  }
0x22: {  	[simem:s7], [sflag:s8] =	dma.local @!p0 [hbm:s6], $0xF7A  }
0x23: {  	s9 =	sor.u32 $0xD0000000, s2;
	s6 =	simm.s32 $0x108;
	_ =	swait.ge @!p0 [sflag:s8], $0x0  }
0x24: {  	s3 =	sadd.s32 $0x88, s3;
	s6 =	simm.s32 @!p1 $0x1082;
	[sflag:s4] =	ssyncset.s32 $0xFFFFF086  }
0x25: {  	[simem:s6], [sflag:s4] =	dma.local [hbm:s3], $0xF7A  }
0x26: {  	[smem:$0x3F97] =	sst s1;
	(tag) =	ssettag s2;
	_ =	strace s9  }
0x27: {  	s1 =	sld [smem:$0x3FA7]  }
0x28: {  	s2 =	sld [smem:$0x3FA8]  }
0x29: {  	s4 =	sld [smem:$0x3FAA]  }
0x2a: {  	p0 =	seq.s32 s5, $0x0;
	s5 =	sld [smem:$0x3FAB]  }
0x2b: {  	s6 =	sld [smem:$0x3FAC]  }
0x2c: {  	s7 =	sld [smem:$0x3FAD]  }
0x2d: {  	s3 =	simm.s32 $0x108;
	s8 =	sld [smem:$0x3FAE]  }
0x2e: {  	s3 =	simm.s32 @!p0 $0x1082;
	s9 =	sld [smem:$0x3FAF]  }
0x2f: {  	lr =	sadd.s32 s0, s3;
	s0 =	sld [smem:$0x3FA6]  }
0x30: {  	s3 =	sld [smem:$0x3FA9]  }
0x31: {  	[smem:$0x3FB2] =	sst s10  }
0x32: {  	s10 =	sld [smem:$0x3FB0];
	_ =	sdelay $0x3  }
0x33: {  	p0 =	seq.s32 s10, $0x1;
	s10 =	sld [smem:$0x3FB2];
	_ =	sdelay $0x3  }
0x34: {  	[smem:$0x3FB2] =	sst s10  }
0x35: {  	s10 =	sld [smem:$0x3FB1];
	_ =	sdelay $0x3  }
0x36: {  	p1 =	seq.s32 s10, $0x1;
	s10 =	sld [smem:$0x3FB2];
	_ =	sdelay $0x3  }
0x37: {  	[smem:$0x3FB2] =	sst s10  }
0x38: {  	s10 =	sld [smem:$0x3FB3]  }
0x39: {  	_ = 	snop;
	(pc) =	sbr.ind lr, $3  }
0x3a: {  	_ = 	snop  }
0x3b: {  	_ = 	snop  }
0x3c: {  	p2 =	seq.s32 s10, $0x1;
	s10 =	sld [smem:$0x3FB2]  }
0x3d: {  	_ =	shalt  }
0x3e: {  	_ =	shalt  }
0x3f: {  	_ =	shalt  }
0x40: {  	_ =	shalt  }
0x41: {  	_ =	shalt  }
0x42: {  	_ =	shalt  }
0x43: {  	_ =	shalt  }
0x44: {  	_ =	shalt  }
0x45: {  	_ =	shalt  }
0x46: {  	_ =	shalt  }
0x47: {  	_ =	shalt  }
0x48: {  	_ =	shalt  }
0x49: {  	_ =	shalt  }
0x4a: {  	_ =	shalt  }
0x4b: {  	_ =	shalt  }
0x4c: {  	_ =	shalt  }
0x4d: {  	_ =	shalt  }
0x4e: {  	_ =	shalt  }
0x4f: {  	_ =	shalt  }
0x50: {  	_ =	shalt  }
0x51: {  	_ =	shalt  }
0x52: {  	_ =	shalt  }
0x53: {  	_ =	shalt  }
0x54: {  	_ =	shalt  }
0x55: {  	_ =	shalt  }
0x56: {  	_ =	shalt  }
0x57: {  	_ =	shalt  }
0x58: {  	_ =	shalt  }
0x59: {  	_ =	shalt  }
0x5a: {  	_ =	shalt  }
0x5b: {  	_ =	shalt  }
0x5c: {  	_ =	shalt  }
0x5d: {  	_ =	shalt  }
0x5e: {  	_ =	shalt  }
0x5f: {  	_ =	shalt  }
0x60: {  	_ =	shalt  }
0x61: {  	_ =	shalt  }
0x62: {  	_ =	shalt  }
0x63: {  	_ =	shalt  }
0x64: {  	_ =	shalt  }
0x65: {  	_ =	shalt  }
0x66: {  	_ =	shalt  }
0x67: {  	_ =	shalt  }
0x68: {  	_ =	shalt  }
0x69: {  	_ =	shalt  }
0x6a: {  	_ =	shalt  }
0x6b: {  	_ =	shalt  }
0x6c: {  	_ =	shalt  }
0x6d: {  	_ =	shalt  }
0x6e: {  	_ =	shalt  }
0x6f: {  	_ =	shalt  }
0x70: {  	_ =	shalt  }
0x71: {  	_ =	shalt  }
0x72: {  	_ =	shalt  }
0x73: {  	_ =	shalt  }
0x74: {  	_ =	shalt  }
0x75: {  	_ =	shalt  }
0x76: {  	_ =	shalt  }
0x77: {  	_ =	shalt  }
0x78: {  	_ =	shalt  }
0x79: {  	_ =	shalt  }
0x7a: {  	_ =	shalt  }
0x7b: {  	_ =	shalt  }
0x7c: {  	_ =	shalt  }
0x7d: {  	_ =	shalt  }
0x7e: {  	_ =	shalt  }
0x7f: {  	_ =	shalt  }
0x80: {  	_ =	shalt  }
0x81: {  	_ =	shalt  }
0x82: {  	_ =	shalt  }
0x83: {  	_ =	shalt  }
0x84: {  	_ =	shalt  }
0x85: {  	_ =	shalt  }
0x86: {  	_ =	shalt  }
0x87: {  	_ =	shalt  }
.Lfunc_end0:
.L_simem_size_0:
called_computation.1_lowered:
.L_overlay_start_0:
0x88: {  	s2 =	sld [smem:$0x3FD9]  }
0x89: {  	s3 =	sld [smem:$0x3FFE];
	_ =	sdelay $0x1  }
0x8a: {  	s1 =	srdreg.scid  }
0x8b: {  	s0 =	sand.u32 $0x1, s1  }
0x8c: {  	s16 =	sshll.u32 s0, $0xA;
	s2 =	sadd.s32 s3, s2  }
0x8d: {  	s2 =	sadd.s32 s2, s16  }
0x8e: {  	[smem:$0x3FBE] =	sst s2  }
0x8f: {  	_ = 	snop  }
0x90: {  	(tm) =	ssettm $0x1  }
0x91: {  	s17 =	sld [smem:$0x3FFB];
	_ =	sdelay $0x3  }
0x92: {  	_ =	strace s17  }
0x93: {  	s2 =	sld [smem:$0x3FFC];
	_ =	sdelay $0x3  }
0x94: {  	_ =	strace s2  }
0x95: {  	s2 =	sld [smem:$0x3FFD];
	_ =	sdelay $0x3  }
0x96: {  	_ =	strace s2  }
0x97: {  	_ =	strace $0x8FFFFFFF  }
0x98: {  	s18 =	sld [smem:$0x3FDB];
	_ =	sdelay $0x1  }
0x99: {  	s19 =	simm.s32 $_scs_section_size  }
0x9a: {  	s4 =	simm.s32 $_size__tile_overlayer_lowered;
	s5 =	simm.s32 $_tile_overlayer_lowered  }
0x9b: {  	s22 =	simm.s32 $0x1BFF;
	s21 =	sshll.u32 s5, $0x1;
	s2 =	sadd.s32 s19, s18  }
0x9c: {  	s6 =	simm.s32 $0x0;
	s20 =	sshll.u32 s4, $0x1;
	s4 =	sadd.s32 s21, s2  }
0x9d: {  	[timem:s6], [sflag:s22] =	dma.local [hbm:s4], s20  }
0x9e: {  	_ =	swait.ge [sflag:s22], s20  }
0x9f: {  	s3 =	ssub.s32 $0x0, s20;
	[sflag:s22] =	ssyncset.done $0x0  }
0xa0: {  	[sflag:s22] =	ssyncadd.s32 s3;
	_ =	sdelay $0x1  }
0xa1: {  	s23 =	simm.s32 $0x1B8B  }
0xa2: {  	_ =	swait.ge [sflag:s23], $0x1  }
0xa3: {  	[sflag:s23] =	ssyncset.done $0x0  }
0xa4: {  	s25 =	simm.s32 $0x1B8E;
	s24 =	sld [smem:$0x3FFE];
	[sflag:s23] =	ssyncadd.s32 $0xFFFFFFFF  }
0xa5: {  	s26 =	simm.s32 $execute0_lowered;
	[smem:$0x3FD2] =	sst s25  }
0xa6: {  	s4 =	sshll.u32 s26, $0x1;
	_ =	strace $0x80000049;
	[dreg:$0x1] =	wrdreg $0xFFFFFFFF  }
0xa7: {  	s28 =	simm.s32 $_size_execute0_lowered;
	s2 =	sadd.s32 s2, s4;
	[dreg:$0x0] =	wrdreg $0x0  }
0xa8: {  	s4 =	sshll.u32 s28, $0x1;
	[dreg:$0x2] =	wrdreg s2  }
0xa9: {  	[dreg:$0x3] =	wrdreg s4  }
0xaa: {  	[dreg:$0x4] =	wrdreg $0xC0  }
0xab: {  	_ =	task [dreg:s6], $0x5FFFF  }
0xac: {  	[dreg:$0x1] =	wrdreg $0xFFFFFFFF  }
0xad: {  	[dreg:$0x0] =	wrdreg $0x60  }
0xae: {  	[dreg:$0x2] =	wrdreg s24  }
0xaf: {  	[dreg:$0x3] =	wrdreg $0xC6200  }
0xb0: {  	[dreg:$0x4] =	wrdreg $0x9  }
0xb1: {  	_ =	task.clear_ibuf [dreg:s6], $0x5FFFF;
	_ =	strace $0x90000049  }
0xb2: {  	s29 =	simm.s32 $0x9;
	_ =	strace $0x8000004B  }
0xb3: {  	_ =	swait.ge [sflag:s29], $0x1  }
0xb4: {  	[sflag:s29] =	ssyncadd.s32 $0xFFFFFFFF  }
0xb5: {  	_ =	strace $0x9000004B  }
0xb6: {  	_ =	sfence  }
0xb7: {  	s30 =	sld [smem:$0x0];
	_ =	sdelay $0x2  }
0xb8: {  	s31 =	sshll.u32 s1, $0xD;
	s1 =	sshrl.u32 s1, $0x2  }
0xb9: {  	s3 =	sand.u32 $0x4000, s31;
	s1 =	sadd.s32 s1, s30  }
0xba: {  	s0 =	sor.u32 s3, s0;
	s1 =	sshll.u32 s1, $0x11  }
0xbb: {  	s0 =	sor.u32 s1, s0  }
0xbc: {  	s0 =	sadd.s32 $0x8F2B, s0  }
0xbd: {  	[sflag:s0] =	ssyncadd.remote.s32 $0x1  }
0xbe: {  	_ =	sfence.sel $0xFFFF  }
0xbf: {  	[dreg:$0x0] =	wrdreg $0xFFFFFFFF;
	(pc) =	sbr.abs _section_cstart, $3  }
0xc0: {  	[dreg:$0x1] =	wrdreg $0xFFFFFFFF  }
0xc1: {  	_ =	task.clear_ibuf [dreg:s6], $0x2FFFF;
	_ =	strace $0x9FFFFFFF  }
0xc2: {  	(tm) =	ssettm $0x7FFFFFFF  }
0xc3: {  	_ =	shalt  }
tec
execute0_lowered:
.L_overlay_start_1:
0x0: {  	(tag) =	ssettag $0x1  }
0x1: {  	s0 =	srdreg.scid;
	s6 =	rddreg [dreg:$0x0]  }
0x2: {  	s26 =	stileid.u32;
	s2 =	rddreg [dreg:$0x1];
	s3 =	simm.s32 $0x0  }
0x3: {  	s17 =	simm.s32 $0x4E20;
	s18 =	simm.s32 $0x4;
	s19 =	simm.s32 $0x2710  }
0x4: {  	s20 =	simm.s32 $0x50;
	s21 =	simm.s32 $0x7620;
	s22 =	simm.s32 $0x9E20  }
0x5: {  	s23 =	simm.s32 $0x1;
	s24 =	simm.s32 $0x2;
	s25 =	simm.s32 $0x3  }
0x6: {  	s28 =	simm.s32 $0x4DD0;
	s5 =	sand.u32 $0x1, s0;
	s8 =	smul.u32 $0x13880, s26  }
0x7: {  	[smem:$0x7FF] =	sst s3;
	s10 =	smul.u32 $0x4E200, s26;
	s4 =	sadd.s32 $0x16600, s6  }
0x8: {  	s1 =	sshll.u32 s5, $0x4;
	s9 =	smul.u32 $0x138800, s5;
	_ =	strace $0x8000004A  }
0x9: {  	s5 =	ssub.s32 $0x2, s5;
	s1 =	sor.u32 s26, s1;
	s30 =	sshrl.u32 s10, $0x2  }
0xa: {  	s31 =	sshrl.u32 s5, $0x1;
	s26 =	simm.s32 $0x4D80;
	s7 =	smul.u32 $0x4E2, s1  }
0xb: {  	s29 =	sadd.s32 s8, s9;
	s12 =	sadd.s32 s30, s2;
	s16 =	ssub.s32 s5, s31  }
0xc: {  	s5 =	sadd.s32 s8, s2;
	s8 =	sadd.s32 $0x7800, s12;
	s9 =	sadd.s32 $0xA000, s12  }
0xd: {  	s10 =	sadd.s32 $0xC800, s12;
	s14 =	sadd.s32 s7, s6;
	s7 =	sshrl.u32 s29, $0x3  }
0xe: {  	s11 =	sadd.s32 $0xF000, s12;
	s16 =	smax.u32 s16, $0x1;
	s15 =	sadd.s32 s7, s6  }
0xf: {  	s6 =	sadd.s32 $0x2800, s12;
	s7 =	sadd.s32 $0x5000, s12;
	s12 =	sadd.s32 $0x11800, s12  }
0x10: {  	v0 =	vimm.f32 $0.0e+00;
	s13 =	sadd.s32 $0xC800, s14;
	s14 =	sadd.s32 $0x2A00, s14;
	s15 =	sadd.s32 $0x3D800, s15  }
.LBB2_1:
0x11: {  	s29 =	simm.s32 $0x0;
	s30 =	simm.s32 $0x200  }
.LBB2_2:
0x12: {  	p0 =	sne.s32 s30, $0x9E00;
	[tilespmem:s29+$0x4E90] =	vst v0  }
0x13: {  	[tilespmem:s29+$0x4E20] =	vst v0  }
0x14: {  	[tilespmem:s29+$0x4E30] =	vst v0  }
.Ltmp0:
0x15: {  	[tilespmem:s29+$0x4E40] =	vst v0;
	(pc) =	sbr.rel @p0 .LBB2_2-.Ltmp0, $4  }
0x16: {  	[tilespmem:s29+$0x4E50] =	vst v0  }
0x17: {  	[tilespmem:s29+$0x4E60] =	vst v0  }
0x18: {  	[tilespmem:s29+$0x4E70] =	vst v0  }
0x19: {  	[tilespmem:s29+$0x4E80] =	vst v0;
	s29 =	sshra.s32 s30, $0x2;
	s30 =	sadd.s32 $0x200, s30  }
0x1a: {  	[tilespmem:s29+$0x4E90] =	vst v0  }
0x1b: {  	[tilespmem:s29+$0x4E20] =	vst v0  }
0x1c: {  	[tilespmem:s29+$0x4E30] =	vst v0  }
0x1d: {  	[tilespmem:s29+$0x4E40] =	vst v0  }
0x1e: {  	[tilespmem:s29+$0x4E50] =	vst v0  }
0x1f: {  	[tilespmem:s29+$0x4E60] =	vst v0  }
0x20: {  	[tilespmem:s29+$0x4E70] =	vst v0  }
0x21: {  	[tilespmem:s29+$0x4E80] =	vst v0  }
0x22: {  	[spmem:s5] =	stream.linear.scatter [tilespmem:s17], [sflag:$0x4], $0x2800, $0x38;
	[tilespmem:$0x1FEA0] =	vst v63  }
0x23: {  	_ =	swait.ge [sflag:s18], $0x2800  }
0x24: {  	[sflag:s18] =	ssyncset.done $0x0  }
0x25: {  	[sflag:s18] =	ssyncadd.s32 $0xFFFFD800  }
0x26: {  	[spmem:s6] =	stream.linear.scatter [tilespmem:s17], [sflag:$0x4], $0x2800, $0x38;
	[tilespmem:$0x1FEA0] =	vst v63  }
0x27: {  	_ =	swait.ge [sflag:s18], $0x2800  }
0x28: {  	[sflag:s18] =	ssyncset.done $0x0  }
0x29: {  	[sflag:s18] =	ssyncadd.s32 $0xFFFFD800  }
0x2a: {  	[spmem:s7] =	stream.linear.scatter [tilespmem:s17], [sflag:$0x4], $0x2800, $0x38;
	[tilespmem:$0x1FEA0] =	vst v63  }
0x2b: {  	_ =	swait.ge [sflag:s18], $0x2800  }
0x2c: {  	[sflag:s18] =	ssyncset.done $0x0  }
0x2d: {  	[sflag:s18] =	ssyncadd.s32 $0xFFFFD800  }
0x2e: {  	[spmem:s8] =	stream.linear.scatter [tilespmem:s17], [sflag:$0x4], $0x2800, $0x38;
	[tilespmem:$0x1FEA0] =	vst v63  }
0x2f: {  	_ =	swait.ge [sflag:s18], $0x2800  }
0x30: {  	[sflag:s18] =	ssyncset.done $0x0  }
0x31: {  	[sflag:s18] =	ssyncadd.s32 $0xFFFFD800  }
0x32: {  	[spmem:s9] =	stream.linear.scatter [tilespmem:s17], [sflag:$0x4], $0x2800, $0x38;
	[tilespmem:$0x1FEA0] =	vst v63  }
0x33: {  	_ =	swait.ge [sflag:s18], $0x2800  }
0x34: {  	[sflag:s18] =	ssyncset.done $0x0  }
0x35: {  	[sflag:s18] =	ssyncadd.s32 $0xFFFFD800  }
0x36: {  	[spmem:s10] =	stream.linear.scatter [tilespmem:s17], [sflag:$0x4], $0x2800, $0x38;
	[tilespmem:$0x1FEA0] =	vst v63  }
0x37: {  	_ =	swait.ge [sflag:s18], $0x2800  }
0x38: {  	[sflag:s18] =	ssyncset.done $0x0  }
0x39: {  	[sflag:s18] =	ssyncadd.s32 $0xFFFFD800  }
0x3a: {  	[spmem:s11] =	stream.linear.scatter [tilespmem:s17], [sflag:$0x4], $0x2800, $0x38;
	[tilespmem:$0x1FEA0] =	vst v63  }
0x3b: {  	_ =	swait.ge [sflag:s18], $0x2800  }
0x3c: {  	[sflag:s18] =	ssyncset.done $0x0  }
0x3d: {  	[sflag:s18] =	ssyncadd.s32 $0xFFFFD800  }
0x3e: {  	[spmem:s12] =	stream.linear.scatter [tilespmem:s17], [sflag:$0x4], $0x2080, $0x38;
	[tilespmem:$0x1FEA0] =	vst v63  }
0x3f: {  	_ =	swait.ge [sflag:s18], $0x2080  }
0x40: {  	[sflag:s18] =	ssyncset.done $0x0  }
0x41: {  	[sflag:s18] =	ssyncadd.s32 $0xFFFFDF80  }
0x42: {  	s29 =	simm.s32 $0x0;
	[bflag:$0x0] =	sbarrier.arrive $0xFFFF  }
0x43: {  	[tilespmem:s29], [sflag:$0x4] =	stream.linear.gather [hbm4b:s13+s29], $0x2710, $0x38;
	[tilespmem:$0x1FEA0] =	vst v63  }
0x44: {  	_ =	swait.ge [sflag:s18], $0x2710  }
0x45: {  	[sflag:s18] =	ssyncset.done $0x0  }
0x46: {  	[sflag:s18] =	ssyncadd.s32 $0xFFFFD8F0  }
0x47: {  	[tilespmem:s19], [sflag:$0x4] =	stream.linear.gather [hbm4b:s14+s29], $0x2710, $0x38;
	[tilespmem:$0x1FEA0] =	vst v63  }
0x48: {  	_ =	swait.ge [sflag:s18], $0x2710  }
0x49: {  	[sflag:s18] =	ssyncset.done $0x0  }
0x4a: {  	[sflag:s18] =	ssyncadd.s32 $0xFFFFD8F0  }
0x4b: {  	[tilespmem:s17], [sflag:$0x1] =	stream.indirect.gather [hbm4b:s4+s20], $0x80, s29, s20, $0xb8;
	[tilespmem:$0x1FEA0] =	vst v63  }
0x4c: {  	_ = 	snop  }
0x4d: {  	[tilespmem:s21], [sflag:$0x2] =	stream.indirect.gather [hbm4b:s4+s20], $0x80, s20, s20, $0xb8;
	[tilespmem:$0x1FEA0] =	vst v63  }
0x4e: {  	s29 =	simm.s32 $0xA0  }
0x4f: {  	[tilespmem:s22], [sflag:$0x3] =	stream.indirect.gather [hbm4b:s4+s20], $0x80, s29, s20, $0xb8;
	[tilespmem:$0x1FEA0] =	vst v63  }
0x50: {  	_ =	swait.ge [sflag:s23], $0x2800  }
0x51: {  	[sflag:s23] =	ssyncset.done $0x0  }
0x52: {  	s29 =	simm.s32 $0x2710;
	[sflag:s23] =	ssyncadd.s32 $0xFFFFD800  }
0x53: {  	[spmem:s2] =	stream.indirect.scatter.add.f32 [tilespmem:s17], [sflag:$0x4], $0x80, s29, s20, $0xb8;
	[tilespmem:$0x1FEA0] =	vst v63  }
0x54: {  	_ =	swait.ge [sflag:s18], $0x2800  }
0x55: {  	[sflag:s18] =	ssyncset.done $0x0  }
0x56: {  	s29 =	simm.s32 $0xF0;
	[sflag:s18] =	ssyncadd.s32 $0xFFFFD800  }
0x57: {  	[tilespmem:s17], [sflag:$0x1] =	stream.indirect.gather [hbm4b:s4+s20], $0x80, s29, s20, $0xb8;
	[tilespmem:$0x1FEA0] =	vst v63  }
0x58: {  	_ =	swait.ge [sflag:s24], $0x2800  }
0x59: {  	[sflag:s24] =	ssyncset.done $0x0  }
0x5a: {  	s29 =	simm.s32 $0x2760;
	[sflag:s24] =	ssyncadd.s32 $0xFFFFD800  }
0x5b: {  	[spmem:s2] =	stream.indirect.scatter.add.f32 [tilespmem:s21], [sflag:$0x4], $0x80, s29, s20, $0xb8;
	[tilespmem:$0x1FEA0] =	vst v63  }
0x5c: {  	_ =	swait.ge [sflag:s18], $0x2800  }
0x5d: {  	[sflag:s18] =	ssyncset.done $0x0  }
0x5e: {  	s29 =	simm.s32 $0x140;
	[sflag:s18] =	ssyncadd.s32 $0xFFFFD800  }
0x5f: {  	[tilespmem:s21], [sflag:$0x2] =	stream.indirect.gather [hbm4b:s4+s20], $0x80, s29, s20, $0xb8;
	[tilespmem:$0x1FEA0] =	vst v63  }
0x60: {  	_ =	swait.ge [sflag:s25], $0x2800  }
0x61: {  	[sflag:s25] =	ssyncset.done $0x0  }
0x62: {  	s29 =	simm.s32 $0x27B0;
	[sflag:s25] =	ssyncadd.s32 $0xFFFFD800  }
0x63: {  	[spmem:s2] =	stream.indirect.scatter.add.f32 [tilespmem:s22], [sflag:$0x4], $0x80, s29, s20, $0xb8;
	[tilespmem:$0x1FEA0] =	vst v63  }
0x64: {  	_ =	swait.ge [sflag:s18], $0x2800  }
0x65: {  	s30 =	simm.s32 $0x780;
	s29 =	simm.s32 $0xF0;
	[sflag:s18] =	ssyncset.done $0x0  }
.LBB2_4:
0x66: {  	s31 =	sadd.s32 $0xA0, s29  }
0x67: {  	[sflag:s18] =	ssyncadd.s32 $0xFFFFD800;
	s1 =	smov.u32 s30;
	s0 =	sadd.s32 $0x3C0, s30  }
0x68: {  	[tilespmem:s22], [sflag:$0x3] =	stream.indirect.gather [hbm4b:s4+s20], $0x80, s31, s20, $0xb8;
	[tilespmem:$0x1FEA0] =	vst v63  }
0x69: {  	p0 =	sne.s32 s30, $0x9600;
	_ =	swait.ge [sflag:s23], $0x2800  }
0x6a: {  	[sflag:s23] =	ssyncset.done $0x0  }
0x6b: {  	s30 =	sadd.s32 $0x2710, s29;
	[sflag:s23] =	ssyncadd.s32 $0xFFFFD800  }
0x6c: {  	[spmem:s2] =	stream.indirect.scatter.add.f32 [tilespmem:s17], [sflag:$0x4], $0x80, s30, s20, $0xb8;
	[tilespmem:$0x1FEA0] =	vst v63  }
0x6d: {  	_ =	swait.ge [sflag:s18], $0x2800  }
0x6e: {  	[sflag:s18] =	ssyncset.done $0x0  }
0x6f: {  	s30 =	sadd.s32 $0xF0, s29;
	[sflag:s18] =	ssyncadd.s32 $0xFFFFD800  }
0x70: {  	[tilespmem:s17], [sflag:$0x1] =	stream.indirect.gather [hbm4b:s4+s20], $0x80, s30, s20, $0xb8;
	[tilespmem:$0x1FEA0] =	vst v63  }
0x71: {  	_ =	swait.ge [sflag:s24], $0x2800  }
0x72: {  	[sflag:s24] =	ssyncset.done $0x0  }
0x73: {  	s30 =	sadd.s32 $0x2760, s29;
	[sflag:s24] =	ssyncadd.s32 $0xFFFFD800  }
0x74: {  	[spmem:s2] =	stream.indirect.scatter.add.f32 [tilespmem:s21], [sflag:$0x4], $0x80, s30, s20, $0xb8;
	[tilespmem:$0x1FEA0] =	vst v63  }
0x75: {  	_ =	swait.ge [sflag:s18], $0x2800  }
0x76: {  	[sflag:s18] =	ssyncset.done $0x0  }
0x77: {  	s30 =	sadd.s32 $0x140, s29;
	[sflag:s18] =	ssyncadd.s32 $0xFFFFD800  }
0x78: {  	[tilespmem:s21], [sflag:$0x2] =	stream.indirect.gather [hbm4b:s4+s20], $0x80, s30, s20, $0xb8;
	[tilespmem:$0x1FEA0] =	vst v63  }
0x79: {  	_ =	swait.ge [sflag:s25], $0x2800  }
.Ltmp1:
0x7a: {  	[sflag:s25] =	ssyncset.done $0x0;
	(pc) =	sbr.rel @p0 .LBB2_4-.Ltmp1, $4  }
0x7b: {  	s29 =	sadd.s32 $0x27B0, s29;
	[sflag:s25] =	ssyncadd.s32 $0xFFFFD800  }
0x7c: {  	[spmem:s2] =	stream.indirect.scatter.add.f32 [tilespmem:s22], [sflag:$0x4], $0x80, s29, s20, $0xb8;
	[tilespmem:$0x1FEA0] =	vst v63  }
0x7d: {  	_ =	swait.ge [sflag:s18], $0x2800  }
0x7e: {  	s30 =	smov.u32 s0;
	s29 =	sshra.s32 s1, $0x2;
	[sflag:s18] =	ssyncset.done $0x0  }
0x7f: {  	s0 =	sadd.s32 $0xA0, s29;
	[sflag:s18] =	ssyncadd.s32 $0xFFFFD800  }
0x80: {  	[tilespmem:s22], [sflag:$0x3] =	stream.indirect.gather [hbm4b:s4+s20], $0x80, s0, s20, $0xb8;
	[tilespmem:$0x1FEA0] =	vst v63  }
0x81: {  	_ =	swait.ge [sflag:s23], $0x2800  }
0x82: {  	[sflag:s23] =	ssyncset.done $0x0  }
0x83: {  	s1 =	sadd.s32 $0x2710, s29;
	[sflag:s23] =	ssyncadd.s32 $0xFFFFD800  }
0x84: {  	[spmem:s2] =	stream.indirect.scatter.add.f32 [tilespmem:s17], [sflag:$0x4], $0x80, s1, s20, $0xb8;
	[tilespmem:$0x1FEA0] =	vst v63  }
0x85: {  	_ =	swait.ge [sflag:s18], $0x2800  }
0x86: {  	[sflag:s18] =	ssyncset.done $0x0  }
0x87: {  	s30 =	sadd.s32 $0xF0, s29;
	[sflag:s18] =	ssyncadd.s32 $0xFFFFD800  }
0x88: {  	[tilespmem:s17], [sflag:$0x1] =	stream.indirect.gather [hbm4b:s4+s20], $0x80, s30, s20, $0xb8;
	[tilespmem:$0x1FEA0] =	vst v63  }
0x89: {  	_ =	swait.ge [sflag:s24], $0x2800  }
0x8a: {  	[sflag:s24] =	ssyncset.done $0x0  }
0x8b: {  	s31 =	sadd.s32 $0x2760, s29;
	[sflag:s24] =	ssyncadd.s32 $0xFFFFD800  }
0x8c: {  	[spmem:s2] =	stream.indirect.scatter.add.f32 [tilespmem:s21], [sflag:$0x4], $0x80, s31, s20, $0xb8;
	[tilespmem:$0x1FEA0] =	vst v63  }
0x8d: {  	_ =	swait.ge [sflag:s18], $0x2800  }
0x8e: {  	[sflag:s18] =	ssyncset.done $0x0  }
0x8f: {  	s1 =	sadd.s32 $0x140, s29;
	[sflag:s18] =	ssyncadd.s32 $0xFFFFD800  }
0x90: {  	[tilespmem:s21], [sflag:$0x2] =	stream.indirect.gather [hbm4b:s4+s20], $0x80, s1, s20, $0xb8;
	[tilespmem:$0x1FEA0] =	vst v63  }
0x91: {  	_ =	swait.ge [sflag:s25], $0x2800  }
0x92: {  	[sflag:s25] =	ssyncset.done $0x0  }
0x93: {  	s30 =	sadd.s32 $0x27B0, s29;
	[sflag:s25] =	ssyncadd.s32 $0xFFFFD800  }
0x94: {  	[spmem:s2] =	stream.indirect.scatter.add.f32 [tilespmem:s22], [sflag:$0x4], $0x80, s30, s20, $0xb8;
	[tilespmem:$0x1FEA0] =	vst v63  }
0x95: {  	_ =	swait.ge [sflag:s18], $0x2800  }
0x96: {  	[sflag:s18] =	ssyncset.done $0x0  }
0x97: {  	[sflag:s18] =	ssyncadd.s32 $0xFFFFD800  }
0x98: {  	_ =	swait.ge [sflag:s23], $0x2800  }
0x99: {  	[sflag:s23] =	ssyncset.done $0x0  }
0x9a: {  	[sflag:s23] =	ssyncadd.s32 $0xFFFFD800  }
0x9b: {  	[spmem:s2] =	stream.indirect.scatter.add.f32 [tilespmem:s17], [sflag:$0x4], $0x80, s26, s20, $0xb8;
	[tilespmem:$0x1FEA0] =	vst v63  }
0x9c: {  	_ =	swait.ge [sflag:s18], $0x2800  }
0x9d: {  	[sflag:s18] =	ssyncset.done $0x0  }
0x9e: {  	[sflag:s18] =	ssyncadd.s32 $0xFFFFD800  }
0x9f: {  	_ =	swait.ge [sflag:s24], $0x2800  }
0xa0: {  	[sflag:s24] =	ssyncset.done $0x0  }
0xa1: {  	[sflag:s24] =	ssyncadd.s32 $0xFFFFD800  }
0xa2: {  	[spmem:s2] =	stream.indirect.scatter.add.f32 [tilespmem:s21], [sflag:$0x4], $0x80, s28, s20, $0xb8;
	[tilespmem:$0x1FEA0] =	vst v63  }
0xa3: {  	s31 =	stileid.u32;
	_ =	swait.ge [sflag:s18], $0x2800  }
0xa4: {  	s3 =	sadd.s32 $0x1, s3;
	s0 =	sshll.u32 s31, $0x6;
	[sflag:s18] =	ssyncset.done $0x0  }
0xa5: {  	p0 =	sne.s32 s3, s16;
	s0 =	sor.u32 $0x1C04, s0;
	[sflag:s18] =	ssyncadd.s32 $0xFFFFD800  }
.Ltmp2:
0xa6: {  	s1 =	sshrl.u32 s5, $0x3;
	[bflag:$0x0] =	sbarrier.arrive $0xFFFF;
	(pc) =	sbr.rel @p0 .LBB2_1-.Ltmp2, $4  }
0xa7: {  	[hbm:s15], [sflag:s0] =	dma.local [spmem:s1], $0x2710  }
0xa8: {  	_ =	swait.ge [sflag:s18], $0x2710  }
0xa9: {  	[sflag:s18] =	ssyncset.done $0x0  }
0xaa: {  	[sflag:s18] =	ssyncadd.s32 $0xFFFFD8F0  }
0xab: {  	_ =	sfence.sel $0x180000  }
0xac: {  	[bflag:$0x0] =	sbarrier.arrive $0xFFFF  }
0xad: {  	_ =	strace $0x9000004A  }
0xae: {  	s0 =	stileid.u32;
	[bflag:$0x2] =	sbarrier.arrive $0xFFFF  }
0xaf: {  	p0 =	sne.s32 s0, $0x0;
	s0 =	rddreg [dreg:$0x2]  }
0xb0: {  	s0 =	sadd.s32 @!p0 $0x100000, s0  }
0xb1: {  	[sflag:s0] =	ssyncadd.tile.s32 @!p0 $0x1;
	_ =	shalt  }
.Lfunc_end2:
_tile_overlayer_lowered:
.L_overlay_start_2:
0xb2: {  	(tag) =	ssettag $0x2  }
0xb3: {  	s0 =	rddreg [dreg:$0x0];
	s2 =	stileid.u32  }
0xb4: {  	s1 =	rddreg [dreg:$0x1];
	p0 =	sne.s32 s2, $0x0  }
0xb5: {  	s3 =	rddreg [dreg:$0x2];
	[bflag:$0x3] =	sbarrier.arrive $0xFFFF;
	s2 =	simm.s32 @!p0 $0x1C04  }
0xb6: {  	[timem:s3], [sflag:s2] =	dma.local @!p0 [hbm:s0], s1  }
0xb7: {  	s0 =	simm.s32 @!p0 $0x4  }
0xb8: {  	_ =	swait.ge @!p0 [sflag:s0], s1  }
0xb9: {  	s1 =	ssub.s32 @!p0 $0x0, s1;
	[sflag:s0] =	ssyncset.done @!p0 $0x0  }
0xba: {  	[sflag:s0] =	ssyncadd.s32 @!p0 s1  }
0xbb: {  	[bflag:$0x3] =	sbarrier.arrive $0xFFFF  }
0xbc: {  	_ =	shalt  }

// kernel: kernel.17.cloned.1.call-start
scs
__scs_entry_jumppad:
0x0: {  	(pc) =	sbr.rel $0x88, $3  }
0x1: {  	(tag) =	ssettag $0x0;
	lr =	simm.s32 $0x1  }
0x2: {  	[smem:$0x3F97] =	sst lr;
	_ =	strace $0xD0000000  }
0x3: {  	_ = 	snop  }
0x4: {  	_ = 	snop  }
0x5: {  	_ = 	snop  }
0x6: {  	_ = 	snop  }
0x7: {  	_ = 	snop  }
__scs_overlays_trampoline_lowered:
0x8: {  	[smem:$0x3FA6] =	sst s0  }
0x9: {  	[smem:$0x3FA7] =	sst s1  }
0xa: {  	[smem:$0x3FA8] =	sst s2  }
0xb: {  	[smem:$0x3FA9] =	sst s3  }
0xc: {  	[smem:$0x3FAA] =	sst s4  }
0xd: {  	[smem:$0x3FAB] =	sst s5  }
0xe: {  	[smem:$0x3FAC] =	sst s6  }
0xf: {  	[smem:$0x3FAD] =	sst s7  }
0x10: {  	[smem:$0x3FAE] =	sst s8  }
0x11: {  	[smem:$0x3FAF] =	sst s9;
	s0 =	simm.s32 @!p0 $0x0  }
0x12: {  	s1 =	sld [smem:$0x3F95];
	s0 =	simm.s32 @p0 $0x1  }
0x13: {  	[smem:$0x3FB0] =	sst s0;
	s0 =	simm.s32 @!p1 $0x0  }
0x14: {  	s2 =	sld [smem:$0x3F94];
	s0 =	simm.s32 @p1 $0x1  }
0x15: {  	[smem:$0x3FB1] =	sst s0;
	s0 =	simm.s32 @!p2 $0x0  }
0x16: {  	s3 =	sld [smem:$0x3FDB];
	s0 =	simm.s32 @p2 $0x1  }
0x17: {  	s4 =	simm.s32 $0x1BF5;
	[smem:$0x3FB3] =	sst s0  }
0x18: {  	s0 =	sld [smem:$0x3F96];
	_ =	swait.ge [sflag:s4], $0x0  }
0x19: {  	s7 =	sld [smem:$0x3F97]  }
0x1a: {  	s8 =	sadd.s32 $0xFFFFE003, lr  }
0x1b: {  	s9 =	sadd.s32 $0xFFFFFEF7, lr;
	s5 =	simm.s32 $0xFFFFFFFF;
	p2 =	slt.u32 s8, $0xFFFFF086  }
0x1c: {  	p1 =	slt.u32 s9, $0xF7A;
	s5 =	simm.s32 @!p2 $0x0  }
0x1d: {  	s5 =	simm.s32 @p1 $0x1;
	p0 =	seq.s32 s7, s2  }
0x1e: {  	s7 =	smul.u32 @!p0 $0xF7A, s2;
	p2 =	seq.s32 @!p0 s5, $0x0  }
0x1f: {  	s9 =	smul.u32 $0xF7A, s1;
	s8 =	simm.s32 @!p0 $0x1BF5;
	p2 =	por !p2, p0  }
0x20: {  	[sflag:s8] =	ssyncset.s32 @!p0 $0xFFFFF086;
	s6 =	sadd.s32 @!p0 s3, s7;
	s7 =	simm.s32 @!p0 $0x108  }
0x21: {  	s3 =	sadd.s32 s3, s9;
	s6 =	sadd.s32 @!p0 $0x88, s6;
	s7 =	simm.s32 @p2 $0x1082  }
0x22: {  	[simem:s7], [sflag:s8] =	dma.local @!p0 [hbm:s6], $0xF7A  }
0x23: {  	s9 =	sor.u32 $0xD0000000, s2;
	s6 =	simm.s32 $0x108;
	_ =	swait.ge @!p0 [sflag:s8], $0x0  }
0x24: {  	s3 =	sadd.s32 $0x88, s3;
	s6 =	simm.s32 @!p1 $0x1082;
	[sflag:s4] =	ssyncset.s32 $0xFFFFF086  }
0x25: {  	[simem:s6], [sflag:s4] =	dma.local [hbm:s3], $0xF7A  }
0x26: {  	[smem:$0x3F97] =	sst s1;
	(tag) =	ssettag s2;
	_ =	strace s9  }
0x27: {  	s1 =	sld [smem:$0x3FA7]  }
0x28: {  	s2 =	sld [smem:$0x3FA8]  }
0x29: {  	s4 =	sld [smem:$0x3FAA]  }
0x2a: {  	p0 =	seq.s32 s5, $0x0;
	s5 =	sld [smem:$0x3FAB]  }
0x2b: {  	s6 =	sld [smem:$0x3FAC]  }
0x2c: {  	s7 =	sld [smem:$0x3FAD]  }
0x2d: {  	s3 =	simm.s32 $0x108;
	s8 =	sld [smem:$0x3FAE]  }
0x2e: {  	s3 =	simm.s32 @!p0 $0x1082;
	s9 =	sld [smem:$0x3FAF]  }
0x2f: {  	lr =	sadd.s32 s0, s3;
	s0 =	sld [smem:$0x3FA6]  }
0x30: {  	s3 =	sld [smem:$0x3FA9]  }
0x31: {  	[smem:$0x3FB2] =	sst s10  }
0x32: {  	s10 =	sld [smem:$0x3FB0];
	_ =	sdelay $0x3  }
0x33: {  	p0 =	seq.s32 s10, $0x1;
	s10 =	sld [smem:$0x3FB2];
	_ =	sdelay $0x3  }
0x34: {  	[smem:$0x3FB2] =	sst s10  }
0x35: {  	s10 =	sld [smem:$0x3FB1];
	_ =	sdelay $0x3  }
0x36: {  	p1 =	seq.s32 s10, $0x1;
	s10 =	sld [smem:$0x3FB2];
	_ =	sdelay $0x3  }
0x37: {  	[smem:$0x3FB2] =	sst s10  }
0x38: {  	s10 =	sld [smem:$0x3FB3]  }
0x39: {  	_ = 	snop;
	(pc) =	sbr.ind lr, $3  }
0x3a: {  	_ = 	snop  }
0x3b: {  	_ = 	snop  }
0x3c: {  	p2 =	seq.s32 s10, $0x1;
	s10 =	sld [smem:$0x3FB2]  }
0x3d: {  	_ =	shalt  }
0x3e: {  	_ =	shalt  }
0x3f: {  	_ =	shalt  }
0x40: {  	_ =	shalt  }
0x41: {  	_ =	shalt  }
0x42: {  	_ =	shalt  }
0x43: {  	_ =	shalt  }
0x44: {  	_ =	shalt  }
0x45: {  	_ =	shalt  }
0x46: {  	_ =	shalt  }
0x47: {  	_ =	shalt  }
0x48: {  	_ =	shalt  }
0x49: {  	_ =	shalt  }
0x4a: {  	_ =	shalt  }
0x4b: {  	_ =	shalt  }
0x4c: {  	_ =	shalt  }
0x4d: {  	_ =	shalt  }
0x4e: {  	_ =	shalt  }
0x4f: {  	_ =	shalt  }
0x50: {  	_ =	shalt  }
0x51: {  	_ =	shalt  }
0x52: {  	_ =	shalt  }
0x53: {  	_ =	shalt  }
0x54: {  	_ =	shalt  }
0x55: {  	_ =	shalt  }
0x56: {  	_ =	shalt  }
0x57: {  	_ =	shalt  }
0x58: {  	_ =	shalt  }
0x59: {  	_ =	shalt  }
0x5a: {  	_ =	shalt  }
0x5b: {  	_ =	shalt  }
0x5c: {  	_ =	shalt  }
0x5d: {  	_ =	shalt  }
0x5e: {  	_ =	shalt  }
0x5f: {  	_ =	shalt  }
0x60: {  	_ =	shalt  }
0x61: {  	_ =	shalt  }
0x62: {  	_ =	shalt  }
0x63: {  	_ =	shalt  }
0x64: {  	_ =	shalt  }
0x65: {  	_ =	shalt  }
0x66: {  	_ =	shalt  }
0x67: {  	_ =	shalt  }
0x68: {  	_ =	shalt  }
0x69: {  	_ =	shalt  }
0x6a: {  	_ =	shalt  }
0x6b: {  	_ =	shalt  }
0x6c: {  	_ =	shalt  }
0x6d: {  	_ =	shalt  }
0x6e: {  	_ =	shalt  }
0x6f: {  	_ =	shalt  }
0x70: {  	_ =	shalt  }
0x71: {  	_ =	shalt  }
0x72: {  	_ =	shalt  }
0x73: {  	_ =	shalt  }
0x74: {  	_ =	shalt  }
0x75: {  	_ =	shalt  }
0x76: {  	_ =	shalt  }
0x77: {  	_ =	shalt  }
0x78: {  	_ =	shalt  }
0x79: {  	_ =	shalt  }
0x7a: {  	_ =	shalt  }
0x7b: {  	_ =	shalt  }
0x7c: {  	_ =	shalt  }
0x7d: {  	_ =	shalt  }
0x7e: {  	_ =	shalt  }
0x7f: {  	_ =	shalt  }
0x80: {  	_ =	shalt  }
0x81: {  	_ =	shalt  }
0x82: {  	_ =	shalt  }
0x83: {  	_ =	shalt  }
0x84: {  	_ =	shalt  }
0x85: {  	_ =	shalt  }
0x86: {  	_ =	shalt  }
0x87: {  	_ =	shalt  }
.Lfunc_end0:
.L_simem_size_0:
called_computation.2_lowered:
.L_overlay_start_0:
0x88: {  	s2 =	sld [smem:$0x3FD9]  }
0x89: {  	s3 =	sld [smem:$0x3FFE];
	_ =	sdelay $0x1  }
0x8a: {  	s1 =	srdreg.scid  }
0x8b: {  	s0 =	sand.u32 $0x1, s1  }
0x8c: {  	s16 =	sshll.u32 s0, $0xA;
	s2 =	sadd.s32 s3, s2  }
0x8d: {  	s2 =	sadd.s32 s2, s16  }
0x8e: {  	[smem:$0x3FBE] =	sst s2  }
0x8f: {  	_ = 	snop  }
0x90: {  	(tm) =	ssettm $0x1  }
0x91: {  	s17 =	sld [smem:$0x3FFB];
	_ =	sdelay $0x3  }
0x92: {  	_ =	strace s17  }
0x93: {  	s2 =	sld [smem:$0x3FFC];
	_ =	sdelay $0x3  }
0x94: {  	_ =	strace s2  }
0x95: {  	s2 =	sld [smem:$0x3FFD];
	_ =	sdelay $0x3  }
0x96: {  	_ =	strace s2  }
0x97: {  	_ =	strace $0x8FFFFFFF  }
0x98: {  	s18 =	sld [smem:$0x3FDB];
	_ =	sdelay $0x1  }
0x99: {  	s19 =	simm.s32 $_scs_section_size  }
0x9a: {  	s4 =	simm.s32 $_size__tile_overlayer_lowered;
	s5 =	simm.s32 $_tile_overlayer_lowered  }
0x9b: {  	s22 =	simm.s32 $0x1BFF;
	s21 =	sshll.u32 s5, $0x1;
	s2 =	sadd.s32 s19, s18  }
0x9c: {  	s6 =	simm.s32 $0x0;
	s20 =	sshll.u32 s4, $0x1;
	s4 =	sadd.s32 s21, s2  }
0x9d: {  	[timem:s6], [sflag:s22] =	dma.local [hbm:s4], s20  }
0x9e: {  	_ =	swait.ge [sflag:s22], s20  }
0x9f: {  	s3 =	ssub.s32 $0x0, s20;
	[sflag:s22] =	ssyncset.done $0x0  }
0xa0: {  	[sflag:s22] =	ssyncadd.s32 s3;
	_ =	sdelay $0x1  }
0xa1: {  	s23 =	simm.s32 $0x1B8B  }
0xa2: {  	_ =	swait.ge [sflag:s23], $0x1  }
0xa3: {  	[sflag:s23] =	ssyncset.done $0x0  }
0xa4: {  	s25 =	simm.s32 $0x1B8E;
	s24 =	sld [smem:$0x3FFE];
	[sflag:s23] =	ssyncadd.s32 $0xFFFFFFFF  }
0xa5: {  	s26 =	simm.s32 $execute0_lowered;
	[smem:$0x3FD2] =	sst s25  }
0xa6: {  	s4 =	sshll.u32 s26, $0x1;
	_ =	strace $0x8000004C;
	[dreg:$0x1] =	wrdreg $0xFFFFFFFF  }
0xa7: {  	s28 =	simm.s32 $_size_execute0_lowered;
	s2 =	sadd.s32 s2, s4;
	[dreg:$0x0] =	wrdreg $0x0  }
0xa8: {  	s4 =	sshll.u32 s28, $0x1;
	[dreg:$0x2] =	wrdreg s2  }
0xa9: {  	[dreg:$0x3] =	wrdreg s4  }
0xaa: {  	[dreg:$0x4] =	wrdreg $0xC0  }
0xab: {  	_ =	task [dreg:s6], $0x5FFFF  }
0xac: {  	[dreg:$0x1] =	wrdreg $0xFFFFFFFF  }
0xad: {  	[dreg:$0x0] =	wrdreg $0x60  }
0xae: {  	[dreg:$0x2] =	wrdreg s24  }
0xaf: {  	[dreg:$0x3] =	wrdreg $0xC6200  }
0xb0: {  	[dreg:$0x4] =	wrdreg $0x9  }
0xb1: {  	_ =	task.clear_ibuf [dreg:s6], $0x5FFFF;
	_ =	strace $0x9000004C  }
0xb2: {  	s29 =	simm.s32 $0x9;
	_ =	strace $0x8000004E  }
0xb3: {  	_ =	swait.ge [sflag:s29], $0x1  }
0xb4: {  	[sflag:s29] =	ssyncadd.s32 $0xFFFFFFFF  }
0xb5: {  	_ =	strace $0x9000004E  }
0xb6: {  	_ =	sfence  }
0xb7: {  	s30 =	sld [smem:$0x0];
	_ =	sdelay $0x2  }
0xb8: {  	s31 =	sshll.u32 s1, $0xD;
	s1 =	sshrl.u32 s1, $0x2  }
0xb9: {  	s3 =	sand.u32 $0x4000, s31;
	s1 =	sadd.s32 s1, s30  }
0xba: {  	s0 =	sor.u32 s3, s0;
	s1 =	sshll.u32 s1, $0x11  }
0xbb: {  	s0 =	sor.u32 s1, s0  }
0xbc: {  	s0 =	sadd.s32 $0x8F2B, s0  }
0xbd: {  	[sflag:s0] =	ssyncadd.remote.s32 $0x1  }
0xbe: {  	_ =	sfence.sel $0xFFFF  }
0xbf: {  	[dreg:$0x0] =	wrdreg $0xFFFFFFFF;
	(pc) =	sbr.abs _section_cstart, $3  }
0xc0: {  	[dreg:$0x1] =	wrdreg $0xFFFFFFFF  }
0xc1: {  	_ =	task.clear_ibuf [dreg:s6], $0x2FFFF;
	_ =	strace $0x9FFFFFFF  }
0xc2: {  	(tm) =	ssettm $0x7FFFFFFF  }
0xc3: {  	_ =	shalt  }
tec
execute0_lowered:
.L_overlay_start_1:
0x0: {  	(tag) =	ssettag $0x1  }
0x1: {  	s0 =	srdreg.scid;
	s6 =	rddreg [dreg:$0x0]  }
0x2: {  	s26 =	stileid.u32;
	s2 =	rddreg [dreg:$0x1];
	s3 =	simm.s32 $0x0  }
0x3: {  	s17 =	simm.s32 $0x4E20;
	s18 =	simm.s32 $0x4;
	s19 =	simm.s32 $0x2710  }
0x4: {  	s20 =	simm.s32 $0x50;
	s21 =	simm.s32 $0x7620;
	s22 =	simm.s32 $0x9E20  }
0x5: {  	s23 =	simm.s32 $0x1;
	s24 =	simm.s32 $0x2;
	s25 =	simm.s32 $0x3  }
0x6: {  	s28 =	simm.s32 $0x4DD0;
	s5 =	sand.u32 $0x1, s0;
	s8 =	smul.u32 $0x13880, s26  }
0x7: {  	[smem:$0x7FF] =	sst s3;
	s10 =	smul.u32 $0x4E200, s26;
	s4 =	sadd.s32 $0x16600, s6  }
0x8: {  	s1 =	sshll.u32 s5, $0x4;
	s9 =	smul.u32 $0x138800, s5;
	_ =	strace $0x8000004D  }
0x9: {  	s5 =	ssub.s32 $0x2, s5;
	s1 =	sor.u32 s26, s1;
	s30 =	sshrl.u32 s10, $0x2  }
0xa: {  	s31 =	sshrl.u32 s5, $0x1;
	s26 =	simm.s32 $0x4D80;
	s7 =	smul.u32 $0x4E2, s1  }
0xb: {  	s29 =	sadd.s32 s8, s9;
	s12 =	sadd.s32 s30, s2;
	s16 =	ssub.s32 s5, s31  }
0xc: {  	s5 =	sadd.s32 s8, s2;
	s8 =	sadd.s32 $0x7800, s12;
	s9 =	sadd.s32 $0xA000, s12  }
0xd: {  	s10 =	sadd.s32 $0xC800, s12;
	s14 =	sadd.s32 s7, s6;
	s7 =	sshrl.u32 s29, $0x3  }
0xe: {  	s11 =	sadd.s32 $0xF000, s12;
	s16 =	smax.u32 s16, $0x1;
	s15 =	sadd.s32 s7, s6  }
0xf: {  	s6 =	sadd.s32 $0x2800, s12;
	s7 =	sadd.s32 $0x5000, s12;
	s12 =	sadd.s32 $0x11800, s12  }
0x10: {  	v0 =	vimm.f32 $0.0e+00;
	s13 =	sadd.s32 $0xC800, s14;
	s14 =	sadd.s32 $0x2A00, s14;
	s15 =	sadd.s32 $0x3D800, s15  }
.LBB2_1:
0x11: {  	s29 =	simm.s32 $0x0;
	s30 =	simm.s32 $0x200  }
.LBB2_2:
0x12: {  	p0 =	sne.s32 s30, $0x9E00;
	[tilespmem:s29+$0x4E90] =	vst v0  }
0x13: {  	[tilespmem:s29+$0x4E20] =	vst v0  }
0x14: {  	[tilespmem:s29+$0x4E30] =	vst v0  }
.Ltmp0:
0x15: {  	[tilespmem:s29+$0x4E40] =	vst v0;
	(pc) =	sbr.rel @p0 .LBB2_2-.Ltmp0, $4  }
0x16: {  	[tilespmem:s29+$0x4E50] =	vst v0  }
0x17: {  	[tilespmem:s29+$0x4E60] =	vst v0  }
0x18: {  	[tilespmem:s29+$0x4E70] =	vst v0  }
0x19: {  	[tilespmem:s29+$0x4E80] =	vst v0;
	s29 =	sshra.s32 s30, $0x2;
	s30 =	sadd.s32 $0x200, s30  }
0x1a: {  	[tilespmem:s29+$0x4E90] =	vst v0  }
0x1b: {  	[tilespmem:s29+$0x4E20] =	vst v0  }
0x1c: {  	[tilespmem:s29+$0x4E30] =	vst v0  }
0x1d: {  	[tilespmem:s29+$0x4E40] =	vst v0  }
0x1e: {  	[tilespmem:s29+$0x4E50] =	vst v0  }
0x1f: {  	[tilespmem:s29+$0x4E60] =	vst v0  }
0x20: {  	[tilespmem:s29+$0x4E70] =	vst v0  }
0x21: {  	[tilespmem:s29+$0x4E80] =	vst v0  }
0x22: {  	[spmem:s5] =	stream.linear.scatter [tilespmem:s17], [sflag:$0x4], $0x2800, $0x38;
	[tilespmem:$0x1FEA0] =	vst v63  }
0x23: {  	_ =	swait.ge [sflag:s18], $0x2800  }
0x24: {  	[sflag:s18] =	ssyncset.done $0x0  }
0x25: {  	[sflag:s18] =	ssyncadd.s32 $0xFFFFD800  }
0x26: {  	[spmem:s6] =	stream.linear.scatter [tilespmem:s17], [sflag:$0x4], $0x2800, $0x38;
	[tilespmem:$0x1FEA0] =	vst v63  }
0x27: {  	_ =	swait.ge [sflag:s18], $0x2800  }
0x28: {  	[sflag:s18] =	ssyncset.done $0x0  }
0x29: {  	[sflag:s18] =	ssyncadd.s32 $0xFFFFD800  }
0x2a: {  	[spmem:s7] =	stream.linear.scatter [tilespmem:s17], [sflag:$0x4], $0x2800, $0x38;
	[tilespmem:$0x1FEA0] =	vst v63  }
0x2b: {  	_ =	swait.ge [sflag:s18], $0x2800  }
0x2c: {  	[sflag:s18] =	ssyncset.done $0x0  }
0x2d: {  	[sflag:s18] =	ssyncadd.s32 $0xFFFFD800  }
0x2e: {  	[spmem:s8] =	stream.linear.scatter [tilespmem:s17], [sflag:$0x4], $0x2800, $0x38;
	[tilespmem:$0x1FEA0] =	vst v63  }
0x2f: {  	_ =	swait.ge [sflag:s18], $0x2800  }
0x30: {  	[sflag:s18] =	ssyncset.done $0x0  }
0x31: {  	[sflag:s18] =	ssyncadd.s32 $0xFFFFD800  }
0x32: {  	[spmem:s9] =	stream.linear.scatter [tilespmem:s17], [sflag:$0x4], $0x2800, $0x38;
	[tilespmem:$0x1FEA0] =	vst v63  }
0x33: {  	_ =	swait.ge [sflag:s18], $0x2800  }
0x34: {  	[sflag:s18] =	ssyncset.done $0x0  }
0x35: {  	[sflag:s18] =	ssyncadd.s32 $0xFFFFD800  }
0x36: {  	[spmem:s10] =	stream.linear.scatter [tilespmem:s17], [sflag:$0x4], $0x2800, $0x38;
	[tilespmem:$0x1FEA0] =	vst v63  }
0x37: {  	_ =	swait.ge [sflag:s18], $0x2800  }
0x38: {  	[sflag:s18] =	ssyncset.done $0x0  }
0x39: {  	[sflag:s18] =	ssyncadd.s32 $0xFFFFD800  }
0x3a: {  	[spmem:s11] =	stream.linear.scatter [tilespmem:s17], [sflag:$0x4], $0x2800, $0x38;
	[tilespmem:$0x1FEA0] =	vst v63  }
0x3b: {  	_ =	swait.ge [sflag:s18], $0x2800  }
0x3c: {  	[sflag:s18] =	ssyncset.done $0x0  }
0x3d: {  	[sflag:s18] =	ssyncadd.s32 $0xFFFFD800  }
0x3e: {  	[spmem:s12] =	stream.linear.scatter [tilespmem:s17], [sflag:$0x4], $0x2080, $0x38;
	[tilespmem:$0x1FEA0] =	vst v63  }
0x3f: {  	_ =	swait.ge [sflag:s18], $0x2080  }
0x40: {  	[sflag:s18] =	ssyncset.done $0x0  }
0x41: {  	[sflag:s18] =	ssyncadd.s32 $0xFFFFDF80  }
0x42: {  	s29 =	simm.s32 $0x0;
	[bflag:$0x0] =	sbarrier.arrive $0xFFFF  }
0x43: {  	[tilespmem:s29], [sflag:$0x4] =	stream.linear.gather [hbm4b:s13+s29], $0x2710, $0x38;
	[tilespmem:$0x1FEA0] =	vst v63  }
0x44: {  	_ =	swait.ge [sflag:s18], $0x2710  }
0x45: {  	[sflag:s18] =	ssyncset.done $0x0  }
0x46: {  	[sflag:s18] =	ssyncadd.s32 $0xFFFFD8F0  }
0x47: {  	[tilespmem:s19], [sflag:$0x4] =	stream.linear.gather [hbm4b:s14+s29], $0x2710, $0x38;
	[tilespmem:$0x1FEA0] =	vst v63  }
0x48: {  	_ =	swait.ge [sflag:s18], $0x2710  }
0x49: {  	[sflag:s18] =	ssyncset.done $0x0  }
0x4a: {  	[sflag:s18] =	ssyncadd.s32 $0xFFFFD8F0  }
0x4b: {  	[tilespmem:s17], [sflag:$0x1] =	stream.indirect.gather [hbm4b:s4+s20], $0x80, s29, s20, $0xb8;
	[tilespmem:$0x1FEA0] =	vst v63  }
0x4c: {  	_ = 	snop  }
0x4d: {  	[tilespmem:s21], [sflag:$0x2] =	stream.indirect.gather [hbm4b:s4+s20], $0x80, s20, s20, $0xb8;
	[tilespmem:$0x1FEA0] =	vst v63  }
0x4e: {  	s29 =	simm.s32 $0xA0  }
0x4f: {  	[tilespmem:s22], [sflag:$0x3] =	stream.indirect.gather [hbm4b:s4+s20], $0x80, s29, s20, $0xb8;
	[tilespmem:$0x1FEA0] =	vst v63  }
0x50: {  	_ =	swait.ge [sflag:s23], $0x2800  }
0x51: {  	[sflag:s23] =	ssyncset.done $0x0  }
0x52: {  	s29 =	simm.s32 $0x2710;
	[sflag:s23] =	ssyncadd.s32 $0xFFFFD800  }
0x53: {  	[spmem:s2] =	stream.indirect.scatter.add.f32 [tilespmem:s17], [sflag:$0x4], $0x80, s29, s20, $0xb8;
	[tilespmem:$0x1FEA0] =	vst v63  }
0x54: {  	_ =	swait.ge [sflag:s18], $0x2800  }
0x55: {  	[sflag:s18] =	ssyncset.done $0x0  }
0x56: {  	s29 =	simm.s32 $0xF0;
	[sflag:s18] =	ssyncadd.s32 $0xFFFFD800  }
0x57: {  	[tilespmem:s17], [sflag:$0x1] =	stream.indirect.gather [hbm4b:s4+s20], $0x80, s29, s20, $0xb8;
	[tilespmem:$0x1FEA0] =	vst v63  }
0x58: {  	_ =	swait.ge [sflag:s24], $0x2800  }
0x59: {  	[sflag:s24] =	ssyncset.done $0x0  }
0x5a: {  	s29 =	simm.s32 $0x2760;
	[sflag:s24] =	ssyncadd.s32 $0xFFFFD800  }
0x5b: {  	[spmem:s2] =	stream.indirect.scatter.add.f32 [tilespmem:s21], [sflag:$0x4], $0x80, s29, s20, $0xb8;
	[tilespmem:$0x1FEA0] =	vst v63  }
0x5c: {  	_ =	swait.ge [sflag:s18], $0x2800  }
0x5d: {  	[sflag:s18] =	ssyncset.done $0x0  }
0x5e: {  	s29 =	simm.s32 $0x140;
	[sflag:s18] =	ssyncadd.s32 $0xFFFFD800  }
0x5f: {  	[tilespmem:s21], [sflag:$0x2] =	stream.indirect.gather [hbm4b:s4+s20], $0x80, s29, s20, $0xb8;
	[tilespmem:$0x1FEA0] =	vst v63  }
0x60: {  	_ =	swait.ge [sflag:s25], $0x2800  }
0x61: {  	[sflag:s25] =	ssyncset.done $0x0  }
0x62: {  	s29 =	simm.s32 $0x27B0;
	[sflag:s25] =	ssyncadd.s32 $0xFFFFD800  }
0x63: {  	[spmem:s2] =	stream.indirect.scatter.add.f32 [tilespmem:s22], [sflag:$0x4], $0x80, s29, s20, $0xb8;
	[tilespmem:$0x1FEA0] =	vst v63  }
0x64: {  	_ =	swait.ge [sflag:s18], $0x2800  }
0x65: {  	s30 =	simm.s32 $0x780;
	s29 =	simm.s32 $0xF0;
	[sflag:s18] =	ssyncset.done $0x0  }
.LBB2_4:
0x66: {  	s31 =	sadd.s32 $0xA0, s29  }
0x67: {  	[sflag:s18] =	ssyncadd.s32 $0xFFFFD800;
	s1 =	smov.u32 s30;
	s0 =	sadd.s32 $0x3C0, s30  }
0x68: {  	[tilespmem:s22], [sflag:$0x3] =	stream.indirect.gather [hbm4b:s4+s20], $0x80, s31, s20, $0xb8;
	[tilespmem:$0x1FEA0] =	vst v63  }
0x69: {  	p0 =	sne.s32 s30, $0x9600;
	_ =	swait.ge [sflag:s23], $0x2800  }
0x6a: {  	[sflag:s23] =	ssyncset.done $0x0  }
0x6b: {  	s30 =	sadd.s32 $0x2710, s29;
	[sflag:s23] =	ssyncadd.s32 $0xFFFFD800  }
0x6c: {  	[spmem:s2] =	stream.indirect.scatter.add.f32 [tilespmem:s17], [sflag:$0x4], $0x80, s30, s20, $0xb8;
	[tilespmem:$0x1FEA0] =	vst v63  }
0x6d: {  	_ =	swait.ge [sflag:s18], $0x2800  }
0x6e: {  	[sflag:s18] =	ssyncset.done $0x0  }
0x6f: {  	s30 =	sadd.s32 $0xF0, s29;
	[sflag:s18] =	ssyncadd.s32 $0xFFFFD800  }
0x70: {  	[tilespmem:s17], [sflag:$0x1] =	stream.indirect.gather [hbm4b:s4+s20], $0x80, s30, s20, $0xb8;
	[tilespmem:$0x1FEA0] =	vst v63  }
0x71: {  	_ =	swait.ge [sflag:s24], $0x2800  }
0x72: {  	[sflag:s24] =	ssyncset.done $0x0  }
0x73: {  	s30 =	sadd.s32 $0x2760, s29;
	[sflag:s24] =	ssyncadd.s32 $0xFFFFD800  }
0x74: {  	[spmem:s2] =	stream.indirect.scatter.add.f32 [tilespmem:s21], [sflag:$0x4], $0x80, s30, s20, $0xb8;
	[tilespmem:$0x1FEA0] =	vst v63  }
0x75: {  	_ =	swait.ge [sflag:s18], $0x2800  }
0x76: {  	[sflag:s18] =	ssyncset.done $0x0  }
0x77: {  	s30 =	sadd.s32 $0x140, s29;
	[sflag:s18] =	ssyncadd.s32 $0xFFFFD800  }
0x78: {  	[tilespmem:s21], [sflag:$0x2] =	stream.indirect.gather [hbm4b:s4+s20], $0x80, s30, s20, $0xb8;
	[tilespmem:$0x1FEA0] =	vst v63  }
0x79: {  	_ =	swait.ge [sflag:s25], $0x2800  }
.Ltmp1:
0x7a: {  	[sflag:s25] =	ssyncset.done $0x0;
	(pc) =	sbr.rel @p0 .LBB2_4-.Ltmp1, $4  }
0x7b: {  	s29 =	sadd.s32 $0x27B0, s29;
	[sflag:s25] =	ssyncadd.s32 $0xFFFFD800  }
0x7c: {  	[spmem:s2] =	stream.indirect.scatter.add.f32 [tilespmem:s22], [sflag:$0x4], $0x80, s29, s20, $0xb8;
	[tilespmem:$0x1FEA0] =	vst v63  }
0x7d: {  	_ =	swait.ge [sflag:s18], $0x2800  }
0x7e: {  	s30 =	smov.u32 s0;
	s29 =	sshra.s32 s1, $0x2;
	[sflag:s18] =	ssyncset.done $0x0  }
0x7f: {  	s0 =	sadd.s32 $0xA0, s29;
	[sflag:s18] =	ssyncadd.s32 $0xFFFFD800  }
0x80: {  	[tilespmem:s22], [sflag:$0x3] =	stream.indirect.gather [hbm4b:s4+s20], $0x80, s0, s20, $0xb8;
	[tilespmem:$0x1FEA0] =	vst v63  }
0x81: {  	_ =	swait.ge [sflag:s23], $0x2800  }
0x82: {  	[sflag:s23] =	ssyncset.done $0x0  }
0x83: {  	s1 =	sadd.s32 $0x2710, s29;
	[sflag:s23] =	ssyncadd.s32 $0xFFFFD800  }
0x84: {  	[spmem:s2] =	stream.indirect.scatter.add.f32 [tilespmem:s17], [sflag:$0x4], $0x80, s1, s20, $0xb8;
	[tilespmem:$0x1FEA0] =	vst v63  }
0x85: {  	_ =	swait.ge [sflag:s18], $0x2800  }
0x86: {  	[sflag:s18] =	ssyncset.done $0x0  }
0x87: {  	s30 =	sadd.s32 $0xF0, s29;
	[sflag:s18] =	ssyncadd.s32 $0xFFFFD800  }
0x88: {  	[tilespmem:s17], [sflag:$0x1] =	stream.indirect.gather [hbm4b:s4+s20], $0x80, s30, s20, $0xb8;
	[tilespmem:$0x1FEA0] =	vst v63  }
0x89: {  	_ =	swait.ge [sflag:s24], $0x2800  }
0x8a: {  	[sflag:s24] =	ssyncset.done $0x0  }
0x8b: {  	s31 =	sadd.s32 $0x2760, s29;
	[sflag:s24] =	ssyncadd.s32 $0xFFFFD800  }
0x8c: {  	[spmem:s2] =	stream.indirect.scatter.add.f32 [tilespmem:s21], [sflag:$0x4], $0x80, s31, s20, $0xb8;
	[tilespmem:$0x1FEA0] =	vst v63  }
0x8d: {  	_ =	swait.ge [sflag:s18], $0x2800  }
0x8e: {  	[sflag:s18] =	ssyncset.done $0x0  }
0x8f: {  	s1 =	sadd.s32 $0x140, s29;
	[sflag:s18] =	ssyncadd.s32 $0xFFFFD800  }
0x90: {  	[tilespmem:s21], [sflag:$0x2] =	stream.indirect.gather [hbm4b:s4+s20], $0x80, s1, s20, $0xb8;
	[tilespmem:$0x1FEA0] =	vst v63  }
0x91: {  	_ =	swait.ge [sflag:s25], $0x2800  }
0x92: {  	[sflag:s25] =	ssyncset.done $0x0  }
0x93: {  	s30 =	sadd.s32 $0x27B0, s29;
	[sflag:s25] =	ssyncadd.s32 $0xFFFFD800  }
0x94: {  	[spmem:s2] =	stream.indirect.scatter.add.f32 [tilespmem:s22], [sflag:$0x4], $0x80, s30, s20, $0xb8;
	[tilespmem:$0x1FEA0] =	vst v63  }
0x95: {  	_ =	swait.ge [sflag:s18], $0x2800  }
0x96: {  	[sflag:s18] =	ssyncset.done $0x0  }
0x97: {  	[sflag:s18] =	ssyncadd.s32 $0xFFFFD800  }
0x98: {  	_ =	swait.ge [sflag:s23], $0x2800  }
0x99: {  	[sflag:s23] =	ssyncset.done $0x0  }
0x9a: {  	[sflag:s23] =	ssyncadd.s32 $0xFFFFD800  }
0x9b: {  	[spmem:s2] =	stream.indirect.scatter.add.f32 [tilespmem:s17], [sflag:$0x4], $0x80, s26, s20, $0xb8;
	[tilespmem:$0x1FEA0] =	vst v63  }
0x9c: {  	_ =	swait.ge [sflag:s18], $0x2800  }
0x9d: {  	[sflag:s18] =	ssyncset.done $0x0  }
0x9e: {  	[sflag:s18] =	ssyncadd.s32 $0xFFFFD800  }
0x9f: {  	_ =	swait.ge [sflag:s24], $0x2800  }
0xa0: {  	[sflag:s24] =	ssyncset.done $0x0  }
0xa1: {  	[sflag:s24] =	ssyncadd.s32 $0xFFFFD800  }
0xa2: {  	[spmem:s2] =	stream.indirect.scatter.add.f32 [tilespmem:s21], [sflag:$0x4], $0x80, s28, s20, $0xb8;
	[tilespmem:$0x1FEA0] =	vst v63  }
0xa3: {  	s31 =	stileid.u32;
	_ =	swait.ge [sflag:s18], $0x2800  }
0xa4: {  	s3 =	sadd.s32 $0x1, s3;
	s0 =	sshll.u32 s31, $0x6;
	[sflag:s18] =	ssyncset.done $0x0  }
0xa5: {  	p0 =	sne.s32 s3, s16;
	s0 =	sor.u32 $0x1C04, s0;
	[sflag:s18] =	ssyncadd.s32 $0xFFFFD800  }
.Ltmp2:
0xa6: {  	s1 =	sshrl.u32 s5, $0x3;
	[bflag:$0x0] =	sbarrier.arrive $0xFFFF;
	(pc) =	sbr.rel @p0 .LBB2_1-.Ltmp2, $4  }
0xa7: {  	[hbm:s15], [sflag:s0] =	dma.local [spmem:s1], $0x2710  }
0xa8: {  	_ =	swait.ge [sflag:s18], $0x2710  }
0xa9: {  	[sflag:s18] =	ssyncset.done $0x0  }
0xaa: {  	[sflag:s18] =	ssyncadd.s32 $0xFFFFD8F0  }
0xab: {  	_ =	sfence.sel $0x180000  }
0xac: {  	[bflag:$0x0] =	sbarrier.arrive $0xFFFF  }
0xad: {  	_ =	strace $0x9000004D  }
0xae: {  	s0 =	stileid.u32;
	[bflag:$0x2] =	sbarrier.arrive $0xFFFF  }
0xaf: {  	p0 =	sne.s32 s0, $0x0;
	s0 =	rddreg [dreg:$0x2]  }
0xb0: {  	s0 =	sadd.s32 @!p0 $0x100000, s0  }
0xb1: {  	[sflag:s0] =	ssyncadd.tile.s32 @!p0 $0x1;
	_ =	shalt  }
.Lfunc_end2:
_tile_overlayer_lowered:
.L_overlay_start_2:
0xb2: {  	(tag) =	ssettag $0x2  }
0xb3: {  	s0 =	rddreg [dreg:$0x0];
	s2 =	stileid.u32  }
0xb4: {  	s1 =	rddreg [dreg:$0x1];
	p0 =	sne.s32 s2, $0x0  }
0xb5: {  	s3 =	rddreg [dreg:$0x2];
	[bflag:$0x3] =	sbarrier.arrive $0xFFFF;
	s2 =	simm.s32 @!p0 $0x1C04  }
0xb6: {  	[timem:s3], [sflag:s2] =	dma.local @!p0 [hbm:s0], s1  }
0xb7: {  	s0 =	simm.s32 @!p0 $0x4  }
0xb8: {  	_ =	swait.ge @!p0 [sflag:s0], s1  }
0xb9: {  	s1 =	ssub.s32 @!p0 $0x0, s1;
	[sflag:s0] =	ssyncset.done @!p0 $0x0  }
0xba: {  	[sflag:s0] =	ssyncadd.s32 @!p0 s1  }
0xbb: {  	[bflag:$0x3] =	sbarrier.arrive $0xFFFF  }
0xbc: {  	_ =	shalt  }

// kernel: kernel.20.cloned.1.call-start
scs
__scs_entry_jumppad:
0x0: {  	(pc) =	sbr.rel $0x88, $3  }
0x1: {  	(tag) =	ssettag $0x0;
	lr =	simm.s32 $0x1  }
0x2: {  	[smem:$0x3F97] =	sst lr;
	_ =	strace $0xD0000000  }
0x3: {  	_ = 	snop  }
0x4: {  	_ = 	snop  }
0x5: {  	_ = 	snop  }
0x6: {  	_ = 	snop  }
0x7: {  	_ = 	snop  }
__scs_overlays_trampoline_lowered:
0x8: {  	[smem:$0x3FA6] =	sst s0  }
0x9: {  	[smem:$0x3FA7] =	sst s1  }
0xa: {  	[smem:$0x3FA8] =	sst s2  }
0xb: {  	[smem:$0x3FA9] =	sst s3  }
0xc: {  	[smem:$0x3FAA] =	sst s4  }
0xd: {  	[smem:$0x3FAB] =	sst s5  }
0xe: {  	[smem:$0x3FAC] =	sst s6  }
0xf: {  	[smem:$0x3FAD] =	sst s7  }
0x10: {  	[smem:$0x3FAE] =	sst s8  }
0x11: {  	[smem:$0x3FAF] =	sst s9;
	s0 =	simm.s32 @!p0 $0x0  }
0x12: {  	s1 =	sld [smem:$0x3F95];
	s0 =	simm.s32 @p0 $0x1  }
0x13: {  	[smem:$0x3FB0] =	sst s0;
	s0 =	simm.s32 @!p1 $0x0  }
0x14: {  	s2 =	sld [smem:$0x3F94];
	s0 =	simm.s32 @p1 $0x1  }
0x15: {  	[smem:$0x3FB1] =	sst s0;
	s0 =	simm.s32 @!p2 $0x0  }
0x16: {  	s3 =	sld [smem:$0x3FDB];
	s0 =	simm.s32 @p2 $0x1  }
0x17: {  	s4 =	simm.s32 $0x1BF5;
	[smem:$0x3FB3] =	sst s0  }
0x18: {  	s0 =	sld [smem:$0x3F96];
	_ =	swait.ge [sflag:s4], $0x0  }
0x19: {  	s7 =	sld [smem:$0x3F97]  }
0x1a: {  	s8 =	sadd.s32 $0xFFFFE003, lr  }
0x1b: {  	s9 =	sadd.s32 $0xFFFFFEF7, lr;
	s5 =	simm.s32 $0xFFFFFFFF;
	p2 =	slt.u32 s8, $0xFFFFF086  }
0x1c: {  	p1 =	slt.u32 s9, $0xF7A;
	s5 =	simm.s32 @!p2 $0x0  }
0x1d: {  	s5 =	simm.s32 @p1 $0x1;
	p0 =	seq.s32 s7, s2  }
0x1e: {  	s7 =	smul.u32 @!p0 $0xF7A, s2;
	p2 =	seq.s32 @!p0 s5, $0x0  }
0x1f: {  	s9 =	smul.u32 $0xF7A, s1;
	s8 =	simm.s32 @!p0 $0x1BF5;
	p2 =	por !p2, p0  }
0x20: {  	[sflag:s8] =	ssyncset.s32 @!p0 $0xFFFFF086;
	s6 =	sadd.s32 @!p0 s3, s7;
	s7 =	simm.s32 @!p0 $0x108  }
0x21: {  	s3 =	sadd.s32 s3, s9;
	s6 =	sadd.s32 @!p0 $0x88, s6;
	s7 =	simm.s32 @p2 $0x1082  }
0x22: {  	[simem:s7], [sflag:s8] =	dma.local @!p0 [hbm:s6], $0xF7A  }
0x23: {  	s9 =	sor.u32 $0xD0000000, s2;
	s6 =	simm.s32 $0x108;
	_ =	swait.ge @!p0 [sflag:s8], $0x0  }
0x24: {  	s3 =	sadd.s32 $0x88, s3;
	s6 =	simm.s32 @!p1 $0x1082;
	[sflag:s4] =	ssyncset.s32 $0xFFFFF086  }
0x25: {  	[simem:s6], [sflag:s4] =	dma.local [hbm:s3], $0xF7A  }
0x26: {  	[smem:$0x3F97] =	sst s1;
	(tag) =	ssettag s2;
	_ =	strace s9  }
0x27: {  	s1 =	sld [smem:$0x3FA7]  }
0x28: {  	s2 =	sld [smem:$0x3FA8]  }
0x29: {  	s4 =	sld [smem:$0x3FAA]  }
0x2a: {  	p0 =	seq.s32 s5, $0x0;
	s5 =	sld [smem:$0x3FAB]  }
0x2b: {  	s6 =	sld [smem:$0x3FAC]  }
0x2c: {  	s7 =	sld [smem:$0x3FAD]  }
0x2d: {  	s3 =	simm.s32 $0x108;
	s8 =	sld [smem:$0x3FAE]  }
0x2e: {  	s3 =	simm.s32 @!p0 $0x1082;
	s9 =	sld [smem:$0x3FAF]  }
0x2f: {  	lr =	sadd.s32 s0, s3;
	s0 =	sld [smem:$0x3FA6]  }
0x30: {  	s3 =	sld [smem:$0x3FA9]  }
0x31: {  	[smem:$0x3FB2] =	sst s10  }
0x32: {  	s10 =	sld [smem:$0x3FB0];
	_ =	sdelay $0x3  }
0x33: {  	p0 =	seq.s32 s10, $0x1;
	s10 =	sld [smem:$0x3FB2];
	_ =	sdelay $0x3  }
0x34: {  	[smem:$0x3FB2] =	sst s10  }
0x35: {  	s10 =	sld [smem:$0x3FB1];
	_ =	sdelay $0x3  }
0x36: {  	p1 =	seq.s32 s10, $0x1;
	s10 =	sld [smem:$0x3FB2];
	_ =	sdelay $0x3  }
0x37: {  	[smem:$0x3FB2] =	sst s10  }
0x38: {  	s10 =	sld [smem:$0x3FB3]  }
0x39: {  	_ = 	snop;
	(pc) =	sbr.ind lr, $3  }
0x3a: {  	_ = 	snop  }
0x3b: {  	_ = 	snop  }
0x3c: {  	p2 =	seq.s32 s10, $0x1;
	s10 =	sld [smem:$0x3FB2]  }
0x3d: {  	_ =	shalt  }
0x3e: {  	_ =	shalt  }
0x3f: {  	_ =	shalt  }
0x40: {  	_ =	shalt  }
0x41: {  	_ =	shalt  }
0x42: {  	_ =	shalt  }
0x43: {  	_ =	shalt  }
0x44: {  	_ =	shalt  }
0x45: {  	_ =	shalt  }
0x46: {  	_ =	shalt  }
0x47: {  	_ =	shalt  }
0x48: {  	_ =	shalt  }
0x49: {  	_ =	shalt  }
0x4a: {  	_ =	shalt  }
0x4b: {  	_ =	shalt  }
0x4c: {  	_ =	shalt  }
0x4d: {  	_ =	shalt  }
0x4e: {  	_ =	shalt  }
0x4f: {  	_ =	shalt  }
0x50: {  	_ =	shalt  }
0x51: {  	_ =	shalt  }
0x52: {  	_ =	shalt  }
0x53: {  	_ =	shalt  }
0x54: {  	_ =	shalt  }
0x55: {  	_ =	shalt  }
0x56: {  	_ =	shalt  }
0x57: {  	_ =	shalt  }
0x58: {  	_ =	shalt  }
0x59: {  	_ =	shalt  }
0x5a: {  	_ =	shalt  }
0x5b: {  	_ =	shalt  }
0x5c: {  	_ =	shalt  }
0x5d: {  	_ =	shalt  }
0x5e: {  	_ =	shalt  }
0x5f: {  	_ =	shalt  }
0x60: {  	_ =	shalt  }
0x61: {  	_ =	shalt  }
0x62: {  	_ =	shalt  }
0x63: {  	_ =	shalt  }
0x64: {  	_ =	shalt  }
0x65: {  	_ =	shalt  }
0x66: {  	_ =	shalt  }
0x67: {  	_ =	shalt  }
0x68: {  	_ =	shalt  }
0x69: {  	_ =	shalt  }
0x6a: {  	_ =	shalt  }
0x6b: {  	_ =	shalt  }
0x6c: {  	_ =	shalt  }
0x6d: {  	_ =	shalt  }
0x6e: {  	_ =	shalt  }
0x6f: {  	_ =	shalt  }
0x70: {  	_ =	shalt  }
0x71: {  	_ =	shalt  }
0x72: {  	_ =	shalt  }
0x73: {  	_ =	shalt  }
0x74: {  	_ =	shalt  }
0x75: {  	_ =	shalt  }
0x76: {  	_ =	shalt  }
0x77: {  	_ =	shalt  }
0x78: {  	_ =	shalt  }
0x79: {  	_ =	shalt  }
0x7a: {  	_ =	shalt  }
0x7b: {  	_ =	shalt  }
0x7c: {  	_ =	shalt  }
0x7d: {  	_ =	shalt  }
0x7e: {  	_ =	shalt  }
0x7f: {  	_ =	shalt  }
0x80: {  	_ =	shalt  }
0x81: {  	_ =	shalt  }
0x82: {  	_ =	shalt  }
0x83: {  	_ =	shalt  }
0x84: {  	_ =	shalt  }
0x85: {  	_ =	shalt  }
0x86: {  	_ =	shalt  }
0x87: {  	_ =	shalt  }
.Lfunc_end0:
.L_simem_size_0:
called_computation.3_lowered:
.L_overlay_start_0:
0x88: {  	s2 =	sld [smem:$0x3FD9]  }
0x89: {  	s3 =	sld [smem:$0x3FFE];
	_ =	sdelay $0x1  }
0x8a: {  	s1 =	srdreg.scid  }
0x8b: {  	s0 =	sand.u32 $0x1, s1  }
0x8c: {  	s16 =	sshll.u32 s0, $0xA;
	s2 =	sadd.s32 s3, s2  }
0x8d: {  	s2 =	sadd.s32 s2, s16  }
0x8e: {  	[smem:$0x3FBE] =	sst s2  }
0x8f: {  	_ = 	snop  }
0x90: {  	(tm) =	ssettm $0x1  }
0x91: {  	s17 =	sld [smem:$0x3FFB];
	_ =	sdelay $0x3  }
0x92: {  	_ =	strace s17  }
0x93: {  	s2 =	sld [smem:$0x3FFC];
	_ =	sdelay $0x3  }
0x94: {  	_ =	strace s2  }
0x95: {  	s2 =	sld [smem:$0x3FFD];
	_ =	sdelay $0x3  }
0x96: {  	_ =	strace s2  }
0x97: {  	_ =	strace $0x8FFFFFFF  }
0x98: {  	s18 =	sld [smem:$0x3FDB];
	_ =	sdelay $0x1  }
0x99: {  	s19 =	simm.s32 $_scs_section_size  }
0x9a: {  	s4 =	simm.s32 $_size__tile_overlayer_lowered;
	s5 =	simm.s32 $_tile_overlayer_lowered  }
0x9b: {  	s22 =	simm.s32 $0x1BFF;
	s21 =	sshll.u32 s5, $0x1;
	s2 =	sadd.s32 s19, s18  }
0x9c: {  	s6 =	simm.s32 $0x0;
	s20 =	sshll.u32 s4, $0x1;
	s4 =	sadd.s32 s21, s2  }
0x9d: {  	[timem:s6], [sflag:s22] =	dma.local [hbm:s4], s20  }
0x9e: {  	_ =	swait.ge [sflag:s22], s20  }
0x9f: {  	s3 =	ssub.s32 $0x0, s20;
	[sflag:s22] =	ssyncset.done $0x0  }
0xa0: {  	[sflag:s22] =	ssyncadd.s32 s3;
	_ =	sdelay $0x1  }
0xa1: {  	s23 =	simm.s32 $0x1B8B  }
0xa2: {  	_ =	swait.ge [sflag:s23], $0x1  }
0xa3: {  	[sflag:s23] =	ssyncset.done $0x0  }
0xa4: {  	s25 =	simm.s32 $0x1B8E;
	s24 =	sld [smem:$0x3FFE];
	[sflag:s23] =	ssyncadd.s32 $0xFFFFFFFF  }
0xa5: {  	s26 =	simm.s32 $execute0_lowered;
	[smem:$0x3FD2] =	sst s25  }
0xa6: {  	s4 =	sshll.u32 s26, $0x1;
	_ =	strace $0x8000004F;
	[dreg:$0x1] =	wrdreg $0xFFFFFFFF  }
0xa7: {  	s28 =	simm.s32 $_size_execute0_lowered;
	s2 =	sadd.s32 s2, s4;
	[dreg:$0x0] =	wrdreg $0x0  }
0xa8: {  	s4 =	sshll.u32 s28, $0x1;
	[dreg:$0x2] =	wrdreg s2  }
0xa9: {  	[dreg:$0x3] =	wrdreg s4  }
0xaa: {  	[dreg:$0x4] =	wrdreg $0xC0  }
0xab: {  	_ =	task [dreg:s6], $0x5FFFF  }
0xac: {  	[dreg:$0x1] =	wrdreg $0xFFFFFFFF  }
0xad: {  	[dreg:$0x0] =	wrdreg $0x60  }
0xae: {  	[dreg:$0x2] =	wrdreg s24  }
0xaf: {  	[dreg:$0x3] =	wrdreg $0xC6200  }
0xb0: {  	[dreg:$0x4] =	wrdreg $0x9  }
0xb1: {  	_ =	task.clear_ibuf [dreg:s6], $0x5FFFF;
	_ =	strace $0x9000004F  }
0xb2: {  	s29 =	simm.s32 $0x9;
	_ =	strace $0x80000051  }
0xb3: {  	_ =	swait.ge [sflag:s29], $0x1  }
0xb4: {  	[sflag:s29] =	ssyncadd.s32 $0xFFFFFFFF  }
0xb5: {  	_ =	strace $0x90000051  }
0xb6: {  	_ =	sfence  }
0xb7: {  	s30 =	sld [smem:$0x0];
	_ =	sdelay $0x2  }
0xb8: {  	s31 =	sshll.u32 s1, $0xD;
	s1 =	sshrl.u32 s1, $0x2  }
0xb9: {  	s3 =	sand.u32 $0x4000, s31;
	s1 =	sadd.s32 s1, s30  }
0xba: {  	s0 =	sor.u32 s3, s0;
	s1 =	sshll.u32 s1, $0x11  }
0xbb: {  	s0 =	sor.u32 s1, s0  }
0xbc: {  	s0 =	sadd.s32 $0x8F2B, s0  }
0xbd: {  	[sflag:s0] =	ssyncadd.remote.s32 $0x1  }
0xbe: {  	_ =	sfence.sel $0xFFFF  }
0xbf: {  	[dreg:$0x0] =	wrdreg $0xFFFFFFFF;
	(pc) =	sbr.abs _section_cstart, $3  }
0xc0: {  	[dreg:$0x1] =	wrdreg $0xFFFFFFFF  }
0xc1: {  	_ =	task.clear_ibuf [dreg:s6], $0x2FFFF;
	_ =	strace $0x9FFFFFFF  }
0xc2: {  	(tm) =	ssettm $0x7FFFFFFF  }
0xc3: {  	_ =	shalt  }
tec
execute0_lowered:
.L_overlay_start_1:
0x0: {  	(tag) =	ssettag $0x1  }
0x1: {  	s0 =	srdreg.scid;
	s6 =	rddreg [dreg:$0x0]  }
0x2: {  	s26 =	stileid.u32;
	s2 =	rddreg [dreg:$0x1];
	s3 =	simm.s32 $0x0  }
0x3: {  	s17 =	simm.s32 $0x4E20;
	s18 =	simm.s32 $0x4;
	s19 =	simm.s32 $0x2710  }
0x4: {  	s20 =	simm.s32 $0x50;
	s21 =	simm.s32 $0x7620;
	s22 =	simm.s32 $0x9E20  }
0x5: {  	s23 =	simm.s32 $0x1;
	s24 =	simm.s32 $0x2;
	s25 =	simm.s32 $0x3  }
0x6: {  	s28 =	simm.s32 $0x4DD0;
	s5 =	sand.u32 $0x1, s0;
	s8 =	smul.u32 $0x13880, s26  }
0x7: {  	[smem:$0x7FF] =	sst s3;
	s10 =	smul.u32 $0x4E200, s26;
	s4 =	sadd.s32 $0x16600, s6  }
0x8: {  	s1 =	sshll.u32 s5, $0x4;
	s9 =	smul.u32 $0x138800, s5;
	_ =	strace $0x80000050  }
0x9: {  	s5 =	ssub.s32 $0x2, s5;
	s1 =	sor.u32 s26, s1;
	s30 =	sshrl.u32 s10, $0x2  }
0xa: {  	s31 =	sshrl.u32 s5, $0x1;
	s26 =	simm.s32 $0x4D80;
	s7 =	smul.u32 $0x4E2, s1  }
0xb: {  	s29 =	sadd.s32 s8, s9;
	s12 =	sadd.s32 s30, s2;
	s16 =	ssub.s32 s5, s31  }
0xc: {  	s5 =	sadd.s32 s8, s2;
	s8 =	sadd.s32 $0x7800, s12;
	s9 =	sadd.s32 $0xA000, s12  }
0xd: {  	s10 =	sadd.s32 $0xC800, s12;
	s14 =	sadd.s32 s7, s6;
	s7 =	sshrl.u32 s29, $0x3  }
0xe: {  	s11 =	sadd.s32 $0xF000, s12;
	s16 =	smax.u32 s16, $0x1;
	s15 =	sadd.s32 s7, s6  }
0xf: {  	s6 =	sadd.s32 $0x2800, s12;
	s7 =	sadd.s32 $0x5000, s12;
	s12 =	sadd.s32 $0x11800, s12  }
0x10: {  	v0 =	vimm.f32 $0.0e+00;
	s13 =	sadd.s32 $0xC800, s14;
	s14 =	sadd.s32 $0x2A00, s14;
	s15 =	sadd.s32 $0x3D800, s15  }
.LBB2_1:
0x11: {  	s29 =	simm.s32 $0x0;
	s30 =	simm.s32 $0x200  }
.LBB2_2:
0x12: {  	p0 =	sne.s32 s30, $0x9E00;
	[tilespmem:s29+$0x4E90] =	vst v0  }
0x13: {  	[tilespmem:s29+$0x4E20] =	vst v0  }
0x14: {  	[tilespmem:s29+$0x4E30] =	vst v0  }
.Ltmp0:
0x15: {  	[tilespmem:s29+$0x4E40] =	vst v0;
	(pc) =	sbr.rel @p0 .LBB2_2-.Ltmp0, $4  }
0x16: {  	[tilespmem:s29+$0x4E50] =	vst v0  }
0x17: {  	[tilespmem:s29+$0x4E60] =	vst v0  }
0x18: {  	[tilespmem:s29+$0x4E70] =	vst v0  }
0x19: {  	[tilespmem:s29+$0x4E80] =	vst v0;
	s29 =	sshra.s32 s30, $0x2;
	s30 =	sadd.s32 $0x200, s30  }
0x1a: {  	[tilespmem:s29+$0x4E90] =	vst v0  }
0x1b: {  	[tilespmem:s29+$0x4E20] =	vst v0  }
0x1c: {  	[tilespmem:s29+$0x4E30] =	vst v0  }
0x1d: {  	[tilespmem:s29+$0x4E40] =	vst v0  }
0x1e: {  	[tilespmem:s29+$0x4E50] =	vst v0  }
0x1f: {  	[tilespmem:s29+$0x4E60] =	vst v0  }
0x20: {  	[tilespmem:s29+$0x4E70] =	vst v0  }
0x21: {  	[tilespmem:s29+$0x4E80] =	vst v0  }
0x22: {  	[spmem:s5] =	stream.linear.scatter [tilespmem:s17], [sflag:$0x4], $0x2800, $0x38;
	[tilespmem:$0x1FEA0] =	vst v63  }
0x23: {  	_ =	swait.ge [sflag:s18], $0x2800  }
0x24: {  	[sflag:s18] =	ssyncset.done $0x0  }
0x25: {  	[sflag:s18] =	ssyncadd.s32 $0xFFFFD800  }
0x26: {  	[spmem:s6] =	stream.linear.scatter [tilespmem:s17], [sflag:$0x4], $0x2800, $0x38;
	[tilespmem:$0x1FEA0] =	vst v63  }
0x27: {  	_ =	swait.ge [sflag:s18], $0x2800  }
0x28: {  	[sflag:s18] =	ssyncset.done $0x0  }
0x29: {  	[sflag:s18] =	ssyncadd.s32 $0xFFFFD800  }
0x2a: {  	[spmem:s7] =	stream.linear.scatter [tilespmem:s17], [sflag:$0x4], $0x2800, $0x38;
	[tilespmem:$0x1FEA0] =	vst v63  }
0x2b: {  	_ =	swait.ge [sflag:s18], $0x2800  }
0x2c: {  	[sflag:s18] =	ssyncset.done $0x0  }
0x2d: {  	[sflag:s18] =	ssyncadd.s32 $0xFFFFD800  }
0x2e: {  	[spmem:s8] =	stream.linear.scatter [tilespmem:s17], [sflag:$0x4], $0x2800, $0x38;
	[tilespmem:$0x1FEA0] =	vst v63  }
0x2f: {  	_ =	swait.ge [sflag:s18], $0x2800  }
0x30: {  	[sflag:s18] =	ssyncset.done $0x0  }
0x31: {  	[sflag:s18] =	ssyncadd.s32 $0xFFFFD800  }
0x32: {  	[spmem:s9] =	stream.linear.scatter [tilespmem:s17], [sflag:$0x4], $0x2800, $0x38;
	[tilespmem:$0x1FEA0] =	vst v63  }
0x33: {  	_ =	swait.ge [sflag:s18], $0x2800  }
0x34: {  	[sflag:s18] =	ssyncset.done $0x0  }
0x35: {  	[sflag:s18] =	ssyncadd.s32 $0xFFFFD800  }
0x36: {  	[spmem:s10] =	stream.linear.scatter [tilespmem:s17], [sflag:$0x4], $0x2800, $0x38;
	[tilespmem:$0x1FEA0] =	vst v63  }
0x37: {  	_ =	swait.ge [sflag:s18], $0x2800  }
0x38: {  	[sflag:s18] =	ssyncset.done $0x0  }
0x39: {  	[sflag:s18] =	ssyncadd.s32 $0xFFFFD800  }
0x3a: {  	[spmem:s11] =	stream.linear.scatter [tilespmem:s17], [sflag:$0x4], $0x2800, $0x38;
	[tilespmem:$0x1FEA0] =	vst v63  }
0x3b: {  	_ =	swait.ge [sflag:s18], $0x2800  }
0x3c: {  	[sflag:s18] =	ssyncset.done $0x0  }
0x3d: {  	[sflag:s18] =	ssyncadd.s32 $0xFFFFD800  }
0x3e: {  	[spmem:s12] =	stream.linear.scatter [tilespmem:s17], [sflag:$0x4], $0x2080, $0x38;
	[tilespmem:$0x1FEA0] =	vst v63  }
0x3f: {  	_ =	swait.ge [sflag:s18], $0x2080  }
0x40: {  	[sflag:s18] =	ssyncset.done $0x0  }
0x41: {  	[sflag:s18] =	ssyncadd.s32 $0xFFFFDF80  }
0x42: {  	s29 =	simm.s32 $0x0;
	[bflag:$0x0] =	sbarrier.arrive $0xFFFF  }
0x43: {  	[tilespmem:s29], [sflag:$0x4] =	stream.linear.gather [hbm4b:s13+s29], $0x2710, $0x38;
	[tilespmem:$0x1FEA0] =	vst v63  }
0x44: {  	_ =	swait.ge [sflag:s18], $0x2710  }
0x45: {  	[sflag:s18] =	ssyncset.done $0x0  }
0x46: {  	[sflag:s18] =	ssyncadd.s32 $0xFFFFD8F0  }
0x47: {  	[tilespmem:s19], [sflag:$0x4] =	stream.linear.gather [hbm4b:s14+s29], $0x2710, $0x38;
	[tilespmem:$0x1FEA0] =	vst v63  }
0x48: {  	_ =	swait.ge [sflag:s18], $0x2710  }
0x49: {  	[sflag:s18] =	ssyncset.done $0x0  }
0x4a: {  	[sflag:s18] =	ssyncadd.s32 $0xFFFFD8F0  }
0x4b: {  	[tilespmem:s17], [sflag:$0x1] =	stream.indirect.gather [hbm4b:s4+s20], $0x80, s29, s20, $0xb8;
	[tilespmem:$0x1FEA0] =	vst v63  }
0x4c: {  	_ = 	snop  }
0x4d: {  	[tilespmem:s21], [sflag:$0x2] =	stream.indirect.gather [hbm4b:s4+s20], $0x80, s20, s20, $0xb8;
	[tilespmem:$0x1FEA0] =	vst v63  }
0x4e: {  	s29 =	simm.s32 $0xA0  }
0x4f: {  	[tilespmem:s22], [sflag:$0x3] =	stream.indirect.gather [hbm4b:s4+s20], $0x80, s29, s20, $0xb8;
	[tilespmem:$0x1FEA0] =	vst v63  }
0x50: {  	_ =	swait.ge [sflag:s23], $0x2800  }
0x51: {  	[sflag:s23] =	ssyncset.done $0x0  }
0x52: {  	s29 =	simm.s32 $0x2710;
	[sflag:s23] =	ssyncadd.s32 $0xFFFFD800  }
0x53: {  	[spmem:s2] =	stream.indirect.scatter.add.f32 [tilespmem:s17], [sflag:$0x4], $0x80, s29, s20, $0xb8;
	[tilespmem:$0x1FEA0] =	vst v63  }
0x54: {  	_ =	swait.ge [sflag:s18], $0x2800  }
0x55: {  	[sflag:s18] =	ssyncset.done $0x0  }
0x56: {  	s29 =	simm.s32 $0xF0;
	[sflag:s18] =	ssyncadd.s32 $0xFFFFD800  }
0x57: {  	[tilespmem:s17], [sflag:$0x1] =	stream.indirect.gather [hbm4b:s4+s20], $0x80, s29, s20, $0xb8;
	[tilespmem:$0x1FEA0] =	vst v63  }
0x58: {  	_ =	swait.ge [sflag:s24], $0x2800  }
0x59: {  	[sflag:s24] =	ssyncset.done $0x0  }
0x5a: {  	s29 =	simm.s32 $0x2760;
	[sflag:s24] =	ssyncadd.s32 $0xFFFFD800  }
0x5b: {  	[spmem:s2] =	stream.indirect.scatter.add.f32 [tilespmem:s21], [sflag:$0x4], $0x80, s29, s20, $0xb8;
	[tilespmem:$0x1FEA0] =	vst v63  }
0x5c: {  	_ =	swait.ge [sflag:s18], $0x2800  }
0x5d: {  	[sflag:s18] =	ssyncset.done $0x0  }
0x5e: {  	s29 =	simm.s32 $0x140;
	[sflag:s18] =	ssyncadd.s32 $0xFFFFD800  }
0x5f: {  	[tilespmem:s21], [sflag:$0x2] =	stream.indirect.gather [hbm4b:s4+s20], $0x80, s29, s20, $0xb8;
	[tilespmem:$0x1FEA0] =	vst v63  }
0x60: {  	_ =	swait.ge [sflag:s25], $0x2800  }
0x61: {  	[sflag:s25] =	ssyncset.done $0x0  }
0x62: {  	s29 =	simm.s32 $0x27B0;
	[sflag:s25] =	ssyncadd.s32 $0xFFFFD800  }
0x63: {  	[spmem:s2] =	stream.indirect.scatter.add.f32 [tilespmem:s22], [sflag:$0x4], $0x80, s29, s20, $0xb8;
	[tilespmem:$0x1FEA0] =	vst v63  }
0x64: {  	_ =	swait.ge [sflag:s18], $0x2800  }
0x65: {  	s30 =	simm.s32 $0x780;
	s29 =	simm.s32 $0xF0;
	[sflag:s18] =	ssyncset.done $0x0  }
.LBB2_4:
0x66: {  	s31 =	sadd.s32 $0xA0, s29  }
0x67: {  	[sflag:s18] =	ssyncadd.s32 $0xFFFFD800;
	s1 =	smov.u32 s30;
	s0 =	sadd.s32 $0x3C0, s30  }
0x68: {  	[tilespmem:s22], [sflag:$0x3] =	stream.indirect.gather [hbm4b:s4+s20], $0x80, s31, s20, $0xb8;
	[tilespmem:$0x1FEA0] =	vst v63  }
0x69: {  	p0 =	sne.s32 s30, $0x9600;
	_ =	swait.ge [sflag:s23], $0x2800  }
0x6a: {  	[sflag:s23] =	ssyncset.done $0x0  }
0x6b: {  	s30 =	sadd.s32 $0x2710, s29;
	[sflag:s23] =	ssyncadd.s32 $0xFFFFD800  }
0x6c: {  	[spmem:s2] =	stream.indirect.scatter.add.f32 [tilespmem:s17], [sflag:$0x4], $0x80, s30, s20, $0xb8;
	[tilespmem:$0x1FEA0] =	vst v63  }
0x6d: {  	_ =	swait.ge [sflag:s18], $0x2800  }
0x6e: {  	[sflag:s18] =	ssyncset.done $0x0  }
0x6f: {  	s30 =	sadd.s32 $0xF0, s29;
	[sflag:s18] =	ssyncadd.s32 $0xFFFFD800  }
0x70: {  	[tilespmem:s17], [sflag:$0x1] =	stream.indirect.gather [hbm4b:s4+s20], $0x80, s30, s20, $0xb8;
	[tilespmem:$0x1FEA0] =	vst v63  }
0x71: {  	_ =	swait.ge [sflag:s24], $0x2800  }
0x72: {  	[sflag:s24] =	ssyncset.done $0x0  }
0x73: {  	s30 =	sadd.s32 $0x2760, s29;
	[sflag:s24] =	ssyncadd.s32 $0xFFFFD800  }
0x74: {  	[spmem:s2] =	stream.indirect.scatter.add.f32 [tilespmem:s21], [sflag:$0x4], $0x80, s30, s20, $0xb8;
	[tilespmem:$0x1FEA0] =	vst v63  }
0x75: {  	_ =	swait.ge [sflag:s18], $0x2800  }
0x76: {  	[sflag:s18] =	ssyncset.done $0x0  }
0x77: {  	s30 =	sadd.s32 $0x140, s29;
	[sflag:s18] =	ssyncadd.s32 $0xFFFFD800  }
0x78: {  	[tilespmem:s21], [sflag:$0x2] =	stream.indirect.gather [hbm4b:s4+s20], $0x80, s30, s20, $0xb8;
	[tilespmem:$0x1FEA0] =	vst v63  }
0x79: {  	_ =	swait.ge [sflag:s25], $0x2800  }
.Ltmp1:
0x7a: {  	[sflag:s25] =	ssyncset.done $0x0;
	(pc) =	sbr.rel @p0 .LBB2_4-.Ltmp1, $4  }
0x7b: {  	s29 =	sadd.s32 $0x27B0, s29;
	[sflag:s25] =	ssyncadd.s32 $0xFFFFD800  }
0x7c: {  	[spmem:s2] =	stream.indirect.scatter.add.f32 [tilespmem:s22], [sflag:$0x4], $0x80, s29, s20, $0xb8;
	[tilespmem:$0x1FEA0] =	vst v63  }
0x7d: {  	_ =	swait.ge [sflag:s18], $0x2800  }
0x7e: {  	s30 =	smov.u32 s0;
	s29 =	sshra.s32 s1, $0x2;
	[sflag:s18] =	ssyncset.done $0x0  }
0x7f: {  	s0 =	sadd.s32 $0xA0, s29;
	[sflag:s18] =	ssyncadd.s32 $0xFFFFD800  }
0x80: {  	[tilespmem:s22], [sflag:$0x3] =	stream.indirect.gather [hbm4b:s4+s20], $0x80, s0, s20, $0xb8;
	[tilespmem:$0x1FEA0] =	vst v63  }
0x81: {  	_ =	swait.ge [sflag:s23], $0x2800  }
0x82: {  	[sflag:s23] =	ssyncset.done $0x0  }
0x83: {  	s1 =	sadd.s32 $0x2710, s29;
	[sflag:s23] =	ssyncadd.s32 $0xFFFFD800  }
0x84: {  	[spmem:s2] =	stream.indirect.scatter.add.f32 [tilespmem:s17], [sflag:$0x4], $0x80, s1, s20, $0xb8;
	[tilespmem:$0x1FEA0] =	vst v63  }
0x85: {  	_ =	swait.ge [sflag:s18], $0x2800  }
0x86: {  	[sflag:s18] =	ssyncset.done $0x0  }
0x87: {  	s30 =	sadd.s32 $0xF0, s29;
	[sflag:s18] =	ssyncadd.s32 $0xFFFFD800  }
0x88: {  	[tilespmem:s17], [sflag:$0x1] =	stream.indirect.gather [hbm4b:s4+s20], $0x80, s30, s20, $0xb8;
	[tilespmem:$0x1FEA0] =	vst v63  }
0x89: {  	_ =	swait.ge [sflag:s24], $0x2800  }
0x8a: {  	[sflag:s24] =	ssyncset.done $0x0  }
0x8b: {  	s31 =	sadd.s32 $0x2760, s29;
	[sflag:s24] =	ssyncadd.s32 $0xFFFFD800  }
0x8c: {  	[spmem:s2] =	stream.indirect.scatter.add.f32 [tilespmem:s21], [sflag:$0x4], $0x80, s31, s20, $0xb8;
	[tilespmem:$0x1FEA0] =	vst v63  }
0x8d: {  	_ =	swait.ge [sflag:s18], $0x2800  }
0x8e: {  	[sflag:s18] =	ssyncset.done $0x0  }
0x8f: {  	s1 =	sadd.s32 $0x140, s29;
	[sflag:s18] =	ssyncadd.s32 $0xFFFFD800  }
0x90: {  	[tilespmem:s21], [sflag:$0x2] =	stream.indirect.gather [hbm4b:s4+s20], $0x80, s1, s20, $0xb8;
	[tilespmem:$0x1FEA0] =	vst v63  }
0x91: {  	_ =	swait.ge [sflag:s25], $0x2800  }
0x92: {  	[sflag:s25] =	ssyncset.done $0x0  }
0x93: {  	s30 =	sadd.s32 $0x27B0, s29;
	[sflag:s25] =	ssyncadd.s32 $0xFFFFD800  }
0x94: {  	[spmem:s2] =	stream.indirect.scatter.add.f32 [tilespmem:s22], [sflag:$0x4], $0x80, s30, s20, $0xb8;
	[tilespmem:$0x1FEA0] =	vst v63  }
0x95: {  	_ =	swait.ge [sflag:s18], $0x2800  }
0x96: {  	[sflag:s18] =	ssyncset.done $0x0  }
0x97: {  	[sflag:s18] =	ssyncadd.s32 $0xFFFFD800  }
0x98: {  	_ =	swait.ge [sflag:s23], $0x2800  }
0x99: {  	[sflag:s23] =	ssyncset.done $0x0  }
0x9a: {  	[sflag:s23] =	ssyncadd.s32 $0xFFFFD800  }
0x9b: {  	[spmem:s2] =	stream.indirect.scatter.add.f32 [tilespmem:s17], [sflag:$0x4], $0x80, s26, s20, $0xb8;
	[tilespmem:$0x1FEA0] =	vst v63  }
0x9c: {  	_ =	swait.ge [sflag:s18], $0x2800  }
0x9d: {  	[sflag:s18] =	ssyncset.done $0x0  }
0x9e: {  	[sflag:s18] =	ssyncadd.s32 $0xFFFFD800  }
0x9f: {  	_ =	swait.ge [sflag:s24], $0x2800  }
0xa0: {  	[sflag:s24] =	ssyncset.done $0x0  }
0xa1: {  	[sflag:s24] =	ssyncadd.s32 $0xFFFFD800  }
0xa2: {  	[spmem:s2] =	stream.indirect.scatter.add.f32 [tilespmem:s21], [sflag:$0x4], $0x80, s28, s20, $0xb8;
	[tilespmem:$0x1FEA0] =	vst v63  }
0xa3: {  	s31 =	stileid.u32;
	_ =	swait.ge [sflag:s18], $0x2800  }
0xa4: {  	s3 =	sadd.s32 $0x1, s3;
	s0 =	sshll.u32 s31, $0x6;
	[sflag:s18] =	ssyncset.done $0x0  }
0xa5: {  	p0 =	sne.s32 s3, s16;
	s0 =	sor.u32 $0x1C04, s0;
	[sflag:s18] =	ssyncadd.s32 $0xFFFFD800  }
.Ltmp2:
0xa6: {  	s1 =	sshrl.u32 s5, $0x3;
	[bflag:$0x0] =	sbarrier.arrive $0xFFFF;
	(pc) =	sbr.rel @p0 .LBB2_1-.Ltmp2, $4  }
0xa7: {  	[hbm:s15], [sflag:s0] =	dma.local [spmem:s1], $0x2710  }
0xa8: {  	_ =	swait.ge [sflag:s18], $0x2710  }
0xa9: {  	[sflag:s18] =	ssyncset.done $0x0  }
0xaa: {  	[sflag:s18] =	ssyncadd.s32 $0xFFFFD8F0  }
0xab: {  	_ =	sfence.sel $0x180000  }
0xac: {  	[bflag:$0x0] =	sbarrier.arrive $0xFFFF  }
0xad: {  	_ =	strace $0x90000050  }
0xae: {  	s0 =	stileid.u32;
	[bflag:$0x2] =	sbarrier.arrive $0xFFFF  }
0xaf: {  	p0 =	sne.s32 s0, $0x0;
	s0 =	rddreg [dreg:$0x2]  }
0xb0: {  	s0 =	sadd.s32 @!p0 $0x100000, s0  }
0xb1: {  	[sflag:s0] =	ssyncadd.tile.s32 @!p0 $0x1;
	_ =	shalt  }
.Lfunc_end2:
_tile_overlayer_lowered:
.L_overlay_start_2:
0xb2: {  	(tag) =	ssettag $0x2  }
0xb3: {  	s0 =	rddreg [dreg:$0x0];
	s2 =	stileid.u32  }
0xb4: {  	s1 =	rddreg [dreg:$0x1];
	p0 =	sne.s32 s2, $0x0  }
0xb5: {  	s3 =	rddreg [dreg:$0x2];
	[bflag:$0x3] =	sbarrier.arrive $0xFFFF;
	s2 =	simm.s32 @!p0 $0x1C04  }
0xb6: {  	[timem:s3], [sflag:s2] =	dma.local @!p0 [hbm:s0], s1  }
0xb7: {  	s0 =	simm.s32 @!p0 $0x4  }
0xb8: {  	_ =	swait.ge @!p0 [sflag:s0], s1  }
0xb9: {  	s1 =	ssub.s32 @!p0 $0x0, s1;
	[sflag:s0] =	ssyncset.done @!p0 $0x0  }
0xba: {  	[sflag:s0] =	ssyncadd.s32 @!p0 s1  }
0xbb: {  	[bflag:$0x3] =	sbarrier.arrive $0xFFFF  }
0xbc: {  	_ =	shalt  }

</sc_bundles>
